<compile_context>
chip_gen: v7x
topology: tpu7x:2x2x1
jax: 0.10.2.dev20260603
libtpu: 0.0.44.dev20260713+nightly
codegen_flags: <defaults>
</compile_context>

<pallas_src>
import functools

import jax
import jax.numpy as jnp
from jax import lax
from jax.experimental import pallas as pl
from jax.experimental.pallas import tpu as pltpu
from jax.experimental.pallas import tpu_sc as plsc

NC = 2
NS = 16
CH = 128
FW = 64
RS = 624
PAD = 8
QR = 80
K = 4


def _round_up(a, b):
  return (a + b - 1) // b * b


def _tile_rows(E, ntiles):
  return _round_up(-(-E // (ntiles * CH)), QR)


def _striped_rows(s, n, fn):
  r0 = pl.multiple_of(s * RS, 8)
  last = n - (NS - 1) * RS

  @pl.when(s < NS - 1)
  def _():
    fn(r0, RS)

  @pl.when(s == NS - 1)
  def _():
    fn(r0, last)


def _agg_body(split_feat, N, rpt, table_h, srca_h, srcb_h, dst_h, zero_h,
              out_h, acc_sp, idx_s, idx_d, rbufs, gsems, ssems):
  c = lax.axis_index("c")
  s = lax.axis_index("s")

  _striped_rows(s, N, lambda r0, nr: pltpu.sync_copy(
      zero_h.at[pl.ds(r0, nr), :], acc_sp.at[pl.ds(r0, nr), :]))

  plsc.subcore_barrier()

  w = s if split_feat else c * NS + s
  nq = rpt // QR
  nsup = QR // (2 * K)
  A = range(K)
  B = range(K, 2 * K)

  def start_g(j, b):
    pltpu.async_copy(table_h.at[idx_s.at[j]], rbufs[b], gsems[b])

  def wait_g(b):
    pltpu.make_async_copy(table_h.at[idx_s.at[0]], rbufs[b], gsems[b]).wait()

  def start_s(j, b):
    pltpu.async_copy(rbufs[b], acc_sp.at[idx_d.at[j]], ssems[b], add=True)

  def wait_s(b):
    pltpu.make_async_copy(rbufs[b], acc_sp.at[idx_d.at[0]], ssems[b]).wait()

  def superiter(u):
    j = 2 * K * u
    for k in A:
      wait_g(k)

    @pl.when(u > 0)
    def _():
      for k in B:
        wait_s(k)

    for k in B:
      start_g(j + k, k)
    for k in A:
      start_s(j + k, k)
    for k in B:
      wait_g(k)
    for k in A:
      wait_s(k)

    @pl.when(u < nsup - 1)
    def _():
      for k in A:
        start_g(j + 2 * K + k, k)
    for k in B:
      start_s(j + k, k)

  def quarter(q):
    q0 = pl.multiple_of(q * QR, 8)

    @pl.when(c == 0)
    def _():
      pltpu.sync_copy(srca_h.at[w, pl.ds(q0, QR), :], idx_s)

    @pl.when(c == 1)
    def _():
      pltpu.sync_copy(srcb_h.at[w, pl.ds(q0, QR), :], idx_s)
    pltpu.sync_copy(dst_h.at[w, pl.ds(q0, QR), :], idx_d)
    for k in A:
      start_g(k, k)
    lax.fori_loop(0, nsup, lambda u, _: (superiter(u), 0)[1], 0)
    for k in B:
      wait_s(k)

  lax.fori_loop(0, nq, lambda q, _: (quarter(q), 0)[1], 0)

  plsc.subcore_barrier()

  @pl.when(c == 0)
  def _():
    _striped_rows(s, N, lambda r0, nr: pltpu.sync_copy(
        acc_sp.at[pl.ds(r0, nr), :], out_h.at[pl.ds(r0, nr), pl.ds(0, FW)]))

  @pl.when(c == 1)
  def _():
    _striped_rows(s, N, lambda r0, nr: pltpu.sync_copy(
        acc_sp.at[pl.ds(r0, nr), :], out_h.at[pl.ds(r0, nr), pl.ds(FW, FW)]))


def _make_agg(N, E, split_feat):
  rpt = _tile_rows(E, NS if split_feat else NS * NC)
  mesh = plsc.VectorSubcoreMesh(core_axis_name="c", subcore_axis_name="s")
  return pl.kernel(
      functools.partial(_agg_body, split_feat, N, rpt),
      out_type=jax.ShapeDtypeStruct((N, 2 * FW), jnp.float32),
      mesh=mesh,
      scratch_types=[
          pltpu.VMEM_SHARED((N + PAD, FW), jnp.float32),
          pltpu.VMEM((QR, CH), jnp.int32),
          pltpu.VMEM((QR, CH), jnp.int32),
          [pltpu.VMEM((CH, FW), jnp.float32) for _ in range(2 * K)],
          [pltpu.SemaphoreType.DMA for _ in range(2 * K)],
          [pltpu.SemaphoreType.DMA for _ in range(2 * K)],
      ],
      name="gcn_agg",
      compiler_params=pltpu.CompilerParams(use_tc_tiling_on_sc=False),
  )


def _deg_body(N, rpt, dst_h, ones_h, zero_h, out_h, acc_sp, idx_d, ones_v, sem):
  c = lax.axis_index("c")
  s = lax.axis_index("s")
  _striped_rows(s, N, lambda r0, nr: pltpu.sync_copy(
      zero_h.at[pl.ds(r0, nr), :], acc_sp.at[pl.ds(r0, nr), :]))
  pltpu.sync_copy(ones_h, ones_v)
  pltpu.sync_copy(dst_h.at[c * NS + s], idx_d)
  plsc.subcore_barrier()

  def burst(b):
    lax.fori_loop(0, 20, lambda j, _: (
        pltpu.async_copy(ones_v, acc_sp.at[idx_d.at[b * 20 + j]], sem,
                         add=True), 0)[1], 0)
    lax.fori_loop(0, 20, lambda j, _: (
        pltpu.make_async_copy(ones_v, acc_sp.at[idx_d.at[0]], sem).wait(),
        0)[1], 0)

  lax.fori_loop(0, rpt // 20, lambda b, _: (burst(b), 0)[1], 0)
  plsc.subcore_barrier()

  @pl.when(c == 0)
  def _():
    _striped_rows(s, N, lambda r0, nr: pltpu.sync_copy(
        acc_sp.at[pl.ds(r0, nr), :], out_h.at[0, pl.ds(r0, nr), :]))

  @pl.when(c == 1)
  def _():
    _striped_rows(s, N, lambda r0, nr: pltpu.sync_copy(
        acc_sp.at[pl.ds(r0, nr), :], out_h.at[1, pl.ds(r0, nr), :]))


def _make_deg(N, E):
  rpt = _tile_rows(E, NS * NC)
  mesh = plsc.VectorSubcoreMesh(core_axis_name="c", subcore_axis_name="s")
  return pl.kernel(
      functools.partial(_deg_body, N, rpt),
      out_type=jax.ShapeDtypeStruct((2, N, 16), jnp.float32),
      mesh=mesh,
      scratch_types=[
          pltpu.VMEM_SHARED((N + PAD, 16), jnp.float32),
          pltpu.VMEM((_tile_rows(E, NS * NC), CH), jnp.int32),
          pltpu.VMEM((CH, 16), jnp.float32),
          pltpu.SemaphoreType.DMA,
      ],
      name="gcn_deg",
      compiler_params=pltpu.CompilerParams(use_tc_tiling_on_sc=False),
  )


def _dinv_of(degp_ref):
  deg = degp_ref[0, :, 0] + degp_ref[1, :, 0]
  return lax.rsqrt(jnp.maximum(deg, 1.0))


def _tc1_body(x_ref, w_ref, degp_ref, p_ref):
  dinv = _dinv_of(degp_ref)
  y = jnp.dot(x_ref[...], w_ref[...], preferred_element_type=jnp.float32)
  p_ref[...] = y * dinv[:, None]


def _tcmid_body(sh_ref, degp_ref, w_ref, p_ref):
  dinv = _dinv_of(degp_ref)
  h = jnp.maximum(sh_ref[...] * dinv[:, None], 0.0)
  y = jnp.dot(h, w_ref[...], preferred_element_type=jnp.float32)
  p_ref[...] = y * dinv[:, None]


def _tc4_body(ncls, sp_ref, degp_ref, out_ref):
  dinv = _dinv_of(degp_ref)
  sv = (sp_ref[:, :FW] + sp_ref[:, FW:]) * dinv[:, None]
  col = lax.broadcasted_iota(jnp.int32, sv.shape, 1)
  sv = jnp.where(col < ncls, sv, -1e30)
  m = jnp.max(sv, axis=1, keepdims=True)
  lse = jnp.log(jnp.sum(jnp.exp(sv - m), axis=1, keepdims=True)) + m
  out_ref[...] = (sv - lse)[:, :ncls]


def kernel(x, edge_index, W1, W2, W3):
  N, F = x.shape
  E = edge_index.shape[1]
  H = W1.shape[1]
  C = W3.shape[1]
  f32 = jnp.float32

  ei = edge_index.astype(jnp.int32)

  def _tile_idx(v, ntiles, pad_kind):
    m = v.reshape(ntiles, -1)
    pad = _tile_rows(E, ntiles) * CH - m.shape[1]
    if pad_kind == "src":
      padv = jnp.broadcast_to(
          ((jnp.arange(pad, dtype=jnp.int32) * 797) % N) * 2, (ntiles, pad))
    else:
      padv = jnp.full((ntiles, pad), N, jnp.int32)
    return jnp.concatenate([m, padv], axis=1).reshape(ntiles, -1, CH)

  srce = _tile_idx(ei[0] * 2, NC * NS, "src")
  srco = srce + 1
  dst32 = _tile_idx(ei[1], NC * NS, "dst")
  rpt16 = _tile_rows(E, NS)
  srce16 = srce.reshape(NS, rpt16, CH)
  srco16 = srco.reshape(NS, rpt16, CH)
  dst16 = dst32.reshape(NS, rpt16, CH)

  z64 = jnp.zeros((N, FW), f32)
  z16 = jnp.zeros((N, 16), f32)
  ones16 = jnp.ones((CH, 16), f32)
  W3p = jnp.pad(W3, ((0, 0), (0, 2 * FW - C)))

  BN = 2000
  grid = (N // BN,)

  degp = _make_deg(N, E)(dst32, ones16, z16)

  tc1 = pl.pallas_call(
      _tc1_body,
      grid=grid,
      in_specs=[
          pl.BlockSpec((BN, F), lambda i: (i, 0)),
          pl.BlockSpec((F, H), lambda i: (0, 0)),
          pl.BlockSpec((2, BN, 16), lambda i: (0, i, 0)),
      ],
      out_specs=pl.BlockSpec((BN, H), lambda i: (i, 0)),
      out_shape=jax.ShapeDtypeStruct((N, H), f32),
  )
  p1 = tc1(x, W1, degp)

  agg_split = _make_agg(N, E, True)
  s1 = agg_split(p1.reshape(2 * N, FW), srce16, srco16, dst16, z64)

  def tcmid(w_cols):
    return pl.pallas_call(
        _tcmid_body,
        grid=grid,
        in_specs=[
            pl.BlockSpec((BN, H), lambda i: (i, 0)),
            pl.BlockSpec((2, BN, 16), lambda i: (0, i, 0)),
            pl.BlockSpec((H, w_cols), lambda i: (0, 0)),
        ],
        out_specs=pl.BlockSpec((BN, w_cols), lambda i: (i, 0)),
        out_shape=jax.ShapeDtypeStruct((N, w_cols), f32),
    )

  p2 = tcmid(H)(s1, degp, W2)
  s2 = agg_split(p2.reshape(2 * N, FW), srce16, srco16, dst16, z64)

  p3 = tcmid(2 * FW)(s2, degp, W3p)
  s3 = _make_agg(N, E, False)(p3.reshape(2 * N, FW), srce, srce, dst32, z64)

  tc4 = pl.pallas_call(
      functools.partial(_tc4_body, C),
      grid=grid,
      in_specs=[
          pl.BlockSpec((BN, 2 * FW), lambda i: (i, 0)),
          pl.BlockSpec((2, BN, 16), lambda i: (0, i, 0)),
      ],
      out_specs=pl.BlockSpec((BN, C), lambda i: (i, 0)),
      out_shape=jax.ShapeDtypeStruct((N, C), f32),
  )
  return tc4(s3, degp)

# --- scband reference (transcript-rebuilt; emitter-appended) ---
"""Pipeline reference for scband-gcn-61143154426179 (READ-ONLY COPY).

The authoritative reference and input builder live on the scoring server;
editing this copy changes nothing except your own understanding.
"""

import jax, jax.numpy as jnp
import numpy as np

N_NODES = 10000
N_EDGES = 320000
IN_FEATS = 128
N_HIDDEN = 128
N_CLASSES = 47


def setup_inputs(seed: int = 0) -> dict:
    key = jax.random.key(seed)
    k_x, k_e, k_w1, k_w2, k_w3 = jax.random.split(key, 5)
    x = jax.random.normal(k_x, (N_NODES, IN_FEATS), dtype=jnp.float32)
    edge_index = jax.random.randint(k_e, (2, N_EDGES), 0, N_NODES, dtype=jnp.int64)
    s1 = 1.0 / np.sqrt(IN_FEATS)
    s2 = 1.0 / np.sqrt(N_HIDDEN)
    W1 = jax.random.uniform(k_w1, (IN_FEATS, N_HIDDEN), jnp.float32, -s1, s1)
    W2 = jax.random.uniform(k_w2, (N_HIDDEN, N_HIDDEN), jnp.float32, -s2, s2)
    W3 = jax.random.uniform(k_w3, (N_HIDDEN, N_CLASSES), jnp.float32, -s2, s2)
    return {"x": x, "edge_index": edge_index, "W1": W1, "W2": W2, "W3": W3}


def _gcn_conv(h, edge_index, W):
    # GCNConv: symmetric-normalized aggregation A_hat @ (H @ W)
    src = edge_index[0]
    dst = edge_index[1]
    n = h.shape[0]
    deg = jnp.zeros((n,), dtype=h.dtype).at[dst].add(1.0)
    deg = jnp.clip(deg, 1.0, None)
    dinv = jax.lax.rsqrt(deg)
    h = h @ W
    msg = jnp.take(h, src, axis=0) * dinv[src][:, None]
    agg = jnp.zeros((n, h.shape[1]), dtype=h.dtype).at[dst].add(msg)
    return agg * dinv[:, None]


def reference(x, edge_index, W1, W2, W3):
    # GCN.forward: stack of GCNConv layers with relu between, log_softmax at end
    h = _gcn_conv(x, edge_index, W1)
    h = jax.nn.relu(h)
    h = _gcn_conv(h, edge_index, W2)
    h = jax.nn.relu(h)
    h = _gcn_conv(h, edge_index, W3)
    return jax.nn.log_softmax(h, axis=1)

if __name__ == "__main__":
    import jax
    _d = setup_inputs()
    print(jax.jit(kernel)(*tuple(_d.values())))

</pallas_src>

<mosaic_0001>
#map = affine_map<(d0, d1) -> (0, 0, 0)>
#map1 = affine_map<(d0, d1) -> (0, 0)>
module attributes {stable_mosaic.version = 14 : i64} {
  func.func @gcn_deg(%arg0: i32, %arg1: i32, %arg2: memref<32x80x128xi32, #tpu.memory_space<hbm>>, %arg3: memref<128x16xf32, #tpu.memory_space<hbm>>, %arg4: memref<10000x16xf32, #tpu.memory_space<hbm>>, %arg5: memref<2x10000x16xf32, #tpu.memory_space<hbm>>, %arg6: memref<10008x16xf32, #tpu.memory_space<vmem_shared>>, %arg7: memref<80x128xi32, #tpu.memory_space<vmem>>, %arg8: memref<128x16xf32, #tpu.memory_space<vmem>>, %arg9: memref<!tpu.dma_semaphore, #tpu.memory_space<semaphore_mem>>) attributes {dimension_semantics = [#tpu.dimension_semantics<core_parallel>, #tpu.dimension_semantics<subcore_parallel>], iteration_bounds = array<i64: 2, 16>, scalar_prefetch = 0 : i64, scratch_operands = 4 : i64, tpu.core_type = #tpu.core_type<sc_vector_subcore>, window_params = [{transform_indices = #map}, {transform_indices = #map1}, {transform_indices = #map1}, {transform_indices = #map}]} {
    %mul3A = arith.constant 624 : i32
    %mul3A_0 = arith.muli %arg1, %mul3A : i32
    %multiple_of3A = tpu.assume_multiple %mul3A_0, 8 : i32
    %lt3A = arith.constant 15 : i32
    %lt3A_1 = arith.cmpi slt, %arg1, %lt3A : i32
    %convert_element_type3A = arith.extui %lt3A_1 : i1 to i32
    %cond3A = arith.constant 0 : i32
    %cond3A_2 = arith.cmpi ne, %convert_element_type3A, %cond3A : i32
    scf.if %cond3A_2 {
      "tpu.region"() ({
        %run_scoped3A = tpu.sem_alloc : memref<!tpu.dma_semaphore, #tpu.memory_space<semaphore_mem>>
        %dma_start3A = arith.constant 0 : i32
        %dma_start3A_26 = tpu.memref_slice %arg6[%multiple_of3A, %dma_start3A] : memref<10008x16xf32, #tpu.memory_space<vmem_shared>> -> memref<624x16xf32, #tpu.memory_space<vmem_shared>>
        %dma_start3A_27 = arith.constant 0 : i32
        %dma_start3A_28 = tpu.memref_slice %arg4[%multiple_of3A, %dma_start3A_27] : memref<10000x16xf32, #tpu.memory_space<hbm>> -> memref<624x16xf32, #tpu.memory_space<hbm>>
        tpu.enqueue_dma source(%dma_start3A_28 : memref<624x16xf32, #tpu.memory_space<hbm>>) target(%dma_start3A_26 : memref<624x16xf32, #tpu.memory_space<vmem_shared>>) target_semaphore(%run_scoped3A : memref<!tpu.dma_semaphore, #tpu.memory_space<semaphore_mem>>)
        %dma_wait3A = arith.constant 0 : i32
        %dma_wait3A_29 = tpu.memref_slice %arg6[%multiple_of3A, %dma_wait3A] : memref<10008x16xf32, #tpu.memory_space<vmem_shared>> -> memref<624x16xf32, #tpu.memory_space<vmem_shared>>
        %dma_wait3A_30 = arith.constant 0 : i32
        %dma_wait3A_31 = tpu.memref_slice %arg4[%multiple_of3A, %dma_wait3A_30] : memref<10000x16xf32, #tpu.memory_space<hbm>> -> memref<624x16xf32, #tpu.memory_space<hbm>>
        tpu.wait_dma2 semaphore(%run_scoped3A : memref<!tpu.dma_semaphore, #tpu.memory_space<semaphore_mem>>) src(%dma_wait3A_31 : memref<624x16xf32, #tpu.memory_space<hbm>>) dst(%dma_wait3A_29 : memref<624x16xf32, #tpu.memory_space<vmem_shared>>)
        tpu.yield
      }) : () -> ()
    } else {
    }
    %eq3A = arith.constant 15 : i32
    %eq3A_3 = arith.cmpi eq, %arg1, %eq3A : i32
    %convert_element_type3A_4 = arith.extui %eq3A_3 : i1 to i32
    %cond3A_5 = arith.constant 0 : i32
    %cond3A_6 = arith.cmpi ne, %convert_element_type3A_4, %cond3A_5 : i32
    scf.if %cond3A_6 {
      "tpu.region"() ({
        %run_scoped3A = tpu.sem_alloc : memref<!tpu.dma_semaphore, #tpu.memory_space<semaphore_mem>>
        %dma_start3A = arith.constant 0 : i32
        %dma_start3A_26 = tpu.memref_slice %arg6[%multiple_of3A, %dma_start3A] : memref<10008x16xf32, #tpu.memory_space<vmem_shared>> -> memref<640x16xf32, #tpu.memory_space<vmem_shared>>
        %dma_start3A_27 = arith.constant 0 : i32
        %dma_start3A_28 = tpu.memref_slice %arg4[%multiple_of3A, %dma_start3A_27] : memref<10000x16xf32, #tpu.memory_space<hbm>> -> memref<640x16xf32, #tpu.memory_space<hbm>>
        tpu.enqueue_dma source(%dma_start3A_28 : memref<640x16xf32, #tpu.memory_space<hbm>>) target(%dma_start3A_26 : memref<640x16xf32, #tpu.memory_space<vmem_shared>>) target_semaphore(%run_scoped3A : memref<!tpu.dma_semaphore, #tpu.memory_space<semaphore_mem>>)
        %dma_wait3A = arith.constant 0 : i32
        %dma_wait3A_29 = tpu.memref_slice %arg6[%multiple_of3A, %dma_wait3A] : memref<10008x16xf32, #tpu.memory_space<vmem_shared>> -> memref<640x16xf32, #tpu.memory_space<vmem_shared>>
        %dma_wait3A_30 = arith.constant 0 : i32
        %dma_wait3A_31 = tpu.memref_slice %arg4[%multiple_of3A, %dma_wait3A_30] : memref<10000x16xf32, #tpu.memory_space<hbm>> -> memref<640x16xf32, #tpu.memory_space<hbm>>
        tpu.wait_dma2 semaphore(%run_scoped3A : memref<!tpu.dma_semaphore, #tpu.memory_space<semaphore_mem>>) src(%dma_wait3A_31 : memref<640x16xf32, #tpu.memory_space<hbm>>) dst(%dma_wait3A_29 : memref<640x16xf32, #tpu.memory_space<vmem_shared>>)
        tpu.yield
      }) : () -> ()
    } else {
    }
    "tpu.region"() ({
      %run_scoped3A = tpu.sem_alloc : memref<!tpu.dma_semaphore, #tpu.memory_space<semaphore_mem>>
      tpu.enqueue_dma source(%arg3 : memref<128x16xf32, #tpu.memory_space<hbm>>) target(%arg8 : memref<128x16xf32, #tpu.memory_space<vmem>>) target_semaphore(%run_scoped3A : memref<!tpu.dma_semaphore, #tpu.memory_space<semaphore_mem>>)
      tpu.wait_dma2 semaphore(%run_scoped3A : memref<!tpu.dma_semaphore, #tpu.memory_space<semaphore_mem>>) src(%arg3 : memref<128x16xf32, #tpu.memory_space<hbm>>) dst(%arg8 : memref<128x16xf32, #tpu.memory_space<vmem>>)
      tpu.yield
    }) : () -> ()
    %mul3A_7 = arith.constant 16 : i32
    %mul3A_8 = arith.muli %arg0, %mul3A_7 : i32
    %add3A = arith.addi %mul3A_8, %arg1 : i32
    "tpu.region"() ({
      %run_scoped3A = tpu.sem_alloc : memref<!tpu.dma_semaphore, #tpu.memory_space<semaphore_mem>>
      %dma_start3A = arith.constant 0 : i32
      %dma_start3A_26 = arith.constant 0 : i32
      %dma_start3A_27 = tpu.memref_slice %arg2[%add3A, %dma_start3A, %dma_start3A_26] : memref<32x80x128xi32, #tpu.memory_space<hbm>> -> memref<1x80x128xi32, #tpu.memory_space<hbm>>
      %dma_start3A_28 = tpu.memref_squeeze %dma_start3A_27 : memref<1x80x128xi32, #tpu.memory_space<hbm>> -> memref<80x128xi32, #tpu.memory_space<hbm>>
      %dma_start3A_29 = arith.constant 0 : i32
      %dma_start3A_30 = arith.constant 0 : i32
      %dma_start3A_31 = tpu.memref_slice %arg2[%add3A, %dma_start3A_29, %dma_start3A_30] : memref<32x80x128xi32, #tpu.memory_space<hbm>> -> memref<1x80x128xi32, #tpu.memory_space<hbm>>
      %dma_start3A_32 = tpu.memref_squeeze %dma_start3A_31 : memref<1x80x128xi32, #tpu.memory_space<hbm>> -> memref<80x128xi32, #tpu.memory_space<hbm>>
      tpu.enqueue_dma source(%dma_start3A_32 : memref<80x128xi32, #tpu.memory_space<hbm>>) target(%arg7 : memref<80x128xi32, #tpu.memory_space<vmem>>) target_semaphore(%run_scoped3A : memref<!tpu.dma_semaphore, #tpu.memory_space<semaphore_mem>>)
      %dma_wait3A = arith.constant 0 : i32
      %dma_wait3A_33 = arith.constant 0 : i32
      %dma_wait3A_34 = tpu.memref_slice %arg2[%add3A, %dma_wait3A, %dma_wait3A_33] : memref<32x80x128xi32, #tpu.memory_space<hbm>> -> memref<1x80x128xi32, #tpu.memory_space<hbm>>
      %dma_wait3A_35 = tpu.memref_squeeze %dma_wait3A_34 : memref<1x80x128xi32, #tpu.memory_space<hbm>> -> memref<80x128xi32, #tpu.memory_space<hbm>>
      %dma_wait3A_36 = arith.constant 0 : i32
      %dma_wait3A_37 = arith.constant 0 : i32
      %dma_wait3A_38 = tpu.memref_slice %arg2[%add3A, %dma_wait3A_36, %dma_wait3A_37] : memref<32x80x128xi32, #tpu.memory_space<hbm>> -> memref<1x80x128xi32, #tpu.memory_space<hbm>>
      %dma_wait3A_39 = tpu.memref_squeeze %dma_wait3A_38 : memref<1x80x128xi32, #tpu.memory_space<hbm>> -> memref<80x128xi32, #tpu.memory_space<hbm>>
      tpu.wait_dma2 semaphore(%run_scoped3A : memref<!tpu.dma_semaphore, #tpu.memory_space<semaphore_mem>>) src(%dma_wait3A_39 : memref<80x128xi32, #tpu.memory_space<hbm>>) dst(%arg7 : memref<80x128xi32, #tpu.memory_space<vmem>>)
      tpu.yield
    }) : () -> ()
    %barrier3A = arith.constant 0 : index
    tpu.barrier barrier_id(%barrier3A)
    %scan3A = arith.constant 0 : i32
    %scan3A_9 = arith.constant 0 : i32
    %scan3A_10 = arith.constant 4 : i32
    %scan3A_11 = arith.addi %scan3A_9, %scan3A_10 : i32
    %scan3A_12 = arith.constant 1 : i32
    %scan3A_13 = scf.for %scan3A_26 = %scan3A_9 to %scan3A_11 step %scan3A_12 iter_args(%scan3A_27 = %scan3A) -> (i32)  : i32 {
      %scan3A_28 = arith.constant 0 : i32
      %scan3A_29 = arith.constant 0 : i32
      %scan3A_30 = arith.constant 20 : i32
      %scan3A_31 = arith.addi %scan3A_29, %scan3A_30 : i32
      %scan3A_32 = arith.constant 1 : i32
      %scan3A_33 = scf.for %scan3A_43 = %scan3A_29 to %scan3A_31 step %scan3A_32 iter_args(%scan3A_44 = %scan3A_28) -> (i32)  : i32 {
        %mul3A_45 = arith.constant 20 : i32
        %mul3A_46 = arith.muli %scan3A_26, %mul3A_45 : i32
        %add3A_47 = arith.addi %mul3A_46, %scan3A_43 : i32
        %dma_start3A = arith.constant 0 : i32
        %dma_start3A_48 = tpu.memref_slice %arg7[%add3A_47, %dma_start3A] : memref<80x128xi32, #tpu.memory_space<vmem>> -> memref<1x128xi32, #tpu.memory_space<vmem>>
        %dma_start3A_49 = tpu.memref_squeeze %dma_start3A_48 : memref<1x128xi32, #tpu.memory_space<vmem>> -> memref<128xi32, #tpu.memory_space<vmem>>
        %dma_start3A_50 = arith.constant 0 : i32
        %dma_start3A_51 = arith.constant 0 : i32
        %dma_start3A_52 = tpu.memref_slice %arg6[%dma_start3A_50, %dma_start3A_51] : memref<10008x16xf32, #tpu.memory_space<vmem_shared>> -> memref<10008x16xf32, #tpu.memory_space<vmem_shared>>
        tpu.enqueue_indirect_dma source(%arg8 : memref<128x16xf32, #tpu.memory_space<vmem>>) target(%dma_start3A_52 : memref<10008x16xf32, #tpu.memory_space<vmem_shared>>) offsets(%dma_start3A_49 : memref<128xi32, #tpu.memory_space<vmem>>) semaphore(%arg9 : memref<!tpu.dma_semaphore, #tpu.memory_space<semaphore_mem>>) {add = true}
        %scan3A_53 = arith.constant 0 : i32
        scf.yield %scan3A_53 : i32
      }
      %scan3A_34 = arith.constant 20 : i32
      %scan3A_35 = arith.constant 0 : i32
      %scan3A_36 = arith.constant 0 : i32
      %scan3A_37 = arith.constant 20 : i32
      %scan3A_38 = arith.addi %scan3A_36, %scan3A_37 : i32
      %scan3A_39 = arith.constant 1 : i32
      %scan3A_40 = scf.for %scan3A_43 = %scan3A_36 to %scan3A_38 step %scan3A_39 iter_args(%scan3A_44 = %scan3A_35) -> (i32)  : i32 {
        %dma_wait3A = arith.constant 0 : i32
        %dma_wait3A_45 = arith.constant 0 : i32
        %dma_wait3A_46 = tpu.memref_slice %arg7[%dma_wait3A, %dma_wait3A_45] : memref<80x128xi32, #tpu.memory_space<vmem>> -> memref<1x128xi32, #tpu.memory_space<vmem>>
        %dma_wait3A_47 = tpu.memref_squeeze %dma_wait3A_46 : memref<1x128xi32, #tpu.memory_space<vmem>> -> memref<128xi32, #tpu.memory_space<vmem>>
        %dma_wait3A_48 = arith.constant 0 : i32
        %dma_wait3A_49 = arith.constant 0 : i32
        %dma_wait3A_50 = tpu.memref_slice %arg6[%dma_wait3A_48, %dma_wait3A_49] : memref<10008x16xf32, #tpu.memory_space<vmem_shared>> -> memref<10008x16xf32, #tpu.memory_space<vmem_shared>>
        tpu.wait_indirect_dma semaphore(%arg9 : memref<!tpu.dma_semaphore, #tpu.memory_space<semaphore_mem>>) src(%arg8 : memref<128x16xf32, #tpu.memory_space<vmem>>) dst(%dma_wait3A_50 : memref<10008x16xf32, #tpu.memory_space<vmem_shared>>)
        %scan3A_51 = arith.constant 0 : i32
        scf.yield %scan3A_51 : i32
      }
      %scan3A_41 = arith.constant 20 : i32
      %scan3A_42 = arith.constant 0 : i32
      scf.yield %scan3A_42 : i32
    }
    %scan3A_14 = arith.constant 4 : i32
    %barrier3A_15 = arith.constant 0 : index
    tpu.barrier barrier_id(%barrier3A_15)
    %eq3A_16 = arith.constant 0 : i32
    %eq3A_17 = arith.cmpi eq, %arg0, %eq3A_16 : i32
    %convert_element_type3A_18 = arith.extui %eq3A_17 : i1 to i32
    %cond3A_19 = arith.constant 0 : i32
    %cond3A_20 = arith.cmpi ne, %convert_element_type3A_18, %cond3A_19 : i32
    scf.if %cond3A_20 {
      %mul3A_26 = arith.constant 624 : i32
      %mul3A_27 = arith.muli %arg1, %mul3A_26 : i32
      %multiple_of3A_28 = tpu.assume_multiple %mul3A_27, 8 : i32
      %lt3A_29 = arith.constant 15 : i32
      %lt3A_30 = arith.cmpi slt, %arg1, %lt3A_29 : i32
      %convert_element_type3A_31 = arith.extui %lt3A_30 : i1 to i32
      %cond3A_32 = arith.constant 0 : i32
      %cond3A_33 = arith.cmpi ne, %convert_element_type3A_31, %cond3A_32 : i32
      scf.if %cond3A_33 {
        %run_scoped3A = arith.constant 0 : i32
        "tpu.region"() ({
          %run_scoped3A_39 = tpu.sem_alloc : memref<!tpu.dma_semaphore, #tpu.memory_space<semaphore_mem>>
          %dma_start3A = arith.constant 0 : i32
          %dma_start3A_40 = tpu.memref_slice %arg5[%run_scoped3A, %multiple_of3A_28, %dma_start3A] : memref<2x10000x16xf32, #tpu.memory_space<hbm>> -> memref<1x624x16xf32, #tpu.memory_space<hbm>>
          %dma_start3A_41 = tpu.memref_squeeze %dma_start3A_40 : memref<1x624x16xf32, #tpu.memory_space<hbm>> -> memref<624x16xf32, #tpu.memory_space<hbm>>
          %dma_start3A_42 = arith.constant 0 : i32
          %dma_start3A_43 = tpu.memref_slice %arg6[%multiple_of3A_28, %dma_start3A_42] : memref<10008x16xf32, #tpu.memory_space<vmem_shared>> -> memref<624x16xf32, #tpu.memory_space<vmem_shared>>
          tpu.enqueue_dma source(%dma_start3A_43 : memref<624x16xf32, #tpu.memory_space<vmem_shared>>) target(%dma_start3A_41 : memref<624x16xf32, #tpu.memory_space<hbm>>) target_semaphore(%run_scoped3A_39 : memref<!tpu.dma_semaphore, #tpu.memory_space<semaphore_mem>>)
          %dma_wait3A = arith.constant 0 : i32
          %dma_wait3A_44 = tpu.memref_slice %arg5[%run_scoped3A, %multiple_of3A_28, %dma_wait3A] : memref<2x10000x16xf32, #tpu.memory_space<hbm>> -> memref<1x624x16xf32, #tpu.memory_space<hbm>>
          %dma_wait3A_45 = tpu.memref_squeeze %dma_wait3A_44 : memref<1x624x16xf32, #tpu.memory_space<hbm>> -> memref<624x16xf32, #tpu.memory_space<hbm>>
          %dma_wait3A_46 = arith.constant 0 : i32
          %dma_wait3A_47 = tpu.memref_slice %arg6[%multiple_of3A_28, %dma_wait3A_46] : memref<10008x16xf32, #tpu.memory_space<vmem_shared>> -> memref<624x16xf32, #tpu.memory_space<vmem_shared>>
          tpu.wait_dma2 semaphore(%run_scoped3A_39 : memref<!tpu.dma_semaphore, #tpu.memory_space<semaphore_mem>>) src(%dma_wait3A_47 : memref<624x16xf32, #tpu.memory_space<vmem_shared>>) dst(%dma_wait3A_45 : memref<624x16xf32, #tpu.memory_space<hbm>>)
          tpu.yield
        }) : () -> ()
      } else {
      }
      %eq3A_34 = arith.constant 15 : i32
      %eq3A_35 = arith.cmpi eq, %arg1, %eq3A_34 : i32
      %convert_element_type3A_36 = arith.extui %eq3A_35 : i1 to i32
      %cond3A_37 = arith.constant 0 : i32
      %cond3A_38 = arith.cmpi ne, %convert_element_type3A_36, %cond3A_37 : i32
      scf.if %cond3A_38 {
        %run_scoped3A = arith.constant 0 : i32
        "tpu.region"() ({
          %run_scoped3A_39 = tpu.sem_alloc : memref<!tpu.dma_semaphore, #tpu.memory_space<semaphore_mem>>
          %dma_start3A = arith.constant 0 : i32
          %dma_start3A_40 = tpu.memref_slice %arg5[%run_scoped3A, %multiple_of3A_28, %dma_start3A] : memref<2x10000x16xf32, #tpu.memory_space<hbm>> -> memref<1x640x16xf32, #tpu.memory_space<hbm>>
          %dma_start3A_41 = tpu.memref_squeeze %dma_start3A_40 : memref<1x640x16xf32, #tpu.memory_space<hbm>> -> memref<640x16xf32, #tpu.memory_space<hbm>>
          %dma_start3A_42 = arith.constant 0 : i32
          %dma_start3A_43 = tpu.memref_slice %arg6[%multiple_of3A_28, %dma_start3A_42] : memref<10008x16xf32, #tpu.memory_space<vmem_shared>> -> memref<640x16xf32, #tpu.memory_space<vmem_shared>>
          tpu.enqueue_dma source(%dma_start3A_43 : memref<640x16xf32, #tpu.memory_space<vmem_shared>>) target(%dma_start3A_41 : memref<640x16xf32, #tpu.memory_space<hbm>>) target_semaphore(%run_scoped3A_39 : memref<!tpu.dma_semaphore, #tpu.memory_space<semaphore_mem>>)
          %dma_wait3A = arith.constant 0 : i32
          %dma_wait3A_44 = tpu.memref_slice %arg5[%run_scoped3A, %multiple_of3A_28, %dma_wait3A] : memref<2x10000x16xf32, #tpu.memory_space<hbm>> -> memref<1x640x16xf32, #tpu.memory_space<hbm>>
          %dma_wait3A_45 = tpu.memref_squeeze %dma_wait3A_44 : memref<1x640x16xf32, #tpu.memory_space<hbm>> -> memref<640x16xf32, #tpu.memory_space<hbm>>
          %dma_wait3A_46 = arith.constant 0 : i32
          %dma_wait3A_47 = tpu.memref_slice %arg6[%multiple_of3A_28, %dma_wait3A_46] : memref<10008x16xf32, #tpu.memory_space<vmem_shared>> -> memref<640x16xf32, #tpu.memory_space<vmem_shared>>
          tpu.wait_dma2 semaphore(%run_scoped3A_39 : memref<!tpu.dma_semaphore, #tpu.memory_space<semaphore_mem>>) src(%dma_wait3A_47 : memref<640x16xf32, #tpu.memory_space<vmem_shared>>) dst(%dma_wait3A_45 : memref<640x16xf32, #tpu.memory_space<hbm>>)
          tpu.yield
        }) : () -> ()
      } else {
      }
    } else {
    }
    %eq3A_21 = arith.constant 1 : i32
    %eq3A_22 = arith.cmpi eq, %arg0, %eq3A_21 : i32
    %convert_element_type3A_23 = arith.extui %eq3A_22 : i1 to i32
    %cond3A_24 = arith.constant 0 : i32
    %cond3A_25 = arith.cmpi ne, %convert_element_type3A_23, %cond3A_24 : i32
    scf.if %cond3A_25 {
      %mul3A_26 = arith.constant 624 : i32
      %mul3A_27 = arith.muli %arg1, %mul3A_26 : i32
      %multiple_of3A_28 = tpu.assume_multiple %mul3A_27, 8 : i32
      %lt3A_29 = arith.constant 15 : i32
      %lt3A_30 = arith.cmpi slt, %arg1, %lt3A_29 : i32
      %convert_element_type3A_31 = arith.extui %lt3A_30 : i1 to i32
      %cond3A_32 = arith.constant 0 : i32
      %cond3A_33 = arith.cmpi ne, %convert_element_type3A_31, %cond3A_32 : i32
      scf.if %cond3A_33 {
        %run_scoped3A = arith.constant 1 : i32
        "tpu.region"() ({
          %run_scoped3A_39 = tpu.sem_alloc : memref<!tpu.dma_semaphore, #tpu.memory_space<semaphore_mem>>
          %dma_start3A = arith.constant 0 : i32
          %dma_start3A_40 = tpu.memref_slice %arg5[%run_scoped3A, %multiple_of3A_28, %dma_start3A] : memref<2x10000x16xf32, #tpu.memory_space<hbm>> -> memref<1x624x16xf32, #tpu.memory_space<hbm>>
          %dma_start3A_41 = tpu.memref_squeeze %dma_start3A_40 : memref<1x624x16xf32, #tpu.memory_space<hbm>> -> memref<624x16xf32, #tpu.memory_space<hbm>>
          %dma_start3A_42 = arith.constant 0 : i32
          %dma_start3A_43 = tpu.memref_slice %arg6[%multiple_of3A_28, %dma_start3A_42] : memref<10008x16xf32, #tpu.memory_space<vmem_shared>> -> memref<624x16xf32, #tpu.memory_space<vmem_shared>>
          tpu.enqueue_dma source(%dma_start3A_43 : memref<624x16xf32, #tpu.memory_space<vmem_shared>>) target(%dma_start3A_41 : memref<624x16xf32, #tpu.memory_space<hbm>>) target_semaphore(%run_scoped3A_39 : memref<!tpu.dma_semaphore, #tpu.memory_space<semaphore_mem>>)
          %dma_wait3A = arith.constant 0 : i32
          %dma_wait3A_44 = tpu.memref_slice %arg5[%run_scoped3A, %multiple_of3A_28, %dma_wait3A] : memref<2x10000x16xf32, #tpu.memory_space<hbm>> -> memref<1x624x16xf32, #tpu.memory_space<hbm>>
          %dma_wait3A_45 = tpu.memref_squeeze %dma_wait3A_44 : memref<1x624x16xf32, #tpu.memory_space<hbm>> -> memref<624x16xf32, #tpu.memory_space<hbm>>
          %dma_wait3A_46 = arith.constant 0 : i32
          %dma_wait3A_47 = tpu.memref_slice %arg6[%multiple_of3A_28, %dma_wait3A_46] : memref<10008x16xf32, #tpu.memory_space<vmem_shared>> -> memref<624x16xf32, #tpu.memory_space<vmem_shared>>
          tpu.wait_dma2 semaphore(%run_scoped3A_39 : memref<!tpu.dma_semaphore, #tpu.memory_space<semaphore_mem>>) src(%dma_wait3A_47 : memref<624x16xf32, #tpu.memory_space<vmem_shared>>) dst(%dma_wait3A_45 : memref<624x16xf32, #tpu.memory_space<hbm>>)
          tpu.yield
        }) : () -> ()
      } else {
      }
      %eq3A_34 = arith.constant 15 : i32
      %eq3A_35 = arith.cmpi eq, %arg1, %eq3A_34 : i32
      %convert_element_type3A_36 = arith.extui %eq3A_35 : i1 to i32
      %cond3A_37 = arith.constant 0 : i32
      %cond3A_38 = arith.cmpi ne, %convert_element_type3A_36, %cond3A_37 : i32
      scf.if %cond3A_38 {
        %run_scoped3A = arith.constant 1 : i32
        "tpu.region"() ({
          %run_scoped3A_39 = tpu.sem_alloc : memref<!tpu.dma_semaphore, #tpu.memory_space<semaphore_mem>>
          %dma_start3A = arith.constant 0 : i32
          %dma_start3A_40 = tpu.memref_slice %arg5[%run_scoped3A, %multiple_of3A_28, %dma_start3A] : memref<2x10000x16xf32, #tpu.memory_space<hbm>> -> memref<1x640x16xf32, #tpu.memory_space<hbm>>
          %dma_start3A_41 = tpu.memref_squeeze %dma_start3A_40 : memref<1x640x16xf32, #tpu.memory_space<hbm>> -> memref<640x16xf32, #tpu.memory_space<hbm>>
          %dma_start3A_42 = arith.constant 0 : i32
          %dma_start3A_43 = tpu.memref_slice %arg6[%multiple_of3A_28, %dma_start3A_42] : memref<10008x16xf32, #tpu.memory_space<vmem_shared>> -> memref<640x16xf32, #tpu.memory_space<vmem_shared>>
          tpu.enqueue_dma source(%dma_start3A_43 : memref<640x16xf32, #tpu.memory_space<vmem_shared>>) target(%dma_start3A_41 : memref<640x16xf32, #tpu.memory_space<hbm>>) target_semaphore(%run_scoped3A_39 : memref<!tpu.dma_semaphore, #tpu.memory_space<semaphore_mem>>)
          %dma_wait3A = arith.constant 0 : i32
          %dma_wait3A_44 = tpu.memref_slice %arg5[%run_scoped3A, %multiple_of3A_28, %dma_wait3A] : memref<2x10000x16xf32, #tpu.memory_space<hbm>> -> memref<1x640x16xf32, #tpu.memory_space<hbm>>
          %dma_wait3A_45 = tpu.memref_squeeze %dma_wait3A_44 : memref<1x640x16xf32, #tpu.memory_space<hbm>> -> memref<640x16xf32, #tpu.memory_space<hbm>>
          %dma_wait3A_46 = arith.constant 0 : i32
          %dma_wait3A_47 = tpu.memref_slice %arg6[%multiple_of3A_28, %dma_wait3A_46] : memref<10008x16xf32, #tpu.memory_space<vmem_shared>> -> memref<640x16xf32, #tpu.memory_space<vmem_shared>>
          tpu.wait_dma2 semaphore(%run_scoped3A_39 : memref<!tpu.dma_semaphore, #tpu.memory_space<semaphore_mem>>) src(%dma_wait3A_47 : memref<640x16xf32, #tpu.memory_space<vmem_shared>>) dst(%dma_wait3A_45 : memref<640x16xf32, #tpu.memory_space<hbm>>)
          tpu.yield
        }) : () -> ()
      } else {
      }
    } else {
    }
    return
  }
}

#map = affine_map<(d0, d1) -> (0, 0)>
#map1 = affine_map<(d0, d1) -> (0, 0, 0)>
module attributes {stable_mosaic.version = 14 : i64} {
  func.func @gcn_agg(%arg0: i32, %arg1: i32, %arg2: memref<20000x64xf32, #tpu.memory_space<hbm>>, %arg3: memref<32x80x128xi32, #tpu.memory_space<hbm>>, %arg4: memref<32x80x128xi32, #tpu.memory_space<hbm>>, %arg5: memref<32x80x128xi32, #tpu.memory_space<hbm>>, %arg6: memref<10000x64xf32, #tpu.memory_space<hbm>>, %arg7: memref<10000x128xf32, #tpu.memory_space<hbm>>, %arg8: memref<10008x64xf32, #tpu.memory_space<vmem_shared>>, %arg9: memref<80x128xi32, #tpu.memory_space<vmem>>, %arg10: memref<80x128xi32, #tpu.memory_space<vmem>>, %arg11: memref<128x64xf32, #tpu.memory_space<vmem>>, %arg12: memref<128x64xf32, #tpu.memory_space<vmem>>, %arg13: memref<128x64xf32, #tpu.memory_space<vmem>>, %arg14: memref<128x64xf32, #tpu.memory_space<vmem>>, %arg15: memref<128x64xf32, #tpu.memory_space<vmem>>, %arg16: memref<128x64xf32, #tpu.memory_space<vmem>>, %arg17: memref<128x64xf32, #tpu.memory_space<vmem>>, %arg18: memref<128x64xf32, #tpu.memory_space<vmem>>, %arg19: memref<!tpu.dma_semaphore, #tpu.memory_space<semaphore_mem>>, %arg20: memref<!tpu.dma_semaphore, #tpu.memory_space<semaphore_mem>>, %arg21: memref<!tpu.dma_semaphore, #tpu.memory_space<semaphore_mem>>, %arg22: memref<!tpu.dma_semaphore, #tpu.memory_space<semaphore_mem>>, %arg23: memref<!tpu.dma_semaphore, #tpu.memory_space<semaphore_mem>>, %arg24: memref<!tpu.dma_semaphore, #tpu.memory_space<semaphore_mem>>, %arg25: memref<!tpu.dma_semaphore, #tpu.memory_space<semaphore_mem>>, %arg26: memref<!tpu.dma_semaphore, #tpu.memory_space<semaphore_mem>>, %arg27: memref<!tpu.dma_semaphore, #tpu.memory_space<semaphore_mem>>, %arg28: memref<!tpu.dma_semaphore, #tpu.memory_space<semaphore_mem>>, %arg29: memref<!tpu.dma_semaphore, #tpu.memory_space<semaphore_mem>>, %arg30: memref<!tpu.dma_semaphore, #tpu.memory_space<semaphore_mem>>, %arg31: memref<!tpu.dma_semaphore, #tpu.memory_space<semaphore_mem>>, %arg32: memref<!tpu.dma_semaphore, #tpu.memory_space<semaphore_mem>>, %arg33: memref<!tpu.dma_semaphore, #tpu.memory_space<semaphore_mem>>, %arg34: memref<!tpu.dma_semaphore, #tpu.memory_space<semaphore_mem>>) attributes {dimension_semantics = [#tpu.dimension_semantics<core_parallel>, #tpu.dimension_semantics<subcore_parallel>], iteration_bounds = array<i64: 2, 16>, scalar_prefetch = 0 : i64, scratch_operands = 27 : i64, tpu.core_type = #tpu.core_type<sc_vector_subcore>, window_params = [{transform_indices = #map}, {transform_indices = #map1}, {transform_indices = #map1}, {transform_indices = #map1}, {transform_indices = #map}, {transform_indices = #map}]} {
    %mul3A = arith.constant 624 : i32
    %mul3A_0 = arith.muli %arg1, %mul3A : i32
    %multiple_of3A = tpu.assume_multiple %mul3A_0, 8 : i32
    %lt3A = arith.constant 15 : i32
    %lt3A_1 = arith.cmpi slt, %arg1, %lt3A : i32
    %convert_element_type3A = arith.extui %lt3A_1 : i1 to i32
    %cond3A = arith.constant 0 : i32
    %cond3A_2 = arith.cmpi ne, %convert_element_type3A, %cond3A : i32
    scf.if %cond3A_2 {
      "tpu.region"() ({
        %run_scoped3A = tpu.sem_alloc : memref<!tpu.dma_semaphore, #tpu.memory_space<semaphore_mem>>
        %dma_start3A_97 = arith.constant 0 : i32
        %dma_start3A_98 = tpu.memref_slice %arg8[%multiple_of3A, %dma_start3A_97] : memref<10008x64xf32, #tpu.memory_space<vmem_shared>> -> memref<624x64xf32, #tpu.memory_space<vmem_shared>>
        %dma_start3A_99 = arith.constant 0 : i32
        %dma_start3A_100 = tpu.memref_slice %arg6[%multiple_of3A, %dma_start3A_99] : memref<10000x64xf32, #tpu.memory_space<hbm>> -> memref<624x64xf32, #tpu.memory_space<hbm>>
        tpu.enqueue_dma source(%dma_start3A_100 : memref<624x64xf32, #tpu.memory_space<hbm>>) target(%dma_start3A_98 : memref<624x64xf32, #tpu.memory_space<vmem_shared>>) target_semaphore(%run_scoped3A : memref<!tpu.dma_semaphore, #tpu.memory_space<semaphore_mem>>)
        %dma_wait3A_101 = arith.constant 0 : i32
        %dma_wait3A_102 = tpu.memref_slice %arg8[%multiple_of3A, %dma_wait3A_101] : memref<10008x64xf32, #tpu.memory_space<vmem_shared>> -> memref<624x64xf32, #tpu.memory_space<vmem_shared>>
        %dma_wait3A_103 = arith.constant 0 : i32
        %dma_wait3A_104 = tpu.memref_slice %arg6[%multiple_of3A, %dma_wait3A_103] : memref<10000x64xf32, #tpu.memory_space<hbm>> -> memref<624x64xf32, #tpu.memory_space<hbm>>
        tpu.wait_dma2 semaphore(%run_scoped3A : memref<!tpu.dma_semaphore, #tpu.memory_space<semaphore_mem>>) src(%dma_wait3A_104 : memref<624x64xf32, #tpu.memory_space<hbm>>) dst(%dma_wait3A_102 : memref<624x64xf32, #tpu.memory_space<vmem_shared>>)
        tpu.yield
      }) : () -> ()
    } else {
    }
    %eq3A = arith.constant 15 : i32
    %eq3A_3 = arith.cmpi eq, %arg1, %eq3A : i32
    %convert_element_type3A_4 = arith.extui %eq3A_3 : i1 to i32
    %cond3A_5 = arith.constant 0 : i32
    %cond3A_6 = arith.cmpi ne, %convert_element_type3A_4, %cond3A_5 : i32
    scf.if %cond3A_6 {
      "tpu.region"() ({
        %run_scoped3A = tpu.sem_alloc : memref<!tpu.dma_semaphore, #tpu.memory_space<semaphore_mem>>
        %dma_start3A_97 = arith.constant 0 : i32
        %dma_start3A_98 = tpu.memref_slice %arg8[%multiple_of3A, %dma_start3A_97] : memref<10008x64xf32, #tpu.memory_space<vmem_shared>> -> memref<640x64xf32, #tpu.memory_space<vmem_shared>>
        %dma_start3A_99 = arith.constant 0 : i32
        %dma_start3A_100 = tpu.memref_slice %arg6[%multiple_of3A, %dma_start3A_99] : memref<10000x64xf32, #tpu.memory_space<hbm>> -> memref<640x64xf32, #tpu.memory_space<hbm>>
        tpu.enqueue_dma source(%dma_start3A_100 : memref<640x64xf32, #tpu.memory_space<hbm>>) target(%dma_start3A_98 : memref<640x64xf32, #tpu.memory_space<vmem_shared>>) target_semaphore(%run_scoped3A : memref<!tpu.dma_semaphore, #tpu.memory_space<semaphore_mem>>)
        %dma_wait3A_101 = arith.constant 0 : i32
        %dma_wait3A_102 = tpu.memref_slice %arg8[%multiple_of3A, %dma_wait3A_101] : memref<10008x64xf32, #tpu.memory_space<vmem_shared>> -> memref<640x64xf32, #tpu.memory_space<vmem_shared>>
        %dma_wait3A_103 = arith.constant 0 : i32
        %dma_wait3A_104 = tpu.memref_slice %arg6[%multiple_of3A, %dma_wait3A_103] : memref<10000x64xf32, #tpu.memory_space<hbm>> -> memref<640x64xf32, #tpu.memory_space<hbm>>
        tpu.wait_dma2 semaphore(%run_scoped3A : memref<!tpu.dma_semaphore, #tpu.memory_space<semaphore_mem>>) src(%dma_wait3A_104 : memref<640x64xf32, #tpu.memory_space<hbm>>) dst(%dma_wait3A_102 : memref<640x64xf32, #tpu.memory_space<vmem_shared>>)
        tpu.yield
      }) : () -> ()
    } else {
    }
    %barrier3A = arith.constant 0 : index
    tpu.barrier barrier_id(%barrier3A)
    %mul3A_7 = arith.constant 16 : i32
    %mul3A_8 = arith.muli %arg0, %mul3A_7 : i32
    %add3A = arith.addi %mul3A_8, %arg1 : i32
    %scan3A = arith.constant 0 : i32
    %scan3A_9 = arith.constant 0 : i32
    %mul3A_10 = arith.constant 80 : i32
    %mul3A_11 = arith.muli %scan3A_9, %mul3A_10 : i32
    %multiple_of3A_12 = tpu.assume_multiple %mul3A_11, 8 : i32
    %eq3A_13 = arith.constant 0 : i32
    %eq3A_14 = arith.cmpi eq, %arg0, %eq3A_13 : i32
    %convert_element_type3A_15 = arith.extui %eq3A_14 : i1 to i32
    %cond3A_16 = arith.constant 0 : i32
    %cond3A_17 = arith.cmpi ne, %convert_element_type3A_15, %cond3A_16 : i32
    scf.if %cond3A_17 {
      "tpu.region"() ({
        %run_scoped3A = tpu.sem_alloc : memref<!tpu.dma_semaphore, #tpu.memory_space<semaphore_mem>>
        %dma_start3A_97 = arith.constant 0 : i32
        %dma_start3A_98 = tpu.memref_slice %arg3[%add3A, %multiple_of3A_12, %dma_start3A_97] : memref<32x80x128xi32, #tpu.memory_space<hbm>> -> memref<1x80x128xi32, #tpu.memory_space<hbm>>
        %dma_start3A_99 = tpu.memref_squeeze %dma_start3A_98 : memref<1x80x128xi32, #tpu.memory_space<hbm>> -> memref<80x128xi32, #tpu.memory_space<hbm>>
        %dma_start3A_100 = arith.constant 0 : i32
        %dma_start3A_101 = tpu.memref_slice %arg3[%add3A, %multiple_of3A_12, %dma_start3A_100] : memref<32x80x128xi32, #tpu.memory_space<hbm>> -> memref<1x80x128xi32, #tpu.memory_space<hbm>>
        %dma_start3A_102 = tpu.memref_squeeze %dma_start3A_101 : memref<1x80x128xi32, #tpu.memory_space<hbm>> -> memref<80x128xi32, #tpu.memory_space<hbm>>
        tpu.enqueue_dma source(%dma_start3A_102 : memref<80x128xi32, #tpu.memory_space<hbm>>) target(%arg9 : memref<80x128xi32, #tpu.memory_space<vmem>>) target_semaphore(%run_scoped3A : memref<!tpu.dma_semaphore, #tpu.memory_space<semaphore_mem>>)
        %dma_wait3A_103 = arith.constant 0 : i32
        %dma_wait3A_104 = tpu.memref_slice %arg3[%add3A, %multiple_of3A_12, %dma_wait3A_103] : memref<32x80x128xi32, #tpu.memory_space<hbm>> -> memref<1x80x128xi32, #tpu.memory_space<hbm>>
        %dma_wait3A_105 = tpu.memref_squeeze %dma_wait3A_104 : memref<1x80x128xi32, #tpu.memory_space<hbm>> -> memref<80x128xi32, #tpu.memory_space<hbm>>
        %dma_wait3A_106 = arith.constant 0 : i32
        %dma_wait3A_107 = tpu.memref_slice %arg3[%add3A, %multiple_of3A_12, %dma_wait3A_106] : memref<32x80x128xi32, #tpu.memory_space<hbm>> -> memref<1x80x128xi32, #tpu.memory_space<hbm>>
        %dma_wait3A_108 = tpu.memref_squeeze %dma_wait3A_107 : memref<1x80x128xi32, #tpu.memory_space<hbm>> -> memref<80x128xi32, #tpu.memory_space<hbm>>
        tpu.wait_dma2 semaphore(%run_scoped3A : memref<!tpu.dma_semaphore, #tpu.memory_space<semaphore_mem>>) src(%dma_wait3A_108 : memref<80x128xi32, #tpu.memory_space<hbm>>) dst(%arg9 : memref<80x128xi32, #tpu.memory_space<vmem>>)
        tpu.yield
      }) : () -> ()
    } else {
    }
    %eq3A_18 = arith.constant 1 : i32
    %eq3A_19 = arith.cmpi eq, %arg0, %eq3A_18 : i32
    %convert_element_type3A_20 = arith.extui %eq3A_19 : i1 to i32
    %cond3A_21 = arith.constant 0 : i32
    %cond3A_22 = arith.cmpi ne, %convert_element_type3A_20, %cond3A_21 : i32
    scf.if %cond3A_22 {
      "tpu.region"() ({
        %run_scoped3A = tpu.sem_alloc : memref<!tpu.dma_semaphore, #tpu.memory_space<semaphore_mem>>
        %dma_start3A_97 = arith.constant 0 : i32
        %dma_start3A_98 = tpu.memref_slice %arg4[%add3A, %multiple_of3A_12, %dma_start3A_97] : memref<32x80x128xi32, #tpu.memory_space<hbm>> -> memref<1x80x128xi32, #tpu.memory_space<hbm>>
        %dma_start3A_99 = tpu.memref_squeeze %dma_start3A_98 : memref<1x80x128xi32, #tpu.memory_space<hbm>> -> memref<80x128xi32, #tpu.memory_space<hbm>>
        %dma_start3A_100 = arith.constant 0 : i32
        %dma_start3A_101 = tpu.memref_slice %arg4[%add3A, %multiple_of3A_12, %dma_start3A_100] : memref<32x80x128xi32, #tpu.memory_space<hbm>> -> memref<1x80x128xi32, #tpu.memory_space<hbm>>
        %dma_start3A_102 = tpu.memref_squeeze %dma_start3A_101 : memref<1x80x128xi32, #tpu.memory_space<hbm>> -> memref<80x128xi32, #tpu.memory_space<hbm>>
        tpu.enqueue_dma source(%dma_start3A_102 : memref<80x128xi32, #tpu.memory_space<hbm>>) target(%arg9 : memref<80x128xi32, #tpu.memory_space<vmem>>) target_semaphore(%run_scoped3A : memref<!tpu.dma_semaphore, #tpu.memory_space<semaphore_mem>>)
        %dma_wait3A_103 = arith.constant 0 : i32
        %dma_wait3A_104 = tpu.memref_slice %arg4[%add3A, %multiple_of3A_12, %dma_wait3A_103] : memref<32x80x128xi32, #tpu.memory_space<hbm>> -> memref<1x80x128xi32, #tpu.memory_space<hbm>>
        %dma_wait3A_105 = tpu.memref_squeeze %dma_wait3A_104 : memref<1x80x128xi32, #tpu.memory_space<hbm>> -> memref<80x128xi32, #tpu.memory_space<hbm>>
        %dma_wait3A_106 = arith.constant 0 : i32
        %dma_wait3A_107 = tpu.memref_slice %arg4[%add3A, %multiple_of3A_12, %dma_wait3A_106] : memref<32x80x128xi32, #tpu.memory_space<hbm>> -> memref<1x80x128xi32, #tpu.memory_space<hbm>>
        %dma_wait3A_108 = tpu.memref_squeeze %dma_wait3A_107 : memref<1x80x128xi32, #tpu.memory_space<hbm>> -> memref<80x128xi32, #tpu.memory_space<hbm>>
        tpu.wait_dma2 semaphore(%run_scoped3A : memref<!tpu.dma_semaphore, #tpu.memory_space<semaphore_mem>>) src(%dma_wait3A_108 : memref<80x128xi32, #tpu.memory_space<hbm>>) dst(%arg9 : memref<80x128xi32, #tpu.memory_space<vmem>>)
        tpu.yield
      }) : () -> ()
    } else {
    }
    "tpu.region"() ({
      %run_scoped3A = tpu.sem_alloc : memref<!tpu.dma_semaphore, #tpu.memory_space<semaphore_mem>>
      %dma_start3A_97 = arith.constant 0 : i32
      %dma_start3A_98 = tpu.memref_slice %arg5[%add3A, %multiple_of3A_12, %dma_start3A_97] : memref<32x80x128xi32, #tpu.memory_space<hbm>> -> memref<1x80x128xi32, #tpu.memory_space<hbm>>
      %dma_start3A_99 = tpu.memref_squeeze %dma_start3A_98 : memref<1x80x128xi32, #tpu.memory_space<hbm>> -> memref<80x128xi32, #tpu.memory_space<hbm>>
      %dma_start3A_100 = arith.constant 0 : i32
      %dma_start3A_101 = tpu.memref_slice %arg5[%add3A, %multiple_of3A_12, %dma_start3A_100] : memref<32x80x128xi32, #tpu.memory_space<hbm>> -> memref<1x80x128xi32, #tpu.memory_space<hbm>>
      %dma_start3A_102 = tpu.memref_squeeze %dma_start3A_101 : memref<1x80x128xi32, #tpu.memory_space<hbm>> -> memref<80x128xi32, #tpu.memory_space<hbm>>
      tpu.enqueue_dma source(%dma_start3A_102 : memref<80x128xi32, #tpu.memory_space<hbm>>) target(%arg10 : memref<80x128xi32, #tpu.memory_space<vmem>>) target_semaphore(%run_scoped3A : memref<!tpu.dma_semaphore, #tpu.memory_space<semaphore_mem>>)
      %dma_wait3A_103 = arith.constant 0 : i32
      %dma_wait3A_104 = tpu.memref_slice %arg5[%add3A, %multiple_of3A_12, %dma_wait3A_103] : memref<32x80x128xi32, #tpu.memory_space<hbm>> -> memref<1x80x128xi32, #tpu.memory_space<hbm>>
      %dma_wait3A_105 = tpu.memref_squeeze %dma_wait3A_104 : memref<1x80x128xi32, #tpu.memory_space<hbm>> -> memref<80x128xi32, #tpu.memory_space<hbm>>
      %dma_wait3A_106 = arith.constant 0 : i32
      %dma_wait3A_107 = tpu.memref_slice %arg5[%add3A, %multiple_of3A_12, %dma_wait3A_106] : memref<32x80x128xi32, #tpu.memory_space<hbm>> -> memref<1x80x128xi32, #tpu.memory_space<hbm>>
      %dma_wait3A_108 = tpu.memref_squeeze %dma_wait3A_107 : memref<1x80x128xi32, #tpu.memory_space<hbm>> -> memref<80x128xi32, #tpu.memory_space<hbm>>
      tpu.wait_dma2 semaphore(%run_scoped3A : memref<!tpu.dma_semaphore, #tpu.memory_space<semaphore_mem>>) src(%dma_wait3A_108 : memref<80x128xi32, #tpu.memory_space<hbm>>) dst(%arg10 : memref<80x128xi32, #tpu.memory_space<vmem>>)
      tpu.yield
    }) : () -> ()
    %dma_start3A = arith.constant 0 : i32
    %dma_start3A_23 = arith.constant 0 : i32
    %dma_start3A_24 = tpu.memref_slice %arg9[%dma_start3A, %dma_start3A_23] : memref<80x128xi32, #tpu.memory_space<vmem>> -> memref<1x128xi32, #tpu.memory_space<vmem>>
    %dma_start3A_25 = tpu.memref_squeeze %dma_start3A_24 : memref<1x128xi32, #tpu.memory_space<vmem>> -> memref<128xi32, #tpu.memory_space<vmem>>
    %dma_start3A_26 = arith.constant 0 : i32
    %dma_start3A_27 = arith.constant 0 : i32
    %dma_start3A_28 = tpu.memref_slice %arg2[%dma_start3A_26, %dma_start3A_27] : memref<20000x64xf32, #tpu.memory_space<hbm>> -> memref<20000x64xf32, #tpu.memory_space<hbm>>
    tpu.enqueue_indirect_dma source(%dma_start3A_28 : memref<20000x64xf32, #tpu.memory_space<hbm>>) target(%arg11 : memref<128x64xf32, #tpu.memory_space<vmem>>) offsets(%dma_start3A_25 : memref<128xi32, #tpu.memory_space<vmem>>) semaphore(%arg19 : memref<!tpu.dma_semaphore, #tpu.memory_space<semaphore_mem>>)
    %dma_start3A_29 = arith.constant 1 : i32
    %dma_start3A_30 = arith.constant 0 : i32
    %dma_start3A_31 = tpu.memref_slice %arg9[%dma_start3A_29, %dma_start3A_30] : memref<80x128xi32, #tpu.memory_space<vmem>> -> memref<1x128xi32, #tpu.memory_space<vmem>>
    %dma_start3A_32 = tpu.memref_squeeze %dma_start3A_31 : memref<1x128xi32, #tpu.memory_space<vmem>> -> memref<128xi32, #tpu.memory_space<vmem>>
    %dma_start3A_33 = arith.constant 0 : i32
    %dma_start3A_34 = arith.constant 0 : i32
    %dma_start3A_35 = tpu.memref_slice %arg2[%dma_start3A_33, %dma_start3A_34] : memref<20000x64xf32, #tpu.memory_space<hbm>> -> memref<20000x64xf32, #tpu.memory_space<hbm>>
    tpu.enqueue_indirect_dma source(%dma_start3A_35 : memref<20000x64xf32, #tpu.memory_space<hbm>>) target(%arg12 : memref<128x64xf32, #tpu.memory_space<vmem>>) offsets(%dma_start3A_32 : memref<128xi32, #tpu.memory_space<vmem>>) semaphore(%arg20 : memref<!tpu.dma_semaphore, #tpu.memory_space<semaphore_mem>>)
    %dma_start3A_36 = arith.constant 2 : i32
    %dma_start3A_37 = arith.constant 0 : i32
    %dma_start3A_38 = tpu.memref_slice %arg9[%dma_start3A_36, %dma_start3A_37] : memref<80x128xi32, #tpu.memory_space<vmem>> -> memref<1x128xi32, #tpu.memory_space<vmem>>
    %dma_start3A_39 = tpu.memref_squeeze %dma_start3A_38 : memref<1x128xi32, #tpu.memory_space<vmem>> -> memref<128xi32, #tpu.memory_space<vmem>>
    %dma_start3A_40 = arith.constant 0 : i32
    %dma_start3A_41 = arith.constant 0 : i32
    %dma_start3A_42 = tpu.memref_slice %arg2[%dma_start3A_40, %dma_start3A_41] : memref<20000x64xf32, #tpu.memory_space<hbm>> -> memref<20000x64xf32, #tpu.memory_space<hbm>>
    tpu.enqueue_indirect_dma source(%dma_start3A_42 : memref<20000x64xf32, #tpu.memory_space<hbm>>) target(%arg13 : memref<128x64xf32, #tpu.memory_space<vmem>>) offsets(%dma_start3A_39 : memref<128xi32, #tpu.memory_space<vmem>>) semaphore(%arg21 : memref<!tpu.dma_semaphore, #tpu.memory_space<semaphore_mem>>)
    %dma_start3A_43 = arith.constant 3 : i32
    %dma_start3A_44 = arith.constant 0 : i32
    %dma_start3A_45 = tpu.memref_slice %arg9[%dma_start3A_43, %dma_start3A_44] : memref<80x128xi32, #tpu.memory_space<vmem>> -> memref<1x128xi32, #tpu.memory_space<vmem>>
    %dma_start3A_46 = tpu.memref_squeeze %dma_start3A_45 : memref<1x128xi32, #tpu.memory_space<vmem>> -> memref<128xi32, #tpu.memory_space<vmem>>
    %dma_start3A_47 = arith.constant 0 : i32
    %dma_start3A_48 = arith.constant 0 : i32
    %dma_start3A_49 = tpu.memref_slice %arg2[%dma_start3A_47, %dma_start3A_48] : memref<20000x64xf32, #tpu.memory_space<hbm>> -> memref<20000x64xf32, #tpu.memory_space<hbm>>
    tpu.enqueue_indirect_dma source(%dma_start3A_49 : memref<20000x64xf32, #tpu.memory_space<hbm>>) target(%arg14 : memref<128x64xf32, #tpu.memory_space<vmem>>) offsets(%dma_start3A_46 : memref<128xi32, #tpu.memory_space<vmem>>) semaphore(%arg22 : memref<!tpu.dma_semaphore, #tpu.memory_space<semaphore_mem>>)
    %scan3A_50 = arith.constant 0 : i32
    %scan3A_51 = arith.constant 0 : i32
    %scan3A_52 = arith.constant 10 : i32
    %scan3A_53 = arith.addi %scan3A_51, %scan3A_52 : i32
    %scan3A_54 = arith.constant 1 : i32
    %scan3A_55 = scf.for %scan3A_97 = %scan3A_51 to %scan3A_53 step %scan3A_54 iter_args(%scan3A_98 = %scan3A_50) -> (i32)  : i32 {
      %mul3A_99 = arith.constant 8 : i32
      %mul3A_100 = arith.muli %mul3A_99, %scan3A_97 : i32
      %dma_wait3A_101 = arith.constant 0 : i32
      %dma_wait3A_102 = arith.constant 0 : i32
      %dma_wait3A_103 = tpu.memref_slice %arg9[%dma_wait3A_101, %dma_wait3A_102] : memref<80x128xi32, #tpu.memory_space<vmem>> -> memref<1x128xi32, #tpu.memory_space<vmem>>
      %dma_wait3A_104 = tpu.memref_squeeze %dma_wait3A_103 : memref<1x128xi32, #tpu.memory_space<vmem>> -> memref<128xi32, #tpu.memory_space<vmem>>
      %dma_wait3A_105 = arith.constant 0 : i32
      %dma_wait3A_106 = arith.constant 0 : i32
      %dma_wait3A_107 = tpu.memref_slice %arg2[%dma_wait3A_105, %dma_wait3A_106] : memref<20000x64xf32, #tpu.memory_space<hbm>> -> memref<20000x64xf32, #tpu.memory_space<hbm>>
      tpu.wait_indirect_dma semaphore(%arg19 : memref<!tpu.dma_semaphore, #tpu.memory_space<semaphore_mem>>) src(%dma_wait3A_107 : memref<20000x64xf32, #tpu.memory_space<hbm>>) dst(%arg11 : memref<128x64xf32, #tpu.memory_space<vmem>>)
      %dma_wait3A_108 = arith.constant 0 : i32
      %dma_wait3A_109 = arith.constant 0 : i32
      %dma_wait3A_110 = tpu.memref_slice %arg9[%dma_wait3A_108, %dma_wait3A_109] : memref<80x128xi32, #tpu.memory_space<vmem>> -> memref<1x128xi32, #tpu.memory_space<vmem>>
      %dma_wait3A_111 = tpu.memref_squeeze %dma_wait3A_110 : memref<1x128xi32, #tpu.memory_space<vmem>> -> memref<128xi32, #tpu.memory_space<vmem>>
      %dma_wait3A_112 = arith.constant 0 : i32
      %dma_wait3A_113 = arith.constant 0 : i32
      %dma_wait3A_114 = tpu.memref_slice %arg2[%dma_wait3A_112, %dma_wait3A_113] : memref<20000x64xf32, #tpu.memory_space<hbm>> -> memref<20000x64xf32, #tpu.memory_space<hbm>>
      tpu.wait_indirect_dma semaphore(%arg20 : memref<!tpu.dma_semaphore, #tpu.memory_space<semaphore_mem>>) src(%dma_wait3A_114 : memref<20000x64xf32, #tpu.memory_space<hbm>>) dst(%arg12 : memref<128x64xf32, #tpu.memory_space<vmem>>)
      %dma_wait3A_115 = arith.constant 0 : i32
      %dma_wait3A_116 = arith.constant 0 : i32
      %dma_wait3A_117 = tpu.memref_slice %arg9[%dma_wait3A_115, %dma_wait3A_116] : memref<80x128xi32, #tpu.memory_space<vmem>> -> memref<1x128xi32, #tpu.memory_space<vmem>>
      %dma_wait3A_118 = tpu.memref_squeeze %dma_wait3A_117 : memref<1x128xi32, #tpu.memory_space<vmem>> -> memref<128xi32, #tpu.memory_space<vmem>>
      %dma_wait3A_119 = arith.constant 0 : i32
      %dma_wait3A_120 = arith.constant 0 : i32
      %dma_wait3A_121 = tpu.memref_slice %arg2[%dma_wait3A_119, %dma_wait3A_120] : memref<20000x64xf32, #tpu.memory_space<hbm>> -> memref<20000x64xf32, #tpu.memory_space<hbm>>
      tpu.wait_indirect_dma semaphore(%arg21 : memref<!tpu.dma_semaphore, #tpu.memory_space<semaphore_mem>>) src(%dma_wait3A_121 : memref<20000x64xf32, #tpu.memory_space<hbm>>) dst(%arg13 : memref<128x64xf32, #tpu.memory_space<vmem>>)
      %dma_wait3A_122 = arith.constant 0 : i32
      %dma_wait3A_123 = arith.constant 0 : i32
      %dma_wait3A_124 = tpu.memref_slice %arg9[%dma_wait3A_122, %dma_wait3A_123] : memref<80x128xi32, #tpu.memory_space<vmem>> -> memref<1x128xi32, #tpu.memory_space<vmem>>
      %dma_wait3A_125 = tpu.memref_squeeze %dma_wait3A_124 : memref<1x128xi32, #tpu.memory_space<vmem>> -> memref<128xi32, #tpu.memory_space<vmem>>
      %dma_wait3A_126 = arith.constant 0 : i32
      %dma_wait3A_127 = arith.constant 0 : i32
      %dma_wait3A_128 = tpu.memref_slice %arg2[%dma_wait3A_126, %dma_wait3A_127] : memref<20000x64xf32, #tpu.memory_space<hbm>> -> memref<20000x64xf32, #tpu.memory_space<hbm>>
      tpu.wait_indirect_dma semaphore(%arg22 : memref<!tpu.dma_semaphore, #tpu.memory_space<semaphore_mem>>) src(%dma_wait3A_128 : memref<20000x64xf32, #tpu.memory_space<hbm>>) dst(%arg14 : memref<128x64xf32, #tpu.memory_space<vmem>>)
      %gt3A = arith.constant 0 : i32
      %gt3A_129 = arith.cmpi sgt, %scan3A_97, %gt3A : i32
      %convert_element_type3A_130 = arith.extui %gt3A_129 : i1 to i32
      %cond3A_131 = arith.constant 0 : i32
      %cond3A_132 = arith.cmpi ne, %convert_element_type3A_130, %cond3A_131 : i32
      scf.if %cond3A_132 {
        %dma_wait3A_291 = arith.constant 0 : i32
        %dma_wait3A_292 = arith.constant 0 : i32
        %dma_wait3A_293 = tpu.memref_slice %arg10[%dma_wait3A_291, %dma_wait3A_292] : memref<80x128xi32, #tpu.memory_space<vmem>> -> memref<1x128xi32, #tpu.memory_space<vmem>>
        %dma_wait3A_294 = tpu.memref_squeeze %dma_wait3A_293 : memref<1x128xi32, #tpu.memory_space<vmem>> -> memref<128xi32, #tpu.memory_space<vmem>>
        %dma_wait3A_295 = arith.constant 0 : i32
        %dma_wait3A_296 = arith.constant 0 : i32
        %dma_wait3A_297 = tpu.memref_slice %arg8[%dma_wait3A_295, %dma_wait3A_296] : memref<10008x64xf32, #tpu.memory_space<vmem_shared>> -> memref<10008x64xf32, #tpu.memory_space<vmem_shared>>
        tpu.wait_indirect_dma semaphore(%arg31 : memref<!tpu.dma_semaphore, #tpu.memory_space<semaphore_mem>>) src(%arg15 : memref<128x64xf32, #tpu.memory_space<vmem>>) dst(%dma_wait3A_297 : memref<10008x64xf32, #tpu.memory_space<vmem_shared>>)
        %dma_wait3A_298 = arith.constant 0 : i32
        %dma_wait3A_299 = arith.constant 0 : i32
        %dma_wait3A_300 = tpu.memref_slice %arg10[%dma_wait3A_298, %dma_wait3A_299] : memref<80x128xi32, #tpu.memory_space<vmem>> -> memref<1x128xi32, #tpu.memory_space<vmem>>
        %dma_wait3A_301 = tpu.memref_squeeze %dma_wait3A_300 : memref<1x128xi32, #tpu.memory_space<vmem>> -> memref<128xi32, #tpu.memory_space<vmem>>
        %dma_wait3A_302 = arith.constant 0 : i32
        %dma_wait3A_303 = arith.constant 0 : i32
        %dma_wait3A_304 = tpu.memref_slice %arg8[%dma_wait3A_302, %dma_wait3A_303] : memref<10008x64xf32, #tpu.memory_space<vmem_shared>> -> memref<10008x64xf32, #tpu.memory_space<vmem_shared>>
        tpu.wait_indirect_dma semaphore(%arg32 : memref<!tpu.dma_semaphore, #tpu.memory_space<semaphore_mem>>) src(%arg16 : memref<128x64xf32, #tpu.memory_space<vmem>>) dst(%dma_wait3A_304 : memref<10008x64xf32, #tpu.memory_space<vmem_shared>>)
        %dma_wait3A_305 = arith.constant 0 : i32
        %dma_wait3A_306 = arith.constant 0 : i32
        %dma_wait3A_307 = tpu.memref_slice %arg10[%dma_wait3A_305, %dma_wait3A_306] : memref<80x128xi32, #tpu.memory_space<vmem>> -> memref<1x128xi32, #tpu.memory_space<vmem>>
        %dma_wait3A_308 = tpu.memref_squeeze %dma_wait3A_307 : memref<1x128xi32, #tpu.memory_space<vmem>> -> memref<128xi32, #tpu.memory_space<vmem>>
        %dma_wait3A_309 = arith.constant 0 : i32
        %dma_wait3A_310 = arith.constant 0 : i32
        %dma_wait3A_311 = tpu.memref_slice %arg8[%dma_wait3A_309, %dma_wait3A_310] : memref<10008x64xf32, #tpu.memory_space<vmem_shared>> -> memref<10008x64xf32, #tpu.memory_space<vmem_shared>>
        tpu.wait_indirect_dma semaphore(%arg33 : memref<!tpu.dma_semaphore, #tpu.memory_space<semaphore_mem>>) src(%arg17 : memref<128x64xf32, #tpu.memory_space<vmem>>) dst(%dma_wait3A_311 : memref<10008x64xf32, #tpu.memory_space<vmem_shared>>)
        %dma_wait3A_312 = arith.constant 0 : i32
        %dma_wait3A_313 = arith.constant 0 : i32
        %dma_wait3A_314 = tpu.memref_slice %arg10[%dma_wait3A_312, %dma_wait3A_313] : memref<80x128xi32, #tpu.memory_space<vmem>> -> memref<1x128xi32, #tpu.memory_space<vmem>>
        %dma_wait3A_315 = tpu.memref_squeeze %dma_wait3A_314 : memref<1x128xi32, #tpu.memory_space<vmem>> -> memref<128xi32, #tpu.memory_space<vmem>>
        %dma_wait3A_316 = arith.constant 0 : i32
        %dma_wait3A_317 = arith.constant 0 : i32
        %dma_wait3A_318 = tpu.memref_slice %arg8[%dma_wait3A_316, %dma_wait3A_317] : memref<10008x64xf32, #tpu.memory_space<vmem_shared>> -> memref<10008x64xf32, #tpu.memory_space<vmem_shared>>
        tpu.wait_indirect_dma semaphore(%arg34 : memref<!tpu.dma_semaphore, #tpu.memory_space<semaphore_mem>>) src(%arg18 : memref<128x64xf32, #tpu.memory_space<vmem>>) dst(%dma_wait3A_318 : memref<10008x64xf32, #tpu.memory_space<vmem_shared>>)
      } else {
      }
      %add3A_133 = arith.constant 4 : i32
      %add3A_134 = arith.addi %mul3A_100, %add3A_133 : i32
      %dma_start3A_135 = arith.constant 0 : i32
      %dma_start3A_136 = tpu.memref_slice %arg9[%add3A_134, %dma_start3A_135] : memref<80x128xi32, #tpu.memory_space<vmem>> -> memref<1x128xi32, #tpu.memory_space<vmem>>
      %dma_start3A_137 = tpu.memref_squeeze %dma_start3A_136 : memref<1x128xi32, #tpu.memory_space<vmem>> -> memref<128xi32, #tpu.memory_space<vmem>>
      %dma_start3A_138 = arith.constant 0 : i32
      %dma_start3A_139 = arith.constant 0 : i32
      %dma_start3A_140 = tpu.memref_slice %arg2[%dma_start3A_138, %dma_start3A_139] : memref<20000x64xf32, #tpu.memory_space<hbm>> -> memref<20000x64xf32, #tpu.memory_space<hbm>>
      tpu.enqueue_indirect_dma source(%dma_start3A_140 : memref<20000x64xf32, #tpu.memory_space<hbm>>) target(%arg15 : memref<128x64xf32, #tpu.memory_space<vmem>>) offsets(%dma_start3A_137 : memref<128xi32, #tpu.memory_space<vmem>>) semaphore(%arg23 : memref<!tpu.dma_semaphore, #tpu.memory_space<semaphore_mem>>)
      %add3A_141 = arith.constant 5 : i32
      %add3A_142 = arith.addi %mul3A_100, %add3A_141 : i32
      %dma_start3A_143 = arith.constant 0 : i32
      %dma_start3A_144 = tpu.memref_slice %arg9[%add3A_142, %dma_start3A_143] : memref<80x128xi32, #tpu.memory_space<vmem>> -> memref<1x128xi32, #tpu.memory_space<vmem>>
      %dma_start3A_145 = tpu.memref_squeeze %dma_start3A_144 : memref<1x128xi32, #tpu.memory_space<vmem>> -> memref<128xi32, #tpu.memory_space<vmem>>
      %dma_start3A_146 = arith.constant 0 : i32
      %dma_start3A_147 = arith.constant 0 : i32
      %dma_start3A_148 = tpu.memref_slice %arg2[%dma_start3A_146, %dma_start3A_147] : memref<20000x64xf32, #tpu.memory_space<hbm>> -> memref<20000x64xf32, #tpu.memory_space<hbm>>
      tpu.enqueue_indirect_dma source(%dma_start3A_148 : memref<20000x64xf32, #tpu.memory_space<hbm>>) target(%arg16 : memref<128x64xf32, #tpu.memory_space<vmem>>) offsets(%dma_start3A_145 : memref<128xi32, #tpu.memory_space<vmem>>) semaphore(%arg24 : memref<!tpu.dma_semaphore, #tpu.memory_space<semaphore_mem>>)
      %add3A_149 = arith.constant 6 : i32
      %add3A_150 = arith.addi %mul3A_100, %add3A_149 : i32
      %dma_start3A_151 = arith.constant 0 : i32
      %dma_start3A_152 = tpu.memref_slice %arg9[%add3A_150, %dma_start3A_151] : memref<80x128xi32, #tpu.memory_space<vmem>> -> memref<1x128xi32, #tpu.memory_space<vmem>>
      %dma_start3A_153 = tpu.memref_squeeze %dma_start3A_152 : memref<1x128xi32, #tpu.memory_space<vmem>> -> memref<128xi32, #tpu.memory_space<vmem>>
      %dma_start3A_154 = arith.constant 0 : i32
      %dma_start3A_155 = arith.constant 0 : i32
      %dma_start3A_156 = tpu.memref_slice %arg2[%dma_start3A_154, %dma_start3A_155] : memref<20000x64xf32, #tpu.memory_space<hbm>> -> memref<20000x64xf32, #tpu.memory_space<hbm>>
      tpu.enqueue_indirect_dma source(%dma_start3A_156 : memref<20000x64xf32, #tpu.memory_space<hbm>>) target(%arg17 : memref<128x64xf32, #tpu.memory_space<vmem>>) offsets(%dma_start3A_153 : memref<128xi32, #tpu.memory_space<vmem>>) semaphore(%arg25 : memref<!tpu.dma_semaphore, #tpu.memory_space<semaphore_mem>>)
      %add3A_157 = arith.constant 7 : i32
      %add3A_158 = arith.addi %mul3A_100, %add3A_157 : i32
      %dma_start3A_159 = arith.constant 0 : i32
      %dma_start3A_160 = tpu.memref_slice %arg9[%add3A_158, %dma_start3A_159] : memref<80x128xi32, #tpu.memory_space<vmem>> -> memref<1x128xi32, #tpu.memory_space<vmem>>
      %dma_start3A_161 = tpu.memref_squeeze %dma_start3A_160 : memref<1x128xi32, #tpu.memory_space<vmem>> -> memref<128xi32, #tpu.memory_space<vmem>>
      %dma_start3A_162 = arith.constant 0 : i32
      %dma_start3A_163 = arith.constant 0 : i32
      %dma_start3A_164 = tpu.memref_slice %arg2[%dma_start3A_162, %dma_start3A_163] : memref<20000x64xf32, #tpu.memory_space<hbm>> -> memref<20000x64xf32, #tpu.memory_space<hbm>>
      tpu.enqueue_indirect_dma source(%dma_start3A_164 : memref<20000x64xf32, #tpu.memory_space<hbm>>) target(%arg18 : memref<128x64xf32, #tpu.memory_space<vmem>>) offsets(%dma_start3A_161 : memref<128xi32, #tpu.memory_space<vmem>>) semaphore(%arg26 : memref<!tpu.dma_semaphore, #tpu.memory_space<semaphore_mem>>)
      %add3A_165 = arith.constant 0 : i32
      %add3A_166 = arith.addi %mul3A_100, %add3A_165 : i32
      %dma_start3A_167 = arith.constant 0 : i32
      %dma_start3A_168 = tpu.memref_slice %arg10[%add3A_166, %dma_start3A_167] : memref<80x128xi32, #tpu.memory_space<vmem>> -> memref<1x128xi32, #tpu.memory_space<vmem>>
      %dma_start3A_169 = tpu.memref_squeeze %dma_start3A_168 : memref<1x128xi32, #tpu.memory_space<vmem>> -> memref<128xi32, #tpu.memory_space<vmem>>
      %dma_start3A_170 = arith.constant 0 : i32
      %dma_start3A_171 = arith.constant 0 : i32
      %dma_start3A_172 = tpu.memref_slice %arg8[%dma_start3A_170, %dma_start3A_171] : memref<10008x64xf32, #tpu.memory_space<vmem_shared>> -> memref<10008x64xf32, #tpu.memory_space<vmem_shared>>
      tpu.enqueue_indirect_dma source(%arg11 : memref<128x64xf32, #tpu.memory_space<vmem>>) target(%dma_start3A_172 : memref<10008x64xf32, #tpu.memory_space<vmem_shared>>) offsets(%dma_start3A_169 : memref<128xi32, #tpu.memory_space<vmem>>) semaphore(%arg27 : memref<!tpu.dma_semaphore, #tpu.memory_space<semaphore_mem>>) {add = true}
      %add3A_173 = arith.constant 1 : i32
      %add3A_174 = arith.addi %mul3A_100, %add3A_173 : i32
      %dma_start3A_175 = arith.constant 0 : i32
      %dma_start3A_176 = tpu.memref_slice %arg10[%add3A_174, %dma_start3A_175] : memref<80x128xi32, #tpu.memory_space<vmem>> -> memref<1x128xi32, #tpu.memory_space<vmem>>
      %dma_start3A_177 = tpu.memref_squeeze %dma_start3A_176 : memref<1x128xi32, #tpu.memory_space<vmem>> -> memref<128xi32, #tpu.memory_space<vmem>>
      %dma_start3A_178 = arith.constant 0 : i32
      %dma_start3A_179 = arith.constant 0 : i32
      %dma_start3A_180 = tpu.memref_slice %arg8[%dma_start3A_178, %dma_start3A_179] : memref<10008x64xf32, #tpu.memory_space<vmem_shared>> -> memref<10008x64xf32, #tpu.memory_space<vmem_shared>>
      tpu.enqueue_indirect_dma source(%arg12 : memref<128x64xf32, #tpu.memory_space<vmem>>) target(%dma_start3A_180 : memref<10008x64xf32, #tpu.memory_space<vmem_shared>>) offsets(%dma_start3A_177 : memref<128xi32, #tpu.memory_space<vmem>>) semaphore(%arg28 : memref<!tpu.dma_semaphore, #tpu.memory_space<semaphore_mem>>) {add = true}
      %add3A_181 = arith.constant 2 : i32
      %add3A_182 = arith.addi %mul3A_100, %add3A_181 : i32
      %dma_start3A_183 = arith.constant 0 : i32
      %dma_start3A_184 = tpu.memref_slice %arg10[%add3A_182, %dma_start3A_183] : memref<80x128xi32, #tpu.memory_space<vmem>> -> memref<1x128xi32, #tpu.memory_space<vmem>>
      %dma_start3A_185 = tpu.memref_squeeze %dma_start3A_184 : memref<1x128xi32, #tpu.memory_space<vmem>> -> memref<128xi32, #tpu.memory_space<vmem>>
      %dma_start3A_186 = arith.constant 0 : i32
      %dma_start3A_187 = arith.constant 0 : i32
      %dma_start3A_188 = tpu.memref_slice %arg8[%dma_start3A_186, %dma_start3A_187] : memref<10008x64xf32, #tpu.memory_space<vmem_shared>> -> memref<10008x64xf32, #tpu.memory_space<vmem_shared>>
      tpu.enqueue_indirect_dma source(%arg13 : memref<128x64xf32, #tpu.memory_space<vmem>>) target(%dma_start3A_188 : memref<10008x64xf32, #tpu.memory_space<vmem_shared>>) offsets(%dma_start3A_185 : memref<128xi32, #tpu.memory_space<vmem>>) semaphore(%arg29 : memref<!tpu.dma_semaphore, #tpu.memory_space<semaphore_mem>>) {add = true}
      %add3A_189 = arith.constant 3 : i32
      %add3A_190 = arith.addi %mul3A_100, %add3A_189 : i32
      %dma_start3A_191 = arith.constant 0 : i32
      %dma_start3A_192 = tpu.memref_slice %arg10[%add3A_190, %dma_start3A_191] : memref<80x128xi32, #tpu.memory_space<vmem>> -> memref<1x128xi32, #tpu.memory_space<vmem>>
      %dma_start3A_193 = tpu.memref_squeeze %dma_start3A_192 : memref<1x128xi32, #tpu.memory_space<vmem>> -> memref<128xi32, #tpu.memory_space<vmem>>
      %dma_start3A_194 = arith.constant 0 : i32
      %dma_start3A_195 = arith.constant 0 : i32
      %dma_start3A_196 = tpu.memref_slice %arg8[%dma_start3A_194, %dma_start3A_195] : memref<10008x64xf32, #tpu.memory_space<vmem_shared>> -> memref<10008x64xf32, #tpu.memory_space<vmem_shared>>
      tpu.enqueue_indirect_dma source(%arg14 : memref<128x64xf32, #tpu.memory_space<vmem>>) target(%dma_start3A_196 : memref<10008x64xf32, #tpu.memory_space<vmem_shared>>) offsets(%dma_start3A_193 : memref<128xi32, #tpu.memory_space<vmem>>) semaphore(%arg30 : memref<!tpu.dma_semaphore, #tpu.memory_space<semaphore_mem>>) {add = true}
      %dma_wait3A_197 = arith.constant 0 : i32
      %dma_wait3A_198 = arith.constant 0 : i32
      %dma_wait3A_199 = tpu.memref_slice %arg9[%dma_wait3A_197, %dma_wait3A_198] : memref<80x128xi32, #tpu.memory_space<vmem>> -> memref<1x128xi32, #tpu.memory_space<vmem>>
      %dma_wait3A_200 = tpu.memref_squeeze %dma_wait3A_199 : memref<1x128xi32, #tpu.memory_space<vmem>> -> memref<128xi32, #tpu.memory_space<vmem>>
      %dma_wait3A_201 = arith.constant 0 : i32
      %dma_wait3A_202 = arith.constant 0 : i32
      %dma_wait3A_203 = tpu.memref_slice %arg2[%dma_wait3A_201, %dma_wait3A_202] : memref<20000x64xf32, #tpu.memory_space<hbm>> -> memref<20000x64xf32, #tpu.memory_space<hbm>>
      tpu.wait_indirect_dma semaphore(%arg23 : memref<!tpu.dma_semaphore, #tpu.memory_space<semaphore_mem>>) src(%dma_wait3A_203 : memref<20000x64xf32, #tpu.memory_space<hbm>>) dst(%arg15 : memref<128x64xf32, #tpu.memory_space<vmem>>)
      %dma_wait3A_204 = arith.constant 0 : i32
      %dma_wait3A_205 = arith.constant 0 : i32
      %dma_wait3A_206 = tpu.memref_slice %arg9[%dma_wait3A_204, %dma_wait3A_205] : memref<80x128xi32, #tpu.memory_space<vmem>> -> memref<1x128xi32, #tpu.memory_space<vmem>>
      %dma_wait3A_207 = tpu.memref_squeeze %dma_wait3A_206 : memref<1x128xi32, #tpu.memory_space<vmem>> -> memref<128xi32, #tpu.memory_space<vmem>>
      %dma_wait3A_208 = arith.constant 0 : i32
      %dma_wait3A_209 = arith.constant 0 : i32
      %dma_wait3A_210 = tpu.memref_slice %arg2[%dma_wait3A_208, %dma_wait3A_209] : memref<20000x64xf32, #tpu.memory_space<hbm>> -> memref<20000x64xf32, #tpu.memory_space<hbm>>
      tpu.wait_indirect_dma semaphore(%arg24 : memref<!tpu.dma_semaphore, #tpu.memory_space<semaphore_mem>>) src(%dma_wait3A_210 : memref<20000x64xf32, #tpu.memory_space<hbm>>) dst(%arg16 : memref<128x64xf32, #tpu.memory_space<vmem>>)
      %dma_wait3A_211 = arith.constant 0 : i32
      %dma_wait3A_212 = arith.constant 0 : i32
      %dma_wait3A_213 = tpu.memref_slice %arg9[%dma_wait3A_211, %dma_wait3A_212] : memref<80x128xi32, #tpu.memory_space<vmem>> -> memref<1x128xi32, #tpu.memory_space<vmem>>
      %dma_wait3A_214 = tpu.memref_squeeze %dma_wait3A_213 : memref<1x128xi32, #tpu.memory_space<vmem>> -> memref<128xi32, #tpu.memory_space<vmem>>
      %dma_wait3A_215 = arith.constant 0 : i32
      %dma_wait3A_216 = arith.constant 0 : i32
      %dma_wait3A_217 = tpu.memref_slice %arg2[%dma_wait3A_215, %dma_wait3A_216] : memref<20000x64xf32, #tpu.memory_space<hbm>> -> memref<20000x64xf32, #tpu.memory_space<hbm>>
      tpu.wait_indirect_dma semaphore(%arg25 : memref<!tpu.dma_semaphore, #tpu.memory_space<semaphore_mem>>) src(%dma_wait3A_217 : memref<20000x64xf32, #tpu.memory_space<hbm>>) dst(%arg17 : memref<128x64xf32, #tpu.memory_space<vmem>>)
      %dma_wait3A_218 = arith.constant 0 : i32
      %dma_wait3A_219 = arith.constant 0 : i32
      %dma_wait3A_220 = tpu.memref_slice %arg9[%dma_wait3A_218, %dma_wait3A_219] : memref<80x128xi32, #tpu.memory_space<vmem>> -> memref<1x128xi32, #tpu.memory_space<vmem>>
      %dma_wait3A_221 = tpu.memref_squeeze %dma_wait3A_220 : memref<1x128xi32, #tpu.memory_space<vmem>> -> memref<128xi32, #tpu.memory_space<vmem>>
      %dma_wait3A_222 = arith.constant 0 : i32
      %dma_wait3A_223 = arith.constant 0 : i32
      %dma_wait3A_224 = tpu.memref_slice %arg2[%dma_wait3A_222, %dma_wait3A_223] : memref<20000x64xf32, #tpu.memory_space<hbm>> -> memref<20000x64xf32, #tpu.memory_space<hbm>>
      tpu.wait_indirect_dma semaphore(%arg26 : memref<!tpu.dma_semaphore, #tpu.memory_space<semaphore_mem>>) src(%dma_wait3A_224 : memref<20000x64xf32, #tpu.memory_space<hbm>>) dst(%arg18 : memref<128x64xf32, #tpu.memory_space<vmem>>)
      %dma_wait3A_225 = arith.constant 0 : i32
      %dma_wait3A_226 = arith.constant 0 : i32
      %dma_wait3A_227 = tpu.memref_slice %arg10[%dma_wait3A_225, %dma_wait3A_226] : memref<80x128xi32, #tpu.memory_space<vmem>> -> memref<1x128xi32, #tpu.memory_space<vmem>>
      %dma_wait3A_228 = tpu.memref_squeeze %dma_wait3A_227 : memref<1x128xi32, #tpu.memory_space<vmem>> -> memref<128xi32, #tpu.memory_space<vmem>>
      %dma_wait3A_229 = arith.constant 0 : i32
      %dma_wait3A_230 = arith.constant 0 : i32
      %dma_wait3A_231 = tpu.memref_slice %arg8[%dma_wait3A_229, %dma_wait3A_230] : memref<10008x64xf32, #tpu.memory_space<vmem_shared>> -> memref<10008x64xf32, #tpu.memory_space<vmem_shared>>
      tpu.wait_indirect_dma semaphore(%arg27 : memref<!tpu.dma_semaphore, #tpu.memory_space<semaphore_mem>>) src(%arg11 : memref<128x64xf32, #tpu.memory_space<vmem>>) dst(%dma_wait3A_231 : memref<10008x64xf32, #tpu.memory_space<vmem_shared>>)
      %dma_wait3A_232 = arith.constant 0 : i32
      %dma_wait3A_233 = arith.constant 0 : i32
      %dma_wait3A_234 = tpu.memref_slice %arg10[%dma_wait3A_232, %dma_wait3A_233] : memref<80x128xi32, #tpu.memory_space<vmem>> -> memref<1x128xi32, #tpu.memory_space<vmem>>
      %dma_wait3A_235 = tpu.memref_squeeze %dma_wait3A_234 : memref<1x128xi32, #tpu.memory_space<vmem>> -> memref<128xi32, #tpu.memory_space<vmem>>
      %dma_wait3A_236 = arith.constant 0 : i32
      %dma_wait3A_237 = arith.constant 0 : i32
      %dma_wait3A_238 = tpu.memref_slice %arg8[%dma_wait3A_236, %dma_wait3A_237] : memref<10008x64xf32, #tpu.memory_space<vmem_shared>> -> memref<10008x64xf32, #tpu.memory_space<vmem_shared>>
      tpu.wait_indirect_dma semaphore(%arg28 : memref<!tpu.dma_semaphore, #tpu.memory_space<semaphore_mem>>) src(%arg12 : memref<128x64xf32, #tpu.memory_space<vmem>>) dst(%dma_wait3A_238 : memref<10008x64xf32, #tpu.memory_space<vmem_shared>>)
      %dma_wait3A_239 = arith.constant 0 : i32
      %dma_wait3A_240 = arith.constant 0 : i32
      %dma_wait3A_241 = tpu.memref_slice %arg10[%dma_wait3A_239, %dma_wait3A_240] : memref<80x128xi32, #tpu.memory_space<vmem>> -> memref<1x128xi32, #tpu.memory_space<vmem>>
      %dma_wait3A_242 = tpu.memref_squeeze %dma_wait3A_241 : memref<1x128xi32, #tpu.memory_space<vmem>> -> memref<128xi32, #tpu.memory_space<vmem>>
      %dma_wait3A_243 = arith.constant 0 : i32
      %dma_wait3A_244 = arith.constant 0 : i32
      %dma_wait3A_245 = tpu.memref_slice %arg8[%dma_wait3A_243, %dma_wait3A_244] : memref<10008x64xf32, #tpu.memory_space<vmem_shared>> -> memref<10008x64xf32, #tpu.memory_space<vmem_shared>>
      tpu.wait_indirect_dma semaphore(%arg29 : memref<!tpu.dma_semaphore, #tpu.memory_space<semaphore_mem>>) src(%arg13 : memref<128x64xf32, #tpu.memory_space<vmem>>) dst(%dma_wait3A_245 : memref<10008x64xf32, #tpu.memory_space<vmem_shared>>)
      %dma_wait3A_246 = arith.constant 0 : i32
      %dma_wait3A_247 = arith.constant 0 : i32
      %dma_wait3A_248 = tpu.memref_slice %arg10[%dma_wait3A_246, %dma_wait3A_247] : memref<80x128xi32, #tpu.memory_space<vmem>> -> memref<1x128xi32, #tpu.memory_space<vmem>>
      %dma_wait3A_249 = tpu.memref_squeeze %dma_wait3A_248 : memref<1x128xi32, #tpu.memory_space<vmem>> -> memref<128xi32, #tpu.memory_space<vmem>>
      %dma_wait3A_250 = arith.constant 0 : i32
      %dma_wait3A_251 = arith.constant 0 : i32
      %dma_wait3A_252 = tpu.memref_slice %arg8[%dma_wait3A_250, %dma_wait3A_251] : memref<10008x64xf32, #tpu.memory_space<vmem_shared>> -> memref<10008x64xf32, #tpu.memory_space<vmem_shared>>
      tpu.wait_indirect_dma semaphore(%arg30 : memref<!tpu.dma_semaphore, #tpu.memory_space<semaphore_mem>>) src(%arg14 : memref<128x64xf32, #tpu.memory_space<vmem>>) dst(%dma_wait3A_252 : memref<10008x64xf32, #tpu.memory_space<vmem_shared>>)
      %lt3A_253 = arith.constant 9 : i32
      %lt3A_254 = arith.cmpi slt, %scan3A_97, %lt3A_253 : i32
      %convert_element_type3A_255 = arith.extui %lt3A_254 : i1 to i32
      %cond3A_256 = arith.constant 0 : i32
      %cond3A_257 = arith.cmpi ne, %convert_element_type3A_255, %cond3A_256 : i32
      scf.if %cond3A_257 {
        %add3A_291 = arith.constant 8 : i32
        %add3A_292 = arith.addi %mul3A_100, %add3A_291 : i32
        %add3A_293 = arith.constant 0 : i32
        %add3A_294 = arith.addi %add3A_292, %add3A_293 : i32
        %dma_start3A_295 = arith.constant 0 : i32
        %dma_start3A_296 = tpu.memref_slice %arg9[%add3A_294, %dma_start3A_295] : memref<80x128xi32, #tpu.memory_space<vmem>> -> memref<1x128xi32, #tpu.memory_space<vmem>>
        %dma_start3A_297 = tpu.memref_squeeze %dma_start3A_296 : memref<1x128xi32, #tpu.memory_space<vmem>> -> memref<128xi32, #tpu.memory_space<vmem>>
        %dma_start3A_298 = arith.constant 0 : i32
        %dma_start3A_299 = arith.constant 0 : i32
        %dma_start3A_300 = tpu.memref_slice %arg2[%dma_start3A_298, %dma_start3A_299] : memref<20000x64xf32, #tpu.memory_space<hbm>> -> memref<20000x64xf32, #tpu.memory_space<hbm>>
        tpu.enqueue_indirect_dma source(%dma_start3A_300 : memref<20000x64xf32, #tpu.memory_space<hbm>>) target(%arg11 : memref<128x64xf32, #tpu.memory_space<vmem>>) offsets(%dma_start3A_297 : memref<128xi32, #tpu.memory_space<vmem>>) semaphore(%arg19 : memref<!tpu.dma_semaphore, #tpu.memory_space<semaphore_mem>>)
        %add3A_301 = arith.constant 8 : i32
        %add3A_302 = arith.addi %mul3A_100, %add3A_301 : i32
        %add3A_303 = arith.constant 1 : i32
        %add3A_304 = arith.addi %add3A_302, %add3A_303 : i32
        %dma_start3A_305 = arith.constant 0 : i32
        %dma_start3A_306 = tpu.memref_slice %arg9[%add3A_304, %dma_start3A_305] : memref<80x128xi32, #tpu.memory_space<vmem>> -> memref<1x128xi32, #tpu.memory_space<vmem>>
        %dma_start3A_307 = tpu.memref_squeeze %dma_start3A_306 : memref<1x128xi32, #tpu.memory_space<vmem>> -> memref<128xi32, #tpu.memory_space<vmem>>
        %dma_start3A_308 = arith.constant 0 : i32
        %dma_start3A_309 = arith.constant 0 : i32
        %dma_start3A_310 = tpu.memref_slice %arg2[%dma_start3A_308, %dma_start3A_309] : memref<20000x64xf32, #tpu.memory_space<hbm>> -> memref<20000x64xf32, #tpu.memory_space<hbm>>
        tpu.enqueue_indirect_dma source(%dma_start3A_310 : memref<20000x64xf32, #tpu.memory_space<hbm>>) target(%arg12 : memref<128x64xf32, #tpu.memory_space<vmem>>) offsets(%dma_start3A_307 : memref<128xi32, #tpu.memory_space<vmem>>) semaphore(%arg20 : memref<!tpu.dma_semaphore, #tpu.memory_space<semaphore_mem>>)
        %add3A_311 = arith.constant 8 : i32
        %add3A_312 = arith.addi %mul3A_100, %add3A_311 : i32
        %add3A_313 = arith.constant 2 : i32
        %add3A_314 = arith.addi %add3A_312, %add3A_313 : i32
        %dma_start3A_315 = arith.constant 0 : i32
        %dma_start3A_316 = tpu.memref_slice %arg9[%add3A_314, %dma_start3A_315] : memref<80x128xi32, #tpu.memory_space<vmem>> -> memref<1x128xi32, #tpu.memory_space<vmem>>
        %dma_start3A_317 = tpu.memref_squeeze %dma_start3A_316 : memref<1x128xi32, #tpu.memory_space<vmem>> -> memref<128xi32, #tpu.memory_space<vmem>>
        %dma_start3A_318 = arith.constant 0 : i32
        %dma_start3A_319 = arith.constant 0 : i32
        %dma_start3A_320 = tpu.memref_slice %arg2[%dma_start3A_318, %dma_start3A_319] : memref<20000x64xf32, #tpu.memory_space<hbm>> -> memref<20000x64xf32, #tpu.memory_space<hbm>>
        tpu.enqueue_indirect_dma source(%dma_start3A_320 : memref<20000x64xf32, #tpu.memory_space<hbm>>) target(%arg13 : memref<128x64xf32, #tpu.memory_space<vmem>>) offsets(%dma_start3A_317 : memref<128xi32, #tpu.memory_space<vmem>>) semaphore(%arg21 : memref<!tpu.dma_semaphore, #tpu.memory_space<semaphore_mem>>)
        %add3A_321 = arith.constant 8 : i32
        %add3A_322 = arith.addi %mul3A_100, %add3A_321 : i32
        %add3A_323 = arith.constant 3 : i32
        %add3A_324 = arith.addi %add3A_322, %add3A_323 : i32
        %dma_start3A_325 = arith.constant 0 : i32
        %dma_start3A_326 = tpu.memref_slice %arg9[%add3A_324, %dma_start3A_325] : memref<80x128xi32, #tpu.memory_space<vmem>> -> memref<1x128xi32, #tpu.memory_space<vmem>>
        %dma_start3A_327 = tpu.memref_squeeze %dma_start3A_326 : memref<1x128xi32, #tpu.memory_space<vmem>> -> memref<128xi32, #tpu.memory_space<vmem>>
        %dma_start3A_328 = arith.constant 0 : i32
        %dma_start3A_329 = arith.constant 0 : i32
        %dma_start3A_330 = tpu.memref_slice %arg2[%dma_start3A_328, %dma_start3A_329] : memref<20000x64xf32, #tpu.memory_space<hbm>> -> memref<20000x64xf32, #tpu.memory_space<hbm>>
        tpu.enqueue_indirect_dma source(%dma_start3A_330 : memref<20000x64xf32, #tpu.memory_space<hbm>>) target(%arg14 : memref<128x64xf32, #tpu.memory_space<vmem>>) offsets(%dma_start3A_327 : memref<128xi32, #tpu.memory_space<vmem>>) semaphore(%arg22 : memref<!tpu.dma_semaphore, #tpu.memory_space<semaphore_mem>>)
      } else {
      }
      %add3A_258 = arith.constant 4 : i32
      %add3A_259 = arith.addi %mul3A_100, %add3A_258 : i32
      %dma_start3A_260 = arith.constant 0 : i32
      %dma_start3A_261 = tpu.memref_slice %arg10[%add3A_259, %dma_start3A_260] : memref<80x128xi32, #tpu.memory_space<vmem>> -> memref<1x128xi32, #tpu.memory_space<vmem>>
      %dma_start3A_262 = tpu.memref_squeeze %dma_start3A_261 : memref<1x128xi32, #tpu.memory_space<vmem>> -> memref<128xi32, #tpu.memory_space<vmem>>
      %dma_start3A_263 = arith.constant 0 : i32
      %dma_start3A_264 = arith.constant 0 : i32
      %dma_start3A_265 = tpu.memref_slice %arg8[%dma_start3A_263, %dma_start3A_264] : memref<10008x64xf32, #tpu.memory_space<vmem_shared>> -> memref<10008x64xf32, #tpu.memory_space<vmem_shared>>
      tpu.enqueue_indirect_dma source(%arg15 : memref<128x64xf32, #tpu.memory_space<vmem>>) target(%dma_start3A_265 : memref<10008x64xf32, #tpu.memory_space<vmem_shared>>) offsets(%dma_start3A_262 : memref<128xi32, #tpu.memory_space<vmem>>) semaphore(%arg31 : memref<!tpu.dma_semaphore, #tpu.memory_space<semaphore_mem>>) {add = true}
      %add3A_266 = arith.constant 5 : i32
      %add3A_267 = arith.addi %mul3A_100, %add3A_266 : i32
      %dma_start3A_268 = arith.constant 0 : i32
      %dma_start3A_269 = tpu.memref_slice %arg10[%add3A_267, %dma_start3A_268] : memref<80x128xi32, #tpu.memory_space<vmem>> -> memref<1x128xi32, #tpu.memory_space<vmem>>
      %dma_start3A_270 = tpu.memref_squeeze %dma_start3A_269 : memref<1x128xi32, #tpu.memory_space<vmem>> -> memref<128xi32, #tpu.memory_space<vmem>>
      %dma_start3A_271 = arith.constant 0 : i32
      %dma_start3A_272 = arith.constant 0 : i32
      %dma_start3A_273 = tpu.memref_slice %arg8[%dma_start3A_271, %dma_start3A_272] : memref<10008x64xf32, #tpu.memory_space<vmem_shared>> -> memref<10008x64xf32, #tpu.memory_space<vmem_shared>>
      tpu.enqueue_indirect_dma source(%arg16 : memref<128x64xf32, #tpu.memory_space<vmem>>) target(%dma_start3A_273 : memref<10008x64xf32, #tpu.memory_space<vmem_shared>>) offsets(%dma_start3A_270 : memref<128xi32, #tpu.memory_space<vmem>>) semaphore(%arg32 : memref<!tpu.dma_semaphore, #tpu.memory_space<semaphore_mem>>) {add = true}
      %add3A_274 = arith.constant 6 : i32
      %add3A_275 = arith.addi %mul3A_100, %add3A_274 : i32
      %dma_start3A_276 = arith.constant 0 : i32
      %dma_start3A_277 = tpu.memref_slice %arg10[%add3A_275, %dma_start3A_276] : memref<80x128xi32, #tpu.memory_space<vmem>> -> memref<1x128xi32, #tpu.memory_space<vmem>>
      %dma_start3A_278 = tpu.memref_squeeze %dma_start3A_277 : memref<1x128xi32, #tpu.memory_space<vmem>> -> memref<128xi32, #tpu.memory_space<vmem>>
      %dma_start3A_279 = arith.constant 0 : i32
      %dma_start3A_280 = arith.constant 0 : i32
      %dma_start3A_281 = tpu.memref_slice %arg8[%dma_start3A_279, %dma_start3A_280] : memref<10008x64xf32, #tpu.memory_space<vmem_shared>> -> memref<10008x64xf32, #tpu.memory_space<vmem_shared>>
      tpu.enqueue_indirect_dma source(%arg17 : memref<128x64xf32, #tpu.memory_space<vmem>>) target(%dma_start3A_281 : memref<10008x64xf32, #tpu.memory_space<vmem_shared>>) offsets(%dma_start3A_278 : memref<128xi32, #tpu.memory_space<vmem>>) semaphore(%arg33 : memref<!tpu.dma_semaphore, #tpu.memory_space<semaphore_mem>>) {add = true}
      %add3A_282 = arith.constant 7 : i32
      %add3A_283 = arith.addi %mul3A_100, %add3A_282 : i32
      %dma_start3A_284 = arith.constant 0 : i32
      %dma_start3A_285 = tpu.memref_slice %arg10[%add3A_283, %dma_start3A_284] : memref<80x128xi32, #tpu.memory_space<vmem>> -> memref<1x128xi32, #tpu.memory_space<vmem>>
      %dma_start3A_286 = tpu.memref_squeeze %dma_start3A_285 : memref<1x128xi32, #tpu.memory_space<vmem>> -> memref<128xi32, #tpu.memory_space<vmem>>
      %dma_start3A_287 = arith.constant 0 : i32
      %dma_start3A_288 = arith.constant 0 : i32
      %dma_start3A_289 = tpu.memref_slice %arg8[%dma_start3A_287, %dma_start3A_288] : memref<10008x64xf32, #tpu.memory_space<vmem_shared>> -> memref<10008x64xf32, #tpu.memory_space<vmem_shared>>
      tpu.enqueue_indirect_dma source(%arg18 : memref<128x64xf32, #tpu.memory_space<vmem>>) target(%dma_start3A_289 : memref<10008x64xf32, #tpu.memory_space<vmem_shared>>) offsets(%dma_start3A_286 : memref<128xi32, #tpu.memory_space<vmem>>) semaphore(%arg34 : memref<!tpu.dma_semaphore, #tpu.memory_space<semaphore_mem>>) {add = true}
      %scan3A_290 = arith.constant 0 : i32
      scf.yield %scan3A_290 : i32
    }
    %scan3A_56 = arith.constant 10 : i32
    %dma_wait3A = arith.constant 0 : i32
    %dma_wait3A_57 = arith.constant 0 : i32
    %dma_wait3A_58 = tpu.memref_slice %arg10[%dma_wait3A, %dma_wait3A_57] : memref<80x128xi32, #tpu.memory_space<vmem>> -> memref<1x128xi32, #tpu.memory_space<vmem>>
    %dma_wait3A_59 = tpu.memref_squeeze %dma_wait3A_58 : memref<1x128xi32, #tpu.memory_space<vmem>> -> memref<128xi32, #tpu.memory_space<vmem>>
    %dma_wait3A_60 = arith.constant 0 : i32
    %dma_wait3A_61 = arith.constant 0 : i32
    %dma_wait3A_62 = tpu.memref_slice %arg8[%dma_wait3A_60, %dma_wait3A_61] : memref<10008x64xf32, #tpu.memory_space<vmem_shared>> -> memref<10008x64xf32, #tpu.memory_space<vmem_shared>>
    tpu.wait_indirect_dma semaphore(%arg31 : memref<!tpu.dma_semaphore, #tpu.memory_space<semaphore_mem>>) src(%arg15 : memref<128x64xf32, #tpu.memory_space<vmem>>) dst(%dma_wait3A_62 : memref<10008x64xf32, #tpu.memory_space<vmem_shared>>)
    %dma_wait3A_63 = arith.constant 0 : i32
    %dma_wait3A_64 = arith.constant 0 : i32
    %dma_wait3A_65 = tpu.memref_slice %arg10[%dma_wait3A_63, %dma_wait3A_64] : memref<80x128xi32, #tpu.memory_space<vmem>> -> memref<1x128xi32, #tpu.memory_space<vmem>>
    %dma_wait3A_66 = tpu.memref_squeeze %dma_wait3A_65 : memref<1x128xi32, #tpu.memory_space<vmem>> -> memref<128xi32, #tpu.memory_space<vmem>>
    %dma_wait3A_67 = arith.constant 0 : i32
    %dma_wait3A_68 = arith.constant 0 : i32
    %dma_wait3A_69 = tpu.memref_slice %arg8[%dma_wait3A_67, %dma_wait3A_68] : memref<10008x64xf32, #tpu.memory_space<vmem_shared>> -> memref<10008x64xf32, #tpu.memory_space<vmem_shared>>
    tpu.wait_indirect_dma semaphore(%arg32 : memref<!tpu.dma_semaphore, #tpu.memory_space<semaphore_mem>>) src(%arg16 : memref<128x64xf32, #tpu.memory_space<vmem>>) dst(%dma_wait3A_69 : memref<10008x64xf32, #tpu.memory_space<vmem_shared>>)
    %dma_wait3A_70 = arith.constant 0 : i32
    %dma_wait3A_71 = arith.constant 0 : i32
    %dma_wait3A_72 = tpu.memref_slice %arg10[%dma_wait3A_70, %dma_wait3A_71] : memref<80x128xi32, #tpu.memory_space<vmem>> -> memref<1x128xi32, #tpu.memory_space<vmem>>
    %dma_wait3A_73 = tpu.memref_squeeze %dma_wait3A_72 : memref<1x128xi32, #tpu.memory_space<vmem>> -> memref<128xi32, #tpu.memory_space<vmem>>
    %dma_wait3A_74 = arith.constant 0 : i32
    %dma_wait3A_75 = arith.constant 0 : i32
    %dma_wait3A_76 = tpu.memref_slice %arg8[%dma_wait3A_74, %dma_wait3A_75] : memref<10008x64xf32, #tpu.memory_space<vmem_shared>> -> memref<10008x64xf32, #tpu.memory_space<vmem_shared>>
    tpu.wait_indirect_dma semaphore(%arg33 : memref<!tpu.dma_semaphore, #tpu.memory_space<semaphore_mem>>) src(%arg17 : memref<128x64xf32, #tpu.memory_space<vmem>>) dst(%dma_wait3A_76 : memref<10008x64xf32, #tpu.memory_space<vmem_shared>>)
    %dma_wait3A_77 = arith.constant 0 : i32
    %dma_wait3A_78 = arith.constant 0 : i32
    %dma_wait3A_79 = tpu.memref_slice %arg10[%dma_wait3A_77, %dma_wait3A_78] : memref<80x128xi32, #tpu.memory_space<vmem>> -> memref<1x128xi32, #tpu.memory_space<vmem>>
    %dma_wait3A_80 = tpu.memref_squeeze %dma_wait3A_79 : memref<1x128xi32, #tpu.memory_space<vmem>> -> memref<128xi32, #tpu.memory_space<vmem>>
    %dma_wait3A_81 = arith.constant 0 : i32
    %dma_wait3A_82 = arith.constant 0 : i32
    %dma_wait3A_83 = tpu.memref_slice %arg8[%dma_wait3A_81, %dma_wait3A_82] : memref<10008x64xf32, #tpu.memory_space<vmem_shared>> -> memref<10008x64xf32, #tpu.memory_space<vmem_shared>>
    tpu.wait_indirect_dma semaphore(%arg34 : memref<!tpu.dma_semaphore, #tpu.memory_space<semaphore_mem>>) src(%arg18 : memref<128x64xf32, #tpu.memory_space<vmem>>) dst(%dma_wait3A_83 : memref<10008x64xf32, #tpu.memory_space<vmem_shared>>)
    %scan3A_84 = arith.constant 0 : i32
    %scan3A_85 = arith.constant 1 : i32
    %barrier3A_86 = arith.constant 0 : index
    tpu.barrier barrier_id(%barrier3A_86)
    %eq3A_87 = arith.constant 0 : i32
    %eq3A_88 = arith.cmpi eq, %arg0, %eq3A_87 : i32
    %convert_element_type3A_89 = arith.extui %eq3A_88 : i1 to i32
    %cond3A_90 = arith.constant 0 : i32
    %cond3A_91 = arith.cmpi ne, %convert_element_type3A_89, %cond3A_90 : i32
    scf.if %cond3A_91 {
      %mul3A_97 = arith.constant 624 : i32
      %mul3A_98 = arith.muli %arg1, %mul3A_97 : i32
      %multiple_of3A_99 = tpu.assume_multiple %mul3A_98, 8 : i32
      %lt3A_100 = arith.constant 15 : i32
      %lt3A_101 = arith.cmpi slt, %arg1, %lt3A_100 : i32
      %convert_element_type3A_102 = arith.extui %lt3A_101 : i1 to i32
      %cond3A_103 = arith.constant 0 : i32
      %cond3A_104 = arith.cmpi ne, %convert_element_type3A_102, %cond3A_103 : i32
      scf.if %cond3A_104 {
        "tpu.region"() ({
          %run_scoped3A = tpu.sem_alloc : memref<!tpu.dma_semaphore, #tpu.memory_space<semaphore_mem>>
          %dma_start3A_110 = arith.constant 0 : i32
          %dma_start3A_111 = tpu.memref_slice %arg7[%multiple_of3A_99, %dma_start3A_110] : memref<10000x128xf32, #tpu.memory_space<hbm>> -> memref<624x64xf32, #tpu.memory_space<hbm>>
          %dma_start3A_112 = arith.constant 0 : i32
          %dma_start3A_113 = tpu.memref_slice %arg8[%multiple_of3A_99, %dma_start3A_112] : memref<10008x64xf32, #tpu.memory_space<vmem_shared>> -> memref<624x64xf32, #tpu.memory_space<vmem_shared>>
          tpu.enqueue_dma source(%dma_start3A_113 : memref<624x64xf32, #tpu.memory_space<vmem_shared>>) target(%dma_start3A_111 : memref<624x64xf32, #tpu.memory_space<hbm>>) target_semaphore(%run_scoped3A : memref<!tpu.dma_semaphore, #tpu.memory_space<semaphore_mem>>)
          %dma_wait3A_114 = arith.constant 0 : i32
          %dma_wait3A_115 = tpu.memref_slice %arg7[%multiple_of3A_99, %dma_wait3A_114] : memref<10000x128xf32, #tpu.memory_space<hbm>> -> memref<624x64xf32, #tpu.memory_space<hbm>>
          %dma_wait3A_116 = arith.constant 0 : i32
          %dma_wait3A_117 = tpu.memref_slice %arg8[%multiple_of3A_99, %dma_wait3A_116] : memref<10008x64xf32, #tpu.memory_space<vmem_shared>> -> memref<624x64xf32, #tpu.memory_space<vmem_shared>>
          tpu.wait_dma2 semaphore(%run_scoped3A : memref<!tpu.dma_semaphore, #tpu.memory_space<semaphore_mem>>) src(%dma_wait3A_117 : memref<624x64xf32, #tpu.memory_space<vmem_shared>>) dst(%dma_wait3A_115 : memref<624x64xf32, #tpu.memory_space<hbm>>)
          tpu.yield
        }) : () -> ()
      } else {
      }
      %eq3A_105 = arith.constant 15 : i32
      %eq3A_106 = arith.cmpi eq, %arg1, %eq3A_105 : i32
      %convert_element_type3A_107 = arith.extui %eq3A_106 : i1 to i32
      %cond3A_108 = arith.constant 0 : i32
      %cond3A_109 = arith.cmpi ne, %convert_element_type3A_107, %cond3A_108 : i32
      scf.if %cond3A_109 {
        "tpu.region"() ({
          %run_scoped3A = tpu.sem_alloc : memref<!tpu.dma_semaphore, #tpu.memory_space<semaphore_mem>>
          %dma_start3A_110 = arith.constant 0 : i32
          %dma_start3A_111 = tpu.memref_slice %arg7[%multiple_of3A_99, %dma_start3A_110] : memref<10000x128xf32, #tpu.memory_space<hbm>> -> memref<640x64xf32, #tpu.memory_space<hbm>>
          %dma_start3A_112 = arith.constant 0 : i32
          %dma_start3A_113 = tpu.memref_slice %arg8[%multiple_of3A_99, %dma_start3A_112] : memref<10008x64xf32, #tpu.memory_space<vmem_shared>> -> memref<640x64xf32, #tpu.memory_space<vmem_shared>>
          tpu.enqueue_dma source(%dma_start3A_113 : memref<640x64xf32, #tpu.memory_space<vmem_shared>>) target(%dma_start3A_111 : memref<640x64xf32, #tpu.memory_space<hbm>>) target_semaphore(%run_scoped3A : memref<!tpu.dma_semaphore, #tpu.memory_space<semaphore_mem>>)
          %dma_wait3A_114 = arith.constant 0 : i32
          %dma_wait3A_115 = tpu.memref_slice %arg7[%multiple_of3A_99, %dma_wait3A_114] : memref<10000x128xf32, #tpu.memory_space<hbm>> -> memref<640x64xf32, #tpu.memory_space<hbm>>
          %dma_wait3A_116 = arith.constant 0 : i32
          %dma_wait3A_117 = tpu.memref_slice %arg8[%multiple_of3A_99, %dma_wait3A_116] : memref<10008x64xf32, #tpu.memory_space<vmem_shared>> -> memref<640x64xf32, #tpu.memory_space<vmem_shared>>
          tpu.wait_dma2 semaphore(%run_scoped3A : memref<!tpu.dma_semaphore, #tpu.memory_space<semaphore_mem>>) src(%dma_wait3A_117 : memref<640x64xf32, #tpu.memory_space<vmem_shared>>) dst(%dma_wait3A_115 : memref<640x64xf32, #tpu.memory_space<hbm>>)
          tpu.yield
        }) : () -> ()
      } else {
      }
    } else {
    }
    %eq3A_92 = arith.constant 1 : i32
    %eq3A_93 = arith.cmpi eq, %arg0, %eq3A_92 : i32
    %convert_element_type3A_94 = arith.extui %eq3A_93 : i1 to i32
    %cond3A_95 = arith.constant 0 : i32
    %cond3A_96 = arith.cmpi ne, %convert_element_type3A_94, %cond3A_95 : i32
    scf.if %cond3A_96 {
      %mul3A_97 = arith.constant 624 : i32
      %mul3A_98 = arith.muli %arg1, %mul3A_97 : i32
      %multiple_of3A_99 = tpu.assume_multiple %mul3A_98, 8 : i32
      %lt3A_100 = arith.constant 15 : i32
      %lt3A_101 = arith.cmpi slt, %arg1, %lt3A_100 : i32
      %convert_element_type3A_102 = arith.extui %lt3A_101 : i1 to i32
      %cond3A_103 = arith.constant 0 : i32
      %cond3A_104 = arith.cmpi ne, %convert_element_type3A_102, %cond3A_103 : i32
      scf.if %cond3A_104 {
        "tpu.region"() ({
          %run_scoped3A = tpu.sem_alloc : memref<!tpu.dma_semaphore, #tpu.memory_space<semaphore_mem>>
          %dma_start3A_110 = arith.constant 64 : i32
          %dma_start3A_111 = tpu.memref_slice %arg7[%multiple_of3A_99, %dma_start3A_110] : memref<10000x128xf32, #tpu.memory_space<hbm>> -> memref<624x64xf32, #tpu.memory_space<hbm>>
          %dma_start3A_112 = arith.constant 0 : i32
          %dma_start3A_113 = tpu.memref_slice %arg8[%multiple_of3A_99, %dma_start3A_112] : memref<10008x64xf32, #tpu.memory_space<vmem_shared>> -> memref<624x64xf32, #tpu.memory_space<vmem_shared>>
          tpu.enqueue_dma source(%dma_start3A_113 : memref<624x64xf32, #tpu.memory_space<vmem_shared>>) target(%dma_start3A_111 : memref<624x64xf32, #tpu.memory_space<hbm>>) target_semaphore(%run_scoped3A : memref<!tpu.dma_semaphore, #tpu.memory_space<semaphore_mem>>)
          %dma_wait3A_114 = arith.constant 64 : i32
          %dma_wait3A_115 = tpu.memref_slice %arg7[%multiple_of3A_99, %dma_wait3A_114] : memref<10000x128xf32, #tpu.memory_space<hbm>> -> memref<624x64xf32, #tpu.memory_space<hbm>>
          %dma_wait3A_116 = arith.constant 0 : i32
          %dma_wait3A_117 = tpu.memref_slice %arg8[%multiple_of3A_99, %dma_wait3A_116] : memref<10008x64xf32, #tpu.memory_space<vmem_shared>> -> memref<624x64xf32, #tpu.memory_space<vmem_shared>>
          tpu.wait_dma2 semaphore(%run_scoped3A : memref<!tpu.dma_semaphore, #tpu.memory_space<semaphore_mem>>) src(%dma_wait3A_117 : memref<624x64xf32, #tpu.memory_space<vmem_shared>>) dst(%dma_wait3A_115 : memref<624x64xf32, #tpu.memory_space<hbm>>)
          tpu.yield
        }) : () -> ()
      } else {
      }
      %eq3A_105 = arith.constant 15 : i32
      %eq3A_106 = arith.cmpi eq, %arg1, %eq3A_105 : i32
      %convert_element_type3A_107 = arith.extui %eq3A_106 : i1 to i32
      %cond3A_108 = arith.constant 0 : i32
      %cond3A_109 = arith.cmpi ne, %convert_element_type3A_107, %cond3A_108 : i32
      scf.if %cond3A_109 {
        "tpu.region"() ({
          %run_scoped3A = tpu.sem_alloc : memref<!tpu.dma_semaphore, #tpu.memory_space<semaphore_mem>>
          %dma_start3A_110 = arith.constant 64 : i32
          %dma_start3A_111 = tpu.memref_slice %arg7[%multiple_of3A_99, %dma_start3A_110] : memref<10000x128xf32, #tpu.memory_space<hbm>> -> memref<640x64xf32, #tpu.memory_space<hbm>>
          %dma_start3A_112 = arith.constant 0 : i32
          %dma_start3A_113 = tpu.memref_slice %arg8[%multiple_of3A_99, %dma_start3A_112] : memref<10008x64xf32, #tpu.memory_space<vmem_shared>> -> memref<640x64xf32, #tpu.memory_space<vmem_shared>>
          tpu.enqueue_dma source(%dma_start3A_113 : memref<640x64xf32, #tpu.memory_space<vmem_shared>>) target(%dma_start3A_111 : memref<640x64xf32, #tpu.memory_space<hbm>>) target_semaphore(%run_scoped3A : memref<!tpu.dma_semaphore, #tpu.memory_space<semaphore_mem>>)
          %dma_wait3A_114 = arith.constant 64 : i32
          %dma_wait3A_115 = tpu.memref_slice %arg7[%multiple_of3A_99, %dma_wait3A_114] : memref<10000x128xf32, #tpu.memory_space<hbm>> -> memref<640x64xf32, #tpu.memory_space<hbm>>
          %dma_wait3A_116 = arith.constant 0 : i32
          %dma_wait3A_117 = tpu.memref_slice %arg8[%multiple_of3A_99, %dma_wait3A_116] : memref<10008x64xf32, #tpu.memory_space<vmem_shared>> -> memref<640x64xf32, #tpu.memory_space<vmem_shared>>
          tpu.wait_dma2 semaphore(%run_scoped3A : memref<!tpu.dma_semaphore, #tpu.memory_space<semaphore_mem>>) src(%dma_wait3A_117 : memref<640x64xf32, #tpu.memory_space<vmem_shared>>) dst(%dma_wait3A_115 : memref<640x64xf32, #tpu.memory_space<hbm>>)
          tpu.yield
        }) : () -> ()
      } else {
      }
    } else {
    }
    return
  }
}

#map = affine_map<(d0, d1) -> (0, 0)>
#map1 = affine_map<(d0, d1) -> (0, 0, 0)>
module attributes {stable_mosaic.version = 14 : i64} {
  func.func @gcn_agg(%arg0: i32, %arg1: i32, %arg2: memref<20000x64xf32, #tpu.memory_space<hbm>>, %arg3: memref<16x160x128xi32, #tpu.memory_space<hbm>>, %arg4: memref<16x160x128xi32, #tpu.memory_space<hbm>>, %arg5: memref<16x160x128xi32, #tpu.memory_space<hbm>>, %arg6: memref<10000x64xf32, #tpu.memory_space<hbm>>, %arg7: memref<10000x128xf32, #tpu.memory_space<hbm>>, %arg8: memref<10008x64xf32, #tpu.memory_space<vmem_shared>>, %arg9: memref<80x128xi32, #tpu.memory_space<vmem>>, %arg10: memref<80x128xi32, #tpu.memory_space<vmem>>, %arg11: memref<128x64xf32, #tpu.memory_space<vmem>>, %arg12: memref<128x64xf32, #tpu.memory_space<vmem>>, %arg13: memref<128x64xf32, #tpu.memory_space<vmem>>, %arg14: memref<128x64xf32, #tpu.memory_space<vmem>>, %arg15: memref<128x64xf32, #tpu.memory_space<vmem>>, %arg16: memref<128x64xf32, #tpu.memory_space<vmem>>, %arg17: memref<128x64xf32, #tpu.memory_space<vmem>>, %arg18: memref<128x64xf32, #tpu.memory_space<vmem>>, %arg19: memref<!tpu.dma_semaphore, #tpu.memory_space<semaphore_mem>>, %arg20: memref<!tpu.dma_semaphore, #tpu.memory_space<semaphore_mem>>, %arg21: memref<!tpu.dma_semaphore, #tpu.memory_space<semaphore_mem>>, %arg22: memref<!tpu.dma_semaphore, #tpu.memory_space<semaphore_mem>>, %arg23: memref<!tpu.dma_semaphore, #tpu.memory_space<semaphore_mem>>, %arg24: memref<!tpu.dma_semaphore, #tpu.memory_space<semaphore_mem>>, %arg25: memref<!tpu.dma_semaphore, #tpu.memory_space<semaphore_mem>>, %arg26: memref<!tpu.dma_semaphore, #tpu.memory_space<semaphore_mem>>, %arg27: memref<!tpu.dma_semaphore, #tpu.memory_space<semaphore_mem>>, %arg28: memref<!tpu.dma_semaphore, #tpu.memory_space<semaphore_mem>>, %arg29: memref<!tpu.dma_semaphore, #tpu.memory_space<semaphore_mem>>, %arg30: memref<!tpu.dma_semaphore, #tpu.memory_space<semaphore_mem>>, %arg31: memref<!tpu.dma_semaphore, #tpu.memory_space<semaphore_mem>>, %arg32: memref<!tpu.dma_semaphore, #tpu.memory_space<semaphore_mem>>, %arg33: memref<!tpu.dma_semaphore, #tpu.memory_space<semaphore_mem>>, %arg34: memref<!tpu.dma_semaphore, #tpu.memory_space<semaphore_mem>>) attributes {dimension_semantics = [#tpu.dimension_semantics<core_parallel>, #tpu.dimension_semantics<subcore_parallel>], iteration_bounds = array<i64: 2, 16>, scalar_prefetch = 0 : i64, scratch_operands = 27 : i64, tpu.core_type = #tpu.core_type<sc_vector_subcore>, window_params = [{transform_indices = #map}, {transform_indices = #map1}, {transform_indices = #map1}, {transform_indices = #map1}, {transform_indices = #map}, {transform_indices = #map}]} {
    %mul3A = arith.constant 624 : i32
    %mul3A_0 = arith.muli %arg1, %mul3A : i32
    %multiple_of3A = tpu.assume_multiple %mul3A_0, 8 : i32
    %lt3A = arith.constant 15 : i32
    %lt3A_1 = arith.cmpi slt, %arg1, %lt3A : i32
    %convert_element_type3A = arith.extui %lt3A_1 : i1 to i32
    %cond3A = arith.constant 0 : i32
    %cond3A_2 = arith.cmpi ne, %convert_element_type3A, %cond3A : i32
    scf.if %cond3A_2 {
      "tpu.region"() ({
        %run_scoped3A = tpu.sem_alloc : memref<!tpu.dma_semaphore, #tpu.memory_space<semaphore_mem>>
        %dma_start3A = arith.constant 0 : i32
        %dma_start3A_24 = tpu.memref_slice %arg8[%multiple_of3A, %dma_start3A] : memref<10008x64xf32, #tpu.memory_space<vmem_shared>> -> memref<624x64xf32, #tpu.memory_space<vmem_shared>>
        %dma_start3A_25 = arith.constant 0 : i32
        %dma_start3A_26 = tpu.memref_slice %arg6[%multiple_of3A, %dma_start3A_25] : memref<10000x64xf32, #tpu.memory_space<hbm>> -> memref<624x64xf32, #tpu.memory_space<hbm>>
        tpu.enqueue_dma source(%dma_start3A_26 : memref<624x64xf32, #tpu.memory_space<hbm>>) target(%dma_start3A_24 : memref<624x64xf32, #tpu.memory_space<vmem_shared>>) target_semaphore(%run_scoped3A : memref<!tpu.dma_semaphore, #tpu.memory_space<semaphore_mem>>)
        %dma_wait3A = arith.constant 0 : i32
        %dma_wait3A_27 = tpu.memref_slice %arg8[%multiple_of3A, %dma_wait3A] : memref<10008x64xf32, #tpu.memory_space<vmem_shared>> -> memref<624x64xf32, #tpu.memory_space<vmem_shared>>
        %dma_wait3A_28 = arith.constant 0 : i32
        %dma_wait3A_29 = tpu.memref_slice %arg6[%multiple_of3A, %dma_wait3A_28] : memref<10000x64xf32, #tpu.memory_space<hbm>> -> memref<624x64xf32, #tpu.memory_space<hbm>>
        tpu.wait_dma2 semaphore(%run_scoped3A : memref<!tpu.dma_semaphore, #tpu.memory_space<semaphore_mem>>) src(%dma_wait3A_29 : memref<624x64xf32, #tpu.memory_space<hbm>>) dst(%dma_wait3A_27 : memref<624x64xf32, #tpu.memory_space<vmem_shared>>)
        tpu.yield
      }) : () -> ()
    } else {
    }
    %eq3A = arith.constant 15 : i32
    %eq3A_3 = arith.cmpi eq, %arg1, %eq3A : i32
    %convert_element_type3A_4 = arith.extui %eq3A_3 : i1 to i32
    %cond3A_5 = arith.constant 0 : i32
    %cond3A_6 = arith.cmpi ne, %convert_element_type3A_4, %cond3A_5 : i32
    scf.if %cond3A_6 {
      "tpu.region"() ({
        %run_scoped3A = tpu.sem_alloc : memref<!tpu.dma_semaphore, #tpu.memory_space<semaphore_mem>>
        %dma_start3A = arith.constant 0 : i32
        %dma_start3A_24 = tpu.memref_slice %arg8[%multiple_of3A, %dma_start3A] : memref<10008x64xf32, #tpu.memory_space<vmem_shared>> -> memref<640x64xf32, #tpu.memory_space<vmem_shared>>
        %dma_start3A_25 = arith.constant 0 : i32
        %dma_start3A_26 = tpu.memref_slice %arg6[%multiple_of3A, %dma_start3A_25] : memref<10000x64xf32, #tpu.memory_space<hbm>> -> memref<640x64xf32, #tpu.memory_space<hbm>>
        tpu.enqueue_dma source(%dma_start3A_26 : memref<640x64xf32, #tpu.memory_space<hbm>>) target(%dma_start3A_24 : memref<640x64xf32, #tpu.memory_space<vmem_shared>>) target_semaphore(%run_scoped3A : memref<!tpu.dma_semaphore, #tpu.memory_space<semaphore_mem>>)
        %dma_wait3A = arith.constant 0 : i32
        %dma_wait3A_27 = tpu.memref_slice %arg8[%multiple_of3A, %dma_wait3A] : memref<10008x64xf32, #tpu.memory_space<vmem_shared>> -> memref<640x64xf32, #tpu.memory_space<vmem_shared>>
        %dma_wait3A_28 = arith.constant 0 : i32
        %dma_wait3A_29 = tpu.memref_slice %arg6[%multiple_of3A, %dma_wait3A_28] : memref<10000x64xf32, #tpu.memory_space<hbm>> -> memref<640x64xf32, #tpu.memory_space<hbm>>
        tpu.wait_dma2 semaphore(%run_scoped3A : memref<!tpu.dma_semaphore, #tpu.memory_space<semaphore_mem>>) src(%dma_wait3A_29 : memref<640x64xf32, #tpu.memory_space<hbm>>) dst(%dma_wait3A_27 : memref<640x64xf32, #tpu.memory_space<vmem_shared>>)
        tpu.yield
      }) : () -> ()
    } else {
    }
    %barrier3A = arith.constant 0 : index
    tpu.barrier barrier_id(%barrier3A)
    %scan3A = arith.constant 0 : i32
    %scan3A_7 = arith.constant 0 : i32
    %scan3A_8 = arith.constant 2 : i32
    %scan3A_9 = arith.addi %scan3A_7, %scan3A_8 : i32
    %scan3A_10 = arith.constant 1 : i32
    %scan3A_11 = scf.for %scan3A_24 = %scan3A_7 to %scan3A_9 step %scan3A_10 iter_args(%scan3A_25 = %scan3A) -> (i32)  : i32 {
      %mul3A_26 = arith.constant 80 : i32
      %mul3A_27 = arith.muli %scan3A_24, %mul3A_26 : i32
      %multiple_of3A_28 = tpu.assume_multiple %mul3A_27, 8 : i32
      %eq3A_29 = arith.constant 0 : i32
      %eq3A_30 = arith.cmpi eq, %arg0, %eq3A_29 : i32
      %convert_element_type3A_31 = arith.extui %eq3A_30 : i1 to i32
      %cond3A_32 = arith.constant 0 : i32
      %cond3A_33 = arith.cmpi ne, %convert_element_type3A_31, %cond3A_32 : i32
      scf.if %cond3A_33 {
        "tpu.region"() ({
          %run_scoped3A = tpu.sem_alloc : memref<!tpu.dma_semaphore, #tpu.memory_space<semaphore_mem>>
          %dma_start3A_101 = arith.constant 0 : i32
          %dma_start3A_102 = tpu.memref_slice %arg3[%arg1, %multiple_of3A_28, %dma_start3A_101] : memref<16x160x128xi32, #tpu.memory_space<hbm>> -> memref<1x80x128xi32, #tpu.memory_space<hbm>>
          %dma_start3A_103 = tpu.memref_squeeze %dma_start3A_102 : memref<1x80x128xi32, #tpu.memory_space<hbm>> -> memref<80x128xi32, #tpu.memory_space<hbm>>
          %dma_start3A_104 = arith.constant 0 : i32
          %dma_start3A_105 = tpu.memref_slice %arg3[%arg1, %multiple_of3A_28, %dma_start3A_104] : memref<16x160x128xi32, #tpu.memory_space<hbm>> -> memref<1x80x128xi32, #tpu.memory_space<hbm>>
          %dma_start3A_106 = tpu.memref_squeeze %dma_start3A_105 : memref<1x80x128xi32, #tpu.memory_space<hbm>> -> memref<80x128xi32, #tpu.memory_space<hbm>>
          tpu.enqueue_dma source(%dma_start3A_106 : memref<80x128xi32, #tpu.memory_space<hbm>>) target(%arg9 : memref<80x128xi32, #tpu.memory_space<vmem>>) target_semaphore(%run_scoped3A : memref<!tpu.dma_semaphore, #tpu.memory_space<semaphore_mem>>)
          %dma_wait3A_107 = arith.constant 0 : i32
          %dma_wait3A_108 = tpu.memref_slice %arg3[%arg1, %multiple_of3A_28, %dma_wait3A_107] : memref<16x160x128xi32, #tpu.memory_space<hbm>> -> memref<1x80x128xi32, #tpu.memory_space<hbm>>
          %dma_wait3A_109 = tpu.memref_squeeze %dma_wait3A_108 : memref<1x80x128xi32, #tpu.memory_space<hbm>> -> memref<80x128xi32, #tpu.memory_space<hbm>>
          %dma_wait3A_110 = arith.constant 0 : i32
          %dma_wait3A_111 = tpu.memref_slice %arg3[%arg1, %multiple_of3A_28, %dma_wait3A_110] : memref<16x160x128xi32, #tpu.memory_space<hbm>> -> memref<1x80x128xi32, #tpu.memory_space<hbm>>
          %dma_wait3A_112 = tpu.memref_squeeze %dma_wait3A_111 : memref<1x80x128xi32, #tpu.memory_space<hbm>> -> memref<80x128xi32, #tpu.memory_space<hbm>>
          tpu.wait_dma2 semaphore(%run_scoped3A : memref<!tpu.dma_semaphore, #tpu.memory_space<semaphore_mem>>) src(%dma_wait3A_112 : memref<80x128xi32, #tpu.memory_space<hbm>>) dst(%arg9 : memref<80x128xi32, #tpu.memory_space<vmem>>)
          tpu.yield
        }) : () -> ()
      } else {
      }
      %eq3A_34 = arith.constant 1 : i32
      %eq3A_35 = arith.cmpi eq, %arg0, %eq3A_34 : i32
      %convert_element_type3A_36 = arith.extui %eq3A_35 : i1 to i32
      %cond3A_37 = arith.constant 0 : i32
      %cond3A_38 = arith.cmpi ne, %convert_element_type3A_36, %cond3A_37 : i32
      scf.if %cond3A_38 {
        "tpu.region"() ({
          %run_scoped3A = tpu.sem_alloc : memref<!tpu.dma_semaphore, #tpu.memory_space<semaphore_mem>>
          %dma_start3A_101 = arith.constant 0 : i32
          %dma_start3A_102 = tpu.memref_slice %arg4[%arg1, %multiple_of3A_28, %dma_start3A_101] : memref<16x160x128xi32, #tpu.memory_space<hbm>> -> memref<1x80x128xi32, #tpu.memory_space<hbm>>
          %dma_start3A_103 = tpu.memref_squeeze %dma_start3A_102 : memref<1x80x128xi32, #tpu.memory_space<hbm>> -> memref<80x128xi32, #tpu.memory_space<hbm>>
          %dma_start3A_104 = arith.constant 0 : i32
          %dma_start3A_105 = tpu.memref_slice %arg4[%arg1, %multiple_of3A_28, %dma_start3A_104] : memref<16x160x128xi32, #tpu.memory_space<hbm>> -> memref<1x80x128xi32, #tpu.memory_space<hbm>>
          %dma_start3A_106 = tpu.memref_squeeze %dma_start3A_105 : memref<1x80x128xi32, #tpu.memory_space<hbm>> -> memref<80x128xi32, #tpu.memory_space<hbm>>
          tpu.enqueue_dma source(%dma_start3A_106 : memref<80x128xi32, #tpu.memory_space<hbm>>) target(%arg9 : memref<80x128xi32, #tpu.memory_space<vmem>>) target_semaphore(%run_scoped3A : memref<!tpu.dma_semaphore, #tpu.memory_space<semaphore_mem>>)
          %dma_wait3A_107 = arith.constant 0 : i32
          %dma_wait3A_108 = tpu.memref_slice %arg4[%arg1, %multiple_of3A_28, %dma_wait3A_107] : memref<16x160x128xi32, #tpu.memory_space<hbm>> -> memref<1x80x128xi32, #tpu.memory_space<hbm>>
          %dma_wait3A_109 = tpu.memref_squeeze %dma_wait3A_108 : memref<1x80x128xi32, #tpu.memory_space<hbm>> -> memref<80x128xi32, #tpu.memory_space<hbm>>
          %dma_wait3A_110 = arith.constant 0 : i32
          %dma_wait3A_111 = tpu.memref_slice %arg4[%arg1, %multiple_of3A_28, %dma_wait3A_110] : memref<16x160x128xi32, #tpu.memory_space<hbm>> -> memref<1x80x128xi32, #tpu.memory_space<hbm>>
          %dma_wait3A_112 = tpu.memref_squeeze %dma_wait3A_111 : memref<1x80x128xi32, #tpu.memory_space<hbm>> -> memref<80x128xi32, #tpu.memory_space<hbm>>
          tpu.wait_dma2 semaphore(%run_scoped3A : memref<!tpu.dma_semaphore, #tpu.memory_space<semaphore_mem>>) src(%dma_wait3A_112 : memref<80x128xi32, #tpu.memory_space<hbm>>) dst(%arg9 : memref<80x128xi32, #tpu.memory_space<vmem>>)
          tpu.yield
        }) : () -> ()
      } else {
      }
      "tpu.region"() ({
        %run_scoped3A = tpu.sem_alloc : memref<!tpu.dma_semaphore, #tpu.memory_space<semaphore_mem>>
        %dma_start3A_101 = arith.constant 0 : i32
        %dma_start3A_102 = tpu.memref_slice %arg5[%arg1, %multiple_of3A_28, %dma_start3A_101] : memref<16x160x128xi32, #tpu.memory_space<hbm>> -> memref<1x80x128xi32, #tpu.memory_space<hbm>>
        %dma_start3A_103 = tpu.memref_squeeze %dma_start3A_102 : memref<1x80x128xi32, #tpu.memory_space<hbm>> -> memref<80x128xi32, #tpu.memory_space<hbm>>
        %dma_start3A_104 = arith.constant 0 : i32
        %dma_start3A_105 = tpu.memref_slice %arg5[%arg1, %multiple_of3A_28, %dma_start3A_104] : memref<16x160x128xi32, #tpu.memory_space<hbm>> -> memref<1x80x128xi32, #tpu.memory_space<hbm>>
        %dma_start3A_106 = tpu.memref_squeeze %dma_start3A_105 : memref<1x80x128xi32, #tpu.memory_space<hbm>> -> memref<80x128xi32, #tpu.memory_space<hbm>>
        tpu.enqueue_dma source(%dma_start3A_106 : memref<80x128xi32, #tpu.memory_space<hbm>>) target(%arg10 : memref<80x128xi32, #tpu.memory_space<vmem>>) target_semaphore(%run_scoped3A : memref<!tpu.dma_semaphore, #tpu.memory_space<semaphore_mem>>)
        %dma_wait3A_107 = arith.constant 0 : i32
        %dma_wait3A_108 = tpu.memref_slice %arg5[%arg1, %multiple_of3A_28, %dma_wait3A_107] : memref<16x160x128xi32, #tpu.memory_space<hbm>> -> memref<1x80x128xi32, #tpu.memory_space<hbm>>
        %dma_wait3A_109 = tpu.memref_squeeze %dma_wait3A_108 : memref<1x80x128xi32, #tpu.memory_space<hbm>> -> memref<80x128xi32, #tpu.memory_space<hbm>>
        %dma_wait3A_110 = arith.constant 0 : i32
        %dma_wait3A_111 = tpu.memref_slice %arg5[%arg1, %multiple_of3A_28, %dma_wait3A_110] : memref<16x160x128xi32, #tpu.memory_space<hbm>> -> memref<1x80x128xi32, #tpu.memory_space<hbm>>
        %dma_wait3A_112 = tpu.memref_squeeze %dma_wait3A_111 : memref<1x80x128xi32, #tpu.memory_space<hbm>> -> memref<80x128xi32, #tpu.memory_space<hbm>>
        tpu.wait_dma2 semaphore(%run_scoped3A : memref<!tpu.dma_semaphore, #tpu.memory_space<semaphore_mem>>) src(%dma_wait3A_112 : memref<80x128xi32, #tpu.memory_space<hbm>>) dst(%arg10 : memref<80x128xi32, #tpu.memory_space<vmem>>)
        tpu.yield
      }) : () -> ()
      %dma_start3A = arith.constant 0 : i32
      %dma_start3A_39 = arith.constant 0 : i32
      %dma_start3A_40 = tpu.memref_slice %arg9[%dma_start3A, %dma_start3A_39] : memref<80x128xi32, #tpu.memory_space<vmem>> -> memref<1x128xi32, #tpu.memory_space<vmem>>
      %dma_start3A_41 = tpu.memref_squeeze %dma_start3A_40 : memref<1x128xi32, #tpu.memory_space<vmem>> -> memref<128xi32, #tpu.memory_space<vmem>>
      %dma_start3A_42 = arith.constant 0 : i32
      %dma_start3A_43 = arith.constant 0 : i32
      %dma_start3A_44 = tpu.memref_slice %arg2[%dma_start3A_42, %dma_start3A_43] : memref<20000x64xf32, #tpu.memory_space<hbm>> -> memref<20000x64xf32, #tpu.memory_space<hbm>>
      tpu.enqueue_indirect_dma source(%dma_start3A_44 : memref<20000x64xf32, #tpu.memory_space<hbm>>) target(%arg11 : memref<128x64xf32, #tpu.memory_space<vmem>>) offsets(%dma_start3A_41 : memref<128xi32, #tpu.memory_space<vmem>>) semaphore(%arg19 : memref<!tpu.dma_semaphore, #tpu.memory_space<semaphore_mem>>)
      %dma_start3A_45 = arith.constant 1 : i32
      %dma_start3A_46 = arith.constant 0 : i32
      %dma_start3A_47 = tpu.memref_slice %arg9[%dma_start3A_45, %dma_start3A_46] : memref<80x128xi32, #tpu.memory_space<vmem>> -> memref<1x128xi32, #tpu.memory_space<vmem>>
      %dma_start3A_48 = tpu.memref_squeeze %dma_start3A_47 : memref<1x128xi32, #tpu.memory_space<vmem>> -> memref<128xi32, #tpu.memory_space<vmem>>
      %dma_start3A_49 = arith.constant 0 : i32
      %dma_start3A_50 = arith.constant 0 : i32
      %dma_start3A_51 = tpu.memref_slice %arg2[%dma_start3A_49, %dma_start3A_50] : memref<20000x64xf32, #tpu.memory_space<hbm>> -> memref<20000x64xf32, #tpu.memory_space<hbm>>
      tpu.enqueue_indirect_dma source(%dma_start3A_51 : memref<20000x64xf32, #tpu.memory_space<hbm>>) target(%arg12 : memref<128x64xf32, #tpu.memory_space<vmem>>) offsets(%dma_start3A_48 : memref<128xi32, #tpu.memory_space<vmem>>) semaphore(%arg20 : memref<!tpu.dma_semaphore, #tpu.memory_space<semaphore_mem>>)
      %dma_start3A_52 = arith.constant 2 : i32
      %dma_start3A_53 = arith.constant 0 : i32
      %dma_start3A_54 = tpu.memref_slice %arg9[%dma_start3A_52, %dma_start3A_53] : memref<80x128xi32, #tpu.memory_space<vmem>> -> memref<1x128xi32, #tpu.memory_space<vmem>>
      %dma_start3A_55 = tpu.memref_squeeze %dma_start3A_54 : memref<1x128xi32, #tpu.memory_space<vmem>> -> memref<128xi32, #tpu.memory_space<vmem>>
      %dma_start3A_56 = arith.constant 0 : i32
      %dma_start3A_57 = arith.constant 0 : i32
      %dma_start3A_58 = tpu.memref_slice %arg2[%dma_start3A_56, %dma_start3A_57] : memref<20000x64xf32, #tpu.memory_space<hbm>> -> memref<20000x64xf32, #tpu.memory_space<hbm>>
      tpu.enqueue_indirect_dma source(%dma_start3A_58 : memref<20000x64xf32, #tpu.memory_space<hbm>>) target(%arg13 : memref<128x64xf32, #tpu.memory_space<vmem>>) offsets(%dma_start3A_55 : memref<128xi32, #tpu.memory_space<vmem>>) semaphore(%arg21 : memref<!tpu.dma_semaphore, #tpu.memory_space<semaphore_mem>>)
      %dma_start3A_59 = arith.constant 3 : i32
      %dma_start3A_60 = arith.constant 0 : i32
      %dma_start3A_61 = tpu.memref_slice %arg9[%dma_start3A_59, %dma_start3A_60] : memref<80x128xi32, #tpu.memory_space<vmem>> -> memref<1x128xi32, #tpu.memory_space<vmem>>
      %dma_start3A_62 = tpu.memref_squeeze %dma_start3A_61 : memref<1x128xi32, #tpu.memory_space<vmem>> -> memref<128xi32, #tpu.memory_space<vmem>>
      %dma_start3A_63 = arith.constant 0 : i32
      %dma_start3A_64 = arith.constant 0 : i32
      %dma_start3A_65 = tpu.memref_slice %arg2[%dma_start3A_63, %dma_start3A_64] : memref<20000x64xf32, #tpu.memory_space<hbm>> -> memref<20000x64xf32, #tpu.memory_space<hbm>>
      tpu.enqueue_indirect_dma source(%dma_start3A_65 : memref<20000x64xf32, #tpu.memory_space<hbm>>) target(%arg14 : memref<128x64xf32, #tpu.memory_space<vmem>>) offsets(%dma_start3A_62 : memref<128xi32, #tpu.memory_space<vmem>>) semaphore(%arg22 : memref<!tpu.dma_semaphore, #tpu.memory_space<semaphore_mem>>)
      %scan3A_66 = arith.constant 0 : i32
      %scan3A_67 = arith.constant 0 : i32
      %scan3A_68 = arith.constant 10 : i32
      %scan3A_69 = arith.addi %scan3A_67, %scan3A_68 : i32
      %scan3A_70 = arith.constant 1 : i32
      %scan3A_71 = scf.for %scan3A_101 = %scan3A_67 to %scan3A_69 step %scan3A_70 iter_args(%scan3A_102 = %scan3A_66) -> (i32)  : i32 {
        %mul3A_103 = arith.constant 8 : i32
        %mul3A_104 = arith.muli %mul3A_103, %scan3A_101 : i32
        %dma_wait3A_105 = arith.constant 0 : i32
        %dma_wait3A_106 = arith.constant 0 : i32
        %dma_wait3A_107 = tpu.memref_slice %arg9[%dma_wait3A_105, %dma_wait3A_106] : memref<80x128xi32, #tpu.memory_space<vmem>> -> memref<1x128xi32, #tpu.memory_space<vmem>>
        %dma_wait3A_108 = tpu.memref_squeeze %dma_wait3A_107 : memref<1x128xi32, #tpu.memory_space<vmem>> -> memref<128xi32, #tpu.memory_space<vmem>>
        %dma_wait3A_109 = arith.constant 0 : i32
        %dma_wait3A_110 = arith.constant 0 : i32
        %dma_wait3A_111 = tpu.memref_slice %arg2[%dma_wait3A_109, %dma_wait3A_110] : memref<20000x64xf32, #tpu.memory_space<hbm>> -> memref<20000x64xf32, #tpu.memory_space<hbm>>
        tpu.wait_indirect_dma semaphore(%arg19 : memref<!tpu.dma_semaphore, #tpu.memory_space<semaphore_mem>>) src(%dma_wait3A_111 : memref<20000x64xf32, #tpu.memory_space<hbm>>) dst(%arg11 : memref<128x64xf32, #tpu.memory_space<vmem>>)
        %dma_wait3A_112 = arith.constant 0 : i32
        %dma_wait3A_113 = arith.constant 0 : i32
        %dma_wait3A_114 = tpu.memref_slice %arg9[%dma_wait3A_112, %dma_wait3A_113] : memref<80x128xi32, #tpu.memory_space<vmem>> -> memref<1x128xi32, #tpu.memory_space<vmem>>
        %dma_wait3A_115 = tpu.memref_squeeze %dma_wait3A_114 : memref<1x128xi32, #tpu.memory_space<vmem>> -> memref<128xi32, #tpu.memory_space<vmem>>
        %dma_wait3A_116 = arith.constant 0 : i32
        %dma_wait3A_117 = arith.constant 0 : i32
        %dma_wait3A_118 = tpu.memref_slice %arg2[%dma_wait3A_116, %dma_wait3A_117] : memref<20000x64xf32, #tpu.memory_space<hbm>> -> memref<20000x64xf32, #tpu.memory_space<hbm>>
        tpu.wait_indirect_dma semaphore(%arg20 : memref<!tpu.dma_semaphore, #tpu.memory_space<semaphore_mem>>) src(%dma_wait3A_118 : memref<20000x64xf32, #tpu.memory_space<hbm>>) dst(%arg12 : memref<128x64xf32, #tpu.memory_space<vmem>>)
        %dma_wait3A_119 = arith.constant 0 : i32
        %dma_wait3A_120 = arith.constant 0 : i32
        %dma_wait3A_121 = tpu.memref_slice %arg9[%dma_wait3A_119, %dma_wait3A_120] : memref<80x128xi32, #tpu.memory_space<vmem>> -> memref<1x128xi32, #tpu.memory_space<vmem>>
        %dma_wait3A_122 = tpu.memref_squeeze %dma_wait3A_121 : memref<1x128xi32, #tpu.memory_space<vmem>> -> memref<128xi32, #tpu.memory_space<vmem>>
        %dma_wait3A_123 = arith.constant 0 : i32
        %dma_wait3A_124 = arith.constant 0 : i32
        %dma_wait3A_125 = tpu.memref_slice %arg2[%dma_wait3A_123, %dma_wait3A_124] : memref<20000x64xf32, #tpu.memory_space<hbm>> -> memref<20000x64xf32, #tpu.memory_space<hbm>>
        tpu.wait_indirect_dma semaphore(%arg21 : memref<!tpu.dma_semaphore, #tpu.memory_space<semaphore_mem>>) src(%dma_wait3A_125 : memref<20000x64xf32, #tpu.memory_space<hbm>>) dst(%arg13 : memref<128x64xf32, #tpu.memory_space<vmem>>)
        %dma_wait3A_126 = arith.constant 0 : i32
        %dma_wait3A_127 = arith.constant 0 : i32
        %dma_wait3A_128 = tpu.memref_slice %arg9[%dma_wait3A_126, %dma_wait3A_127] : memref<80x128xi32, #tpu.memory_space<vmem>> -> memref<1x128xi32, #tpu.memory_space<vmem>>
        %dma_wait3A_129 = tpu.memref_squeeze %dma_wait3A_128 : memref<1x128xi32, #tpu.memory_space<vmem>> -> memref<128xi32, #tpu.memory_space<vmem>>
        %dma_wait3A_130 = arith.constant 0 : i32
        %dma_wait3A_131 = arith.constant 0 : i32
        %dma_wait3A_132 = tpu.memref_slice %arg2[%dma_wait3A_130, %dma_wait3A_131] : memref<20000x64xf32, #tpu.memory_space<hbm>> -> memref<20000x64xf32, #tpu.memory_space<hbm>>
        tpu.wait_indirect_dma semaphore(%arg22 : memref<!tpu.dma_semaphore, #tpu.memory_space<semaphore_mem>>) src(%dma_wait3A_132 : memref<20000x64xf32, #tpu.memory_space<hbm>>) dst(%arg14 : memref<128x64xf32, #tpu.memory_space<vmem>>)
        %gt3A = arith.constant 0 : i32
        %gt3A_133 = arith.cmpi sgt, %scan3A_101, %gt3A : i32
        %convert_element_type3A_134 = arith.extui %gt3A_133 : i1 to i32
        %cond3A_135 = arith.constant 0 : i32
        %cond3A_136 = arith.cmpi ne, %convert_element_type3A_134, %cond3A_135 : i32
        scf.if %cond3A_136 {
          %dma_wait3A_294 = arith.constant 0 : i32
          %dma_wait3A_295 = arith.constant 0 : i32
          %dma_wait3A_296 = tpu.memref_slice %arg10[%dma_wait3A_294, %dma_wait3A_295] : memref<80x128xi32, #tpu.memory_space<vmem>> -> memref<1x128xi32, #tpu.memory_space<vmem>>
          %dma_wait3A_297 = tpu.memref_squeeze %dma_wait3A_296 : memref<1x128xi32, #tpu.memory_space<vmem>> -> memref<128xi32, #tpu.memory_space<vmem>>
          %dma_wait3A_298 = arith.constant 0 : i32
          %dma_wait3A_299 = arith.constant 0 : i32
          %dma_wait3A_300 = tpu.memref_slice %arg8[%dma_wait3A_298, %dma_wait3A_299] : memref<10008x64xf32, #tpu.memory_space<vmem_shared>> -> memref<10008x64xf32, #tpu.memory_space<vmem_shared>>
          tpu.wait_indirect_dma semaphore(%arg31 : memref<!tpu.dma_semaphore, #tpu.memory_space<semaphore_mem>>) src(%arg15 : memref<128x64xf32, #tpu.memory_space<vmem>>) dst(%dma_wait3A_300 : memref<10008x64xf32, #tpu.memory_space<vmem_shared>>)
          %dma_wait3A_301 = arith.constant 0 : i32
          %dma_wait3A_302 = arith.constant 0 : i32
          %dma_wait3A_303 = tpu.memref_slice %arg10[%dma_wait3A_301, %dma_wait3A_302] : memref<80x128xi32, #tpu.memory_space<vmem>> -> memref<1x128xi32, #tpu.memory_space<vmem>>
          %dma_wait3A_304 = tpu.memref_squeeze %dma_wait3A_303 : memref<1x128xi32, #tpu.memory_space<vmem>> -> memref<128xi32, #tpu.memory_space<vmem>>
          %dma_wait3A_305 = arith.constant 0 : i32
          %dma_wait3A_306 = arith.constant 0 : i32
          %dma_wait3A_307 = tpu.memref_slice %arg8[%dma_wait3A_305, %dma_wait3A_306] : memref<10008x64xf32, #tpu.memory_space<vmem_shared>> -> memref<10008x64xf32, #tpu.memory_space<vmem_shared>>
          tpu.wait_indirect_dma semaphore(%arg32 : memref<!tpu.dma_semaphore, #tpu.memory_space<semaphore_mem>>) src(%arg16 : memref<128x64xf32, #tpu.memory_space<vmem>>) dst(%dma_wait3A_307 : memref<10008x64xf32, #tpu.memory_space<vmem_shared>>)
          %dma_wait3A_308 = arith.constant 0 : i32
          %dma_wait3A_309 = arith.constant 0 : i32
          %dma_wait3A_310 = tpu.memref_slice %arg10[%dma_wait3A_308, %dma_wait3A_309] : memref<80x128xi32, #tpu.memory_space<vmem>> -> memref<1x128xi32, #tpu.memory_space<vmem>>
          %dma_wait3A_311 = tpu.memref_squeeze %dma_wait3A_310 : memref<1x128xi32, #tpu.memory_space<vmem>> -> memref<128xi32, #tpu.memory_space<vmem>>
          %dma_wait3A_312 = arith.constant 0 : i32
          %dma_wait3A_313 = arith.constant 0 : i32
          %dma_wait3A_314 = tpu.memref_slice %arg8[%dma_wait3A_312, %dma_wait3A_313] : memref<10008x64xf32, #tpu.memory_space<vmem_shared>> -> memref<10008x64xf32, #tpu.memory_space<vmem_shared>>
          tpu.wait_indirect_dma semaphore(%arg33 : memref<!tpu.dma_semaphore, #tpu.memory_space<semaphore_mem>>) src(%arg17 : memref<128x64xf32, #tpu.memory_space<vmem>>) dst(%dma_wait3A_314 : memref<10008x64xf32, #tpu.memory_space<vmem_shared>>)
          %dma_wait3A_315 = arith.constant 0 : i32
          %dma_wait3A_316 = arith.constant 0 : i32
          %dma_wait3A_317 = tpu.memref_slice %arg10[%dma_wait3A_315, %dma_wait3A_316] : memref<80x128xi32, #tpu.memory_space<vmem>> -> memref<1x128xi32, #tpu.memory_space<vmem>>
          %dma_wait3A_318 = tpu.memref_squeeze %dma_wait3A_317 : memref<1x128xi32, #tpu.memory_space<vmem>> -> memref<128xi32, #tpu.memory_space<vmem>>
          %dma_wait3A_319 = arith.constant 0 : i32
          %dma_wait3A_320 = arith.constant 0 : i32
          %dma_wait3A_321 = tpu.memref_slice %arg8[%dma_wait3A_319, %dma_wait3A_320] : memref<10008x64xf32, #tpu.memory_space<vmem_shared>> -> memref<10008x64xf32, #tpu.memory_space<vmem_shared>>
          tpu.wait_indirect_dma semaphore(%arg34 : memref<!tpu.dma_semaphore, #tpu.memory_space<semaphore_mem>>) src(%arg18 : memref<128x64xf32, #tpu.memory_space<vmem>>) dst(%dma_wait3A_321 : memref<10008x64xf32, #tpu.memory_space<vmem_shared>>)
        } else {
        }
        %add3A = arith.constant 4 : i32
        %add3A_137 = arith.addi %mul3A_104, %add3A : i32
        %dma_start3A_138 = arith.constant 0 : i32
        %dma_start3A_139 = tpu.memref_slice %arg9[%add3A_137, %dma_start3A_138] : memref<80x128xi32, #tpu.memory_space<vmem>> -> memref<1x128xi32, #tpu.memory_space<vmem>>
        %dma_start3A_140 = tpu.memref_squeeze %dma_start3A_139 : memref<1x128xi32, #tpu.memory_space<vmem>> -> memref<128xi32, #tpu.memory_space<vmem>>
        %dma_start3A_141 = arith.constant 0 : i32
        %dma_start3A_142 = arith.constant 0 : i32
        %dma_start3A_143 = tpu.memref_slice %arg2[%dma_start3A_141, %dma_start3A_142] : memref<20000x64xf32, #tpu.memory_space<hbm>> -> memref<20000x64xf32, #tpu.memory_space<hbm>>
        tpu.enqueue_indirect_dma source(%dma_start3A_143 : memref<20000x64xf32, #tpu.memory_space<hbm>>) target(%arg15 : memref<128x64xf32, #tpu.memory_space<vmem>>) offsets(%dma_start3A_140 : memref<128xi32, #tpu.memory_space<vmem>>) semaphore(%arg23 : memref<!tpu.dma_semaphore, #tpu.memory_space<semaphore_mem>>)
        %add3A_144 = arith.constant 5 : i32
        %add3A_145 = arith.addi %mul3A_104, %add3A_144 : i32
        %dma_start3A_146 = arith.constant 0 : i32
        %dma_start3A_147 = tpu.memref_slice %arg9[%add3A_145, %dma_start3A_146] : memref<80x128xi32, #tpu.memory_space<vmem>> -> memref<1x128xi32, #tpu.memory_space<vmem>>
        %dma_start3A_148 = tpu.memref_squeeze %dma_start3A_147 : memref<1x128xi32, #tpu.memory_space<vmem>> -> memref<128xi32, #tpu.memory_space<vmem>>
        %dma_start3A_149 = arith.constant 0 : i32
        %dma_start3A_150 = arith.constant 0 : i32
        %dma_start3A_151 = tpu.memref_slice %arg2[%dma_start3A_149, %dma_start3A_150] : memref<20000x64xf32, #tpu.memory_space<hbm>> -> memref<20000x64xf32, #tpu.memory_space<hbm>>
        tpu.enqueue_indirect_dma source(%dma_start3A_151 : memref<20000x64xf32, #tpu.memory_space<hbm>>) target(%arg16 : memref<128x64xf32, #tpu.memory_space<vmem>>) offsets(%dma_start3A_148 : memref<128xi32, #tpu.memory_space<vmem>>) semaphore(%arg24 : memref<!tpu.dma_semaphore, #tpu.memory_space<semaphore_mem>>)
        %add3A_152 = arith.constant 6 : i32
        %add3A_153 = arith.addi %mul3A_104, %add3A_152 : i32
        %dma_start3A_154 = arith.constant 0 : i32
        %dma_start3A_155 = tpu.memref_slice %arg9[%add3A_153, %dma_start3A_154] : memref<80x128xi32, #tpu.memory_space<vmem>> -> memref<1x128xi32, #tpu.memory_space<vmem>>
        %dma_start3A_156 = tpu.memref_squeeze %dma_start3A_155 : memref<1x128xi32, #tpu.memory_space<vmem>> -> memref<128xi32, #tpu.memory_space<vmem>>
        %dma_start3A_157 = arith.constant 0 : i32
        %dma_start3A_158 = arith.constant 0 : i32
        %dma_start3A_159 = tpu.memref_slice %arg2[%dma_start3A_157, %dma_start3A_158] : memref<20000x64xf32, #tpu.memory_space<hbm>> -> memref<20000x64xf32, #tpu.memory_space<hbm>>
        tpu.enqueue_indirect_dma source(%dma_start3A_159 : memref<20000x64xf32, #tpu.memory_space<hbm>>) target(%arg17 : memref<128x64xf32, #tpu.memory_space<vmem>>) offsets(%dma_start3A_156 : memref<128xi32, #tpu.memory_space<vmem>>) semaphore(%arg25 : memref<!tpu.dma_semaphore, #tpu.memory_space<semaphore_mem>>)
        %add3A_160 = arith.constant 7 : i32
        %add3A_161 = arith.addi %mul3A_104, %add3A_160 : i32
        %dma_start3A_162 = arith.constant 0 : i32
        %dma_start3A_163 = tpu.memref_slice %arg9[%add3A_161, %dma_start3A_162] : memref<80x128xi32, #tpu.memory_space<vmem>> -> memref<1x128xi32, #tpu.memory_space<vmem>>
        %dma_start3A_164 = tpu.memref_squeeze %dma_start3A_163 : memref<1x128xi32, #tpu.memory_space<vmem>> -> memref<128xi32, #tpu.memory_space<vmem>>
        %dma_start3A_165 = arith.constant 0 : i32
        %dma_start3A_166 = arith.constant 0 : i32
        %dma_start3A_167 = tpu.memref_slice %arg2[%dma_start3A_165, %dma_start3A_166] : memref<20000x64xf32, #tpu.memory_space<hbm>> -> memref<20000x64xf32, #tpu.memory_space<hbm>>
        tpu.enqueue_indirect_dma source(%dma_start3A_167 : memref<20000x64xf32, #tpu.memory_space<hbm>>) target(%arg18 : memref<128x64xf32, #tpu.memory_space<vmem>>) offsets(%dma_start3A_164 : memref<128xi32, #tpu.memory_space<vmem>>) semaphore(%arg26 : memref<!tpu.dma_semaphore, #tpu.memory_space<semaphore_mem>>)
        %add3A_168 = arith.constant 0 : i32
        %add3A_169 = arith.addi %mul3A_104, %add3A_168 : i32
        %dma_start3A_170 = arith.constant 0 : i32
        %dma_start3A_171 = tpu.memref_slice %arg10[%add3A_169, %dma_start3A_170] : memref<80x128xi32, #tpu.memory_space<vmem>> -> memref<1x128xi32, #tpu.memory_space<vmem>>
        %dma_start3A_172 = tpu.memref_squeeze %dma_start3A_171 : memref<1x128xi32, #tpu.memory_space<vmem>> -> memref<128xi32, #tpu.memory_space<vmem>>
        %dma_start3A_173 = arith.constant 0 : i32
        %dma_start3A_174 = arith.constant 0 : i32
        %dma_start3A_175 = tpu.memref_slice %arg8[%dma_start3A_173, %dma_start3A_174] : memref<10008x64xf32, #tpu.memory_space<vmem_shared>> -> memref<10008x64xf32, #tpu.memory_space<vmem_shared>>
        tpu.enqueue_indirect_dma source(%arg11 : memref<128x64xf32, #tpu.memory_space<vmem>>) target(%dma_start3A_175 : memref<10008x64xf32, #tpu.memory_space<vmem_shared>>) offsets(%dma_start3A_172 : memref<128xi32, #tpu.memory_space<vmem>>) semaphore(%arg27 : memref<!tpu.dma_semaphore, #tpu.memory_space<semaphore_mem>>) {add = true}
        %add3A_176 = arith.constant 1 : i32
        %add3A_177 = arith.addi %mul3A_104, %add3A_176 : i32
        %dma_start3A_178 = arith.constant 0 : i32
        %dma_start3A_179 = tpu.memref_slice %arg10[%add3A_177, %dma_start3A_178] : memref<80x128xi32, #tpu.memory_space<vmem>> -> memref<1x128xi32, #tpu.memory_space<vmem>>
        %dma_start3A_180 = tpu.memref_squeeze %dma_start3A_179 : memref<1x128xi32, #tpu.memory_space<vmem>> -> memref<128xi32, #tpu.memory_space<vmem>>
        %dma_start3A_181 = arith.constant 0 : i32
        %dma_start3A_182 = arith.constant 0 : i32
        %dma_start3A_183 = tpu.memref_slice %arg8[%dma_start3A_181, %dma_start3A_182] : memref<10008x64xf32, #tpu.memory_space<vmem_shared>> -> memref<10008x64xf32, #tpu.memory_space<vmem_shared>>
        tpu.enqueue_indirect_dma source(%arg12 : memref<128x64xf32, #tpu.memory_space<vmem>>) target(%dma_start3A_183 : memref<10008x64xf32, #tpu.memory_space<vmem_shared>>) offsets(%dma_start3A_180 : memref<128xi32, #tpu.memory_space<vmem>>) semaphore(%arg28 : memref<!tpu.dma_semaphore, #tpu.memory_space<semaphore_mem>>) {add = true}
        %add3A_184 = arith.constant 2 : i32
        %add3A_185 = arith.addi %mul3A_104, %add3A_184 : i32
        %dma_start3A_186 = arith.constant 0 : i32
        %dma_start3A_187 = tpu.memref_slice %arg10[%add3A_185, %dma_start3A_186] : memref<80x128xi32, #tpu.memory_space<vmem>> -> memref<1x128xi32, #tpu.memory_space<vmem>>
        %dma_start3A_188 = tpu.memref_squeeze %dma_start3A_187 : memref<1x128xi32, #tpu.memory_space<vmem>> -> memref<128xi32, #tpu.memory_space<vmem>>
        %dma_start3A_189 = arith.constant 0 : i32
        %dma_start3A_190 = arith.constant 0 : i32
        %dma_start3A_191 = tpu.memref_slice %arg8[%dma_start3A_189, %dma_start3A_190] : memref<10008x64xf32, #tpu.memory_space<vmem_shared>> -> memref<10008x64xf32, #tpu.memory_space<vmem_shared>>
        tpu.enqueue_indirect_dma source(%arg13 : memref<128x64xf32, #tpu.memory_space<vmem>>) target(%dma_start3A_191 : memref<10008x64xf32, #tpu.memory_space<vmem_shared>>) offsets(%dma_start3A_188 : memref<128xi32, #tpu.memory_space<vmem>>) semaphore(%arg29 : memref<!tpu.dma_semaphore, #tpu.memory_space<semaphore_mem>>) {add = true}
        %add3A_192 = arith.constant 3 : i32
        %add3A_193 = arith.addi %mul3A_104, %add3A_192 : i32
        %dma_start3A_194 = arith.constant 0 : i32
        %dma_start3A_195 = tpu.memref_slice %arg10[%add3A_193, %dma_start3A_194] : memref<80x128xi32, #tpu.memory_space<vmem>> -> memref<1x128xi32, #tpu.memory_space<vmem>>
        %dma_start3A_196 = tpu.memref_squeeze %dma_start3A_195 : memref<1x128xi32, #tpu.memory_space<vmem>> -> memref<128xi32, #tpu.memory_space<vmem>>
        %dma_start3A_197 = arith.constant 0 : i32
        %dma_start3A_198 = arith.constant 0 : i32
        %dma_start3A_199 = tpu.memref_slice %arg8[%dma_start3A_197, %dma_start3A_198] : memref<10008x64xf32, #tpu.memory_space<vmem_shared>> -> memref<10008x64xf32, #tpu.memory_space<vmem_shared>>
        tpu.enqueue_indirect_dma source(%arg14 : memref<128x64xf32, #tpu.memory_space<vmem>>) target(%dma_start3A_199 : memref<10008x64xf32, #tpu.memory_space<vmem_shared>>) offsets(%dma_start3A_196 : memref<128xi32, #tpu.memory_space<vmem>>) semaphore(%arg30 : memref<!tpu.dma_semaphore, #tpu.memory_space<semaphore_mem>>) {add = true}
        %dma_wait3A_200 = arith.constant 0 : i32
        %dma_wait3A_201 = arith.constant 0 : i32
        %dma_wait3A_202 = tpu.memref_slice %arg9[%dma_wait3A_200, %dma_wait3A_201] : memref<80x128xi32, #tpu.memory_space<vmem>> -> memref<1x128xi32, #tpu.memory_space<vmem>>
        %dma_wait3A_203 = tpu.memref_squeeze %dma_wait3A_202 : memref<1x128xi32, #tpu.memory_space<vmem>> -> memref<128xi32, #tpu.memory_space<vmem>>
        %dma_wait3A_204 = arith.constant 0 : i32
        %dma_wait3A_205 = arith.constant 0 : i32
        %dma_wait3A_206 = tpu.memref_slice %arg2[%dma_wait3A_204, %dma_wait3A_205] : memref<20000x64xf32, #tpu.memory_space<hbm>> -> memref<20000x64xf32, #tpu.memory_space<hbm>>
        tpu.wait_indirect_dma semaphore(%arg23 : memref<!tpu.dma_semaphore, #tpu.memory_space<semaphore_mem>>) src(%dma_wait3A_206 : memref<20000x64xf32, #tpu.memory_space<hbm>>) dst(%arg15 : memref<128x64xf32, #tpu.memory_space<vmem>>)
        %dma_wait3A_207 = arith.constant 0 : i32
        %dma_wait3A_208 = arith.constant 0 : i32
        %dma_wait3A_209 = tpu.memref_slice %arg9[%dma_wait3A_207, %dma_wait3A_208] : memref<80x128xi32, #tpu.memory_space<vmem>> -> memref<1x128xi32, #tpu.memory_space<vmem>>
        %dma_wait3A_210 = tpu.memref_squeeze %dma_wait3A_209 : memref<1x128xi32, #tpu.memory_space<vmem>> -> memref<128xi32, #tpu.memory_space<vmem>>
        %dma_wait3A_211 = arith.constant 0 : i32
        %dma_wait3A_212 = arith.constant 0 : i32
        %dma_wait3A_213 = tpu.memref_slice %arg2[%dma_wait3A_211, %dma_wait3A_212] : memref<20000x64xf32, #tpu.memory_space<hbm>> -> memref<20000x64xf32, #tpu.memory_space<hbm>>
        tpu.wait_indirect_dma semaphore(%arg24 : memref<!tpu.dma_semaphore, #tpu.memory_space<semaphore_mem>>) src(%dma_wait3A_213 : memref<20000x64xf32, #tpu.memory_space<hbm>>) dst(%arg16 : memref<128x64xf32, #tpu.memory_space<vmem>>)
        %dma_wait3A_214 = arith.constant 0 : i32
        %dma_wait3A_215 = arith.constant 0 : i32
        %dma_wait3A_216 = tpu.memref_slice %arg9[%dma_wait3A_214, %dma_wait3A_215] : memref<80x128xi32, #tpu.memory_space<vmem>> -> memref<1x128xi32, #tpu.memory_space<vmem>>
        %dma_wait3A_217 = tpu.memref_squeeze %dma_wait3A_216 : memref<1x128xi32, #tpu.memory_space<vmem>> -> memref<128xi32, #tpu.memory_space<vmem>>
        %dma_wait3A_218 = arith.constant 0 : i32
        %dma_wait3A_219 = arith.constant 0 : i32
        %dma_wait3A_220 = tpu.memref_slice %arg2[%dma_wait3A_218, %dma_wait3A_219] : memref<20000x64xf32, #tpu.memory_space<hbm>> -> memref<20000x64xf32, #tpu.memory_space<hbm>>
        tpu.wait_indirect_dma semaphore(%arg25 : memref<!tpu.dma_semaphore, #tpu.memory_space<semaphore_mem>>) src(%dma_wait3A_220 : memref<20000x64xf32, #tpu.memory_space<hbm>>) dst(%arg17 : memref<128x64xf32, #tpu.memory_space<vmem>>)
        %dma_wait3A_221 = arith.constant 0 : i32
        %dma_wait3A_222 = arith.constant 0 : i32
        %dma_wait3A_223 = tpu.memref_slice %arg9[%dma_wait3A_221, %dma_wait3A_222] : memref<80x128xi32, #tpu.memory_space<vmem>> -> memref<1x128xi32, #tpu.memory_space<vmem>>
        %dma_wait3A_224 = tpu.memref_squeeze %dma_wait3A_223 : memref<1x128xi32, #tpu.memory_space<vmem>> -> memref<128xi32, #tpu.memory_space<vmem>>
        %dma_wait3A_225 = arith.constant 0 : i32
        %dma_wait3A_226 = arith.constant 0 : i32
        %dma_wait3A_227 = tpu.memref_slice %arg2[%dma_wait3A_225, %dma_wait3A_226] : memref<20000x64xf32, #tpu.memory_space<hbm>> -> memref<20000x64xf32, #tpu.memory_space<hbm>>
        tpu.wait_indirect_dma semaphore(%arg26 : memref<!tpu.dma_semaphore, #tpu.memory_space<semaphore_mem>>) src(%dma_wait3A_227 : memref<20000x64xf32, #tpu.memory_space<hbm>>) dst(%arg18 : memref<128x64xf32, #tpu.memory_space<vmem>>)
        %dma_wait3A_228 = arith.constant 0 : i32
        %dma_wait3A_229 = arith.constant 0 : i32
        %dma_wait3A_230 = tpu.memref_slice %arg10[%dma_wait3A_228, %dma_wait3A_229] : memref<80x128xi32, #tpu.memory_space<vmem>> -> memref<1x128xi32, #tpu.memory_space<vmem>>
        %dma_wait3A_231 = tpu.memref_squeeze %dma_wait3A_230 : memref<1x128xi32, #tpu.memory_space<vmem>> -> memref<128xi32, #tpu.memory_space<vmem>>
        %dma_wait3A_232 = arith.constant 0 : i32
        %dma_wait3A_233 = arith.constant 0 : i32
        %dma_wait3A_234 = tpu.memref_slice %arg8[%dma_wait3A_232, %dma_wait3A_233] : memref<10008x64xf32, #tpu.memory_space<vmem_shared>> -> memref<10008x64xf32, #tpu.memory_space<vmem_shared>>
        tpu.wait_indirect_dma semaphore(%arg27 : memref<!tpu.dma_semaphore, #tpu.memory_space<semaphore_mem>>) src(%arg11 : memref<128x64xf32, #tpu.memory_space<vmem>>) dst(%dma_wait3A_234 : memref<10008x64xf32, #tpu.memory_space<vmem_shared>>)
        %dma_wait3A_235 = arith.constant 0 : i32
        %dma_wait3A_236 = arith.constant 0 : i32
        %dma_wait3A_237 = tpu.memref_slice %arg10[%dma_wait3A_235, %dma_wait3A_236] : memref<80x128xi32, #tpu.memory_space<vmem>> -> memref<1x128xi32, #tpu.memory_space<vmem>>
        %dma_wait3A_238 = tpu.memref_squeeze %dma_wait3A_237 : memref<1x128xi32, #tpu.memory_space<vmem>> -> memref<128xi32, #tpu.memory_space<vmem>>
        %dma_wait3A_239 = arith.constant 0 : i32
        %dma_wait3A_240 = arith.constant 0 : i32
        %dma_wait3A_241 = tpu.memref_slice %arg8[%dma_wait3A_239, %dma_wait3A_240] : memref<10008x64xf32, #tpu.memory_space<vmem_shared>> -> memref<10008x64xf32, #tpu.memory_space<vmem_shared>>
        tpu.wait_indirect_dma semaphore(%arg28 : memref<!tpu.dma_semaphore, #tpu.memory_space<semaphore_mem>>) src(%arg12 : memref<128x64xf32, #tpu.memory_space<vmem>>) dst(%dma_wait3A_241 : memref<10008x64xf32, #tpu.memory_space<vmem_shared>>)
        %dma_wait3A_242 = arith.constant 0 : i32
        %dma_wait3A_243 = arith.constant 0 : i32
        %dma_wait3A_244 = tpu.memref_slice %arg10[%dma_wait3A_242, %dma_wait3A_243] : memref<80x128xi32, #tpu.memory_space<vmem>> -> memref<1x128xi32, #tpu.memory_space<vmem>>
        %dma_wait3A_245 = tpu.memref_squeeze %dma_wait3A_244 : memref<1x128xi32, #tpu.memory_space<vmem>> -> memref<128xi32, #tpu.memory_space<vmem>>
        %dma_wait3A_246 = arith.constant 0 : i32
        %dma_wait3A_247 = arith.constant 0 : i32
        %dma_wait3A_248 = tpu.memref_slice %arg8[%dma_wait3A_246, %dma_wait3A_247] : memref<10008x64xf32, #tpu.memory_space<vmem_shared>> -> memref<10008x64xf32, #tpu.memory_space<vmem_shared>>
        tpu.wait_indirect_dma semaphore(%arg29 : memref<!tpu.dma_semaphore, #tpu.memory_space<semaphore_mem>>) src(%arg13 : memref<128x64xf32, #tpu.memory_space<vmem>>) dst(%dma_wait3A_248 : memref<10008x64xf32, #tpu.memory_space<vmem_shared>>)
        %dma_wait3A_249 = arith.constant 0 : i32
        %dma_wait3A_250 = arith.constant 0 : i32
        %dma_wait3A_251 = tpu.memref_slice %arg10[%dma_wait3A_249, %dma_wait3A_250] : memref<80x128xi32, #tpu.memory_space<vmem>> -> memref<1x128xi32, #tpu.memory_space<vmem>>
        %dma_wait3A_252 = tpu.memref_squeeze %dma_wait3A_251 : memref<1x128xi32, #tpu.memory_space<vmem>> -> memref<128xi32, #tpu.memory_space<vmem>>
        %dma_wait3A_253 = arith.constant 0 : i32
        %dma_wait3A_254 = arith.constant 0 : i32
        %dma_wait3A_255 = tpu.memref_slice %arg8[%dma_wait3A_253, %dma_wait3A_254] : memref<10008x64xf32, #tpu.memory_space<vmem_shared>> -> memref<10008x64xf32, #tpu.memory_space<vmem_shared>>
        tpu.wait_indirect_dma semaphore(%arg30 : memref<!tpu.dma_semaphore, #tpu.memory_space<semaphore_mem>>) src(%arg14 : memref<128x64xf32, #tpu.memory_space<vmem>>) dst(%dma_wait3A_255 : memref<10008x64xf32, #tpu.memory_space<vmem_shared>>)
        %lt3A_256 = arith.constant 9 : i32
        %lt3A_257 = arith.cmpi slt, %scan3A_101, %lt3A_256 : i32
        %convert_element_type3A_258 = arith.extui %lt3A_257 : i1 to i32
        %cond3A_259 = arith.constant 0 : i32
        %cond3A_260 = arith.cmpi ne, %convert_element_type3A_258, %cond3A_259 : i32
        scf.if %cond3A_260 {
          %add3A_294 = arith.constant 8 : i32
          %add3A_295 = arith.addi %mul3A_104, %add3A_294 : i32
          %add3A_296 = arith.constant 0 : i32
          %add3A_297 = arith.addi %add3A_295, %add3A_296 : i32
          %dma_start3A_298 = arith.constant 0 : i32
          %dma_start3A_299 = tpu.memref_slice %arg9[%add3A_297, %dma_start3A_298] : memref<80x128xi32, #tpu.memory_space<vmem>> -> memref<1x128xi32, #tpu.memory_space<vmem>>
          %dma_start3A_300 = tpu.memref_squeeze %dma_start3A_299 : memref<1x128xi32, #tpu.memory_space<vmem>> -> memref<128xi32, #tpu.memory_space<vmem>>
          %dma_start3A_301 = arith.constant 0 : i32
          %dma_start3A_302 = arith.constant 0 : i32
          %dma_start3A_303 = tpu.memref_slice %arg2[%dma_start3A_301, %dma_start3A_302] : memref<20000x64xf32, #tpu.memory_space<hbm>> -> memref<20000x64xf32, #tpu.memory_space<hbm>>
          tpu.enqueue_indirect_dma source(%dma_start3A_303 : memref<20000x64xf32, #tpu.memory_space<hbm>>) target(%arg11 : memref<128x64xf32, #tpu.memory_space<vmem>>) offsets(%dma_start3A_300 : memref<128xi32, #tpu.memory_space<vmem>>) semaphore(%arg19 : memref<!tpu.dma_semaphore, #tpu.memory_space<semaphore_mem>>)
          %add3A_304 = arith.constant 8 : i32
          %add3A_305 = arith.addi %mul3A_104, %add3A_304 : i32
          %add3A_306 = arith.constant 1 : i32
          %add3A_307 = arith.addi %add3A_305, %add3A_306 : i32
          %dma_start3A_308 = arith.constant 0 : i32
          %dma_start3A_309 = tpu.memref_slice %arg9[%add3A_307, %dma_start3A_308] : memref<80x128xi32, #tpu.memory_space<vmem>> -> memref<1x128xi32, #tpu.memory_space<vmem>>
          %dma_start3A_310 = tpu.memref_squeeze %dma_start3A_309 : memref<1x128xi32, #tpu.memory_space<vmem>> -> memref<128xi32, #tpu.memory_space<vmem>>
          %dma_start3A_311 = arith.constant 0 : i32
          %dma_start3A_312 = arith.constant 0 : i32
          %dma_start3A_313 = tpu.memref_slice %arg2[%dma_start3A_311, %dma_start3A_312] : memref<20000x64xf32, #tpu.memory_space<hbm>> -> memref<20000x64xf32, #tpu.memory_space<hbm>>
          tpu.enqueue_indirect_dma source(%dma_start3A_313 : memref<20000x64xf32, #tpu.memory_space<hbm>>) target(%arg12 : memref<128x64xf32, #tpu.memory_space<vmem>>) offsets(%dma_start3A_310 : memref<128xi32, #tpu.memory_space<vmem>>) semaphore(%arg20 : memref<!tpu.dma_semaphore, #tpu.memory_space<semaphore_mem>>)
          %add3A_314 = arith.constant 8 : i32
          %add3A_315 = arith.addi %mul3A_104, %add3A_314 : i32
          %add3A_316 = arith.constant 2 : i32
          %add3A_317 = arith.addi %add3A_315, %add3A_316 : i32
          %dma_start3A_318 = arith.constant 0 : i32
          %dma_start3A_319 = tpu.memref_slice %arg9[%add3A_317, %dma_start3A_318] : memref<80x128xi32, #tpu.memory_space<vmem>> -> memref<1x128xi32, #tpu.memory_space<vmem>>
          %dma_start3A_320 = tpu.memref_squeeze %dma_start3A_319 : memref<1x128xi32, #tpu.memory_space<vmem>> -> memref<128xi32, #tpu.memory_space<vmem>>
          %dma_start3A_321 = arith.constant 0 : i32
          %dma_start3A_322 = arith.constant 0 : i32
          %dma_start3A_323 = tpu.memref_slice %arg2[%dma_start3A_321, %dma_start3A_322] : memref<20000x64xf32, #tpu.memory_space<hbm>> -> memref<20000x64xf32, #tpu.memory_space<hbm>>
          tpu.enqueue_indirect_dma source(%dma_start3A_323 : memref<20000x64xf32, #tpu.memory_space<hbm>>) target(%arg13 : memref<128x64xf32, #tpu.memory_space<vmem>>) offsets(%dma_start3A_320 : memref<128xi32, #tpu.memory_space<vmem>>) semaphore(%arg21 : memref<!tpu.dma_semaphore, #tpu.memory_space<semaphore_mem>>)
          %add3A_324 = arith.constant 8 : i32
          %add3A_325 = arith.addi %mul3A_104, %add3A_324 : i32
          %add3A_326 = arith.constant 3 : i32
          %add3A_327 = arith.addi %add3A_325, %add3A_326 : i32
          %dma_start3A_328 = arith.constant 0 : i32
          %dma_start3A_329 = tpu.memref_slice %arg9[%add3A_327, %dma_start3A_328] : memref<80x128xi32, #tpu.memory_space<vmem>> -> memref<1x128xi32, #tpu.memory_space<vmem>>
          %dma_start3A_330 = tpu.memref_squeeze %dma_start3A_329 : memref<1x128xi32, #tpu.memory_space<vmem>> -> memref<128xi32, #tpu.memory_space<vmem>>
          %dma_start3A_331 = arith.constant 0 : i32
          %dma_start3A_332 = arith.constant 0 : i32
          %dma_start3A_333 = tpu.memref_slice %arg2[%dma_start3A_331, %dma_start3A_332] : memref<20000x64xf32, #tpu.memory_space<hbm>> -> memref<20000x64xf32, #tpu.memory_space<hbm>>
          tpu.enqueue_indirect_dma source(%dma_start3A_333 : memref<20000x64xf32, #tpu.memory_space<hbm>>) target(%arg14 : memref<128x64xf32, #tpu.memory_space<vmem>>) offsets(%dma_start3A_330 : memref<128xi32, #tpu.memory_space<vmem>>) semaphore(%arg22 : memref<!tpu.dma_semaphore, #tpu.memory_space<semaphore_mem>>)
        } else {
        }
        %add3A_261 = arith.constant 4 : i32
        %add3A_262 = arith.addi %mul3A_104, %add3A_261 : i32
        %dma_start3A_263 = arith.constant 0 : i32
        %dma_start3A_264 = tpu.memref_slice %arg10[%add3A_262, %dma_start3A_263] : memref<80x128xi32, #tpu.memory_space<vmem>> -> memref<1x128xi32, #tpu.memory_space<vmem>>
        %dma_start3A_265 = tpu.memref_squeeze %dma_start3A_264 : memref<1x128xi32, #tpu.memory_space<vmem>> -> memref<128xi32, #tpu.memory_space<vmem>>
        %dma_start3A_266 = arith.constant 0 : i32
        %dma_start3A_267 = arith.constant 0 : i32
        %dma_start3A_268 = tpu.memref_slice %arg8[%dma_start3A_266, %dma_start3A_267] : memref<10008x64xf32, #tpu.memory_space<vmem_shared>> -> memref<10008x64xf32, #tpu.memory_space<vmem_shared>>
        tpu.enqueue_indirect_dma source(%arg15 : memref<128x64xf32, #tpu.memory_space<vmem>>) target(%dma_start3A_268 : memref<10008x64xf32, #tpu.memory_space<vmem_shared>>) offsets(%dma_start3A_265 : memref<128xi32, #tpu.memory_space<vmem>>) semaphore(%arg31 : memref<!tpu.dma_semaphore, #tpu.memory_space<semaphore_mem>>) {add = true}
        %add3A_269 = arith.constant 5 : i32
        %add3A_270 = arith.addi %mul3A_104, %add3A_269 : i32
        %dma_start3A_271 = arith.constant 0 : i32
        %dma_start3A_272 = tpu.memref_slice %arg10[%add3A_270, %dma_start3A_271] : memref<80x128xi32, #tpu.memory_space<vmem>> -> memref<1x128xi32, #tpu.memory_space<vmem>>
        %dma_start3A_273 = tpu.memref_squeeze %dma_start3A_272 : memref<1x128xi32, #tpu.memory_space<vmem>> -> memref<128xi32, #tpu.memory_space<vmem>>
        %dma_start3A_274 = arith.constant 0 : i32
        %dma_start3A_275 = arith.constant 0 : i32
        %dma_start3A_276 = tpu.memref_slice %arg8[%dma_start3A_274, %dma_start3A_275] : memref<10008x64xf32, #tpu.memory_space<vmem_shared>> -> memref<10008x64xf32, #tpu.memory_space<vmem_shared>>
        tpu.enqueue_indirect_dma source(%arg16 : memref<128x64xf32, #tpu.memory_space<vmem>>) target(%dma_start3A_276 : memref<10008x64xf32, #tpu.memory_space<vmem_shared>>) offsets(%dma_start3A_273 : memref<128xi32, #tpu.memory_space<vmem>>) semaphore(%arg32 : memref<!tpu.dma_semaphore, #tpu.memory_space<semaphore_mem>>) {add = true}
        %add3A_277 = arith.constant 6 : i32
        %add3A_278 = arith.addi %mul3A_104, %add3A_277 : i32
        %dma_start3A_279 = arith.constant 0 : i32
        %dma_start3A_280 = tpu.memref_slice %arg10[%add3A_278, %dma_start3A_279] : memref<80x128xi32, #tpu.memory_space<vmem>> -> memref<1x128xi32, #tpu.memory_space<vmem>>
        %dma_start3A_281 = tpu.memref_squeeze %dma_start3A_280 : memref<1x128xi32, #tpu.memory_space<vmem>> -> memref<128xi32, #tpu.memory_space<vmem>>
        %dma_start3A_282 = arith.constant 0 : i32
        %dma_start3A_283 = arith.constant 0 : i32
        %dma_start3A_284 = tpu.memref_slice %arg8[%dma_start3A_282, %dma_start3A_283] : memref<10008x64xf32, #tpu.memory_space<vmem_shared>> -> memref<10008x64xf32, #tpu.memory_space<vmem_shared>>
        tpu.enqueue_indirect_dma source(%arg17 : memref<128x64xf32, #tpu.memory_space<vmem>>) target(%dma_start3A_284 : memref<10008x64xf32, #tpu.memory_space<vmem_shared>>) offsets(%dma_start3A_281 : memref<128xi32, #tpu.memory_space<vmem>>) semaphore(%arg33 : memref<!tpu.dma_semaphore, #tpu.memory_space<semaphore_mem>>) {add = true}
        %add3A_285 = arith.constant 7 : i32
        %add3A_286 = arith.addi %mul3A_104, %add3A_285 : i32
        %dma_start3A_287 = arith.constant 0 : i32
        %dma_start3A_288 = tpu.memref_slice %arg10[%add3A_286, %dma_start3A_287] : memref<80x128xi32, #tpu.memory_space<vmem>> -> memref<1x128xi32, #tpu.memory_space<vmem>>
        %dma_start3A_289 = tpu.memref_squeeze %dma_start3A_288 : memref<1x128xi32, #tpu.memory_space<vmem>> -> memref<128xi32, #tpu.memory_space<vmem>>
        %dma_start3A_290 = arith.constant 0 : i32
        %dma_start3A_291 = arith.constant 0 : i32
        %dma_start3A_292 = tpu.memref_slice %arg8[%dma_start3A_290, %dma_start3A_291] : memref<10008x64xf32, #tpu.memory_space<vmem_shared>> -> memref<10008x64xf32, #tpu.memory_space<vmem_shared>>
        tpu.enqueue_indirect_dma source(%arg18 : memref<128x64xf32, #tpu.memory_space<vmem>>) target(%dma_start3A_292 : memref<10008x64xf32, #tpu.memory_space<vmem_shared>>) offsets(%dma_start3A_289 : memref<128xi32, #tpu.memory_space<vmem>>) semaphore(%arg34 : memref<!tpu.dma_semaphore, #tpu.memory_space<semaphore_mem>>) {add = true}
        %scan3A_293 = arith.constant 0 : i32
        scf.yield %scan3A_293 : i32
      }
      %scan3A_72 = arith.constant 10 : i32
      %dma_wait3A = arith.constant 0 : i32
      %dma_wait3A_73 = arith.constant 0 : i32
      %dma_wait3A_74 = tpu.memref_slice %arg10[%dma_wait3A, %dma_wait3A_73] : memref<80x128xi32, #tpu.memory_space<vmem>> -> memref<1x128xi32, #tpu.memory_space<vmem>>
      %dma_wait3A_75 = tpu.memref_squeeze %dma_wait3A_74 : memref<1x128xi32, #tpu.memory_space<vmem>> -> memref<128xi32, #tpu.memory_space<vmem>>
      %dma_wait3A_76 = arith.constant 0 : i32
      %dma_wait3A_77 = arith.constant 0 : i32
      %dma_wait3A_78 = tpu.memref_slice %arg8[%dma_wait3A_76, %dma_wait3A_77] : memref<10008x64xf32, #tpu.memory_space<vmem_shared>> -> memref<10008x64xf32, #tpu.memory_space<vmem_shared>>
      tpu.wait_indirect_dma semaphore(%arg31 : memref<!tpu.dma_semaphore, #tpu.memory_space<semaphore_mem>>) src(%arg15 : memref<128x64xf32, #tpu.memory_space<vmem>>) dst(%dma_wait3A_78 : memref<10008x64xf32, #tpu.memory_space<vmem_shared>>)
      %dma_wait3A_79 = arith.constant 0 : i32
      %dma_wait3A_80 = arith.constant 0 : i32
      %dma_wait3A_81 = tpu.memref_slice %arg10[%dma_wait3A_79, %dma_wait3A_80] : memref<80x128xi32, #tpu.memory_space<vmem>> -> memref<1x128xi32, #tpu.memory_space<vmem>>
      %dma_wait3A_82 = tpu.memref_squeeze %dma_wait3A_81 : memref<1x128xi32, #tpu.memory_space<vmem>> -> memref<128xi32, #tpu.memory_space<vmem>>
      %dma_wait3A_83 = arith.constant 0 : i32
      %dma_wait3A_84 = arith.constant 0 : i32
      %dma_wait3A_85 = tpu.memref_slice %arg8[%dma_wait3A_83, %dma_wait3A_84] : memref<10008x64xf32, #tpu.memory_space<vmem_shared>> -> memref<10008x64xf32, #tpu.memory_space<vmem_shared>>
      tpu.wait_indirect_dma semaphore(%arg32 : memref<!tpu.dma_semaphore, #tpu.memory_space<semaphore_mem>>) src(%arg16 : memref<128x64xf32, #tpu.memory_space<vmem>>) dst(%dma_wait3A_85 : memref<10008x64xf32, #tpu.memory_space<vmem_shared>>)
      %dma_wait3A_86 = arith.constant 0 : i32
      %dma_wait3A_87 = arith.constant 0 : i32
      %dma_wait3A_88 = tpu.memref_slice %arg10[%dma_wait3A_86, %dma_wait3A_87] : memref<80x128xi32, #tpu.memory_space<vmem>> -> memref<1x128xi32, #tpu.memory_space<vmem>>
      %dma_wait3A_89 = tpu.memref_squeeze %dma_wait3A_88 : memref<1x128xi32, #tpu.memory_space<vmem>> -> memref<128xi32, #tpu.memory_space<vmem>>
      %dma_wait3A_90 = arith.constant 0 : i32
      %dma_wait3A_91 = arith.constant 0 : i32
      %dma_wait3A_92 = tpu.memref_slice %arg8[%dma_wait3A_90, %dma_wait3A_91] : memref<10008x64xf32, #tpu.memory_space<vmem_shared>> -> memref<10008x64xf32, #tpu.memory_space<vmem_shared>>
      tpu.wait_indirect_dma semaphore(%arg33 : memref<!tpu.dma_semaphore, #tpu.memory_space<semaphore_mem>>) src(%arg17 : memref<128x64xf32, #tpu.memory_space<vmem>>) dst(%dma_wait3A_92 : memref<10008x64xf32, #tpu.memory_space<vmem_shared>>)
      %dma_wait3A_93 = arith.constant 0 : i32
      %dma_wait3A_94 = arith.constant 0 : i32
      %dma_wait3A_95 = tpu.memref_slice %arg10[%dma_wait3A_93, %dma_wait3A_94] : memref<80x128xi32, #tpu.memory_space<vmem>> -> memref<1x128xi32, #tpu.memory_space<vmem>>
      %dma_wait3A_96 = tpu.memref_squeeze %dma_wait3A_95 : memref<1x128xi32, #tpu.memory_space<vmem>> -> memref<128xi32, #tpu.memory_space<vmem>>
      %dma_wait3A_97 = arith.constant 0 : i32
      %dma_wait3A_98 = arith.constant 0 : i32
      %dma_wait3A_99 = tpu.memref_slice %arg8[%dma_wait3A_97, %dma_wait3A_98] : memref<10008x64xf32, #tpu.memory_space<vmem_shared>> -> memref<10008x64xf32, #tpu.memory_space<vmem_shared>>
      tpu.wait_indirect_dma semaphore(%arg34 : memref<!tpu.dma_semaphore, #tpu.memory_space<semaphore_mem>>) src(%arg18 : memref<128x64xf32, #tpu.memory_space<vmem>>) dst(%dma_wait3A_99 : memref<10008x64xf32, #tpu.memory_space<vmem_shared>>)
      %scan3A_100 = arith.constant 0 : i32
      scf.yield %scan3A_100 : i32
    }
    %scan3A_12 = arith.constant 2 : i32
    %barrier3A_13 = arith.constant 0 : index
    tpu.barrier barrier_id(%barrier3A_13)
    %eq3A_14 = arith.constant 0 : i32
    %eq3A_15 = arith.cmpi eq, %arg0, %eq3A_14 : i32
    %convert_element_type3A_16 = arith.extui %eq3A_15 : i1 to i32
    %cond3A_17 = arith.constant 0 : i32
    %cond3A_18 = arith.cmpi ne, %convert_element_type3A_16, %cond3A_17 : i32
    scf.if %cond3A_18 {
      %mul3A_24 = arith.constant 624 : i32
      %mul3A_25 = arith.muli %arg1, %mul3A_24 : i32
      %multiple_of3A_26 = tpu.assume_multiple %mul3A_25, 8 : i32
      %lt3A_27 = arith.constant 15 : i32
      %lt3A_28 = arith.cmpi slt, %arg1, %lt3A_27 : i32
      %convert_element_type3A_29 = arith.extui %lt3A_28 : i1 to i32
      %cond3A_30 = arith.constant 0 : i32
      %cond3A_31 = arith.cmpi ne, %convert_element_type3A_29, %cond3A_30 : i32
      scf.if %cond3A_31 {
        "tpu.region"() ({
          %run_scoped3A = tpu.sem_alloc : memref<!tpu.dma_semaphore, #tpu.memory_space<semaphore_mem>>
          %dma_start3A = arith.constant 0 : i32
          %dma_start3A_37 = tpu.memref_slice %arg7[%multiple_of3A_26, %dma_start3A] : memref<10000x128xf32, #tpu.memory_space<hbm>> -> memref<624x64xf32, #tpu.memory_space<hbm>>
          %dma_start3A_38 = arith.constant 0 : i32
          %dma_start3A_39 = tpu.memref_slice %arg8[%multiple_of3A_26, %dma_start3A_38] : memref<10008x64xf32, #tpu.memory_space<vmem_shared>> -> memref<624x64xf32, #tpu.memory_space<vmem_shared>>
          tpu.enqueue_dma source(%dma_start3A_39 : memref<624x64xf32, #tpu.memory_space<vmem_shared>>) target(%dma_start3A_37 : memref<624x64xf32, #tpu.memory_space<hbm>>) target_semaphore(%run_scoped3A : memref<!tpu.dma_semaphore, #tpu.memory_space<semaphore_mem>>)
          %dma_wait3A = arith.constant 0 : i32
          %dma_wait3A_40 = tpu.memref_slice %arg7[%multiple_of3A_26, %dma_wait3A] : memref<10000x128xf32, #tpu.memory_space<hbm>> -> memref<624x64xf32, #tpu.memory_space<hbm>>
          %dma_wait3A_41 = arith.constant 0 : i32
          %dma_wait3A_42 = tpu.memref_slice %arg8[%multiple_of3A_26, %dma_wait3A_41] : memref<10008x64xf32, #tpu.memory_space<vmem_shared>> -> memref<624x64xf32, #tpu.memory_space<vmem_shared>>
          tpu.wait_dma2 semaphore(%run_scoped3A : memref<!tpu.dma_semaphore, #tpu.memory_space<semaphore_mem>>) src(%dma_wait3A_42 : memref<624x64xf32, #tpu.memory_space<vmem_shared>>) dst(%dma_wait3A_40 : memref<624x64xf32, #tpu.memory_space<hbm>>)
          tpu.yield
        }) : () -> ()
      } else {
      }
      %eq3A_32 = arith.constant 15 : i32
      %eq3A_33 = arith.cmpi eq, %arg1, %eq3A_32 : i32
      %convert_element_type3A_34 = arith.extui %eq3A_33 : i1 to i32
      %cond3A_35 = arith.constant 0 : i32
      %cond3A_36 = arith.cmpi ne, %convert_element_type3A_34, %cond3A_35 : i32
      scf.if %cond3A_36 {
        "tpu.region"() ({
          %run_scoped3A = tpu.sem_alloc : memref<!tpu.dma_semaphore, #tpu.memory_space<semaphore_mem>>
          %dma_start3A = arith.constant 0 : i32
          %dma_start3A_37 = tpu.memref_slice %arg7[%multiple_of3A_26, %dma_start3A] : memref<10000x128xf32, #tpu.memory_space<hbm>> -> memref<640x64xf32, #tpu.memory_space<hbm>>
          %dma_start3A_38 = arith.constant 0 : i32
          %dma_start3A_39 = tpu.memref_slice %arg8[%multiple_of3A_26, %dma_start3A_38] : memref<10008x64xf32, #tpu.memory_space<vmem_shared>> -> memref<640x64xf32, #tpu.memory_space<vmem_shared>>
          tpu.enqueue_dma source(%dma_start3A_39 : memref<640x64xf32, #tpu.memory_space<vmem_shared>>) target(%dma_start3A_37 : memref<640x64xf32, #tpu.memory_space<hbm>>) target_semaphore(%run_scoped3A : memref<!tpu.dma_semaphore, #tpu.memory_space<semaphore_mem>>)
          %dma_wait3A = arith.constant 0 : i32
          %dma_wait3A_40 = tpu.memref_slice %arg7[%multiple_of3A_26, %dma_wait3A] : memref<10000x128xf32, #tpu.memory_space<hbm>> -> memref<640x64xf32, #tpu.memory_space<hbm>>
          %dma_wait3A_41 = arith.constant 0 : i32
          %dma_wait3A_42 = tpu.memref_slice %arg8[%multiple_of3A_26, %dma_wait3A_41] : memref<10008x64xf32, #tpu.memory_space<vmem_shared>> -> memref<640x64xf32, #tpu.memory_space<vmem_shared>>
          tpu.wait_dma2 semaphore(%run_scoped3A : memref<!tpu.dma_semaphore, #tpu.memory_space<semaphore_mem>>) src(%dma_wait3A_42 : memref<640x64xf32, #tpu.memory_space<vmem_shared>>) dst(%dma_wait3A_40 : memref<640x64xf32, #tpu.memory_space<hbm>>)
          tpu.yield
        }) : () -> ()
      } else {
      }
    } else {
    }
    %eq3A_19 = arith.constant 1 : i32
    %eq3A_20 = arith.cmpi eq, %arg0, %eq3A_19 : i32
    %convert_element_type3A_21 = arith.extui %eq3A_20 : i1 to i32
    %cond3A_22 = arith.constant 0 : i32
    %cond3A_23 = arith.cmpi ne, %convert_element_type3A_21, %cond3A_22 : i32
    scf.if %cond3A_23 {
      %mul3A_24 = arith.constant 624 : i32
      %mul3A_25 = arith.muli %arg1, %mul3A_24 : i32
      %multiple_of3A_26 = tpu.assume_multiple %mul3A_25, 8 : i32
      %lt3A_27 = arith.constant 15 : i32
      %lt3A_28 = arith.cmpi slt, %arg1, %lt3A_27 : i32
      %convert_element_type3A_29 = arith.extui %lt3A_28 : i1 to i32
      %cond3A_30 = arith.constant 0 : i32
      %cond3A_31 = arith.cmpi ne, %convert_element_type3A_29, %cond3A_30 : i32
      scf.if %cond3A_31 {
        "tpu.region"() ({
          %run_scoped3A = tpu.sem_alloc : memref<!tpu.dma_semaphore, #tpu.memory_space<semaphore_mem>>
          %dma_start3A = arith.constant 64 : i32
          %dma_start3A_37 = tpu.memref_slice %arg7[%multiple_of3A_26, %dma_start3A] : memref<10000x128xf32, #tpu.memory_space<hbm>> -> memref<624x64xf32, #tpu.memory_space<hbm>>
          %dma_start3A_38 = arith.constant 0 : i32
          %dma_start3A_39 = tpu.memref_slice %arg8[%multiple_of3A_26, %dma_start3A_38] : memref<10008x64xf32, #tpu.memory_space<vmem_shared>> -> memref<624x64xf32, #tpu.memory_space<vmem_shared>>
          tpu.enqueue_dma source(%dma_start3A_39 : memref<624x64xf32, #tpu.memory_space<vmem_shared>>) target(%dma_start3A_37 : memref<624x64xf32, #tpu.memory_space<hbm>>) target_semaphore(%run_scoped3A : memref<!tpu.dma_semaphore, #tpu.memory_space<semaphore_mem>>)
          %dma_wait3A = arith.constant 64 : i32
          %dma_wait3A_40 = tpu.memref_slice %arg7[%multiple_of3A_26, %dma_wait3A] : memref<10000x128xf32, #tpu.memory_space<hbm>> -> memref<624x64xf32, #tpu.memory_space<hbm>>
          %dma_wait3A_41 = arith.constant 0 : i32
          %dma_wait3A_42 = tpu.memref_slice %arg8[%multiple_of3A_26, %dma_wait3A_41] : memref<10008x64xf32, #tpu.memory_space<vmem_shared>> -> memref<624x64xf32, #tpu.memory_space<vmem_shared>>
          tpu.wait_dma2 semaphore(%run_scoped3A : memref<!tpu.dma_semaphore, #tpu.memory_space<semaphore_mem>>) src(%dma_wait3A_42 : memref<624x64xf32, #tpu.memory_space<vmem_shared>>) dst(%dma_wait3A_40 : memref<624x64xf32, #tpu.memory_space<hbm>>)
          tpu.yield
        }) : () -> ()
      } else {
      }
      %eq3A_32 = arith.constant 15 : i32
      %eq3A_33 = arith.cmpi eq, %arg1, %eq3A_32 : i32
      %convert_element_type3A_34 = arith.extui %eq3A_33 : i1 to i32
      %cond3A_35 = arith.constant 0 : i32
      %cond3A_36 = arith.cmpi ne, %convert_element_type3A_34, %cond3A_35 : i32
      scf.if %cond3A_36 {
        "tpu.region"() ({
          %run_scoped3A = tpu.sem_alloc : memref<!tpu.dma_semaphore, #tpu.memory_space<semaphore_mem>>
          %dma_start3A = arith.constant 64 : i32
          %dma_start3A_37 = tpu.memref_slice %arg7[%multiple_of3A_26, %dma_start3A] : memref<10000x128xf32, #tpu.memory_space<hbm>> -> memref<640x64xf32, #tpu.memory_space<hbm>>
          %dma_start3A_38 = arith.constant 0 : i32
          %dma_start3A_39 = tpu.memref_slice %arg8[%multiple_of3A_26, %dma_start3A_38] : memref<10008x64xf32, #tpu.memory_space<vmem_shared>> -> memref<640x64xf32, #tpu.memory_space<vmem_shared>>
          tpu.enqueue_dma source(%dma_start3A_39 : memref<640x64xf32, #tpu.memory_space<vmem_shared>>) target(%dma_start3A_37 : memref<640x64xf32, #tpu.memory_space<hbm>>) target_semaphore(%run_scoped3A : memref<!tpu.dma_semaphore, #tpu.memory_space<semaphore_mem>>)
          %dma_wait3A = arith.constant 64 : i32
          %dma_wait3A_40 = tpu.memref_slice %arg7[%multiple_of3A_26, %dma_wait3A] : memref<10000x128xf32, #tpu.memory_space<hbm>> -> memref<640x64xf32, #tpu.memory_space<hbm>>
          %dma_wait3A_41 = arith.constant 0 : i32
          %dma_wait3A_42 = tpu.memref_slice %arg8[%multiple_of3A_26, %dma_wait3A_41] : memref<10008x64xf32, #tpu.memory_space<vmem_shared>> -> memref<640x64xf32, #tpu.memory_space<vmem_shared>>
          tpu.wait_dma2 semaphore(%run_scoped3A : memref<!tpu.dma_semaphore, #tpu.memory_space<semaphore_mem>>) src(%dma_wait3A_42 : memref<640x64xf32, #tpu.memory_space<vmem_shared>>) dst(%dma_wait3A_40 : memref<640x64xf32, #tpu.memory_space<hbm>>)
          tpu.yield
        }) : () -> ()
      } else {
      }
    } else {
    }
    return
  }
}

#map = affine_map<(d0, d1) -> (0, 0)>
#map1 = affine_map<(d0, d1) -> (0, 0, 0)>
module attributes {stable_mosaic.version = 14 : i64} {
  func.func @gcn_agg(%arg0: i32, %arg1: i32, %arg2: memref<20000x64xf32, #tpu.memory_space<hbm>>, %arg3: memref<16x160x128xi32, #tpu.memory_space<hbm>>, %arg4: memref<16x160x128xi32, #tpu.memory_space<hbm>>, %arg5: memref<16x160x128xi32, #tpu.memory_space<hbm>>, %arg6: memref<10000x64xf32, #tpu.memory_space<hbm>>, %arg7: memref<10000x128xf32, #tpu.memory_space<hbm>>, %arg8: memref<10008x64xf32, #tpu.memory_space<vmem_shared>>, %arg9: memref<80x128xi32, #tpu.memory_space<vmem>>, %arg10: memref<80x128xi32, #tpu.memory_space<vmem>>, %arg11: memref<128x64xf32, #tpu.memory_space<vmem>>, %arg12: memref<128x64xf32, #tpu.memory_space<vmem>>, %arg13: memref<128x64xf32, #tpu.memory_space<vmem>>, %arg14: memref<128x64xf32, #tpu.memory_space<vmem>>, %arg15: memref<128x64xf32, #tpu.memory_space<vmem>>, %arg16: memref<128x64xf32, #tpu.memory_space<vmem>>, %arg17: memref<128x64xf32, #tpu.memory_space<vmem>>, %arg18: memref<128x64xf32, #tpu.memory_space<vmem>>, %arg19: memref<!tpu.dma_semaphore, #tpu.memory_space<semaphore_mem>>, %arg20: memref<!tpu.dma_semaphore, #tpu.memory_space<semaphore_mem>>, %arg21: memref<!tpu.dma_semaphore, #tpu.memory_space<semaphore_mem>>, %arg22: memref<!tpu.dma_semaphore, #tpu.memory_space<semaphore_mem>>, %arg23: memref<!tpu.dma_semaphore, #tpu.memory_space<semaphore_mem>>, %arg24: memref<!tpu.dma_semaphore, #tpu.memory_space<semaphore_mem>>, %arg25: memref<!tpu.dma_semaphore, #tpu.memory_space<semaphore_mem>>, %arg26: memref<!tpu.dma_semaphore, #tpu.memory_space<semaphore_mem>>, %arg27: memref<!tpu.dma_semaphore, #tpu.memory_space<semaphore_mem>>, %arg28: memref<!tpu.dma_semaphore, #tpu.memory_space<semaphore_mem>>, %arg29: memref<!tpu.dma_semaphore, #tpu.memory_space<semaphore_mem>>, %arg30: memref<!tpu.dma_semaphore, #tpu.memory_space<semaphore_mem>>, %arg31: memref<!tpu.dma_semaphore, #tpu.memory_space<semaphore_mem>>, %arg32: memref<!tpu.dma_semaphore, #tpu.memory_space<semaphore_mem>>, %arg33: memref<!tpu.dma_semaphore, #tpu.memory_space<semaphore_mem>>, %arg34: memref<!tpu.dma_semaphore, #tpu.memory_space<semaphore_mem>>) attributes {dimension_semantics = [#tpu.dimension_semantics<core_parallel>, #tpu.dimension_semantics<subcore_parallel>], iteration_bounds = array<i64: 2, 16>, scalar_prefetch = 0 : i64, scratch_operands = 27 : i64, tpu.core_type = #tpu.core_type<sc_vector_subcore>, window_params = [{transform_indices = #map}, {transform_indices = #map1}, {transform_indices = #map1}, {transform_indices = #map1}, {transform_indices = #map}, {transform_indices = #map}]} {
    %mul3A = arith.constant 624 : i32
    %mul3A_0 = arith.muli %arg1, %mul3A : i32
    %multiple_of3A = tpu.assume_multiple %mul3A_0, 8 : i32
    %lt3A = arith.constant 15 : i32
    %lt3A_1 = arith.cmpi slt, %arg1, %lt3A : i32
    %convert_element_type3A = arith.extui %lt3A_1 : i1 to i32
    %cond3A = arith.constant 0 : i32
    %cond3A_2 = arith.cmpi ne, %convert_element_type3A, %cond3A : i32
    scf.if %cond3A_2 {
      "tpu.region"() ({
        %run_scoped3A = tpu.sem_alloc : memref<!tpu.dma_semaphore, #tpu.memory_space<semaphore_mem>>
        %dma_start3A = arith.constant 0 : i32
        %dma_start3A_24 = tpu.memref_slice %arg8[%multiple_of3A, %dma_start3A] : memref<10008x64xf32, #tpu.memory_space<vmem_shared>> -> memref<624x64xf32, #tpu.memory_space<vmem_shared>>
        %dma_start3A_25 = arith.constant 0 : i32
        %dma_start3A_26 = tpu.memref_slice %arg6[%multiple_of3A, %dma_start3A_25] : memref<10000x64xf32, #tpu.memory_space<hbm>> -> memref<624x64xf32, #tpu.memory_space<hbm>>
        tpu.enqueue_dma source(%dma_start3A_26 : memref<624x64xf32, #tpu.memory_space<hbm>>) target(%dma_start3A_24 : memref<624x64xf32, #tpu.memory_space<vmem_shared>>) target_semaphore(%run_scoped3A : memref<!tpu.dma_semaphore, #tpu.memory_space<semaphore_mem>>)
        %dma_wait3A = arith.constant 0 : i32
        %dma_wait3A_27 = tpu.memref_slice %arg8[%multiple_of3A, %dma_wait3A] : memref<10008x64xf32, #tpu.memory_space<vmem_shared>> -> memref<624x64xf32, #tpu.memory_space<vmem_shared>>
        %dma_wait3A_28 = arith.constant 0 : i32
        %dma_wait3A_29 = tpu.memref_slice %arg6[%multiple_of3A, %dma_wait3A_28] : memref<10000x64xf32, #tpu.memory_space<hbm>> -> memref<624x64xf32, #tpu.memory_space<hbm>>
        tpu.wait_dma2 semaphore(%run_scoped3A : memref<!tpu.dma_semaphore, #tpu.memory_space<semaphore_mem>>) src(%dma_wait3A_29 : memref<624x64xf32, #tpu.memory_space<hbm>>) dst(%dma_wait3A_27 : memref<624x64xf32, #tpu.memory_space<vmem_shared>>)
        tpu.yield
      }) : () -> ()
    } else {
    }
    %eq3A = arith.constant 15 : i32
    %eq3A_3 = arith.cmpi eq, %arg1, %eq3A : i32
    %convert_element_type3A_4 = arith.extui %eq3A_3 : i1 to i32
    %cond3A_5 = arith.constant 0 : i32
    %cond3A_6 = arith.cmpi ne, %convert_element_type3A_4, %cond3A_5 : i32
    scf.if %cond3A_6 {
      "tpu.region"() ({
        %run_scoped3A = tpu.sem_alloc : memref<!tpu.dma_semaphore, #tpu.memory_space<semaphore_mem>>
        %dma_start3A = arith.constant 0 : i32
        %dma_start3A_24 = tpu.memref_slice %arg8[%multiple_of3A, %dma_start3A] : memref<10008x64xf32, #tpu.memory_space<vmem_shared>> -> memref<640x64xf32, #tpu.memory_space<vmem_shared>>
        %dma_start3A_25 = arith.constant 0 : i32
        %dma_start3A_26 = tpu.memref_slice %arg6[%multiple_of3A, %dma_start3A_25] : memref<10000x64xf32, #tpu.memory_space<hbm>> -> memref<640x64xf32, #tpu.memory_space<hbm>>
        tpu.enqueue_dma source(%dma_start3A_26 : memref<640x64xf32, #tpu.memory_space<hbm>>) target(%dma_start3A_24 : memref<640x64xf32, #tpu.memory_space<vmem_shared>>) target_semaphore(%run_scoped3A : memref<!tpu.dma_semaphore, #tpu.memory_space<semaphore_mem>>)
        %dma_wait3A = arith.constant 0 : i32
        %dma_wait3A_27 = tpu.memref_slice %arg8[%multiple_of3A, %dma_wait3A] : memref<10008x64xf32, #tpu.memory_space<vmem_shared>> -> memref<640x64xf32, #tpu.memory_space<vmem_shared>>
        %dma_wait3A_28 = arith.constant 0 : i32
        %dma_wait3A_29 = tpu.memref_slice %arg6[%multiple_of3A, %dma_wait3A_28] : memref<10000x64xf32, #tpu.memory_space<hbm>> -> memref<640x64xf32, #tpu.memory_space<hbm>>
        tpu.wait_dma2 semaphore(%run_scoped3A : memref<!tpu.dma_semaphore, #tpu.memory_space<semaphore_mem>>) src(%dma_wait3A_29 : memref<640x64xf32, #tpu.memory_space<hbm>>) dst(%dma_wait3A_27 : memref<640x64xf32, #tpu.memory_space<vmem_shared>>)
        tpu.yield
      }) : () -> ()
    } else {
    }
    %barrier3A = arith.constant 0 : index
    tpu.barrier barrier_id(%barrier3A)
    %scan3A = arith.constant 0 : i32
    %scan3A_7 = arith.constant 0 : i32
    %scan3A_8 = arith.constant 2 : i32
    %scan3A_9 = arith.addi %scan3A_7, %scan3A_8 : i32
    %scan3A_10 = arith.constant 1 : i32
    %scan3A_11 = scf.for %scan3A_24 = %scan3A_7 to %scan3A_9 step %scan3A_10 iter_args(%scan3A_25 = %scan3A) -> (i32)  : i32 {
      %mul3A_26 = arith.constant 80 : i32
      %mul3A_27 = arith.muli %scan3A_24, %mul3A_26 : i32
      %multiple_of3A_28 = tpu.assume_multiple %mul3A_27, 8 : i32
      %eq3A_29 = arith.constant 0 : i32
      %eq3A_30 = arith.cmpi eq, %arg0, %eq3A_29 : i32
      %convert_element_type3A_31 = arith.extui %eq3A_30 : i1 to i32
      %cond3A_32 = arith.constant 0 : i32
      %cond3A_33 = arith.cmpi ne, %convert_element_type3A_31, %cond3A_32 : i32
      scf.if %cond3A_33 {
        "tpu.region"() ({
          %run_scoped3A = tpu.sem_alloc : memref<!tpu.dma_semaphore, #tpu.memory_space<semaphore_mem>>
          %dma_start3A_101 = arith.constant 0 : i32
          %dma_start3A_102 = tpu.memref_slice %arg3[%arg1, %multiple_of3A_28, %dma_start3A_101] : memref<16x160x128xi32, #tpu.memory_space<hbm>> -> memref<1x80x128xi32, #tpu.memory_space<hbm>>
          %dma_start3A_103 = tpu.memref_squeeze %dma_start3A_102 : memref<1x80x128xi32, #tpu.memory_space<hbm>> -> memref<80x128xi32, #tpu.memory_space<hbm>>
          %dma_start3A_104 = arith.constant 0 : i32
          %dma_start3A_105 = tpu.memref_slice %arg3[%arg1, %multiple_of3A_28, %dma_start3A_104] : memref<16x160x128xi32, #tpu.memory_space<hbm>> -> memref<1x80x128xi32, #tpu.memory_space<hbm>>
          %dma_start3A_106 = tpu.memref_squeeze %dma_start3A_105 : memref<1x80x128xi32, #tpu.memory_space<hbm>> -> memref<80x128xi32, #tpu.memory_space<hbm>>
          tpu.enqueue_dma source(%dma_start3A_106 : memref<80x128xi32, #tpu.memory_space<hbm>>) target(%arg9 : memref<80x128xi32, #tpu.memory_space<vmem>>) target_semaphore(%run_scoped3A : memref<!tpu.dma_semaphore, #tpu.memory_space<semaphore_mem>>)
          %dma_wait3A_107 = arith.constant 0 : i32
          %dma_wait3A_108 = tpu.memref_slice %arg3[%arg1, %multiple_of3A_28, %dma_wait3A_107] : memref<16x160x128xi32, #tpu.memory_space<hbm>> -> memref<1x80x128xi32, #tpu.memory_space<hbm>>
          %dma_wait3A_109 = tpu.memref_squeeze %dma_wait3A_108 : memref<1x80x128xi32, #tpu.memory_space<hbm>> -> memref<80x128xi32, #tpu.memory_space<hbm>>
          %dma_wait3A_110 = arith.constant 0 : i32
          %dma_wait3A_111 = tpu.memref_slice %arg3[%arg1, %multiple_of3A_28, %dma_wait3A_110] : memref<16x160x128xi32, #tpu.memory_space<hbm>> -> memref<1x80x128xi32, #tpu.memory_space<hbm>>
          %dma_wait3A_112 = tpu.memref_squeeze %dma_wait3A_111 : memref<1x80x128xi32, #tpu.memory_space<hbm>> -> memref<80x128xi32, #tpu.memory_space<hbm>>
          tpu.wait_dma2 semaphore(%run_scoped3A : memref<!tpu.dma_semaphore, #tpu.memory_space<semaphore_mem>>) src(%dma_wait3A_112 : memref<80x128xi32, #tpu.memory_space<hbm>>) dst(%arg9 : memref<80x128xi32, #tpu.memory_space<vmem>>)
          tpu.yield
        }) : () -> ()
      } else {
      }
      %eq3A_34 = arith.constant 1 : i32
      %eq3A_35 = arith.cmpi eq, %arg0, %eq3A_34 : i32
      %convert_element_type3A_36 = arith.extui %eq3A_35 : i1 to i32
      %cond3A_37 = arith.constant 0 : i32
      %cond3A_38 = arith.cmpi ne, %convert_element_type3A_36, %cond3A_37 : i32
      scf.if %cond3A_38 {
        "tpu.region"() ({
          %run_scoped3A = tpu.sem_alloc : memref<!tpu.dma_semaphore, #tpu.memory_space<semaphore_mem>>
          %dma_start3A_101 = arith.constant 0 : i32
          %dma_start3A_102 = tpu.memref_slice %arg4[%arg1, %multiple_of3A_28, %dma_start3A_101] : memref<16x160x128xi32, #tpu.memory_space<hbm>> -> memref<1x80x128xi32, #tpu.memory_space<hbm>>
          %dma_start3A_103 = tpu.memref_squeeze %dma_start3A_102 : memref<1x80x128xi32, #tpu.memory_space<hbm>> -> memref<80x128xi32, #tpu.memory_space<hbm>>
          %dma_start3A_104 = arith.constant 0 : i32
          %dma_start3A_105 = tpu.memref_slice %arg4[%arg1, %multiple_of3A_28, %dma_start3A_104] : memref<16x160x128xi32, #tpu.memory_space<hbm>> -> memref<1x80x128xi32, #tpu.memory_space<hbm>>
          %dma_start3A_106 = tpu.memref_squeeze %dma_start3A_105 : memref<1x80x128xi32, #tpu.memory_space<hbm>> -> memref<80x128xi32, #tpu.memory_space<hbm>>
          tpu.enqueue_dma source(%dma_start3A_106 : memref<80x128xi32, #tpu.memory_space<hbm>>) target(%arg9 : memref<80x128xi32, #tpu.memory_space<vmem>>) target_semaphore(%run_scoped3A : memref<!tpu.dma_semaphore, #tpu.memory_space<semaphore_mem>>)
          %dma_wait3A_107 = arith.constant 0 : i32
          %dma_wait3A_108 = tpu.memref_slice %arg4[%arg1, %multiple_of3A_28, %dma_wait3A_107] : memref<16x160x128xi32, #tpu.memory_space<hbm>> -> memref<1x80x128xi32, #tpu.memory_space<hbm>>
          %dma_wait3A_109 = tpu.memref_squeeze %dma_wait3A_108 : memref<1x80x128xi32, #tpu.memory_space<hbm>> -> memref<80x128xi32, #tpu.memory_space<hbm>>
          %dma_wait3A_110 = arith.constant 0 : i32
          %dma_wait3A_111 = tpu.memref_slice %arg4[%arg1, %multiple_of3A_28, %dma_wait3A_110] : memref<16x160x128xi32, #tpu.memory_space<hbm>> -> memref<1x80x128xi32, #tpu.memory_space<hbm>>
          %dma_wait3A_112 = tpu.memref_squeeze %dma_wait3A_111 : memref<1x80x128xi32, #tpu.memory_space<hbm>> -> memref<80x128xi32, #tpu.memory_space<hbm>>
          tpu.wait_dma2 semaphore(%run_scoped3A : memref<!tpu.dma_semaphore, #tpu.memory_space<semaphore_mem>>) src(%dma_wait3A_112 : memref<80x128xi32, #tpu.memory_space<hbm>>) dst(%arg9 : memref<80x128xi32, #tpu.memory_space<vmem>>)
          tpu.yield
        }) : () -> ()
      } else {
      }
      "tpu.region"() ({
        %run_scoped3A = tpu.sem_alloc : memref<!tpu.dma_semaphore, #tpu.memory_space<semaphore_mem>>
        %dma_start3A_101 = arith.constant 0 : i32
        %dma_start3A_102 = tpu.memref_slice %arg5[%arg1, %multiple_of3A_28, %dma_start3A_101] : memref<16x160x128xi32, #tpu.memory_space<hbm>> -> memref<1x80x128xi32, #tpu.memory_space<hbm>>
        %dma_start3A_103 = tpu.memref_squeeze %dma_start3A_102 : memref<1x80x128xi32, #tpu.memory_space<hbm>> -> memref<80x128xi32, #tpu.memory_space<hbm>>
        %dma_start3A_104 = arith.constant 0 : i32
        %dma_start3A_105 = tpu.memref_slice %arg5[%arg1, %multiple_of3A_28, %dma_start3A_104] : memref<16x160x128xi32, #tpu.memory_space<hbm>> -> memref<1x80x128xi32, #tpu.memory_space<hbm>>
        %dma_start3A_106 = tpu.memref_squeeze %dma_start3A_105 : memref<1x80x128xi32, #tpu.memory_space<hbm>> -> memref<80x128xi32, #tpu.memory_space<hbm>>
        tpu.enqueue_dma source(%dma_start3A_106 : memref<80x128xi32, #tpu.memory_space<hbm>>) target(%arg10 : memref<80x128xi32, #tpu.memory_space<vmem>>) target_semaphore(%run_scoped3A : memref<!tpu.dma_semaphore, #tpu.memory_space<semaphore_mem>>)
        %dma_wait3A_107 = arith.constant 0 : i32
        %dma_wait3A_108 = tpu.memref_slice %arg5[%arg1, %multiple_of3A_28, %dma_wait3A_107] : memref<16x160x128xi32, #tpu.memory_space<hbm>> -> memref<1x80x128xi32, #tpu.memory_space<hbm>>
        %dma_wait3A_109 = tpu.memref_squeeze %dma_wait3A_108 : memref<1x80x128xi32, #tpu.memory_space<hbm>> -> memref<80x128xi32, #tpu.memory_space<hbm>>
        %dma_wait3A_110 = arith.constant 0 : i32
        %dma_wait3A_111 = tpu.memref_slice %arg5[%arg1, %multiple_of3A_28, %dma_wait3A_110] : memref<16x160x128xi32, #tpu.memory_space<hbm>> -> memref<1x80x128xi32, #tpu.memory_space<hbm>>
        %dma_wait3A_112 = tpu.memref_squeeze %dma_wait3A_111 : memref<1x80x128xi32, #tpu.memory_space<hbm>> -> memref<80x128xi32, #tpu.memory_space<hbm>>
        tpu.wait_dma2 semaphore(%run_scoped3A : memref<!tpu.dma_semaphore, #tpu.memory_space<semaphore_mem>>) src(%dma_wait3A_112 : memref<80x128xi32, #tpu.memory_space<hbm>>) dst(%arg10 : memref<80x128xi32, #tpu.memory_space<vmem>>)
        tpu.yield
      }) : () -> ()
      %dma_start3A = arith.constant 0 : i32
      %dma_start3A_39 = arith.constant 0 : i32
      %dma_start3A_40 = tpu.memref_slice %arg9[%dma_start3A, %dma_start3A_39] : memref<80x128xi32, #tpu.memory_space<vmem>> -> memref<1x128xi32, #tpu.memory_space<vmem>>
      %dma_start3A_41 = tpu.memref_squeeze %dma_start3A_40 : memref<1x128xi32, #tpu.memory_space<vmem>> -> memref<128xi32, #tpu.memory_space<vmem>>
      %dma_start3A_42 = arith.constant 0 : i32
      %dma_start3A_43 = arith.constant 0 : i32
      %dma_start3A_44 = tpu.memref_slice %arg2[%dma_start3A_42, %dma_start3A_43] : memref<20000x64xf32, #tpu.memory_space<hbm>> -> memref<20000x64xf32, #tpu.memory_space<hbm>>
      tpu.enqueue_indirect_dma source(%dma_start3A_44 : memref<20000x64xf32, #tpu.memory_space<hbm>>) target(%arg11 : memref<128x64xf32, #tpu.memory_space<vmem>>) offsets(%dma_start3A_41 : memref<128xi32, #tpu.memory_space<vmem>>) semaphore(%arg19 : memref<!tpu.dma_semaphore, #tpu.memory_space<semaphore_mem>>)
      %dma_start3A_45 = arith.constant 1 : i32
      %dma_start3A_46 = arith.constant 0 : i32
      %dma_start3A_47 = tpu.memref_slice %arg9[%dma_start3A_45, %dma_start3A_46] : memref<80x128xi32, #tpu.memory_space<vmem>> -> memref<1x128xi32, #tpu.memory_space<vmem>>
      %dma_start3A_48 = tpu.memref_squeeze %dma_start3A_47 : memref<1x128xi32, #tpu.memory_space<vmem>> -> memref<128xi32, #tpu.memory_space<vmem>>
      %dma_start3A_49 = arith.constant 0 : i32
      %dma_start3A_50 = arith.constant 0 : i32
      %dma_start3A_51 = tpu.memref_slice %arg2[%dma_start3A_49, %dma_start3A_50] : memref<20000x64xf32, #tpu.memory_space<hbm>> -> memref<20000x64xf32, #tpu.memory_space<hbm>>
      tpu.enqueue_indirect_dma source(%dma_start3A_51 : memref<20000x64xf32, #tpu.memory_space<hbm>>) target(%arg12 : memref<128x64xf32, #tpu.memory_space<vmem>>) offsets(%dma_start3A_48 : memref<128xi32, #tpu.memory_space<vmem>>) semaphore(%arg20 : memref<!tpu.dma_semaphore, #tpu.memory_space<semaphore_mem>>)
      %dma_start3A_52 = arith.constant 2 : i32
      %dma_start3A_53 = arith.constant 0 : i32
      %dma_start3A_54 = tpu.memref_slice %arg9[%dma_start3A_52, %dma_start3A_53] : memref<80x128xi32, #tpu.memory_space<vmem>> -> memref<1x128xi32, #tpu.memory_space<vmem>>
      %dma_start3A_55 = tpu.memref_squeeze %dma_start3A_54 : memref<1x128xi32, #tpu.memory_space<vmem>> -> memref<128xi32, #tpu.memory_space<vmem>>
      %dma_start3A_56 = arith.constant 0 : i32
      %dma_start3A_57 = arith.constant 0 : i32
      %dma_start3A_58 = tpu.memref_slice %arg2[%dma_start3A_56, %dma_start3A_57] : memref<20000x64xf32, #tpu.memory_space<hbm>> -> memref<20000x64xf32, #tpu.memory_space<hbm>>
      tpu.enqueue_indirect_dma source(%dma_start3A_58 : memref<20000x64xf32, #tpu.memory_space<hbm>>) target(%arg13 : memref<128x64xf32, #tpu.memory_space<vmem>>) offsets(%dma_start3A_55 : memref<128xi32, #tpu.memory_space<vmem>>) semaphore(%arg21 : memref<!tpu.dma_semaphore, #tpu.memory_space<semaphore_mem>>)
      %dma_start3A_59 = arith.constant 3 : i32
      %dma_start3A_60 = arith.constant 0 : i32
      %dma_start3A_61 = tpu.memref_slice %arg9[%dma_start3A_59, %dma_start3A_60] : memref<80x128xi32, #tpu.memory_space<vmem>> -> memref<1x128xi32, #tpu.memory_space<vmem>>
      %dma_start3A_62 = tpu.memref_squeeze %dma_start3A_61 : memref<1x128xi32, #tpu.memory_space<vmem>> -> memref<128xi32, #tpu.memory_space<vmem>>
      %dma_start3A_63 = arith.constant 0 : i32
      %dma_start3A_64 = arith.constant 0 : i32
      %dma_start3A_65 = tpu.memref_slice %arg2[%dma_start3A_63, %dma_start3A_64] : memref<20000x64xf32, #tpu.memory_space<hbm>> -> memref<20000x64xf32, #tpu.memory_space<hbm>>
      tpu.enqueue_indirect_dma source(%dma_start3A_65 : memref<20000x64xf32, #tpu.memory_space<hbm>>) target(%arg14 : memref<128x64xf32, #tpu.memory_space<vmem>>) offsets(%dma_start3A_62 : memref<128xi32, #tpu.memory_space<vmem>>) semaphore(%arg22 : memref<!tpu.dma_semaphore, #tpu.memory_space<semaphore_mem>>)
      %scan3A_66 = arith.constant 0 : i32
      %scan3A_67 = arith.constant 0 : i32
      %scan3A_68 = arith.constant 10 : i32
      %scan3A_69 = arith.addi %scan3A_67, %scan3A_68 : i32
      %scan3A_70 = arith.constant 1 : i32
      %scan3A_71 = scf.for %scan3A_101 = %scan3A_67 to %scan3A_69 step %scan3A_70 iter_args(%scan3A_102 = %scan3A_66) -> (i32)  : i32 {
        %mul3A_103 = arith.constant 8 : i32
        %mul3A_104 = arith.muli %mul3A_103, %scan3A_101 : i32
        %dma_wait3A_105 = arith.constant 0 : i32
        %dma_wait3A_106 = arith.constant 0 : i32
        %dma_wait3A_107 = tpu.memref_slice %arg9[%dma_wait3A_105, %dma_wait3A_106] : memref<80x128xi32, #tpu.memory_space<vmem>> -> memref<1x128xi32, #tpu.memory_space<vmem>>
        %dma_wait3A_108 = tpu.memref_squeeze %dma_wait3A_107 : memref<1x128xi32, #tpu.memory_space<vmem>> -> memref<128xi32, #tpu.memory_space<vmem>>
        %dma_wait3A_109 = arith.constant 0 : i32
        %dma_wait3A_110 = arith.constant 0 : i32
        %dma_wait3A_111 = tpu.memref_slice %arg2[%dma_wait3A_109, %dma_wait3A_110] : memref<20000x64xf32, #tpu.memory_space<hbm>> -> memref<20000x64xf32, #tpu.memory_space<hbm>>
        tpu.wait_indirect_dma semaphore(%arg19 : memref<!tpu.dma_semaphore, #tpu.memory_space<semaphore_mem>>) src(%dma_wait3A_111 : memref<20000x64xf32, #tpu.memory_space<hbm>>) dst(%arg11 : memref<128x64xf32, #tpu.memory_space<vmem>>)
        %dma_wait3A_112 = arith.constant 0 : i32
        %dma_wait3A_113 = arith.constant 0 : i32
        %dma_wait3A_114 = tpu.memref_slice %arg9[%dma_wait3A_112, %dma_wait3A_113] : memref<80x128xi32, #tpu.memory_space<vmem>> -> memref<1x128xi32, #tpu.memory_space<vmem>>
        %dma_wait3A_115 = tpu.memref_squeeze %dma_wait3A_114 : memref<1x128xi32, #tpu.memory_space<vmem>> -> memref<128xi32, #tpu.memory_space<vmem>>
        %dma_wait3A_116 = arith.constant 0 : i32
        %dma_wait3A_117 = arith.constant 0 : i32
        %dma_wait3A_118 = tpu.memref_slice %arg2[%dma_wait3A_116, %dma_wait3A_117] : memref<20000x64xf32, #tpu.memory_space<hbm>> -> memref<20000x64xf32, #tpu.memory_space<hbm>>
        tpu.wait_indirect_dma semaphore(%arg20 : memref<!tpu.dma_semaphore, #tpu.memory_space<semaphore_mem>>) src(%dma_wait3A_118 : memref<20000x64xf32, #tpu.memory_space<hbm>>) dst(%arg12 : memref<128x64xf32, #tpu.memory_space<vmem>>)
        %dma_wait3A_119 = arith.constant 0 : i32
        %dma_wait3A_120 = arith.constant 0 : i32
        %dma_wait3A_121 = tpu.memref_slice %arg9[%dma_wait3A_119, %dma_wait3A_120] : memref<80x128xi32, #tpu.memory_space<vmem>> -> memref<1x128xi32, #tpu.memory_space<vmem>>
        %dma_wait3A_122 = tpu.memref_squeeze %dma_wait3A_121 : memref<1x128xi32, #tpu.memory_space<vmem>> -> memref<128xi32, #tpu.memory_space<vmem>>
        %dma_wait3A_123 = arith.constant 0 : i32
        %dma_wait3A_124 = arith.constant 0 : i32
        %dma_wait3A_125 = tpu.memref_slice %arg2[%dma_wait3A_123, %dma_wait3A_124] : memref<20000x64xf32, #tpu.memory_space<hbm>> -> memref<20000x64xf32, #tpu.memory_space<hbm>>
        tpu.wait_indirect_dma semaphore(%arg21 : memref<!tpu.dma_semaphore, #tpu.memory_space<semaphore_mem>>) src(%dma_wait3A_125 : memref<20000x64xf32, #tpu.memory_space<hbm>>) dst(%arg13 : memref<128x64xf32, #tpu.memory_space<vmem>>)
        %dma_wait3A_126 = arith.constant 0 : i32
        %dma_wait3A_127 = arith.constant 0 : i32
        %dma_wait3A_128 = tpu.memref_slice %arg9[%dma_wait3A_126, %dma_wait3A_127] : memref<80x128xi32, #tpu.memory_space<vmem>> -> memref<1x128xi32, #tpu.memory_space<vmem>>
        %dma_wait3A_129 = tpu.memref_squeeze %dma_wait3A_128 : memref<1x128xi32, #tpu.memory_space<vmem>> -> memref<128xi32, #tpu.memory_space<vmem>>
        %dma_wait3A_130 = arith.constant 0 : i32
        %dma_wait3A_131 = arith.constant 0 : i32
        %dma_wait3A_132 = tpu.memref_slice %arg2[%dma_wait3A_130, %dma_wait3A_131] : memref<20000x64xf32, #tpu.memory_space<hbm>> -> memref<20000x64xf32, #tpu.memory_space<hbm>>
        tpu.wait_indirect_dma semaphore(%arg22 : memref<!tpu.dma_semaphore, #tpu.memory_space<semaphore_mem>>) src(%dma_wait3A_132 : memref<20000x64xf32, #tpu.memory_space<hbm>>) dst(%arg14 : memref<128x64xf32, #tpu.memory_space<vmem>>)
        %gt3A = arith.constant 0 : i32
        %gt3A_133 = arith.cmpi sgt, %scan3A_101, %gt3A : i32
        %convert_element_type3A_134 = arith.extui %gt3A_133 : i1 to i32
        %cond3A_135 = arith.constant 0 : i32
        %cond3A_136 = arith.cmpi ne, %convert_element_type3A_134, %cond3A_135 : i32
        scf.if %cond3A_136 {
          %dma_wait3A_294 = arith.constant 0 : i32
          %dma_wait3A_295 = arith.constant 0 : i32
          %dma_wait3A_296 = tpu.memref_slice %arg10[%dma_wait3A_294, %dma_wait3A_295] : memref<80x128xi32, #tpu.memory_space<vmem>> -> memref<1x128xi32, #tpu.memory_space<vmem>>
          %dma_wait3A_297 = tpu.memref_squeeze %dma_wait3A_296 : memref<1x128xi32, #tpu.memory_space<vmem>> -> memref<128xi32, #tpu.memory_space<vmem>>
          %dma_wait3A_298 = arith.constant 0 : i32
          %dma_wait3A_299 = arith.constant 0 : i32
          %dma_wait3A_300 = tpu.memref_slice %arg8[%dma_wait3A_298, %dma_wait3A_299] : memref<10008x64xf32, #tpu.memory_space<vmem_shared>> -> memref<10008x64xf32, #tpu.memory_space<vmem_shared>>
          tpu.wait_indirect_dma semaphore(%arg31 : memref<!tpu.dma_semaphore, #tpu.memory_space<semaphore_mem>>) src(%arg15 : memref<128x64xf32, #tpu.memory_space<vmem>>) dst(%dma_wait3A_300 : memref<10008x64xf32, #tpu.memory_space<vmem_shared>>)
          %dma_wait3A_301 = arith.constant 0 : i32
          %dma_wait3A_302 = arith.constant 0 : i32
          %dma_wait3A_303 = tpu.memref_slice %arg10[%dma_wait3A_301, %dma_wait3A_302] : memref<80x128xi32, #tpu.memory_space<vmem>> -> memref<1x128xi32, #tpu.memory_space<vmem>>
          %dma_wait3A_304 = tpu.memref_squeeze %dma_wait3A_303 : memref<1x128xi32, #tpu.memory_space<vmem>> -> memref<128xi32, #tpu.memory_space<vmem>>
          %dma_wait3A_305 = arith.constant 0 : i32
          %dma_wait3A_306 = arith.constant 0 : i32
          %dma_wait3A_307 = tpu.memref_slice %arg8[%dma_wait3A_305, %dma_wait3A_306] : memref<10008x64xf32, #tpu.memory_space<vmem_shared>> -> memref<10008x64xf32, #tpu.memory_space<vmem_shared>>
          tpu.wait_indirect_dma semaphore(%arg32 : memref<!tpu.dma_semaphore, #tpu.memory_space<semaphore_mem>>) src(%arg16 : memref<128x64xf32, #tpu.memory_space<vmem>>) dst(%dma_wait3A_307 : memref<10008x64xf32, #tpu.memory_space<vmem_shared>>)
          %dma_wait3A_308 = arith.constant 0 : i32
          %dma_wait3A_309 = arith.constant 0 : i32
          %dma_wait3A_310 = tpu.memref_slice %arg10[%dma_wait3A_308, %dma_wait3A_309] : memref<80x128xi32, #tpu.memory_space<vmem>> -> memref<1x128xi32, #tpu.memory_space<vmem>>
          %dma_wait3A_311 = tpu.memref_squeeze %dma_wait3A_310 : memref<1x128xi32, #tpu.memory_space<vmem>> -> memref<128xi32, #tpu.memory_space<vmem>>
          %dma_wait3A_312 = arith.constant 0 : i32
          %dma_wait3A_313 = arith.constant 0 : i32
          %dma_wait3A_314 = tpu.memref_slice %arg8[%dma_wait3A_312, %dma_wait3A_313] : memref<10008x64xf32, #tpu.memory_space<vmem_shared>> -> memref<10008x64xf32, #tpu.memory_space<vmem_shared>>
          tpu.wait_indirect_dma semaphore(%arg33 : memref<!tpu.dma_semaphore, #tpu.memory_space<semaphore_mem>>) src(%arg17 : memref<128x64xf32, #tpu.memory_space<vmem>>) dst(%dma_wait3A_314 : memref<10008x64xf32, #tpu.memory_space<vmem_shared>>)
          %dma_wait3A_315 = arith.constant 0 : i32
          %dma_wait3A_316 = arith.constant 0 : i32
          %dma_wait3A_317 = tpu.memref_slice %arg10[%dma_wait3A_315, %dma_wait3A_316] : memref<80x128xi32, #tpu.memory_space<vmem>> -> memref<1x128xi32, #tpu.memory_space<vmem>>
          %dma_wait3A_318 = tpu.memref_squeeze %dma_wait3A_317 : memref<1x128xi32, #tpu.memory_space<vmem>> -> memref<128xi32, #tpu.memory_space<vmem>>
          %dma_wait3A_319 = arith.constant 0 : i32
          %dma_wait3A_320 = arith.constant 0 : i32
          %dma_wait3A_321 = tpu.memref_slice %arg8[%dma_wait3A_319, %dma_wait3A_320] : memref<10008x64xf32, #tpu.memory_space<vmem_shared>> -> memref<10008x64xf32, #tpu.memory_space<vmem_shared>>
          tpu.wait_indirect_dma semaphore(%arg34 : memref<!tpu.dma_semaphore, #tpu.memory_space<semaphore_mem>>) src(%arg18 : memref<128x64xf32, #tpu.memory_space<vmem>>) dst(%dma_wait3A_321 : memref<10008x64xf32, #tpu.memory_space<vmem_shared>>)
        } else {
        }
        %add3A = arith.constant 4 : i32
        %add3A_137 = arith.addi %mul3A_104, %add3A : i32
        %dma_start3A_138 = arith.constant 0 : i32
        %dma_start3A_139 = tpu.memref_slice %arg9[%add3A_137, %dma_start3A_138] : memref<80x128xi32, #tpu.memory_space<vmem>> -> memref<1x128xi32, #tpu.memory_space<vmem>>
        %dma_start3A_140 = tpu.memref_squeeze %dma_start3A_139 : memref<1x128xi32, #tpu.memory_space<vmem>> -> memref<128xi32, #tpu.memory_space<vmem>>
        %dma_start3A_141 = arith.constant 0 : i32
        %dma_start3A_142 = arith.constant 0 : i32
        %dma_start3A_143 = tpu.memref_slice %arg2[%dma_start3A_141, %dma_start3A_142] : memref<20000x64xf32, #tpu.memory_space<hbm>> -> memref<20000x64xf32, #tpu.memory_space<hbm>>
        tpu.enqueue_indirect_dma source(%dma_start3A_143 : memref<20000x64xf32, #tpu.memory_space<hbm>>) target(%arg15 : memref<128x64xf32, #tpu.memory_space<vmem>>) offsets(%dma_start3A_140 : memref<128xi32, #tpu.memory_space<vmem>>) semaphore(%arg23 : memref<!tpu.dma_semaphore, #tpu.memory_space<semaphore_mem>>)
        %add3A_144 = arith.constant 5 : i32
        %add3A_145 = arith.addi %mul3A_104, %add3A_144 : i32
        %dma_start3A_146 = arith.constant 0 : i32
        %dma_start3A_147 = tpu.memref_slice %arg9[%add3A_145, %dma_start3A_146] : memref<80x128xi32, #tpu.memory_space<vmem>> -> memref<1x128xi32, #tpu.memory_space<vmem>>
        %dma_start3A_148 = tpu.memref_squeeze %dma_start3A_147 : memref<1x128xi32, #tpu.memory_space<vmem>> -> memref<128xi32, #tpu.memory_space<vmem>>
        %dma_start3A_149 = arith.constant 0 : i32
        %dma_start3A_150 = arith.constant 0 : i32
        %dma_start3A_151 = tpu.memref_slice %arg2[%dma_start3A_149, %dma_start3A_150] : memref<20000x64xf32, #tpu.memory_space<hbm>> -> memref<20000x64xf32, #tpu.memory_space<hbm>>
        tpu.enqueue_indirect_dma source(%dma_start3A_151 : memref<20000x64xf32, #tpu.memory_space<hbm>>) target(%arg16 : memref<128x64xf32, #tpu.memory_space<vmem>>) offsets(%dma_start3A_148 : memref<128xi32, #tpu.memory_space<vmem>>) semaphore(%arg24 : memref<!tpu.dma_semaphore, #tpu.memory_space<semaphore_mem>>)
        %add3A_152 = arith.constant 6 : i32
        %add3A_153 = arith.addi %mul3A_104, %add3A_152 : i32
        %dma_start3A_154 = arith.constant 0 : i32
        %dma_start3A_155 = tpu.memref_slice %arg9[%add3A_153, %dma_start3A_154] : memref<80x128xi32, #tpu.memory_space<vmem>> -> memref<1x128xi32, #tpu.memory_space<vmem>>
        %dma_start3A_156 = tpu.memref_squeeze %dma_start3A_155 : memref<1x128xi32, #tpu.memory_space<vmem>> -> memref<128xi32, #tpu.memory_space<vmem>>
        %dma_start3A_157 = arith.constant 0 : i32
        %dma_start3A_158 = arith.constant 0 : i32
        %dma_start3A_159 = tpu.memref_slice %arg2[%dma_start3A_157, %dma_start3A_158] : memref<20000x64xf32, #tpu.memory_space<hbm>> -> memref<20000x64xf32, #tpu.memory_space<hbm>>
        tpu.enqueue_indirect_dma source(%dma_start3A_159 : memref<20000x64xf32, #tpu.memory_space<hbm>>) target(%arg17 : memref<128x64xf32, #tpu.memory_space<vmem>>) offsets(%dma_start3A_156 : memref<128xi32, #tpu.memory_space<vmem>>) semaphore(%arg25 : memref<!tpu.dma_semaphore, #tpu.memory_space<semaphore_mem>>)
        %add3A_160 = arith.constant 7 : i32
        %add3A_161 = arith.addi %mul3A_104, %add3A_160 : i32
        %dma_start3A_162 = arith.constant 0 : i32
        %dma_start3A_163 = tpu.memref_slice %arg9[%add3A_161, %dma_start3A_162] : memref<80x128xi32, #tpu.memory_space<vmem>> -> memref<1x128xi32, #tpu.memory_space<vmem>>
        %dma_start3A_164 = tpu.memref_squeeze %dma_start3A_163 : memref<1x128xi32, #tpu.memory_space<vmem>> -> memref<128xi32, #tpu.memory_space<vmem>>
        %dma_start3A_165 = arith.constant 0 : i32
        %dma_start3A_166 = arith.constant 0 : i32
        %dma_start3A_167 = tpu.memref_slice %arg2[%dma_start3A_165, %dma_start3A_166] : memref<20000x64xf32, #tpu.memory_space<hbm>> -> memref<20000x64xf32, #tpu.memory_space<hbm>>
        tpu.enqueue_indirect_dma source(%dma_start3A_167 : memref<20000x64xf32, #tpu.memory_space<hbm>>) target(%arg18 : memref<128x64xf32, #tpu.memory_space<vmem>>) offsets(%dma_start3A_164 : memref<128xi32, #tpu.memory_space<vmem>>) semaphore(%arg26 : memref<!tpu.dma_semaphore, #tpu.memory_space<semaphore_mem>>)
        %add3A_168 = arith.constant 0 : i32
        %add3A_169 = arith.addi %mul3A_104, %add3A_168 : i32
        %dma_start3A_170 = arith.constant 0 : i32
        %dma_start3A_171 = tpu.memref_slice %arg10[%add3A_169, %dma_start3A_170] : memref<80x128xi32, #tpu.memory_space<vmem>> -> memref<1x128xi32, #tpu.memory_space<vmem>>
        %dma_start3A_172 = tpu.memref_squeeze %dma_start3A_171 : memref<1x128xi32, #tpu.memory_space<vmem>> -> memref<128xi32, #tpu.memory_space<vmem>>
        %dma_start3A_173 = arith.constant 0 : i32
        %dma_start3A_174 = arith.constant 0 : i32
        %dma_start3A_175 = tpu.memref_slice %arg8[%dma_start3A_173, %dma_start3A_174] : memref<10008x64xf32, #tpu.memory_space<vmem_shared>> -> memref<10008x64xf32, #tpu.memory_space<vmem_shared>>
        tpu.enqueue_indirect_dma source(%arg11 : memref<128x64xf32, #tpu.memory_space<vmem>>) target(%dma_start3A_175 : memref<10008x64xf32, #tpu.memory_space<vmem_shared>>) offsets(%dma_start3A_172 : memref<128xi32, #tpu.memory_space<vmem>>) semaphore(%arg27 : memref<!tpu.dma_semaphore, #tpu.memory_space<semaphore_mem>>) {add = true}
        %add3A_176 = arith.constant 1 : i32
        %add3A_177 = arith.addi %mul3A_104, %add3A_176 : i32
        %dma_start3A_178 = arith.constant 0 : i32
        %dma_start3A_179 = tpu.memref_slice %arg10[%add3A_177, %dma_start3A_178] : memref<80x128xi32, #tpu.memory_space<vmem>> -> memref<1x128xi32, #tpu.memory_space<vmem>>
        %dma_start3A_180 = tpu.memref_squeeze %dma_start3A_179 : memref<1x128xi32, #tpu.memory_space<vmem>> -> memref<128xi32, #tpu.memory_space<vmem>>
        %dma_start3A_181 = arith.constant 0 : i32
        %dma_start3A_182 = arith.constant 0 : i32
        %dma_start3A_183 = tpu.memref_slice %arg8[%dma_start3A_181, %dma_start3A_182] : memref<10008x64xf32, #tpu.memory_space<vmem_shared>> -> memref<10008x64xf32, #tpu.memory_space<vmem_shared>>
        tpu.enqueue_indirect_dma source(%arg12 : memref<128x64xf32, #tpu.memory_space<vmem>>) target(%dma_start3A_183 : memref<10008x64xf32, #tpu.memory_space<vmem_shared>>) offsets(%dma_start3A_180 : memref<128xi32, #tpu.memory_space<vmem>>) semaphore(%arg28 : memref<!tpu.dma_semaphore, #tpu.memory_space<semaphore_mem>>) {add = true}
        %add3A_184 = arith.constant 2 : i32
        %add3A_185 = arith.addi %mul3A_104, %add3A_184 : i32
        %dma_start3A_186 = arith.constant 0 : i32
        %dma_start3A_187 = tpu.memref_slice %arg10[%add3A_185, %dma_start3A_186] : memref<80x128xi32, #tpu.memory_space<vmem>> -> memref<1x128xi32, #tpu.memory_space<vmem>>
        %dma_start3A_188 = tpu.memref_squeeze %dma_start3A_187 : memref<1x128xi32, #tpu.memory_space<vmem>> -> memref<128xi32, #tpu.memory_space<vmem>>
        %dma_start3A_189 = arith.constant 0 : i32
        %dma_start3A_190 = arith.constant 0 : i32
        %dma_start3A_191 = tpu.memref_slice %arg8[%dma_start3A_189, %dma_start3A_190] : memref<10008x64xf32, #tpu.memory_space<vmem_shared>> -> memref<10008x64xf32, #tpu.memory_space<vmem_shared>>
        tpu.enqueue_indirect_dma source(%arg13 : memref<128x64xf32, #tpu.memory_space<vmem>>) target(%dma_start3A_191 : memref<10008x64xf32, #tpu.memory_space<vmem_shared>>) offsets(%dma_start3A_188 : memref<128xi32, #tpu.memory_space<vmem>>) semaphore(%arg29 : memref<!tpu.dma_semaphore, #tpu.memory_space<semaphore_mem>>) {add = true}
        %add3A_192 = arith.constant 3 : i32
        %add3A_193 = arith.addi %mul3A_104, %add3A_192 : i32
        %dma_start3A_194 = arith.constant 0 : i32
        %dma_start3A_195 = tpu.memref_slice %arg10[%add3A_193, %dma_start3A_194] : memref<80x128xi32, #tpu.memory_space<vmem>> -> memref<1x128xi32, #tpu.memory_space<vmem>>
        %dma_start3A_196 = tpu.memref_squeeze %dma_start3A_195 : memref<1x128xi32, #tpu.memory_space<vmem>> -> memref<128xi32, #tpu.memory_space<vmem>>
        %dma_start3A_197 = arith.constant 0 : i32
        %dma_start3A_198 = arith.constant 0 : i32
        %dma_start3A_199 = tpu.memref_slice %arg8[%dma_start3A_197, %dma_start3A_198] : memref<10008x64xf32, #tpu.memory_space<vmem_shared>> -> memref<10008x64xf32, #tpu.memory_space<vmem_shared>>
        tpu.enqueue_indirect_dma source(%arg14 : memref<128x64xf32, #tpu.memory_space<vmem>>) target(%dma_start3A_199 : memref<10008x64xf32, #tpu.memory_space<vmem_shared>>) offsets(%dma_start3A_196 : memref<128xi32, #tpu.memory_space<vmem>>) semaphore(%arg30 : memref<!tpu.dma_semaphore, #tpu.memory_space<semaphore_mem>>) {add = true}
        %dma_wait3A_200 = arith.constant 0 : i32
        %dma_wait3A_201 = arith.constant 0 : i32
        %dma_wait3A_202 = tpu.memref_slice %arg9[%dma_wait3A_200, %dma_wait3A_201] : memref<80x128xi32, #tpu.memory_space<vmem>> -> memref<1x128xi32, #tpu.memory_space<vmem>>
        %dma_wait3A_203 = tpu.memref_squeeze %dma_wait3A_202 : memref<1x128xi32, #tpu.memory_space<vmem>> -> memref<128xi32, #tpu.memory_space<vmem>>
        %dma_wait3A_204 = arith.constant 0 : i32
        %dma_wait3A_205 = arith.constant 0 : i32
        %dma_wait3A_206 = tpu.memref_slice %arg2[%dma_wait3A_204, %dma_wait3A_205] : memref<20000x64xf32, #tpu.memory_space<hbm>> -> memref<20000x64xf32, #tpu.memory_space<hbm>>
        tpu.wait_indirect_dma semaphore(%arg23 : memref<!tpu.dma_semaphore, #tpu.memory_space<semaphore_mem>>) src(%dma_wait3A_206 : memref<20000x64xf32, #tpu.memory_space<hbm>>) dst(%arg15 : memref<128x64xf32, #tpu.memory_space<vmem>>)
        %dma_wait3A_207 = arith.constant 0 : i32
        %dma_wait3A_208 = arith.constant 0 : i32
        %dma_wait3A_209 = tpu.memref_slice %arg9[%dma_wait3A_207, %dma_wait3A_208] : memref<80x128xi32, #tpu.memory_space<vmem>> -> memref<1x128xi32, #tpu.memory_space<vmem>>
        %dma_wait3A_210 = tpu.memref_squeeze %dma_wait3A_209 : memref<1x128xi32, #tpu.memory_space<vmem>> -> memref<128xi32, #tpu.memory_space<vmem>>
        %dma_wait3A_211 = arith.constant 0 : i32
        %dma_wait3A_212 = arith.constant 0 : i32
        %dma_wait3A_213 = tpu.memref_slice %arg2[%dma_wait3A_211, %dma_wait3A_212] : memref<20000x64xf32, #tpu.memory_space<hbm>> -> memref<20000x64xf32, #tpu.memory_space<hbm>>
        tpu.wait_indirect_dma semaphore(%arg24 : memref<!tpu.dma_semaphore, #tpu.memory_space<semaphore_mem>>) src(%dma_wait3A_213 : memref<20000x64xf32, #tpu.memory_space<hbm>>) dst(%arg16 : memref<128x64xf32, #tpu.memory_space<vmem>>)
        %dma_wait3A_214 = arith.constant 0 : i32
        %dma_wait3A_215 = arith.constant 0 : i32
        %dma_wait3A_216 = tpu.memref_slice %arg9[%dma_wait3A_214, %dma_wait3A_215] : memref<80x128xi32, #tpu.memory_space<vmem>> -> memref<1x128xi32, #tpu.memory_space<vmem>>
        %dma_wait3A_217 = tpu.memref_squeeze %dma_wait3A_216 : memref<1x128xi32, #tpu.memory_space<vmem>> -> memref<128xi32, #tpu.memory_space<vmem>>
        %dma_wait3A_218 = arith.constant 0 : i32
        %dma_wait3A_219 = arith.constant 0 : i32
        %dma_wait3A_220 = tpu.memref_slice %arg2[%dma_wait3A_218, %dma_wait3A_219] : memref<20000x64xf32, #tpu.memory_space<hbm>> -> memref<20000x64xf32, #tpu.memory_space<hbm>>
        tpu.wait_indirect_dma semaphore(%arg25 : memref<!tpu.dma_semaphore, #tpu.memory_space<semaphore_mem>>) src(%dma_wait3A_220 : memref<20000x64xf32, #tpu.memory_space<hbm>>) dst(%arg17 : memref<128x64xf32, #tpu.memory_space<vmem>>)
        %dma_wait3A_221 = arith.constant 0 : i32
        %dma_wait3A_222 = arith.constant 0 : i32
        %dma_wait3A_223 = tpu.memref_slice %arg9[%dma_wait3A_221, %dma_wait3A_222] : memref<80x128xi32, #tpu.memory_space<vmem>> -> memref<1x128xi32, #tpu.memory_space<vmem>>
        %dma_wait3A_224 = tpu.memref_squeeze %dma_wait3A_223 : memref<1x128xi32, #tpu.memory_space<vmem>> -> memref<128xi32, #tpu.memory_space<vmem>>
        %dma_wait3A_225 = arith.constant 0 : i32
        %dma_wait3A_226 = arith.constant 0 : i32
        %dma_wait3A_227 = tpu.memref_slice %arg2[%dma_wait3A_225, %dma_wait3A_226] : memref<20000x64xf32, #tpu.memory_space<hbm>> -> memref<20000x64xf32, #tpu.memory_space<hbm>>
        tpu.wait_indirect_dma semaphore(%arg26 : memref<!tpu.dma_semaphore, #tpu.memory_space<semaphore_mem>>) src(%dma_wait3A_227 : memref<20000x64xf32, #tpu.memory_space<hbm>>) dst(%arg18 : memref<128x64xf32, #tpu.memory_space<vmem>>)
        %dma_wait3A_228 = arith.constant 0 : i32
        %dma_wait3A_229 = arith.constant 0 : i32
        %dma_wait3A_230 = tpu.memref_slice %arg10[%dma_wait3A_228, %dma_wait3A_229] : memref<80x128xi32, #tpu.memory_space<vmem>> -> memref<1x128xi32, #tpu.memory_space<vmem>>
        %dma_wait3A_231 = tpu.memref_squeeze %dma_wait3A_230 : memref<1x128xi32, #tpu.memory_space<vmem>> -> memref<128xi32, #tpu.memory_space<vmem>>
        %dma_wait3A_232 = arith.constant 0 : i32
        %dma_wait3A_233 = arith.constant 0 : i32
        %dma_wait3A_234 = tpu.memref_slice %arg8[%dma_wait3A_232, %dma_wait3A_233] : memref<10008x64xf32, #tpu.memory_space<vmem_shared>> -> memref<10008x64xf32, #tpu.memory_space<vmem_shared>>
        tpu.wait_indirect_dma semaphore(%arg27 : memref<!tpu.dma_semaphore, #tpu.memory_space<semaphore_mem>>) src(%arg11 : memref<128x64xf32, #tpu.memory_space<vmem>>) dst(%dma_wait3A_234 : memref<10008x64xf32, #tpu.memory_space<vmem_shared>>)
        %dma_wait3A_235 = arith.constant 0 : i32
        %dma_wait3A_236 = arith.constant 0 : i32
        %dma_wait3A_237 = tpu.memref_slice %arg10[%dma_wait3A_235, %dma_wait3A_236] : memref<80x128xi32, #tpu.memory_space<vmem>> -> memref<1x128xi32, #tpu.memory_space<vmem>>
        %dma_wait3A_238 = tpu.memref_squeeze %dma_wait3A_237 : memref<1x128xi32, #tpu.memory_space<vmem>> -> memref<128xi32, #tpu.memory_space<vmem>>
        %dma_wait3A_239 = arith.constant 0 : i32
        %dma_wait3A_240 = arith.constant 0 : i32
        %dma_wait3A_241 = tpu.memref_slice %arg8[%dma_wait3A_239, %dma_wait3A_240] : memref<10008x64xf32, #tpu.memory_space<vmem_shared>> -> memref<10008x64xf32, #tpu.memory_space<vmem_shared>>
        tpu.wait_indirect_dma semaphore(%arg28 : memref<!tpu.dma_semaphore, #tpu.memory_space<semaphore_mem>>) src(%arg12 : memref<128x64xf32, #tpu.memory_space<vmem>>) dst(%dma_wait3A_241 : memref<10008x64xf32, #tpu.memory_space<vmem_shared>>)
        %dma_wait3A_242 = arith.constant 0 : i32
        %dma_wait3A_243 = arith.constant 0 : i32
        %dma_wait3A_244 = tpu.memref_slice %arg10[%dma_wait3A_242, %dma_wait3A_243] : memref<80x128xi32, #tpu.memory_space<vmem>> -> memref<1x128xi32, #tpu.memory_space<vmem>>
        %dma_wait3A_245 = tpu.memref_squeeze %dma_wait3A_244 : memref<1x128xi32, #tpu.memory_space<vmem>> -> memref<128xi32, #tpu.memory_space<vmem>>
        %dma_wait3A_246 = arith.constant 0 : i32
        %dma_wait3A_247 = arith.constant 0 : i32
        %dma_wait3A_248 = tpu.memref_slice %arg8[%dma_wait3A_246, %dma_wait3A_247] : memref<10008x64xf32, #tpu.memory_space<vmem_shared>> -> memref<10008x64xf32, #tpu.memory_space<vmem_shared>>
        tpu.wait_indirect_dma semaphore(%arg29 : memref<!tpu.dma_semaphore, #tpu.memory_space<semaphore_mem>>) src(%arg13 : memref<128x64xf32, #tpu.memory_space<vmem>>) dst(%dma_wait3A_248 : memref<10008x64xf32, #tpu.memory_space<vmem_shared>>)
        %dma_wait3A_249 = arith.constant 0 : i32
        %dma_wait3A_250 = arith.constant 0 : i32
        %dma_wait3A_251 = tpu.memref_slice %arg10[%dma_wait3A_249, %dma_wait3A_250] : memref<80x128xi32, #tpu.memory_space<vmem>> -> memref<1x128xi32, #tpu.memory_space<vmem>>
        %dma_wait3A_252 = tpu.memref_squeeze %dma_wait3A_251 : memref<1x128xi32, #tpu.memory_space<vmem>> -> memref<128xi32, #tpu.memory_space<vmem>>
        %dma_wait3A_253 = arith.constant 0 : i32
        %dma_wait3A_254 = arith.constant 0 : i32
        %dma_wait3A_255 = tpu.memref_slice %arg8[%dma_wait3A_253, %dma_wait3A_254] : memref<10008x64xf32, #tpu.memory_space<vmem_shared>> -> memref<10008x64xf32, #tpu.memory_space<vmem_shared>>
        tpu.wait_indirect_dma semaphore(%arg30 : memref<!tpu.dma_semaphore, #tpu.memory_space<semaphore_mem>>) src(%arg14 : memref<128x64xf32, #tpu.memory_space<vmem>>) dst(%dma_wait3A_255 : memref<10008x64xf32, #tpu.memory_space<vmem_shared>>)
        %lt3A_256 = arith.constant 9 : i32
        %lt3A_257 = arith.cmpi slt, %scan3A_101, %lt3A_256 : i32
        %convert_element_type3A_258 = arith.extui %lt3A_257 : i1 to i32
        %cond3A_259 = arith.constant 0 : i32
        %cond3A_260 = arith.cmpi ne, %convert_element_type3A_258, %cond3A_259 : i32
        scf.if %cond3A_260 {
          %add3A_294 = arith.constant 8 : i32
          %add3A_295 = arith.addi %mul3A_104, %add3A_294 : i32
          %add3A_296 = arith.constant 0 : i32
          %add3A_297 = arith.addi %add3A_295, %add3A_296 : i32
          %dma_start3A_298 = arith.constant 0 : i32
          %dma_start3A_299 = tpu.memref_slice %arg9[%add3A_297, %dma_start3A_298] : memref<80x128xi32, #tpu.memory_space<vmem>> -> memref<1x128xi32, #tpu.memory_space<vmem>>
          %dma_start3A_300 = tpu.memref_squeeze %dma_start3A_299 : memref<1x128xi32, #tpu.memory_space<vmem>> -> memref<128xi32, #tpu.memory_space<vmem>>
          %dma_start3A_301 = arith.constant 0 : i32
          %dma_start3A_302 = arith.constant 0 : i32
          %dma_start3A_303 = tpu.memref_slice %arg2[%dma_start3A_301, %dma_start3A_302] : memref<20000x64xf32, #tpu.memory_space<hbm>> -> memref<20000x64xf32, #tpu.memory_space<hbm>>
          tpu.enqueue_indirect_dma source(%dma_start3A_303 : memref<20000x64xf32, #tpu.memory_space<hbm>>) target(%arg11 : memref<128x64xf32, #tpu.memory_space<vmem>>) offsets(%dma_start3A_300 : memref<128xi32, #tpu.memory_space<vmem>>) semaphore(%arg19 : memref<!tpu.dma_semaphore, #tpu.memory_space<semaphore_mem>>)
          %add3A_304 = arith.constant 8 : i32
          %add3A_305 = arith.addi %mul3A_104, %add3A_304 : i32
          %add3A_306 = arith.constant 1 : i32
          %add3A_307 = arith.addi %add3A_305, %add3A_306 : i32
          %dma_start3A_308 = arith.constant 0 : i32
          %dma_start3A_309 = tpu.memref_slice %arg9[%add3A_307, %dma_start3A_308] : memref<80x128xi32, #tpu.memory_space<vmem>> -> memref<1x128xi32, #tpu.memory_space<vmem>>
          %dma_start3A_310 = tpu.memref_squeeze %dma_start3A_309 : memref<1x128xi32, #tpu.memory_space<vmem>> -> memref<128xi32, #tpu.memory_space<vmem>>
          %dma_start3A_311 = arith.constant 0 : i32
          %dma_start3A_312 = arith.constant 0 : i32
          %dma_start3A_313 = tpu.memref_slice %arg2[%dma_start3A_311, %dma_start3A_312] : memref<20000x64xf32, #tpu.memory_space<hbm>> -> memref<20000x64xf32, #tpu.memory_space<hbm>>
          tpu.enqueue_indirect_dma source(%dma_start3A_313 : memref<20000x64xf32, #tpu.memory_space<hbm>>) target(%arg12 : memref<128x64xf32, #tpu.memory_space<vmem>>) offsets(%dma_start3A_310 : memref<128xi32, #tpu.memory_space<vmem>>) semaphore(%arg20 : memref<!tpu.dma_semaphore, #tpu.memory_space<semaphore_mem>>)
          %add3A_314 = arith.constant 8 : i32
          %add3A_315 = arith.addi %mul3A_104, %add3A_314 : i32
          %add3A_316 = arith.constant 2 : i32
          %add3A_317 = arith.addi %add3A_315, %add3A_316 : i32
          %dma_start3A_318 = arith.constant 0 : i32
          %dma_start3A_319 = tpu.memref_slice %arg9[%add3A_317, %dma_start3A_318] : memref<80x128xi32, #tpu.memory_space<vmem>> -> memref<1x128xi32, #tpu.memory_space<vmem>>
          %dma_start3A_320 = tpu.memref_squeeze %dma_start3A_319 : memref<1x128xi32, #tpu.memory_space<vmem>> -> memref<128xi32, #tpu.memory_space<vmem>>
          %dma_start3A_321 = arith.constant 0 : i32
          %dma_start3A_322 = arith.constant 0 : i32
          %dma_start3A_323 = tpu.memref_slice %arg2[%dma_start3A_321, %dma_start3A_322] : memref<20000x64xf32, #tpu.memory_space<hbm>> -> memref<20000x64xf32, #tpu.memory_space<hbm>>
          tpu.enqueue_indirect_dma source(%dma_start3A_323 : memref<20000x64xf32, #tpu.memory_space<hbm>>) target(%arg13 : memref<128x64xf32, #tpu.memory_space<vmem>>) offsets(%dma_start3A_320 : memref<128xi32, #tpu.memory_space<vmem>>) semaphore(%arg21 : memref<!tpu.dma_semaphore, #tpu.memory_space<semaphore_mem>>)
          %add3A_324 = arith.constant 8 : i32
          %add3A_325 = arith.addi %mul3A_104, %add3A_324 : i32
          %add3A_326 = arith.constant 3 : i32
          %add3A_327 = arith.addi %add3A_325, %add3A_326 : i32
          %dma_start3A_328 = arith.constant 0 : i32
          %dma_start3A_329 = tpu.memref_slice %arg9[%add3A_327, %dma_start3A_328] : memref<80x128xi32, #tpu.memory_space<vmem>> -> memref<1x128xi32, #tpu.memory_space<vmem>>
          %dma_start3A_330 = tpu.memref_squeeze %dma_start3A_329 : memref<1x128xi32, #tpu.memory_space<vmem>> -> memref<128xi32, #tpu.memory_space<vmem>>
          %dma_start3A_331 = arith.constant 0 : i32
          %dma_start3A_332 = arith.constant 0 : i32
          %dma_start3A_333 = tpu.memref_slice %arg2[%dma_start3A_331, %dma_start3A_332] : memref<20000x64xf32, #tpu.memory_space<hbm>> -> memref<20000x64xf32, #tpu.memory_space<hbm>>
          tpu.enqueue_indirect_dma source(%dma_start3A_333 : memref<20000x64xf32, #tpu.memory_space<hbm>>) target(%arg14 : memref<128x64xf32, #tpu.memory_space<vmem>>) offsets(%dma_start3A_330 : memref<128xi32, #tpu.memory_space<vmem>>) semaphore(%arg22 : memref<!tpu.dma_semaphore, #tpu.memory_space<semaphore_mem>>)
        } else {
        }
        %add3A_261 = arith.constant 4 : i32
        %add3A_262 = arith.addi %mul3A_104, %add3A_261 : i32
        %dma_start3A_263 = arith.constant 0 : i32
        %dma_start3A_264 = tpu.memref_slice %arg10[%add3A_262, %dma_start3A_263] : memref<80x128xi32, #tpu.memory_space<vmem>> -> memref<1x128xi32, #tpu.memory_space<vmem>>
        %dma_start3A_265 = tpu.memref_squeeze %dma_start3A_264 : memref<1x128xi32, #tpu.memory_space<vmem>> -> memref<128xi32, #tpu.memory_space<vmem>>
        %dma_start3A_266 = arith.constant 0 : i32
        %dma_start3A_267 = arith.constant 0 : i32
        %dma_start3A_268 = tpu.memref_slice %arg8[%dma_start3A_266, %dma_start3A_267] : memref<10008x64xf32, #tpu.memory_space<vmem_shared>> -> memref<10008x64xf32, #tpu.memory_space<vmem_shared>>
        tpu.enqueue_indirect_dma source(%arg15 : memref<128x64xf32, #tpu.memory_space<vmem>>) target(%dma_start3A_268 : memref<10008x64xf32, #tpu.memory_space<vmem_shared>>) offsets(%dma_start3A_265 : memref<128xi32, #tpu.memory_space<vmem>>) semaphore(%arg31 : memref<!tpu.dma_semaphore, #tpu.memory_space<semaphore_mem>>) {add = true}
        %add3A_269 = arith.constant 5 : i32
        %add3A_270 = arith.addi %mul3A_104, %add3A_269 : i32
        %dma_start3A_271 = arith.constant 0 : i32
        %dma_start3A_272 = tpu.memref_slice %arg10[%add3A_270, %dma_start3A_271] : memref<80x128xi32, #tpu.memory_space<vmem>> -> memref<1x128xi32, #tpu.memory_space<vmem>>
        %dma_start3A_273 = tpu.memref_squeeze %dma_start3A_272 : memref<1x128xi32, #tpu.memory_space<vmem>> -> memref<128xi32, #tpu.memory_space<vmem>>
        %dma_start3A_274 = arith.constant 0 : i32
        %dma_start3A_275 = arith.constant 0 : i32
        %dma_start3A_276 = tpu.memref_slice %arg8[%dma_start3A_274, %dma_start3A_275] : memref<10008x64xf32, #tpu.memory_space<vmem_shared>> -> memref<10008x64xf32, #tpu.memory_space<vmem_shared>>
        tpu.enqueue_indirect_dma source(%arg16 : memref<128x64xf32, #tpu.memory_space<vmem>>) target(%dma_start3A_276 : memref<10008x64xf32, #tpu.memory_space<vmem_shared>>) offsets(%dma_start3A_273 : memref<128xi32, #tpu.memory_space<vmem>>) semaphore(%arg32 : memref<!tpu.dma_semaphore, #tpu.memory_space<semaphore_mem>>) {add = true}
        %add3A_277 = arith.constant 6 : i32
        %add3A_278 = arith.addi %mul3A_104, %add3A_277 : i32
        %dma_start3A_279 = arith.constant 0 : i32
        %dma_start3A_280 = tpu.memref_slice %arg10[%add3A_278, %dma_start3A_279] : memref<80x128xi32, #tpu.memory_space<vmem>> -> memref<1x128xi32, #tpu.memory_space<vmem>>
        %dma_start3A_281 = tpu.memref_squeeze %dma_start3A_280 : memref<1x128xi32, #tpu.memory_space<vmem>> -> memref<128xi32, #tpu.memory_space<vmem>>
        %dma_start3A_282 = arith.constant 0 : i32
        %dma_start3A_283 = arith.constant 0 : i32
        %dma_start3A_284 = tpu.memref_slice %arg8[%dma_start3A_282, %dma_start3A_283] : memref<10008x64xf32, #tpu.memory_space<vmem_shared>> -> memref<10008x64xf32, #tpu.memory_space<vmem_shared>>
        tpu.enqueue_indirect_dma source(%arg17 : memref<128x64xf32, #tpu.memory_space<vmem>>) target(%dma_start3A_284 : memref<10008x64xf32, #tpu.memory_space<vmem_shared>>) offsets(%dma_start3A_281 : memref<128xi32, #tpu.memory_space<vmem>>) semaphore(%arg33 : memref<!tpu.dma_semaphore, #tpu.memory_space<semaphore_mem>>) {add = true}
        %add3A_285 = arith.constant 7 : i32
        %add3A_286 = arith.addi %mul3A_104, %add3A_285 : i32
        %dma_start3A_287 = arith.constant 0 : i32
        %dma_start3A_288 = tpu.memref_slice %arg10[%add3A_286, %dma_start3A_287] : memref<80x128xi32, #tpu.memory_space<vmem>> -> memref<1x128xi32, #tpu.memory_space<vmem>>
        %dma_start3A_289 = tpu.memref_squeeze %dma_start3A_288 : memref<1x128xi32, #tpu.memory_space<vmem>> -> memref<128xi32, #tpu.memory_space<vmem>>
        %dma_start3A_290 = arith.constant 0 : i32
        %dma_start3A_291 = arith.constant 0 : i32
        %dma_start3A_292 = tpu.memref_slice %arg8[%dma_start3A_290, %dma_start3A_291] : memref<10008x64xf32, #tpu.memory_space<vmem_shared>> -> memref<10008x64xf32, #tpu.memory_space<vmem_shared>>
        tpu.enqueue_indirect_dma source(%arg18 : memref<128x64xf32, #tpu.memory_space<vmem>>) target(%dma_start3A_292 : memref<10008x64xf32, #tpu.memory_space<vmem_shared>>) offsets(%dma_start3A_289 : memref<128xi32, #tpu.memory_space<vmem>>) semaphore(%arg34 : memref<!tpu.dma_semaphore, #tpu.memory_space<semaphore_mem>>) {add = true}
        %scan3A_293 = arith.constant 0 : i32
        scf.yield %scan3A_293 : i32
      }
      %scan3A_72 = arith.constant 10 : i32
      %dma_wait3A = arith.constant 0 : i32
      %dma_wait3A_73 = arith.constant 0 : i32
      %dma_wait3A_74 = tpu.memref_slice %arg10[%dma_wait3A, %dma_wait3A_73] : memref<80x128xi32, #tpu.memory_space<vmem>> -> memref<1x128xi32, #tpu.memory_space<vmem>>
      %dma_wait3A_75 = tpu.memref_squeeze %dma_wait3A_74 : memref<1x128xi32, #tpu.memory_space<vmem>> -> memref<128xi32, #tpu.memory_space<vmem>>
      %dma_wait3A_76 = arith.constant 0 : i32
      %dma_wait3A_77 = arith.constant 0 : i32
      %dma_wait3A_78 = tpu.memref_slice %arg8[%dma_wait3A_76, %dma_wait3A_77] : memref<10008x64xf32, #tpu.memory_space<vmem_shared>> -> memref<10008x64xf32, #tpu.memory_space<vmem_shared>>
      tpu.wait_indirect_dma semaphore(%arg31 : memref<!tpu.dma_semaphore, #tpu.memory_space<semaphore_mem>>) src(%arg15 : memref<128x64xf32, #tpu.memory_space<vmem>>) dst(%dma_wait3A_78 : memref<10008x64xf32, #tpu.memory_space<vmem_shared>>)
      %dma_wait3A_79 = arith.constant 0 : i32
      %dma_wait3A_80 = arith.constant 0 : i32
      %dma_wait3A_81 = tpu.memref_slice %arg10[%dma_wait3A_79, %dma_wait3A_80] : memref<80x128xi32, #tpu.memory_space<vmem>> -> memref<1x128xi32, #tpu.memory_space<vmem>>
      %dma_wait3A_82 = tpu.memref_squeeze %dma_wait3A_81 : memref<1x128xi32, #tpu.memory_space<vmem>> -> memref<128xi32, #tpu.memory_space<vmem>>
      %dma_wait3A_83 = arith.constant 0 : i32
      %dma_wait3A_84 = arith.constant 0 : i32
      %dma_wait3A_85 = tpu.memref_slice %arg8[%dma_wait3A_83, %dma_wait3A_84] : memref<10008x64xf32, #tpu.memory_space<vmem_shared>> -> memref<10008x64xf32, #tpu.memory_space<vmem_shared>>
      tpu.wait_indirect_dma semaphore(%arg32 : memref<!tpu.dma_semaphore, #tpu.memory_space<semaphore_mem>>) src(%arg16 : memref<128x64xf32, #tpu.memory_space<vmem>>) dst(%dma_wait3A_85 : memref<10008x64xf32, #tpu.memory_space<vmem_shared>>)
      %dma_wait3A_86 = arith.constant 0 : i32
      %dma_wait3A_87 = arith.constant 0 : i32
      %dma_wait3A_88 = tpu.memref_slice %arg10[%dma_wait3A_86, %dma_wait3A_87] : memref<80x128xi32, #tpu.memory_space<vmem>> -> memref<1x128xi32, #tpu.memory_space<vmem>>
      %dma_wait3A_89 = tpu.memref_squeeze %dma_wait3A_88 : memref<1x128xi32, #tpu.memory_space<vmem>> -> memref<128xi32, #tpu.memory_space<vmem>>
      %dma_wait3A_90 = arith.constant 0 : i32
      %dma_wait3A_91 = arith.constant 0 : i32
      %dma_wait3A_92 = tpu.memref_slice %arg8[%dma_wait3A_90, %dma_wait3A_91] : memref<10008x64xf32, #tpu.memory_space<vmem_shared>> -> memref<10008x64xf32, #tpu.memory_space<vmem_shared>>
      tpu.wait_indirect_dma semaphore(%arg33 : memref<!tpu.dma_semaphore, #tpu.memory_space<semaphore_mem>>) src(%arg17 : memref<128x64xf32, #tpu.memory_space<vmem>>) dst(%dma_wait3A_92 : memref<10008x64xf32, #tpu.memory_space<vmem_shared>>)
      %dma_wait3A_93 = arith.constant 0 : i32
      %dma_wait3A_94 = arith.constant 0 : i32
      %dma_wait3A_95 = tpu.memref_slice %arg10[%dma_wait3A_93, %dma_wait3A_94] : memref<80x128xi32, #tpu.memory_space<vmem>> -> memref<1x128xi32, #tpu.memory_space<vmem>>
      %dma_wait3A_96 = tpu.memref_squeeze %dma_wait3A_95 : memref<1x128xi32, #tpu.memory_space<vmem>> -> memref<128xi32, #tpu.memory_space<vmem>>
      %dma_wait3A_97 = arith.constant 0 : i32
      %dma_wait3A_98 = arith.constant 0 : i32
      %dma_wait3A_99 = tpu.memref_slice %arg8[%dma_wait3A_97, %dma_wait3A_98] : memref<10008x64xf32, #tpu.memory_space<vmem_shared>> -> memref<10008x64xf32, #tpu.memory_space<vmem_shared>>
      tpu.wait_indirect_dma semaphore(%arg34 : memref<!tpu.dma_semaphore, #tpu.memory_space<semaphore_mem>>) src(%arg18 : memref<128x64xf32, #tpu.memory_space<vmem>>) dst(%dma_wait3A_99 : memref<10008x64xf32, #tpu.memory_space<vmem_shared>>)
      %scan3A_100 = arith.constant 0 : i32
      scf.yield %scan3A_100 : i32
    }
    %scan3A_12 = arith.constant 2 : i32
    %barrier3A_13 = arith.constant 0 : index
    tpu.barrier barrier_id(%barrier3A_13)
    %eq3A_14 = arith.constant 0 : i32
    %eq3A_15 = arith.cmpi eq, %arg0, %eq3A_14 : i32
    %convert_element_type3A_16 = arith.extui %eq3A_15 : i1 to i32
    %cond3A_17 = arith.constant 0 : i32
    %cond3A_18 = arith.cmpi ne, %convert_element_type3A_16, %cond3A_17 : i32
    scf.if %cond3A_18 {
      %mul3A_24 = arith.constant 624 : i32
      %mul3A_25 = arith.muli %arg1, %mul3A_24 : i32
      %multiple_of3A_26 = tpu.assume_multiple %mul3A_25, 8 : i32
      %lt3A_27 = arith.constant 15 : i32
      %lt3A_28 = arith.cmpi slt, %arg1, %lt3A_27 : i32
      %convert_element_type3A_29 = arith.extui %lt3A_28 : i1 to i32
      %cond3A_30 = arith.constant 0 : i32
      %cond3A_31 = arith.cmpi ne, %convert_element_type3A_29, %cond3A_30 : i32
      scf.if %cond3A_31 {
        "tpu.region"() ({
          %run_scoped3A = tpu.sem_alloc : memref<!tpu.dma_semaphore, #tpu.memory_space<semaphore_mem>>
          %dma_start3A = arith.constant 0 : i32
          %dma_start3A_37 = tpu.memref_slice %arg7[%multiple_of3A_26, %dma_start3A] : memref<10000x128xf32, #tpu.memory_space<hbm>> -> memref<624x64xf32, #tpu.memory_space<hbm>>
          %dma_start3A_38 = arith.constant 0 : i32
          %dma_start3A_39 = tpu.memref_slice %arg8[%multiple_of3A_26, %dma_start3A_38] : memref<10008x64xf32, #tpu.memory_space<vmem_shared>> -> memref<624x64xf32, #tpu.memory_space<vmem_shared>>
          tpu.enqueue_dma source(%dma_start3A_39 : memref<624x64xf32, #tpu.memory_space<vmem_shared>>) target(%dma_start3A_37 : memref<624x64xf32, #tpu.memory_space<hbm>>) target_semaphore(%run_scoped3A : memref<!tpu.dma_semaphore, #tpu.memory_space<semaphore_mem>>)
          %dma_wait3A = arith.constant 0 : i32
          %dma_wait3A_40 = tpu.memref_slice %arg7[%multiple_of3A_26, %dma_wait3A] : memref<10000x128xf32, #tpu.memory_space<hbm>> -> memref<624x64xf32, #tpu.memory_space<hbm>>
          %dma_wait3A_41 = arith.constant 0 : i32
          %dma_wait3A_42 = tpu.memref_slice %arg8[%multiple_of3A_26, %dma_wait3A_41] : memref<10008x64xf32, #tpu.memory_space<vmem_shared>> -> memref<624x64xf32, #tpu.memory_space<vmem_shared>>
          tpu.wait_dma2 semaphore(%run_scoped3A : memref<!tpu.dma_semaphore, #tpu.memory_space<semaphore_mem>>) src(%dma_wait3A_42 : memref<624x64xf32, #tpu.memory_space<vmem_shared>>) dst(%dma_wait3A_40 : memref<624x64xf32, #tpu.memory_space<hbm>>)
          tpu.yield
        }) : () -> ()
      } else {
      }
      %eq3A_32 = arith.constant 15 : i32
      %eq3A_33 = arith.cmpi eq, %arg1, %eq3A_32 : i32
      %convert_element_type3A_34 = arith.extui %eq3A_33 : i1 to i32
      %cond3A_35 = arith.constant 0 : i32
      %cond3A_36 = arith.cmpi ne, %convert_element_type3A_34, %cond3A_35 : i32
      scf.if %cond3A_36 {
        "tpu.region"() ({
          %run_scoped3A = tpu.sem_alloc : memref<!tpu.dma_semaphore, #tpu.memory_space<semaphore_mem>>
          %dma_start3A = arith.constant 0 : i32
          %dma_start3A_37 = tpu.memref_slice %arg7[%multiple_of3A_26, %dma_start3A] : memref<10000x128xf32, #tpu.memory_space<hbm>> -> memref<640x64xf32, #tpu.memory_space<hbm>>
          %dma_start3A_38 = arith.constant 0 : i32
          %dma_start3A_39 = tpu.memref_slice %arg8[%multiple_of3A_26, %dma_start3A_38] : memref<10008x64xf32, #tpu.memory_space<vmem_shared>> -> memref<640x64xf32, #tpu.memory_space<vmem_shared>>
          tpu.enqueue_dma source(%dma_start3A_39 : memref<640x64xf32, #tpu.memory_space<vmem_shared>>) target(%dma_start3A_37 : memref<640x64xf32, #tpu.memory_space<hbm>>) target_semaphore(%run_scoped3A : memref<!tpu.dma_semaphore, #tpu.memory_space<semaphore_mem>>)
          %dma_wait3A = arith.constant 0 : i32
          %dma_wait3A_40 = tpu.memref_slice %arg7[%multiple_of3A_26, %dma_wait3A] : memref<10000x128xf32, #tpu.memory_space<hbm>> -> memref<640x64xf32, #tpu.memory_space<hbm>>
          %dma_wait3A_41 = arith.constant 0 : i32
          %dma_wait3A_42 = tpu.memref_slice %arg8[%multiple_of3A_26, %dma_wait3A_41] : memref<10008x64xf32, #tpu.memory_space<vmem_shared>> -> memref<640x64xf32, #tpu.memory_space<vmem_shared>>
          tpu.wait_dma2 semaphore(%run_scoped3A : memref<!tpu.dma_semaphore, #tpu.memory_space<semaphore_mem>>) src(%dma_wait3A_42 : memref<640x64xf32, #tpu.memory_space<vmem_shared>>) dst(%dma_wait3A_40 : memref<640x64xf32, #tpu.memory_space<hbm>>)
          tpu.yield
        }) : () -> ()
      } else {
      }
    } else {
    }
    %eq3A_19 = arith.constant 1 : i32
    %eq3A_20 = arith.cmpi eq, %arg0, %eq3A_19 : i32
    %convert_element_type3A_21 = arith.extui %eq3A_20 : i1 to i32
    %cond3A_22 = arith.constant 0 : i32
    %cond3A_23 = arith.cmpi ne, %convert_element_type3A_21, %cond3A_22 : i32
    scf.if %cond3A_23 {
      %mul3A_24 = arith.constant 624 : i32
      %mul3A_25 = arith.muli %arg1, %mul3A_24 : i32
      %multiple_of3A_26 = tpu.assume_multiple %mul3A_25, 8 : i32
      %lt3A_27 = arith.constant 15 : i32
      %lt3A_28 = arith.cmpi slt, %arg1, %lt3A_27 : i32
      %convert_element_type3A_29 = arith.extui %lt3A_28 : i1 to i32
      %cond3A_30 = arith.constant 0 : i32
      %cond3A_31 = arith.cmpi ne, %convert_element_type3A_29, %cond3A_30 : i32
      scf.if %cond3A_31 {
        "tpu.region"() ({
          %run_scoped3A = tpu.sem_alloc : memref<!tpu.dma_semaphore, #tpu.memory_space<semaphore_mem>>
          %dma_start3A = arith.constant 64 : i32
          %dma_start3A_37 = tpu.memref_slice %arg7[%multiple_of3A_26, %dma_start3A] : memref<10000x128xf32, #tpu.memory_space<hbm>> -> memref<624x64xf32, #tpu.memory_space<hbm>>
          %dma_start3A_38 = arith.constant 0 : i32
          %dma_start3A_39 = tpu.memref_slice %arg8[%multiple_of3A_26, %dma_start3A_38] : memref<10008x64xf32, #tpu.memory_space<vmem_shared>> -> memref<624x64xf32, #tpu.memory_space<vmem_shared>>
          tpu.enqueue_dma source(%dma_start3A_39 : memref<624x64xf32, #tpu.memory_space<vmem_shared>>) target(%dma_start3A_37 : memref<624x64xf32, #tpu.memory_space<hbm>>) target_semaphore(%run_scoped3A : memref<!tpu.dma_semaphore, #tpu.memory_space<semaphore_mem>>)
          %dma_wait3A = arith.constant 64 : i32
          %dma_wait3A_40 = tpu.memref_slice %arg7[%multiple_of3A_26, %dma_wait3A] : memref<10000x128xf32, #tpu.memory_space<hbm>> -> memref<624x64xf32, #tpu.memory_space<hbm>>
          %dma_wait3A_41 = arith.constant 0 : i32
          %dma_wait3A_42 = tpu.memref_slice %arg8[%multiple_of3A_26, %dma_wait3A_41] : memref<10008x64xf32, #tpu.memory_space<vmem_shared>> -> memref<624x64xf32, #tpu.memory_space<vmem_shared>>
          tpu.wait_dma2 semaphore(%run_scoped3A : memref<!tpu.dma_semaphore, #tpu.memory_space<semaphore_mem>>) src(%dma_wait3A_42 : memref<624x64xf32, #tpu.memory_space<vmem_shared>>) dst(%dma_wait3A_40 : memref<624x64xf32, #tpu.memory_space<hbm>>)
          tpu.yield
        }) : () -> ()
      } else {
      }
      %eq3A_32 = arith.constant 15 : i32
      %eq3A_33 = arith.cmpi eq, %arg1, %eq3A_32 : i32
      %convert_element_type3A_34 = arith.extui %eq3A_33 : i1 to i32
      %cond3A_35 = arith.constant 0 : i32
      %cond3A_36 = arith.cmpi ne, %convert_element_type3A_34, %cond3A_35 : i32
      scf.if %cond3A_36 {
        "tpu.region"() ({
          %run_scoped3A = tpu.sem_alloc : memref<!tpu.dma_semaphore, #tpu.memory_space<semaphore_mem>>
          %dma_start3A = arith.constant 64 : i32
          %dma_start3A_37 = tpu.memref_slice %arg7[%multiple_of3A_26, %dma_start3A] : memref<10000x128xf32, #tpu.memory_space<hbm>> -> memref<640x64xf32, #tpu.memory_space<hbm>>
          %dma_start3A_38 = arith.constant 0 : i32
          %dma_start3A_39 = tpu.memref_slice %arg8[%multiple_of3A_26, %dma_start3A_38] : memref<10008x64xf32, #tpu.memory_space<vmem_shared>> -> memref<640x64xf32, #tpu.memory_space<vmem_shared>>
          tpu.enqueue_dma source(%dma_start3A_39 : memref<640x64xf32, #tpu.memory_space<vmem_shared>>) target(%dma_start3A_37 : memref<640x64xf32, #tpu.memory_space<hbm>>) target_semaphore(%run_scoped3A : memref<!tpu.dma_semaphore, #tpu.memory_space<semaphore_mem>>)
          %dma_wait3A = arith.constant 64 : i32
          %dma_wait3A_40 = tpu.memref_slice %arg7[%multiple_of3A_26, %dma_wait3A] : memref<10000x128xf32, #tpu.memory_space<hbm>> -> memref<640x64xf32, #tpu.memory_space<hbm>>
          %dma_wait3A_41 = arith.constant 0 : i32
          %dma_wait3A_42 = tpu.memref_slice %arg8[%multiple_of3A_26, %dma_wait3A_41] : memref<10008x64xf32, #tpu.memory_space<vmem_shared>> -> memref<640x64xf32, #tpu.memory_space<vmem_shared>>
          tpu.wait_dma2 semaphore(%run_scoped3A : memref<!tpu.dma_semaphore, #tpu.memory_space<semaphore_mem>>) src(%dma_wait3A_42 : memref<640x64xf32, #tpu.memory_space<vmem_shared>>) dst(%dma_wait3A_40 : memref<640x64xf32, #tpu.memory_space<hbm>>)
          tpu.yield
        }) : () -> ()
      } else {
      }
    } else {
    }
    return
  }
}

module attributes {stable_mosaic.version = 14 : i64} {
  func.func @_tc1_body(%arg0: i32, %arg1: memref<2000x128xf32, #tpu.memory_space<vmem>>, %arg2: memref<128x128xf32, #tpu.memory_space<vmem>>, %arg3: memref<2x2000x16xf32, #tpu.memory_space<vmem>>, %arg4: memref<2000x128xf32, #tpu.memory_space<vmem>>) attributes {dimension_semantics = [#tpu.dimension_semantics<arbitrary>], iteration_bounds = array<i64: 5>, scalar_prefetch = 0 : i64, scratch_operands = 0 : i64, tpu.core_type = #tpu.core_type<tc>, window_params = [{transform_indices = @transform_0, window_bounds = array<i64: 2000, 128>}, {pipeline_mode = #tpu.pipeline_mode<synchronous>, transform_indices = @transform_1, window_bounds = array<i64: 128, 128>}, {transform_indices = @transform_2, window_bounds = array<i64: 2, 2000, 16>}, {transform_indices = @transform_3, window_bounds = array<i64: 2000, 128>}]} {
    %get3A = arith.constant 0 : index
    %get3A_0 = arith.constant 0 : index
    %get3A_1 = arith.constant 0 : index
    %get3A_2 = vector.load %arg3[%get3A, %get3A_0, %get3A_1] : memref<2x2000x16xf32, #tpu.memory_space<vmem>>, vector<1x2000x1xf32>
    %get3A_3 = vector.shape_cast %get3A_2 : vector<1x2000x1xf32> to vector<2000xf32>
    %get3A_4 = arith.constant 1 : index
    %get3A_5 = arith.constant 0 : index
    %get3A_6 = arith.constant 0 : index
    %get3A_7 = vector.load %arg3[%get3A_4, %get3A_5, %get3A_6] : memref<2x2000x16xf32, #tpu.memory_space<vmem>>, vector<1x2000x1xf32>
    %get3A_8 = vector.shape_cast %get3A_7 : vector<1x2000x1xf32> to vector<2000xf32>
    %add3A = arith.addf %get3A_3, %get3A_8 : vector<2000xf32>
    %max3A = arith.constant 1.000000e+00 : f32
    %max3A_9 = vector.broadcast %max3A : f32 to vector<2000xf32>
    %max3A_10 = arith.maximumf %add3A, %max3A_9 : vector<2000xf32>
    %rsqrt3A = math.rsqrt %max3A_10 : vector<2000xf32>
    %get3A_11 = arith.constant 0 : index
    %get3A_12 = arith.constant 0 : index
    %get3A_13 = vector.load %arg1[%get3A_11, %get3A_12] : memref<2000x128xf32, #tpu.memory_space<vmem>>, vector<2000x128xf32>
    %get3A_14 = arith.constant 0 : index
    %get3A_15 = arith.constant 0 : index
    %get3A_16 = vector.load %arg2[%get3A_14, %get3A_15] : memref<128x128xf32, #tpu.memory_space<vmem>>, vector<128x128xf32>
    %dot_general3A = arith.constant dense<0.000000e+00> : vector<2000x128xf32>
    %dot_general3A_17 = tpu.matmul %get3A_13, %get3A_16, %dot_general3A {dimension_numbers = #tpu.dot_dimension_numbers<[1], [0], [0], [1], [0, 0, 1, 1], [], []>, transpose_lhs_hint = false} : vector<2000x128xf32>, vector<128x128xf32>, vector<2000x128xf32> -> vector<2000x128xf32>
    %broadcast_in_dim3A = vector.shape_cast %rsqrt3A : vector<2000xf32> to vector<2000x1xf32>
    %mul3A = vector.broadcast %broadcast_in_dim3A : vector<2000x1xf32> to vector<2000x128xf32>
    %mul3A_18 = arith.mulf %dot_general3A_17, %mul3A : vector<2000x128xf32>
    %swap3A = arith.constant 0 : index
    %swap3A_19 = arith.constant 0 : index
    %swap3A_20 = vector.load %arg4[%swap3A, %swap3A_19] : memref<2000x128xf32, #tpu.memory_space<vmem>>, vector<2000x128xf32>
    tpu.vector_store %arg4[%swap3A, %swap3A_19], %mul3A_18 {strides = array<i32>} : memref<2000x128xf32, #tpu.memory_space<vmem>>, vector<2000x128xf32>,
    return
  }
  func.func @transform_0(%arg0: i32) -> (i32, i32) {
    %c0_i32 = arith.constant 0 : i32
    %c0_i32_0 = arith.constant 0 : i32
    return %arg0, %c0_i32 : i32, i32
  }
  func.func @transform_1(%arg0: i32) -> (i32, i32) {
    %c0_i32 = arith.constant 0 : i32
    %c0_i32_0 = arith.constant 0 : i32
    %c0_i32_1 = arith.constant 0 : i32
    return %c0_i32, %c0_i32_0 : i32, i32
  }
  func.func @transform_2(%arg0: i32) -> (i32, i32, i32) {
    %c0_i32 = arith.constant 0 : i32
    %c0_i32_0 = arith.constant 0 : i32
    %c0_i32_1 = arith.constant 0 : i32
    return %c0_i32, %arg0, %c0_i32_0 : i32, i32, i32
  }
  func.func @transform_3(%arg0: i32) -> (i32, i32) {
    %c0_i32 = arith.constant 0 : i32
    %c0_i32_0 = arith.constant 0 : i32
    return %arg0, %c0_i32 : i32, i32
  }
}

module attributes {stable_mosaic.version = 14 : i64} {
  func.func @_tc4_body(%arg0: i32, %arg1: memref<2000x128xf32, #tpu.memory_space<vmem>>, %arg2: memref<2x2000x16xf32, #tpu.memory_space<vmem>>, %arg3: memref<2000x47xf32, #tpu.memory_space<vmem>>) attributes {dimension_semantics = [#tpu.dimension_semantics<arbitrary>], iteration_bounds = array<i64: 5>, scalar_prefetch = 0 : i64, scratch_operands = 0 : i64, tpu.core_type = #tpu.core_type<tc>, window_params = [{transform_indices = @transform_0, window_bounds = array<i64: 2000, 128>}, {transform_indices = @transform_1, window_bounds = array<i64: 2, 2000, 16>}, {transform_indices = @transform_2, window_bounds = array<i64: 2000, 47>}]} {
    %get3A = arith.constant 0 : index
    %get3A_0 = arith.constant 0 : index
    %get3A_1 = arith.constant 0 : index
    %get3A_2 = vector.load %arg2[%get3A, %get3A_0, %get3A_1] : memref<2x2000x16xf32, #tpu.memory_space<vmem>>, vector<1x2000x1xf32>
    %get3A_3 = vector.shape_cast %get3A_2 : vector<1x2000x1xf32> to vector<2000xf32>
    %get3A_4 = arith.constant 1 : index
    %get3A_5 = arith.constant 0 : index
    %get3A_6 = arith.constant 0 : index
    %get3A_7 = vector.load %arg2[%get3A_4, %get3A_5, %get3A_6] : memref<2x2000x16xf32, #tpu.memory_space<vmem>>, vector<1x2000x1xf32>
    %get3A_8 = vector.shape_cast %get3A_7 : vector<1x2000x1xf32> to vector<2000xf32>
    %add3A = arith.addf %get3A_3, %get3A_8 : vector<2000xf32>
    %max3A = arith.constant 1.000000e+00 : f32
    %max3A_9 = vector.broadcast %max3A : f32 to vector<2000xf32>
    %max3A_10 = arith.maximumf %add3A, %max3A_9 : vector<2000xf32>
    %rsqrt3A = math.rsqrt %max3A_10 : vector<2000xf32>
    %get3A_11 = arith.constant 0 : index
    %get3A_12 = arith.constant 0 : index
    %get3A_13 = vector.load %arg1[%get3A_11, %get3A_12] : memref<2000x128xf32, #tpu.memory_space<vmem>>, vector<2000x64xf32>
    %get3A_14 = arith.constant 0 : index
    %get3A_15 = arith.constant 64 : index
    %get3A_16 = vector.load %arg1[%get3A_14, %get3A_15] : memref<2000x128xf32, #tpu.memory_space<vmem>>, vector<2000x64xf32>
    %add3A_17 = arith.addf %get3A_13, %get3A_16 : vector<2000x64xf32>
    %broadcast_in_dim3A = vector.shape_cast %rsqrt3A : vector<2000xf32> to vector<2000x1xf32>
    %mul3A = vector.broadcast %broadcast_in_dim3A : vector<2000x1xf32> to vector<2000x64xf32>
    %mul3A_18 = arith.mulf %add3A_17, %mul3A : vector<2000x64xf32>
    %iota3A = tpu.iota {dimensions = array<i32: 1>} : vector<2000x64xi32>
    %lt3A = arith.constant 47 : i32
    %lt3A_19 = vector.broadcast %lt3A : i32 to vector<2000x64xi32>
    %lt3A_20 = arith.cmpi slt, %iota3A, %lt3A_19 : vector<2000x64xi32>
    %jit3A = arith.constant -1.000000e+30 : f32
    %broadcast_in_dim3A_21 = vector.broadcast %jit3A : f32 to vector<2000x64xf32>
    %select_n3A = arith.select %lt3A_20, %mul3A_18, %broadcast_in_dim3A_21 : vector<2000x64xi1>, vector<2000x64xf32>
    %reduce_max3A = arith.constant dense<0xFF800000> : vector<2000xf32>
    %reduce_max3A_22 = vector.multi_reduction <maximumf>, %select_n3A, %reduce_max3A [1] : vector<2000x64xf32> to vector<2000xf32>
    %broadcast_in_dim3A_23 = vector.shape_cast %reduce_max3A_22 : vector<2000xf32> to vector<2000x1xf32>
    %sub3A = vector.broadcast %broadcast_in_dim3A_23 : vector<2000x1xf32> to vector<2000x64xf32>
    %sub3A_24 = arith.subf %select_n3A, %sub3A : vector<2000x64xf32>
    %exp3A = math.exp %sub3A_24 : vector<2000x64xf32>
    %reduce_sum3A = arith.constant dense<0.000000e+00> : vector<2000xf32>
    %reduce_sum3A_25 = vector.multi_reduction <add>, %exp3A, %reduce_sum3A [1] : vector<2000x64xf32> to vector<2000xf32>
    %broadcast_in_dim3A_26 = vector.shape_cast %reduce_sum3A_25 : vector<2000xf32> to vector<2000x1xf32>
    %log3A = math.log %broadcast_in_dim3A_26 : vector<2000x1xf32>
    %add3A_27 = arith.addf %log3A, %broadcast_in_dim3A_23 : vector<2000x1xf32>
    %sub3A_28 = vector.broadcast %add3A_27 : vector<2000x1xf32> to vector<2000x64xf32>
    %sub3A_29 = arith.subf %select_n3A, %sub3A_28 : vector<2000x64xf32>
    %slice3A = vector.extract_strided_slice %sub3A_29 {offsets = [0, 0], sizes = [2000, 47], strides = [1, 1]} : vector<2000x64xf32> to vector<2000x47xf32>
    %swap3A = arith.constant 0 : index
    %swap3A_30 = arith.constant 0 : index
    %swap3A_31 = vector.load %arg3[%swap3A, %swap3A_30] : memref<2000x47xf32, #tpu.memory_space<vmem>>, vector<2000x47xf32>
    tpu.vector_store %arg3[%swap3A, %swap3A_30], %slice3A {strides = array<i32>} : memref<2000x47xf32, #tpu.memory_space<vmem>>, vector<2000x47xf32>,
    return
  }
  func.func @transform_0(%arg0: i32) -> (i32, i32) {
    %c0_i32 = arith.constant 0 : i32
    %c0_i32_0 = arith.constant 0 : i32
    return %arg0, %c0_i32 : i32, i32
  }
  func.func @transform_1(%arg0: i32) -> (i32, i32, i32) {
    %c0_i32 = arith.constant 0 : i32
    %c0_i32_0 = arith.constant 0 : i32
    %c0_i32_1 = arith.constant 0 : i32
    return %c0_i32, %arg0, %c0_i32_0 : i32, i32, i32
  }
  func.func @transform_2(%arg0: i32) -> (i32, i32) {
    %c0_i32 = arith.constant 0 : i32
    %c0_i32_0 = arith.constant 0 : i32
    return %arg0, %c0_i32 : i32, i32
  }
}

module attributes {stable_mosaic.version = 14 : i64} {
  func.func @_tcmid_body(%arg0: i32, %arg1: memref<2000x128xf32, #tpu.memory_space<vmem>>, %arg2: memref<2x2000x16xf32, #tpu.memory_space<vmem>>, %arg3: memref<128x128xf32, #tpu.memory_space<vmem>>, %arg4: memref<2000x128xf32, #tpu.memory_space<vmem>>) attributes {dimension_semantics = [#tpu.dimension_semantics<arbitrary>], iteration_bounds = array<i64: 5>, scalar_prefetch = 0 : i64, scratch_operands = 0 : i64, tpu.core_type = #tpu.core_type<tc>, window_params = [{transform_indices = @transform_0, window_bounds = array<i64: 2000, 128>}, {transform_indices = @transform_1, window_bounds = array<i64: 2, 2000, 16>}, {pipeline_mode = #tpu.pipeline_mode<synchronous>, transform_indices = @transform_2, window_bounds = array<i64: 128, 128>}, {transform_indices = @transform_3, window_bounds = array<i64: 2000, 128>}]} {
    %get3A = arith.constant 0 : index
    %get3A_0 = arith.constant 0 : index
    %get3A_1 = arith.constant 0 : index
    %get3A_2 = vector.load %arg2[%get3A, %get3A_0, %get3A_1] : memref<2x2000x16xf32, #tpu.memory_space<vmem>>, vector<1x2000x1xf32>
    %get3A_3 = vector.shape_cast %get3A_2 : vector<1x2000x1xf32> to vector<2000xf32>
    %get3A_4 = arith.constant 1 : index
    %get3A_5 = arith.constant 0 : index
    %get3A_6 = arith.constant 0 : index
    %get3A_7 = vector.load %arg2[%get3A_4, %get3A_5, %get3A_6] : memref<2x2000x16xf32, #tpu.memory_space<vmem>>, vector<1x2000x1xf32>
    %get3A_8 = vector.shape_cast %get3A_7 : vector<1x2000x1xf32> to vector<2000xf32>
    %add3A = arith.addf %get3A_3, %get3A_8 : vector<2000xf32>
    %max3A = arith.constant 1.000000e+00 : f32
    %max3A_9 = vector.broadcast %max3A : f32 to vector<2000xf32>
    %max3A_10 = arith.maximumf %add3A, %max3A_9 : vector<2000xf32>
    %rsqrt3A = math.rsqrt %max3A_10 : vector<2000xf32>
    %get3A_11 = arith.constant 0 : index
    %get3A_12 = arith.constant 0 : index
    %get3A_13 = vector.load %arg1[%get3A_11, %get3A_12] : memref<2000x128xf32, #tpu.memory_space<vmem>>, vector<2000x128xf32>
    %broadcast_in_dim3A = vector.shape_cast %rsqrt3A : vector<2000xf32> to vector<2000x1xf32>
    %mul3A = vector.broadcast %broadcast_in_dim3A : vector<2000x1xf32> to vector<2000x128xf32>
    %mul3A_14 = arith.mulf %get3A_13, %mul3A : vector<2000x128xf32>
    %max3A_15 = arith.constant 0.000000e+00 : f32
    %max3A_16 = vector.broadcast %max3A_15 : f32 to vector<2000x128xf32>
    %max3A_17 = arith.maximumf %mul3A_14, %max3A_16 : vector<2000x128xf32>
    %get3A_18 = arith.constant 0 : index
    %get3A_19 = arith.constant 0 : index
    %get3A_20 = vector.load %arg3[%get3A_18, %get3A_19] : memref<128x128xf32, #tpu.memory_space<vmem>>, vector<128x128xf32>
    %dot_general3A = arith.constant dense<0.000000e+00> : vector<2000x128xf32>
    %dot_general3A_21 = tpu.matmul %max3A_17, %get3A_20, %dot_general3A {dimension_numbers = #tpu.dot_dimension_numbers<[1], [0], [0], [1], [0, 0, 1, 1], [], []>, transpose_lhs_hint = false} : vector<2000x128xf32>, vector<128x128xf32>, vector<2000x128xf32> -> vector<2000x128xf32>
    %broadcast_in_dim3A_22 = vector.shape_cast %rsqrt3A : vector<2000xf32> to vector<2000x1xf32>
    %mul3A_23 = vector.broadcast %broadcast_in_dim3A_22 : vector<2000x1xf32> to vector<2000x128xf32>
    %mul3A_24 = arith.mulf %dot_general3A_21, %mul3A_23 : vector<2000x128xf32>
    %swap3A = arith.constant 0 : index
    %swap3A_25 = arith.constant 0 : index
    %swap3A_26 = vector.load %arg4[%swap3A, %swap3A_25] : memref<2000x128xf32, #tpu.memory_space<vmem>>, vector<2000x128xf32>
    tpu.vector_store %arg4[%swap3A, %swap3A_25], %mul3A_24 {strides = array<i32>} : memref<2000x128xf32, #tpu.memory_space<vmem>>, vector<2000x128xf32>,
    return
  }
  func.func @transform_0(%arg0: i32) -> (i32, i32) {
    %c0_i32 = arith.constant 0 : i32
    %c0_i32_0 = arith.constant 0 : i32
    return %arg0, %c0_i32 : i32, i32
  }
  func.func @transform_1(%arg0: i32) -> (i32, i32, i32) {
    %c0_i32 = arith.constant 0 : i32
    %c0_i32_0 = arith.constant 0 : i32
    %c0_i32_1 = arith.constant 0 : i32
    return %c0_i32, %arg0, %c0_i32_0 : i32, i32, i32
  }
  func.func @transform_2(%arg0: i32) -> (i32, i32) {
    %c0_i32 = arith.constant 0 : i32
    %c0_i32_0 = arith.constant 0 : i32
    %c0_i32_1 = arith.constant 0 : i32
    return %c0_i32, %c0_i32_0 : i32, i32
  }
  func.func @transform_3(%arg0: i32) -> (i32, i32) {
    %c0_i32 = arith.constant 0 : i32
    %c0_i32_0 = arith.constant 0 : i32
    return %arg0, %c0_i32 : i32, i32
  }
}

</mosaic_0001>

<sc_bundles>
// kernel: gcn_agg.11.cloned.1.call-start
scs
__scs_entry_jumppad:
0x0: {  	(pc) =	sbr.rel $0x88, $3  }
0x1: {  	(tag) =	ssettag $0x0;
	lr =	simm.s32 $0x1  }
0x2: {  	[smem:$0x3F9C] =	sst lr;
	_ =	strace $0xD0000000  }
0x3: {  	_ = 	snop  }
0x4: {  	_ = 	snop  }
0x5: {  	_ = 	snop  }
0x6: {  	_ = 	snop  }
0x7: {  	_ = 	snop  }
__scs_overlays_trampoline_lowered:
0x8: {  	[smem:$0x3FAB] =	sst s0  }
0x9: {  	[smem:$0x3FAC] =	sst s1  }
0xa: {  	[smem:$0x3FAD] =	sst s2  }
0xb: {  	[smem:$0x3FAE] =	sst s3  }
0xc: {  	[smem:$0x3FAF] =	sst s4  }
0xd: {  	[smem:$0x3FB0] =	sst s5  }
0xe: {  	[smem:$0x3FB1] =	sst s6  }
0xf: {  	[smem:$0x3FB2] =	sst s7  }
0x10: {  	[smem:$0x3FB3] =	sst s8  }
0x11: {  	[smem:$0x3FB4] =	sst s9;
	s0 =	simm.s32 @!p0 $0x0  }
0x12: {  	s1 =	sld [smem:$0x3F9A];
	s0 =	simm.s32 @p0 $0x1  }
0x13: {  	[smem:$0x3FB5] =	sst s0;
	s0 =	simm.s32 @!p1 $0x0  }
0x14: {  	s2 =	sld [smem:$0x3F99];
	s0 =	simm.s32 @p1 $0x1  }
0x15: {  	[smem:$0x3FB6] =	sst s0;
	s0 =	simm.s32 @!p2 $0x0  }
0x16: {  	s3 =	sld [smem:$0x3FDB];
	s0 =	simm.s32 @p2 $0x1  }
0x17: {  	s4 =	simm.s32 $0x1BF5;
	[smem:$0x3FB8] =	sst s0  }
0x18: {  	s0 =	sld [smem:$0x3F9B];
	_ =	swait.ge [sflag:s4], $0x0  }
0x19: {  	s7 =	sld [smem:$0x3F9C]  }
0x1a: {  	s8 =	sadd.s32 $0xFFFFE003, lr  }
0x1b: {  	s9 =	sadd.s32 $0xFFFFFEF7, lr;
	s5 =	simm.s32 $0xFFFFFFFF;
	p2 =	slt.u32 s8, $0xFFFFF086  }
0x1c: {  	p1 =	slt.u32 s9, $0xF7A;
	s5 =	simm.s32 @!p2 $0x0  }
0x1d: {  	s5 =	simm.s32 @p1 $0x1;
	p0 =	seq.s32 s7, s2  }
0x1e: {  	s7 =	smul.u32 @!p0 $0xF7A, s2;
	p2 =	seq.s32 @!p0 s5, $0x0  }
0x1f: {  	s9 =	smul.u32 $0xF7A, s1;
	s8 =	simm.s32 @!p0 $0x1BF5;
	p2 =	por !p2, p0  }
0x20: {  	[sflag:s8] =	ssyncset.s32 @!p0 $0xFFFFF086;
	s6 =	sadd.s32 @!p0 s3, s7;
	s7 =	simm.s32 @!p0 $0x108  }
0x21: {  	s3 =	sadd.s32 s3, s9;
	s6 =	sadd.s32 @!p0 $0x88, s6;
	s7 =	simm.s32 @p2 $0x1082  }
0x22: {  	[simem:s7], [sflag:s8] =	dma.local @!p0 [hbm:s6], $0xF7A  }
0x23: {  	s9 =	sor.u32 $0xD0000000, s2;
	s6 =	simm.s32 $0x108;
	_ =	swait.ge @!p0 [sflag:s8], $0x0  }
0x24: {  	s3 =	sadd.s32 $0x88, s3;
	s6 =	simm.s32 @!p1 $0x1082;
	[sflag:s4] =	ssyncset.s32 $0xFFFFF086  }
0x25: {  	[simem:s6], [sflag:s4] =	dma.local [hbm:s3], $0xF7A  }
0x26: {  	[smem:$0x3F9C] =	sst s1;
	(tag) =	ssettag s2;
	_ =	strace s9  }
0x27: {  	s1 =	sld [smem:$0x3FAC]  }
0x28: {  	s2 =	sld [smem:$0x3FAD]  }
0x29: {  	s4 =	sld [smem:$0x3FAF]  }
0x2a: {  	p0 =	seq.s32 s5, $0x0;
	s5 =	sld [smem:$0x3FB0]  }
0x2b: {  	s6 =	sld [smem:$0x3FB1]  }
0x2c: {  	s7 =	sld [smem:$0x3FB2]  }
0x2d: {  	s3 =	simm.s32 $0x108;
	s8 =	sld [smem:$0x3FB3]  }
0x2e: {  	s3 =	simm.s32 @!p0 $0x1082;
	s9 =	sld [smem:$0x3FB4]  }
0x2f: {  	lr =	sadd.s32 s0, s3;
	s0 =	sld [smem:$0x3FAB]  }
0x30: {  	s3 =	sld [smem:$0x3FAE]  }
0x31: {  	[smem:$0x3FB7] =	sst s10  }
0x32: {  	s10 =	sld [smem:$0x3FB5];
	_ =	sdelay $0x3  }
0x33: {  	p0 =	seq.s32 s10, $0x1;
	s10 =	sld [smem:$0x3FB7];
	_ =	sdelay $0x3  }
0x34: {  	[smem:$0x3FB7] =	sst s10  }
0x35: {  	s10 =	sld [smem:$0x3FB6];
	_ =	sdelay $0x3  }
0x36: {  	p1 =	seq.s32 s10, $0x1;
	s10 =	sld [smem:$0x3FB7];
	_ =	sdelay $0x3  }
0x37: {  	[smem:$0x3FB7] =	sst s10  }
0x38: {  	s10 =	sld [smem:$0x3FB8]  }
0x39: {  	_ = 	snop;
	(pc) =	sbr.ind lr, $3  }
0x3a: {  	_ = 	snop  }
0x3b: {  	_ = 	snop  }
0x3c: {  	p2 =	seq.s32 s10, $0x1;
	s10 =	sld [smem:$0x3FB7]  }
0x3d: {  	_ =	shalt  }
0x3e: {  	_ =	shalt  }
0x3f: {  	_ =	shalt  }
0x40: {  	_ =	shalt  }
0x41: {  	_ =	shalt  }
0x42: {  	_ =	shalt  }
0x43: {  	_ =	shalt  }
0x44: {  	_ =	shalt  }
0x45: {  	_ =	shalt  }
0x46: {  	_ =	shalt  }
0x47: {  	_ =	shalt  }
0x48: {  	_ =	shalt  }
0x49: {  	_ =	shalt  }
0x4a: {  	_ =	shalt  }
0x4b: {  	_ =	shalt  }
0x4c: {  	_ =	shalt  }
0x4d: {  	_ =	shalt  }
0x4e: {  	_ =	shalt  }
0x4f: {  	_ =	shalt  }
0x50: {  	_ =	shalt  }
0x51: {  	_ =	shalt  }
0x52: {  	_ =	shalt  }
0x53: {  	_ =	shalt  }
0x54: {  	_ =	shalt  }
0x55: {  	_ =	shalt  }
0x56: {  	_ =	shalt  }
0x57: {  	_ =	shalt  }
0x58: {  	_ =	shalt  }
0x59: {  	_ =	shalt  }
0x5a: {  	_ =	shalt  }
0x5b: {  	_ =	shalt  }
0x5c: {  	_ =	shalt  }
0x5d: {  	_ =	shalt  }
0x5e: {  	_ =	shalt  }
0x5f: {  	_ =	shalt  }
0x60: {  	_ =	shalt  }
0x61: {  	_ =	shalt  }
0x62: {  	_ =	shalt  }
0x63: {  	_ =	shalt  }
0x64: {  	_ =	shalt  }
0x65: {  	_ =	shalt  }
0x66: {  	_ =	shalt  }
0x67: {  	_ =	shalt  }
0x68: {  	_ =	shalt  }
0x69: {  	_ =	shalt  }
0x6a: {  	_ =	shalt  }
0x6b: {  	_ =	shalt  }
0x6c: {  	_ =	shalt  }
0x6d: {  	_ =	shalt  }
0x6e: {  	_ =	shalt  }
0x6f: {  	_ =	shalt  }
0x70: {  	_ =	shalt  }
0x71: {  	_ =	shalt  }
0x72: {  	_ =	shalt  }
0x73: {  	_ =	shalt  }
0x74: {  	_ =	shalt  }
0x75: {  	_ =	shalt  }
0x76: {  	_ =	shalt  }
0x77: {  	_ =	shalt  }
0x78: {  	_ =	shalt  }
0x79: {  	_ =	shalt  }
0x7a: {  	_ =	shalt  }
0x7b: {  	_ =	shalt  }
0x7c: {  	_ =	shalt  }
0x7d: {  	_ =	shalt  }
0x7e: {  	_ =	shalt  }
0x7f: {  	_ =	shalt  }
0x80: {  	_ =	shalt  }
0x81: {  	_ =	shalt  }
0x82: {  	_ =	shalt  }
0x83: {  	_ =	shalt  }
0x84: {  	_ =	shalt  }
0x85: {  	_ =	shalt  }
0x86: {  	_ =	shalt  }
0x87: {  	_ =	shalt  }
.Lfunc_end0:
.L_simem_size_0:
called_computation.3_lowered:
.L_overlay_start_0:
0x88: {  	s2 =	sld [smem:$0x3FD9]  }
0x89: {  	s3 =	sld [smem:$0x3FFE];
	_ =	sdelay $0x1  }
0x8a: {  	s1 =	srdreg.scid  }
0x8b: {  	s0 =	sand.u32 $0x1, s1  }
0x8c: {  	s17 =	sshll.u32 s0, $0xA;
	s2 =	sadd.s32 s3, s2  }
0x8d: {  	s2 =	sadd.s32 s2, s17  }
0x8e: {  	[smem:$0x3FC3] =	sst s2  }
0x8f: {  	_ = 	snop  }
0x90: {  	s2 =	sld [smem:$0x3FD0];
	(tm) =	ssettm $0x1  }
0x91: {  	s18 =	sld [smem:$0x3FFB];
	_ =	sdelay $0x3  }
0x92: {  	_ =	strace s18  }
0x93: {  	s3 =	sld [smem:$0x3FFC];
	_ =	sdelay $0x3  }
0x94: {  	_ =	strace s3  }
0x95: {  	s3 =	sld [smem:$0x3FFD];
	_ =	sdelay $0x3  }
0x96: {  	_ =	strace s3  }
0x97: {  	_ =	strace $0x8FFFFFFF  }
0x98: {  	s19 =	sld [smem:$0x3FDB];
	_ =	sdelay $0x1  }
0x99: {  	s4 =	simm.s32 $_scs_section_size  }
0x9a: {  	s5 =	simm.s32 $_size__tile_overlayer_lowered;
	s6 =	simm.s32 $_tile_overlayer_lowered  }
0x9b: {  	s22 =	simm.s32 $0x1BFF;
	s21 =	sshll.u32 s6, $0x1;
	s3 =	sadd.s32 s4, s19  }
0x9c: {  	s7 =	simm.s32 $0x0;
	s20 =	sshll.u32 s5, $0x1;
	s5 =	sadd.s32 s21, s3  }
0x9d: {  	[timem:s7], [sflag:s22] =	dma.local [hbm:s5], s20  }
0x9e: {  	_ =	swait.ge [sflag:s22], s20  }
0x9f: {  	s4 =	ssub.s32 $0x0, s20;
	[sflag:s22] =	ssyncset.done $0x0  }
0xa0: {  	[sflag:s22] =	ssyncadd.s32 s4;
	_ =	sdelay $0x1  }
0xa1: {  	s23 =	simm.s32 $0x1B8B  }
0xa2: {  	_ =	swait.ge [sflag:s23], $0x1  }
0xa3: {  	[sflag:s23] =	ssyncset.done $0x0  }
0xa4: {  	s25 =	simm.s32 $0x1B8E;
	s24 =	sld [smem:$0x3FFE];
	[sflag:s23] =	ssyncadd.s32 $0xFFFFFFFF  }
0xa5: {  	s26 =	simm.s32 $execute0_lowered;
	[smem:$0x3FD2] =	sst s25  }
0xa6: {  	s5 =	sshll.u32 s26, $0x1;
	_ =	strace $0x8000004F;
	[dreg:$0x1] =	wrdreg $0xFFFFFFFF  }
0xa7: {  	s28 =	simm.s32 $_size_execute0_lowered;
	s3 =	sadd.s32 s3, s5;
	[dreg:$0x0] =	wrdreg $0x0  }
0xa8: {  	s5 =	sshll.u32 s28, $0x1;
	[dreg:$0x2] =	wrdreg s3  }
0xa9: {  	[dreg:$0x3] =	wrdreg s5  }
0xaa: {  	[dreg:$0x4] =	wrdreg $0xC0  }
0xab: {  	_ =	task [dreg:s7], $0x5FFFF  }
0xac: {  	[dreg:$0x1] =	wrdreg $0xFFFFFFFF  }
0xad: {  	[dreg:$0x0] =	wrdreg $0x60  }
0xae: {  	[dreg:$0x2] =	wrdreg s24  }
0xaf: {  	[dreg:$0x3] =	wrdreg s2  }
0xb0: {  	[dreg:$0x4] =	wrdreg $0x0  }
0xb1: {  	[dreg:$0x5] =	wrdreg $0x9  }
0xb2: {  	_ =	task.clear_ibuf [dreg:s7], $0x6FFFF;
	_ =	strace $0x9000004F  }
0xb3: {  	s29 =	simm.s32 $0x9;
	_ =	strace $0x80000051  }
0xb4: {  	_ =	swait.ge [sflag:s29], $0x1  }
0xb5: {  	[sflag:s29] =	ssyncadd.s32 $0xFFFFFFFF  }
0xb6: {  	_ =	strace $0x90000051  }
0xb7: {  	_ =	sfence  }
0xb8: {  	s30 =	sld [smem:$0x0];
	_ =	sdelay $0x2  }
0xb9: {  	s31 =	sshll.u32 s1, $0xD;
	s1 =	sshrl.u32 s1, $0x2  }
0xba: {  	s3 =	sand.u32 $0x4000, s31;
	s1 =	sadd.s32 s1, s30  }
0xbb: {  	s0 =	sor.u32 s3, s0;
	s1 =	sshll.u32 s1, $0x11  }
0xbc: {  	s0 =	sor.u32 s1, s0  }
0xbd: {  	s0 =	sadd.s32 $0x8F2B, s0  }
0xbe: {  	[sflag:s0] =	ssyncadd.remote.s32 $0x1  }
0xbf: {  	_ =	sfence.sel $0xFFFF  }
0xc0: {  	[dreg:$0x0] =	wrdreg $0xFFFFFFFF;
	(pc) =	sbr.abs _section_cstart, $3  }
0xc1: {  	[dreg:$0x1] =	wrdreg $0xFFFFFFFF  }
0xc2: {  	_ =	task.clear_ibuf [dreg:s7], $0x2FFFF;
	_ =	strace $0x9FFFFFFF  }
0xc3: {  	(tm) =	ssettm $0x7FFFFFFF  }
tec
execute0_lowered:
.L_overlay_start_1:
0x0: {  	(tag) =	ssettag $0x1  }
0x1: {  	s0 =	srdreg.scid;
	s1 =	rddreg [dreg:$0x0]  }
0x2: {  	s12 =	stileid.u32;
	s3 =	rddreg [dreg:$0x1]  }
0x3: {  	s18 =	simm.s32 $0x0;
	s28 =	simm.s32 $0x12C60;
	s6 =	smul.u32 $0x500, s12  }
0x4: {  	s30 =	simm.s32 $0x14C60;
	s31 =	simm.s32 $0x1;
	s8 =	smul.u32 $0x9C00, s12  }
0x5: {  	s29 =	simm.s32 $0x18C60;
	s14 =	simm.s32 $0xC;
	s9 =	smul.u32 $0x2700, s12  }
0x6: {  	s0 =	sand.u32 $0x1, s0;
	[smem:$0x7FF] =	sst s18;
	s20 =	smul.u32 $0x27000, s12  }
0x7: {  	s13 =	sadd.s32 $0x5E880, s1;
	s23 =	sadd.s32 $0x84708, s1;
	s2 =	sshll.u32 s0, $0x4  }
0x8: {  	p0 =	seq.s32 s0, $0x0;
	s10 =	ssub.s32 $0x2, s0;
	p4 =	sne.s32 s0, $0x0  }
0x9: {  	s4 =	sor.u32 s12, s2;
	s2 =	rddreg [dreg:$0x2];
	_ =	strace $0x80000050  }
0xa: {  	s19 =	sshrl.u32 s8, $0x3;
	s11 =	sshrl.u32 s10, $0x1;
	[dreg:$0x6] =	wrdreg s13  }
0xb: {  	s9 =	sadd.s32 s9, s1;
	s21 =	sshrl.u32 s20, $0x2;
	[dreg:$0xa] =	wrdreg s23  }
0xc: {  	s23 =	simm.s32 $0xEC60;
	p2 =	seq.s32 @p4 s12, $0xF;
	p5 =	seq.s32 @!p4 s12, $0xF  }
0xd: {  	s13 =	simm.s32 $0xA;
	s5 =	smul.u32 $0x500, s4;
	s4 =	sadd.s32 $0x1B200, s1  }
0xe: {  	s11 =	ssub.s32 s10, s11;
	s8 =	sadd.s32 s8, s2;
	s22 =	sadd.s32 $0x5FE08, s9  }
0xf: {  	s24 =	sadd.s32 $0x5FE00, s9;
	p1 =	por !p2, !p4;
	p2 =	por p2, !p4  }
0x10: {  	p3 =	por !p5, p4;
	p4 =	por p5, p4;
	[dreg:$0x8] =	wrdreg s22  }
0x11: {  	s9 =	simm.s32 $0x7;
	s10 =	simm.s32 $0x0;
	[dreg:$0xb] =	wrdreg s24  }
0x12: {  	s25 =	smax.u32 s11, $0x1;
	s22 =	simm.s32 $0x80;
	s24 =	simm.s32 $0x4  }
0x13: {  	s11 =	simm.s32 $0x8;
	s7 =	smov.u32 s5;
	s3 =	sadd.s32 s3, s5  }
0x14: {  	[dreg:$0xd] =	wrdreg s25;
	s25 =	simm.s32 $0x10C60;
	s5 =	simm.s32 $0x1CC60  }
0x15: {  	s7 =	smov.u32 @p0 s6;
	s6 =	sadd.s32 s19, s1;
	[dreg:$0x7] =	wrdreg s3  }
0x16: {  	s3 =	sadd.s32 s21, s2;
	p0 =	seq.s32 s12, $0xF;
	s21 =	simm.s32 $0x3  }
0x17: {  	s19 =	simm.s32 $0xB;
	s6 =	sadd.s32 $0x4C400, s6;
	[dreg:$0x9] =	wrdreg s3  }
0x18: {  	s7 =	sadd.s32 s7, s1;
	s1 =	sadd.s32 $0x84700, s1;
	[dreg:$0x4] =	wrdreg s6  }
0x19: {  	s6 =	sadd.s32 $0x92400, s2;
	[dreg:$0xc] =	wrdreg s1;
	s26 =	sadd.s32 $0x11200, s7  }
0x1a: {  	s1 =	sshll.u32 @!p0 s12, $0x6;
	s7 =	simm.s32 $0x5;
	[dreg:$0xe] =	wrdreg s26  }
0x1b: {  	s12 =	simm.s32 $0x9;
	[dreg:$0x5] =	wrdreg s6;
	s3 =	sshrl.u32 @p0 s6, $0x3  }
0x1c: {  	s1 =	sor.u32 @!p0 $0x1C11, s1;
	s26 =	simm.s32 $0x16C60;
	[dreg:$0xf] =	wrdreg s3  }
0x1d: {  	[dreg:$0x10] =	wrdreg s1;
	s1 =	sshrl.u32 @!p0 s8, $0x3;
	s3 =	simm.s32 $0x1AC60  }
0x1e: {  	s8 =	simm.s32 $0x6;
	[dreg:$0x11] =	wrdreg s1;
	s1 =	simm.s32 $0x2  }
.LBB2_1:
0x1f: {  	[dreg:$0x12] =	wrdreg s10  }
0x20: {  	s6 =	rddreg [dreg:$0x6]  }
0x21: {  	s15 =	simm.s32 @p0 $0x1FD1;
	s0 =	rddreg [dreg:$0xf]  }
0x22: {  	[spmem:s0], [sflag:s15] =	dma.local @p0 [hbm:s6], $0x1400  }
0x23: {  	s15 =	simm.s32 @p0 $0x11  }
0x24: {  	_ =	swait.ge @p0 [sflag:s15], $0x1400  }
0x25: {  	s6 =	rddreg [dreg:$0x4]  }
0x26: {  	[sflag:s15] =	ssyncset.done @p0 $0x0;
	s0 =	rddreg [dreg:$0x10]  }
0x27: {  	s10 =	rddreg [dreg:$0x11];
	[sflag:s15] =	ssyncadd.s32 @p0 $0xFFFFEC00;
	s15 =	simm.s32 @!p0 $0x11  }
0x28: {  	[spmem:s10], [sflag:s0] =	dma.local @!p0 [hbm:s6], $0x1380  }
0x29: {  	_ =	swait.ge @!p0 [sflag:s15], $0x1380  }
0x2a: {  	[sflag:s15] =	ssyncset.done @!p0 $0x0  }
0x2b: {  	[sflag:s15] =	ssyncadd.s32 @!p0 $0xFFFFEC80  }
0x2c: {  	s17 =	simm.s32 $0x9C60;
	[bflag:$0x0] =	sbarrier.arrive $0xFFFF  }
0x2d: {  	s18 =	simm.s32 $0x11;
	s15 =	simm.s32 $0x0;
	s16 =	rddreg [dreg:$0xe]  }
0x2e: {  	[tilespmem:s17], [sflag:$0x11] =	stream.linear.gather [hbm4b:s16+s15], $0x2800, $0x38;
	[tilespmem:$0x1EC60] =	vst v63  }
0x2f: {  	_ =	swait.ge [sflag:s18], $0x2800  }
0x30: {  	[sflag:s18] =	ssyncset.done $0x0  }
0x31: {  	s16 =	simm.s32 $0xC460;
	s20 =	rddreg [dreg:$0x7];
	[sflag:s18] =	ssyncadd.s32 $0xFFFFD800  }
0x32: {  	[tilespmem:s16], [sflag:$0x11] =	stream.linear.gather [hbm4b:s20+s15], $0x2800, $0x38;
	[tilespmem:$0x1EC60] =	vst v63  }
0x33: {  	_ =	swait.ge [sflag:s18], $0x2800  }
0x34: {  	[sflag:s18] =	ssyncset.done $0x0  }
0x35: {  	[sflag:s18] =	ssyncadd.s32 $0xFFFFD800  }
0x36: {  	[tilespmem:s23], [sflag:$0x1] =	stream.indirect.gather [hbm4b:s4+s22], $0x40, s17, s22, $0xb8;
	[tilespmem:$0x1EC60] =	vst v63  }
0x37: {  	s6 =	simm.s32 $0x9CE0  }
0x38: {  	[tilespmem:s25], [sflag:$0x2] =	stream.indirect.gather [hbm4b:s4+s22], $0x40, s6, s22, $0xb8;
	[tilespmem:$0x1EC60] =	vst v63  }
0x39: {  	s10 =	simm.s32 $0x9D60  }
0x3a: {  	[tilespmem:s28], [sflag:$0x3] =	stream.indirect.gather [hbm4b:s4+s22], $0x40, s10, s22, $0xb8;
	[tilespmem:$0x1EC60] =	vst v63  }
0x3b: {  	s15 =	simm.s32 $0x9DE0  }
0x3c: {  	[tilespmem:s30], [sflag:$0x4] =	stream.indirect.gather [hbm4b:s4+s22], $0x40, s15, s22, $0xb8;
	[tilespmem:$0x1EC60] =	vst v63  }
0x3d: {  	_ =	swait.ge [sflag:s31], $0x2000  }
0x3e: {  	[sflag:s31] =	ssyncset.done $0x0  }
0x3f: {  	[sflag:s31] =	ssyncadd.s32 $0xFFFFE000  }
0x40: {  	_ =	swait.ge [sflag:s1], $0x2000  }
0x41: {  	[sflag:s1] =	ssyncset.done $0x0  }
0x42: {  	[sflag:s1] =	ssyncadd.s32 $0xFFFFE000  }
0x43: {  	_ =	swait.ge [sflag:s21], $0x2000  }
0x44: {  	[sflag:s21] =	ssyncset.done $0x0  }
0x45: {  	[sflag:s21] =	ssyncadd.s32 $0xFFFFE000  }
0x46: {  	_ =	swait.ge [sflag:s24], $0x2000  }
0x47: {  	p5 =	por $0x1, $0x1;
	[sflag:s24] =	ssyncset.done $0x0  }
0x48: {  	s15 =	simm.s32 @!p5 $0xD;
	[sflag:s24] =	ssyncadd.s32 $0xFFFFE000  }
0x49: {  	_ =	swait.ge @!p5 [sflag:s15], $0x2000  }
0x4a: {  	[sflag:s15] =	ssyncset.done @!p5 $0x0  }
0x4b: {  	[sflag:s15] =	ssyncadd.s32 @!p5 $0xFFFFE000;
	s15 =	simm.s32 @!p5 $0xE  }
0x4c: {  	_ =	swait.ge @!p5 [sflag:s15], $0x2000  }
0x4d: {  	[sflag:s15] =	ssyncset.done @!p5 $0x0  }
0x4e: {  	[sflag:s15] =	ssyncadd.s32 @!p5 $0xFFFFE000;
	s15 =	simm.s32 @!p5 $0xF  }
0x4f: {  	_ =	swait.ge @!p5 [sflag:s15], $0x2000  }
0x50: {  	[sflag:s15] =	ssyncset.done @!p5 $0x0  }
0x51: {  	[sflag:s15] =	ssyncadd.s32 @!p5 $0xFFFFE000;
	s15 =	simm.s32 @!p5 $0x10  }
0x52: {  	_ =	swait.ge @!p5 [sflag:s15], $0x2000  }
0x53: {  	[sflag:s15] =	ssyncset.done @!p5 $0x0  }
0x54: {  	s16 =	simm.s32 $0x9E60;
	[sflag:s15] =	ssyncadd.s32 @!p5 $0xFFFFE000  }
0x55: {  	[tilespmem:s26], [sflag:$0x5] =	stream.indirect.gather [hbm4b:s4+s22], $0x40, s16, s22, $0xb8;
	[tilespmem:$0x1EC60] =	vst v63  }
0x56: {  	s17 =	simm.s32 $0x9EE0  }
0x57: {  	[tilespmem:s29], [sflag:$0x6] =	stream.indirect.gather [hbm4b:s4+s22], $0x40, s17, s22, $0xb8;
	[tilespmem:$0x1EC60] =	vst v63  }
0x58: {  	s18 =	simm.s32 $0x9F60  }
0x59: {  	[tilespmem:s3], [sflag:$0x7] =	stream.indirect.gather [hbm4b:s4+s22], $0x40, s18, s22, $0xb8;
	[tilespmem:$0x1EC60] =	vst v63  }
0x5a: {  	s20 =	simm.s32 $0x9FE0  }
0x5b: {  	[tilespmem:s5], [sflag:$0x8] =	stream.indirect.gather [hbm4b:s4+s22], $0x40, s20, s22, $0xb8;
	[tilespmem:$0x1EC60] =	vst v63  }
0x5c: {  	s0 =	simm.s32 $0xC460  }
0x5d: {  	[spmem:s2] =	stream.indirect.scatter.add.f32 [tilespmem:s23], [sflag:$0x9], $0x40, s0, s22, $0xb8;
	[tilespmem:$0x1EC60] =	vst v63  }
0x5e: {  	s6 =	simm.s32 $0xC4E0  }
0x5f: {  	[spmem:s2] =	stream.indirect.scatter.add.f32 [tilespmem:s25], [sflag:$0xA], $0x40, s6, s22, $0xb8;
	[tilespmem:$0x1EC60] =	vst v63  }
0x60: {  	s10 =	simm.s32 $0xC560  }
0x61: {  	[spmem:s2] =	stream.indirect.scatter.add.f32 [tilespmem:s28], [sflag:$0xB], $0x40, s10, s22, $0xb8;
	[tilespmem:$0x1EC60] =	vst v63  }
0x62: {  	s16 =	simm.s32 $0xC5E0  }
0x63: {  	[spmem:s2] =	stream.indirect.scatter.add.f32 [tilespmem:s30], [sflag:$0xC], $0x40, s16, s22, $0xb8;
	[tilespmem:$0x1EC60] =	vst v63  }
0x64: {  	_ =	swait.ge [sflag:s7], $0x2000  }
0x65: {  	[sflag:s7] =	ssyncset.done $0x0  }
0x66: {  	[sflag:s7] =	ssyncadd.s32 $0xFFFFE000  }
0x67: {  	_ =	swait.ge [sflag:s8], $0x2000  }
0x68: {  	[sflag:s8] =	ssyncset.done $0x0  }
0x69: {  	[sflag:s8] =	ssyncadd.s32 $0xFFFFE000  }
0x6a: {  	_ =	swait.ge [sflag:s9], $0x2000  }
0x6b: {  	[sflag:s9] =	ssyncset.done $0x0  }
0x6c: {  	[sflag:s9] =	ssyncadd.s32 $0xFFFFE000  }
0x6d: {  	_ =	swait.ge [sflag:s11], $0x2000  }
0x6e: {  	[sflag:s11] =	ssyncset.done $0x0  }
0x6f: {  	[sflag:s11] =	ssyncadd.s32 $0xFFFFE000  }
0x70: {  	_ =	swait.ge [sflag:s12], $0x2000  }
0x71: {  	[sflag:s12] =	ssyncset.done $0x0  }
0x72: {  	[sflag:s12] =	ssyncadd.s32 $0xFFFFE000  }
0x73: {  	_ =	swait.ge [sflag:s13], $0x2000  }
0x74: {  	[sflag:s13] =	ssyncset.done $0x0  }
0x75: {  	[sflag:s13] =	ssyncadd.s32 $0xFFFFE000  }
0x76: {  	_ =	swait.ge [sflag:s19], $0x2000  }
0x77: {  	[sflag:s19] =	ssyncset.done $0x0  }
0x78: {  	[sflag:s19] =	ssyncadd.s32 $0xFFFFE000  }
0x79: {  	p5 =	por $0x0, $0x0;
	_ =	swait.ge [sflag:s14], $0x2000  }
0x7a: {  	s15 =	simm.s32 @!p5 $0xEC60;
	[sflag:s14] =	ssyncset.done $0x0  }
0x7b: {  	s17 =	simm.s32 @!p5 $0x80;
	s16 =	simm.s32 @!p5 $0xA060;
	[sflag:s14] =	ssyncadd.s32 $0xFFFFE000  }
0x7c: {  	[tilespmem:s15], [sflag:$0x1] =	stream.indirect.gather @!p5 [hbm4b:s4+s17], $0x40, s16, s17, $0xb8;
	[tilespmem:$0x1EC60] =	vst v63  }
0x7d: {  	s15 =	simm.s32 @!p5 $0xA0E0;
	s16 =	simm.s32 @!p5 $0x10C60  }
0x7e: {  	[tilespmem:s16], [sflag:$0x2] =	stream.indirect.gather @!p5 [hbm4b:s4+s17], $0x40, s15, s17, $0xb8;
	[tilespmem:$0x1EC60] =	vst v63  }
0x7f: {  	s15 =	simm.s32 @!p5 $0xA160;
	s16 =	simm.s32 @!p5 $0x12C60  }
0x80: {  	[tilespmem:s16], [sflag:$0x3] =	stream.indirect.gather @!p5 [hbm4b:s4+s17], $0x40, s15, s17, $0xb8;
	[tilespmem:$0x1EC60] =	vst v63  }
0x81: {  	s15 =	simm.s32 @!p5 $0xA1E0;
	s16 =	simm.s32 @!p5 $0x14C60  }
0x82: {  	[tilespmem:s16], [sflag:$0x4] =	stream.indirect.gather @!p5 [hbm4b:s4+s17], $0x40, s15, s17, $0xb8;
	[tilespmem:$0x1EC60] =	vst v63  }
0x83: {  	s17 =	simm.s32 $0xC660  }
0x84: {  	[spmem:s2] =	stream.indirect.scatter.add.f32 [tilespmem:s26], [sflag:$0xD], $0x40, s17, s22, $0xb8;
	[tilespmem:$0x1EC60] =	vst v63  }
0x85: {  	s18 =	simm.s32 $0xC6E0  }
0x86: {  	[spmem:s2] =	stream.indirect.scatter.add.f32 [tilespmem:s29], [sflag:$0xE], $0x40, s18, s22, $0xb8;
	[tilespmem:$0x1EC60] =	vst v63  }
0x87: {  	s20 =	simm.s32 $0xC760;
	s15 =	simm.s32 $0x1000;
	s16 =	simm.s32 $0xC7E0  }
0x88: {  	[spmem:s2] =	stream.indirect.scatter.add.f32 [tilespmem:s3], [sflag:$0xF], $0x40, s20, s22, $0xb8;
	[tilespmem:$0x1EC60] =	vst v63  }
.LBB2_2:
0x89: {  	[spmem:s2] =	stream.indirect.scatter.add.f32 [tilespmem:s5], [sflag:$0x10], $0x40, s16, s22, $0xb8;
	[tilespmem:$0x1EC60] =	vst v63  }
0x8a: {  	s16 =	smov.u32 s15;
	s15 =	sadd.s32 $0x1000, s15;
	_ =	swait.ge [sflag:s31], $0x2000  }
0x8b: {  	p5 =	sne.s32 s15, $0xA000;
	[sflag:s31] =	ssyncset.done $0x0  }
0x8c: {  	[sflag:s31] =	ssyncadd.s32 $0xFFFFE000  }
0x8d: {  	_ =	swait.ge [sflag:s1], $0x2000  }
0x8e: {  	[sflag:s1] =	ssyncset.done $0x0  }
0x8f: {  	[sflag:s1] =	ssyncadd.s32 $0xFFFFE000  }
0x90: {  	_ =	swait.ge [sflag:s21], $0x2000  }
0x91: {  	[sflag:s21] =	ssyncset.done $0x0  }
0x92: {  	[sflag:s21] =	ssyncadd.s32 $0xFFFFE000  }
0x93: {  	_ =	swait.ge [sflag:s24], $0x2000  }
0x94: {  	p6 =	seq.s32 s16, $0x0;
	[sflag:s24] =	ssyncset.done $0x0  }
0x95: {  	s17 =	simm.s32 @!p6 $0xD;
	[sflag:s24] =	ssyncadd.s32 $0xFFFFE000  }
0x96: {  	_ =	swait.ge @!p6 [sflag:s17], $0x2000  }
0x97: {  	[sflag:s17] =	ssyncset.done @!p6 $0x0  }
0x98: {  	[sflag:s17] =	ssyncadd.s32 @!p6 $0xFFFFE000;
	s17 =	simm.s32 @!p6 $0xE  }
0x99: {  	_ =	swait.ge @!p6 [sflag:s17], $0x2000  }
0x9a: {  	[sflag:s17] =	ssyncset.done @!p6 $0x0  }
0x9b: {  	[sflag:s17] =	ssyncadd.s32 @!p6 $0xFFFFE000;
	s17 =	simm.s32 @!p6 $0xF  }
0x9c: {  	_ =	swait.ge @!p6 [sflag:s17], $0x2000  }
0x9d: {  	[sflag:s17] =	ssyncset.done @!p6 $0x0  }
0x9e: {  	s18 =	simm.s32 @!p6 $0x10;
	[sflag:s17] =	ssyncadd.s32 @!p6 $0xFFFFE000  }
0x9f: {  	_ =	swait.ge @!p6 [sflag:s18], $0x2000  }
0xa0: {  	s17 =	sshra.s32 s16, $0x2;
	[sflag:s18] =	ssyncset.done @!p6 $0x0  }
0xa1: {  	[sflag:s18] =	ssyncadd.s32 @!p6 $0xFFFFE000;
	s18 =	sadd.s32 $0x9E60, s17  }
0xa2: {  	[tilespmem:s26], [sflag:$0x5] =	stream.indirect.gather [hbm4b:s4+s22], $0x40, s18, s22, $0xb8;
	[tilespmem:$0x1EC60] =	vst v63  }
0xa3: {  	s18 =	sadd.s32 $0x9EE0, s17  }
0xa4: {  	[tilespmem:s29], [sflag:$0x6] =	stream.indirect.gather [hbm4b:s4+s22], $0x40, s18, s22, $0xb8;
	[tilespmem:$0x1EC60] =	vst v63  }
0xa5: {  	s18 =	sadd.s32 $0x9F60, s17  }
0xa6: {  	[tilespmem:s3], [sflag:$0x7] =	stream.indirect.gather [hbm4b:s4+s22], $0x40, s18, s22, $0xb8;
	[tilespmem:$0x1EC60] =	vst v63  }
0xa7: {  	s18 =	sadd.s32 $0x9FE0, s17  }
0xa8: {  	[tilespmem:s5], [sflag:$0x8] =	stream.indirect.gather [hbm4b:s4+s22], $0x40, s18, s22, $0xb8;
	[tilespmem:$0x1EC60] =	vst v63  }
0xa9: {  	s18 =	sadd.s32 $0xC460, s17  }
0xaa: {  	[spmem:s2] =	stream.indirect.scatter.add.f32 [tilespmem:s23], [sflag:$0x9], $0x40, s18, s22, $0xb8;
	[tilespmem:$0x1EC60] =	vst v63  }
0xab: {  	s18 =	sadd.s32 $0xC4E0, s17  }
0xac: {  	[spmem:s2] =	stream.indirect.scatter.add.f32 [tilespmem:s25], [sflag:$0xA], $0x40, s18, s22, $0xb8;
	[tilespmem:$0x1EC60] =	vst v63  }
0xad: {  	s18 =	sadd.s32 $0xC560, s17  }
0xae: {  	[spmem:s2] =	stream.indirect.scatter.add.f32 [tilespmem:s28], [sflag:$0xB], $0x40, s18, s22, $0xb8;
	[tilespmem:$0x1EC60] =	vst v63  }
0xaf: {  	s18 =	sadd.s32 $0xC5E0, s17  }
0xb0: {  	[spmem:s2] =	stream.indirect.scatter.add.f32 [tilespmem:s30], [sflag:$0xC], $0x40, s18, s22, $0xb8;
	[tilespmem:$0x1EC60] =	vst v63  }
0xb1: {  	_ =	swait.ge [sflag:s7], $0x2000  }
0xb2: {  	[sflag:s7] =	ssyncset.done $0x0  }
0xb3: {  	[sflag:s7] =	ssyncadd.s32 $0xFFFFE000  }
0xb4: {  	_ =	swait.ge [sflag:s8], $0x2000  }
0xb5: {  	[sflag:s8] =	ssyncset.done $0x0  }
0xb6: {  	[sflag:s8] =	ssyncadd.s32 $0xFFFFE000  }
0xb7: {  	_ =	swait.ge [sflag:s9], $0x2000  }
0xb8: {  	[sflag:s9] =	ssyncset.done $0x0  }
0xb9: {  	[sflag:s9] =	ssyncadd.s32 $0xFFFFE000  }
0xba: {  	_ =	swait.ge [sflag:s11], $0x2000  }
0xbb: {  	[sflag:s11] =	ssyncset.done $0x0  }
0xbc: {  	[sflag:s11] =	ssyncadd.s32 $0xFFFFE000  }
0xbd: {  	_ =	swait.ge [sflag:s12], $0x2000  }
0xbe: {  	[sflag:s12] =	ssyncset.done $0x0  }
0xbf: {  	[sflag:s12] =	ssyncadd.s32 $0xFFFFE000  }
0xc0: {  	_ =	swait.ge [sflag:s13], $0x2000  }
0xc1: {  	[sflag:s13] =	ssyncset.done $0x0  }
0xc2: {  	[sflag:s13] =	ssyncadd.s32 $0xFFFFE000  }
0xc3: {  	_ =	swait.ge [sflag:s19], $0x2000  }
0xc4: {  	[sflag:s19] =	ssyncset.done $0x0  }
0xc5: {  	[sflag:s19] =	ssyncadd.s32 $0xFFFFE000  }
0xc6: {  	p6 =	seq.s32 s16, $0x9000;
	_ =	swait.ge [sflag:s14], $0x2000  }
0xc7: {  	s16 =	sshra.s32 @!p6 s16, $0x2;
	s18 =	simm.s32 @!p6 $0xEC60;
	[sflag:s14] =	ssyncset.done $0x0  }
0xc8: {  	s6 =	simm.s32 @!p6 $0x80;
	s10 =	sadd.s32 @!p6 $0xA060, s16;
	[sflag:s14] =	ssyncadd.s32 $0xFFFFE000  }
0xc9: {  	[tilespmem:s18], [sflag:$0x1] =	stream.indirect.gather @!p6 [hbm4b:s4+s6], $0x40, s10, s6, $0xb8;
	[tilespmem:$0x1EC60] =	vst v63  }
0xca: {  	s20 =	sadd.s32 @!p6 $0xA160, s16;
	s10 =	sadd.s32 @!p6 $0xA0E0, s16;
	s18 =	simm.s32 @!p6 $0x10C60  }
0xcb: {  	[tilespmem:s18], [sflag:$0x2] =	stream.indirect.gather @!p6 [hbm4b:s4+s6], $0x40, s10, s6, $0xb8;
	[tilespmem:$0x1EC60] =	vst v63  }
0xcc: {  	s16 =	sadd.s32 @!p6 $0xA1E0, s16;
	s10 =	simm.s32 @!p6 $0x12C60  }
0xcd: {  	[tilespmem:s10], [sflag:$0x3] =	stream.indirect.gather @!p6 [hbm4b:s4+s6], $0x40, s20, s6, $0xb8;
	[tilespmem:$0x1EC60] =	vst v63  }
0xce: {  	s10 =	simm.s32 @!p6 $0x14C60  }
0xcf: {  	[tilespmem:s10], [sflag:$0x4] =	stream.indirect.gather @!p6 [hbm4b:s4+s6], $0x40, s16, s6, $0xb8;
	[tilespmem:$0x1EC60] =	vst v63  }
0xd0: {  	s6 =	sadd.s32 $0xC660, s17  }
0xd1: {  	[spmem:s2] =	stream.indirect.scatter.add.f32 [tilespmem:s26], [sflag:$0xD], $0x40, s6, s22, $0xb8;
	[tilespmem:$0x1EC60] =	vst v63  }
.Ltmp0:
0xd2: {  	s6 =	sadd.s32 $0xC6E0, s17;
	(pc) =	sbr.rel @p5 .LBB2_2-.Ltmp0, $4  }
0xd3: {  	[spmem:s2] =	stream.indirect.scatter.add.f32 [tilespmem:s29], [sflag:$0xE], $0x40, s6, s22, $0xb8;
	[tilespmem:$0x1EC60] =	vst v63  }
0xd4: {  	s6 =	sadd.s32 $0xC760, s17  }
0xd5: {  	[spmem:s2] =	stream.indirect.scatter.add.f32 [tilespmem:s3], [sflag:$0xF], $0x40, s6, s22, $0xb8;
	[tilespmem:$0x1EC60] =	vst v63  }
0xd6: {  	s16 =	sadd.s32 $0xC7E0, s17  }
0xd7: {  	[spmem:s2] =	stream.indirect.scatter.add.f32 [tilespmem:s5], [sflag:$0x10], $0x40, s16, s22, $0xb8;
	[tilespmem:$0x1EC60] =	vst v63  }
0xd8: {  	s0 =	simm.s32 $0xD  }
0xd9: {  	_ =	swait.ge [sflag:s0], $0x2000  }
0xda: {  	[sflag:s0] =	ssyncset.done $0x0  }
0xdb: {  	s10 =	simm.s32 $0xE;
	[sflag:s0] =	ssyncadd.s32 $0xFFFFE000  }
0xdc: {  	_ =	swait.ge [sflag:s10], $0x2000  }
0xdd: {  	[sflag:s10] =	ssyncset.done $0x0  }
0xde: {  	s15 =	simm.s32 $0xF;
	[sflag:s10] =	ssyncadd.s32 $0xFFFFE000  }
0xdf: {  	_ =	swait.ge [sflag:s15], $0x2000  }
0xe0: {  	[sflag:s15] =	ssyncset.done $0x0  }
0xe1: {  	s16 =	simm.s32 $0x10;
	[sflag:s15] =	ssyncadd.s32 $0xFFFFE000  }
0xe2: {  	_ =	swait.ge [sflag:s16], $0x2000  }
0xe3: {  	[sflag:s16] =	ssyncset.done $0x0  }
0xe4: {  	[sflag:s16] =	ssyncadd.s32 $0xFFFFE000  }
0xe5: {  	s17 =	simm.s32 @!p1 $0x1FD1;
	[bflag:$0x0] =	sbarrier.arrive $0xFFFF  }
0xe6: {  	s10 =	simm.s32 @!p1 $0x1;
	s15 =	simm.s32 @!p1 $0x10;
	s18 =	rddreg [dreg:$0x5]  }
0xe7: {  	s16 =	simm.s32 @!p1 $0x8;
	s0 =	rddreg [dreg:$0xa];
	s6 =	sshrl.u32 @!p1 s18, $0x3  }
0xe8: {  	[hbm:s0@s15], [sflag:s17] =	dma.strided @!p1 [spmem:s6@s16], $0x1400, s10, $0x8   }
0xe9: {  	s6 =	simm.s32 @!p1 $0x11  }
0xea: {  	s20 =	simm.s32 @!p2 $0x1;
	s0 =	stileid.u32;
	_ =	swait.ge @!p1 [sflag:s6], $0x1400  }
0xeb: {  	s16 =	simm.s32 @!p2 $0x10;
	s17 =	simm.s32 @!p2 $0x8;
	s15 =	rddreg [dreg:$0x9]  }
0xec: {  	s10 =	sshll.u32 @!p2 s0, $0x6;
	[sflag:s6] =	ssyncset.done @!p1 $0x0;
	s0 =	rddreg [dreg:$0x8]  }
0xed: {  	[sflag:s6] =	ssyncadd.s32 @!p1 $0xFFFFEC00;
	s6 =	sor.u32 @!p2 $0x1C11, s10;
	s10 =	sshrl.u32 @!p2 s15, $0x3  }
0xee: {  	[hbm:s0@s16], [sflag:s6] =	dma.strided @!p2 [spmem:s10@s17], $0x1380, s20, $0x8   }
0xef: {  	s6 =	simm.s32 @!p2 $0x11  }
0xf0: {  	s10 =	simm.s32 @!p3 $0x1;
	s0 =	simm.s32 @!p3 $0x10;
	_ =	swait.ge @!p2 [sflag:s6], $0x1380  }
0xf1: {  	s16 =	simm.s32 @!p3 $0x8;
	s17 =	simm.s32 @!p3 $0x1FD1;
	[sflag:s6] =	ssyncset.done @!p2 $0x0  }
0xf2: {  	[sflag:s6] =	ssyncadd.s32 @!p2 $0xFFFFEC80;
	s6 =	sshrl.u32 @!p3 s18, $0x3;
	s18 =	rddreg [dreg:$0xc]  }
0xf3: {  	[hbm:s18@s0], [sflag:s17] =	dma.strided @!p3 [spmem:s6@s16], $0x1400, s10, $0x8   }
0xf4: {  	s6 =	simm.s32 @!p3 $0x11  }
0xf5: {  	s0 =	stileid.u32;
	_ =	swait.ge @!p3 [sflag:s6], $0x1400  }
0xf6: {  	s16 =	simm.s32 @!p4 $0x10;
	s17 =	simm.s32 @!p4 $0x8;
	[sflag:s6] =	ssyncset.done @!p3 $0x0  }
0xf7: {  	s10 =	sshll.u32 @!p4 s0, $0x6;
	s0 =	rddreg [dreg:$0xb];
	[sflag:s6] =	ssyncadd.s32 @!p3 $0xFFFFEC00  }
0xf8: {  	s6 =	sor.u32 @!p4 $0x1C11, s10;
	s10 =	sshrl.u32 @!p4 s15, $0x3;
	s15 =	simm.s32 @!p4 $0x1  }
0xf9: {  	[hbm:s0@s16], [sflag:s6] =	dma.strided @!p4 [spmem:s10@s17], $0x1380, s15, $0x8   }
0xfa: {  	s6 =	simm.s32 @!p4 $0x11  }
0xfb: {  	_ =	swait.ge @!p4 [sflag:s6], $0x1380  }
0xfc: {  	s17 =	rddreg [dreg:$0x12]  }
0xfd: {  	s20 =	rddreg [dreg:$0xd];
	s10 =	sadd.s32 $0x1, s17  }
0xfe: {  	p5 =	sne.s32 s10, s20  }
.Ltmp1:
0xff: {  	_ = 	snop;
	(pc) =	sbr.rel @p5 .LBB2_1-.Ltmp1, $3  }
0x100: {  	_ =	sdelay $0x1  }
0x101: {  	[sflag:s6] =	ssyncset.done @!p4 $0x0  }
0x102: {  	s18 =	stileid.u32;
	[sflag:s6] =	ssyncadd.s32 @!p4 $0xFFFFEC80  }
0x103: {  	_ =	sfence.sel $0x180000  }
0x104: {  	[bflag:$0x0] =	sbarrier.arrive $0xFFFF  }
0x105: {  	_ =	strace $0x90000050  }
0x106: {  	[bflag:$0x2] =	sbarrier.arrive $0xFFFF  }
0x107: {  	p0 =	sne.s32 s18, $0x0;
	s0 =	rddreg [dreg:$0x3]  }
0x108: {  	s0 =	sadd.s32 @!p0 $0x100000, s0  }
0x109: {  	[sflag:s0] =	ssyncadd.tile.s32 @!p0 $0x1;
	_ =	shalt  }
.Lfunc_end2:
_tile_overlayer_lowered:
.L_overlay_start_2:
0x10a: {  	(tag) =	ssettag $0x2  }
0x10b: {  	s0 =	rddreg [dreg:$0x0];
	s2 =	stileid.u32  }
0x10c: {  	s1 =	rddreg [dreg:$0x1];
	p0 =	sne.s32 s2, $0x0  }
0x10d: {  	s3 =	rddreg [dreg:$0x2];
	[bflag:$0x3] =	sbarrier.arrive $0xFFFF;
	s2 =	simm.s32 @!p0 $0x1C11  }
0x10e: {  	[timem:s3], [sflag:s2] =	dma.local @!p0 [hbm:s0], s1  }
0x10f: {  	s0 =	simm.s32 @!p0 $0x11  }
0x110: {  	_ =	swait.ge @!p0 [sflag:s0], s1  }
0x111: {  	s1 =	ssub.s32 @!p0 $0x0, s1;
	[sflag:s0] =	ssyncset.done @!p0 $0x0  }
0x112: {  	[sflag:s0] =	ssyncadd.s32 @!p0 s1  }
0x113: {  	[bflag:$0x3] =	sbarrier.arrive $0xFFFF  }
0x114: {  	_ =	shalt  }

// kernel: gcn_agg.5.cloned.1.call-start
scs
__scs_entry_jumppad:
0x0: {  	(pc) =	sbr.rel $0x88, $3  }
0x1: {  	(tag) =	ssettag $0x0;
	lr =	simm.s32 $0x1  }
0x2: {  	[smem:$0x3F9C] =	sst lr;
	_ =	strace $0xD0000000  }
0x3: {  	_ = 	snop  }
0x4: {  	_ = 	snop  }
0x5: {  	_ = 	snop  }
0x6: {  	_ = 	snop  }
0x7: {  	_ = 	snop  }
__scs_overlays_trampoline_lowered:
0x8: {  	[smem:$0x3FAB] =	sst s0  }
0x9: {  	[smem:$0x3FAC] =	sst s1  }
0xa: {  	[smem:$0x3FAD] =	sst s2  }
0xb: {  	[smem:$0x3FAE] =	sst s3  }
0xc: {  	[smem:$0x3FAF] =	sst s4  }
0xd: {  	[smem:$0x3FB0] =	sst s5  }
0xe: {  	[smem:$0x3FB1] =	sst s6  }
0xf: {  	[smem:$0x3FB2] =	sst s7  }
0x10: {  	[smem:$0x3FB3] =	sst s8  }
0x11: {  	[smem:$0x3FB4] =	sst s9;
	s0 =	simm.s32 @!p0 $0x0  }
0x12: {  	s1 =	sld [smem:$0x3F9A];
	s0 =	simm.s32 @p0 $0x1  }
0x13: {  	[smem:$0x3FB5] =	sst s0;
	s0 =	simm.s32 @!p1 $0x0  }
0x14: {  	s2 =	sld [smem:$0x3F99];
	s0 =	simm.s32 @p1 $0x1  }
0x15: {  	[smem:$0x3FB6] =	sst s0;
	s0 =	simm.s32 @!p2 $0x0  }
0x16: {  	s3 =	sld [smem:$0x3FDB];
	s0 =	simm.s32 @p2 $0x1  }
0x17: {  	s4 =	simm.s32 $0x1BF5;
	[smem:$0x3FB8] =	sst s0  }
0x18: {  	s0 =	sld [smem:$0x3F9B];
	_ =	swait.ge [sflag:s4], $0x0  }
0x19: {  	s7 =	sld [smem:$0x3F9C]  }
0x1a: {  	s8 =	sadd.s32 $0xFFFFE003, lr  }
0x1b: {  	s9 =	sadd.s32 $0xFFFFFEF7, lr;
	s5 =	simm.s32 $0xFFFFFFFF;
	p2 =	slt.u32 s8, $0xFFFFF086  }
0x1c: {  	p1 =	slt.u32 s9, $0xF7A;
	s5 =	simm.s32 @!p2 $0x0  }
0x1d: {  	s5 =	simm.s32 @p1 $0x1;
	p0 =	seq.s32 s7, s2  }
0x1e: {  	s7 =	smul.u32 @!p0 $0xF7A, s2;
	p2 =	seq.s32 @!p0 s5, $0x0  }
0x1f: {  	s9 =	smul.u32 $0xF7A, s1;
	s8 =	simm.s32 @!p0 $0x1BF5;
	p2 =	por !p2, p0  }
0x20: {  	[sflag:s8] =	ssyncset.s32 @!p0 $0xFFFFF086;
	s6 =	sadd.s32 @!p0 s3, s7;
	s7 =	simm.s32 @!p0 $0x108  }
0x21: {  	s3 =	sadd.s32 s3, s9;
	s6 =	sadd.s32 @!p0 $0x88, s6;
	s7 =	simm.s32 @p2 $0x1082  }
0x22: {  	[simem:s7], [sflag:s8] =	dma.local @!p0 [hbm:s6], $0xF7A  }
0x23: {  	s9 =	sor.u32 $0xD0000000, s2;
	s6 =	simm.s32 $0x108;
	_ =	swait.ge @!p0 [sflag:s8], $0x0  }
0x24: {  	s3 =	sadd.s32 $0x88, s3;
	s6 =	simm.s32 @!p1 $0x1082;
	[sflag:s4] =	ssyncset.s32 $0xFFFFF086  }
0x25: {  	[simem:s6], [sflag:s4] =	dma.local [hbm:s3], $0xF7A  }
0x26: {  	[smem:$0x3F9C] =	sst s1;
	(tag) =	ssettag s2;
	_ =	strace s9  }
0x27: {  	s1 =	sld [smem:$0x3FAC]  }
0x28: {  	s2 =	sld [smem:$0x3FAD]  }
0x29: {  	s4 =	sld [smem:$0x3FAF]  }
0x2a: {  	p0 =	seq.s32 s5, $0x0;
	s5 =	sld [smem:$0x3FB0]  }
0x2b: {  	s6 =	sld [smem:$0x3FB1]  }
0x2c: {  	s7 =	sld [smem:$0x3FB2]  }
0x2d: {  	s3 =	simm.s32 $0x108;
	s8 =	sld [smem:$0x3FB3]  }
0x2e: {  	s3 =	simm.s32 @!p0 $0x1082;
	s9 =	sld [smem:$0x3FB4]  }
0x2f: {  	lr =	sadd.s32 s0, s3;
	s0 =	sld [smem:$0x3FAB]  }
0x30: {  	s3 =	sld [smem:$0x3FAE]  }
0x31: {  	[smem:$0x3FB7] =	sst s10  }
0x32: {  	s10 =	sld [smem:$0x3FB5];
	_ =	sdelay $0x3  }
0x33: {  	p0 =	seq.s32 s10, $0x1;
	s10 =	sld [smem:$0x3FB7];
	_ =	sdelay $0x3  }
0x34: {  	[smem:$0x3FB7] =	sst s10  }
0x35: {  	s10 =	sld [smem:$0x3FB6];
	_ =	sdelay $0x3  }
0x36: {  	p1 =	seq.s32 s10, $0x1;
	s10 =	sld [smem:$0x3FB7];
	_ =	sdelay $0x3  }
0x37: {  	[smem:$0x3FB7] =	sst s10  }
0x38: {  	s10 =	sld [smem:$0x3FB8]  }
0x39: {  	_ = 	snop;
	(pc) =	sbr.ind lr, $3  }
0x3a: {  	_ = 	snop  }
0x3b: {  	_ = 	snop  }
0x3c: {  	p2 =	seq.s32 s10, $0x1;
	s10 =	sld [smem:$0x3FB7]  }
0x3d: {  	_ =	shalt  }
0x3e: {  	_ =	shalt  }
0x3f: {  	_ =	shalt  }
0x40: {  	_ =	shalt  }
0x41: {  	_ =	shalt  }
0x42: {  	_ =	shalt  }
0x43: {  	_ =	shalt  }
0x44: {  	_ =	shalt  }
0x45: {  	_ =	shalt  }
0x46: {  	_ =	shalt  }
0x47: {  	_ =	shalt  }
0x48: {  	_ =	shalt  }
0x49: {  	_ =	shalt  }
0x4a: {  	_ =	shalt  }
0x4b: {  	_ =	shalt  }
0x4c: {  	_ =	shalt  }
0x4d: {  	_ =	shalt  }
0x4e: {  	_ =	shalt  }
0x4f: {  	_ =	shalt  }
0x50: {  	_ =	shalt  }
0x51: {  	_ =	shalt  }
0x52: {  	_ =	shalt  }
0x53: {  	_ =	shalt  }
0x54: {  	_ =	shalt  }
0x55: {  	_ =	shalt  }
0x56: {  	_ =	shalt  }
0x57: {  	_ =	shalt  }
0x58: {  	_ =	shalt  }
0x59: {  	_ =	shalt  }
0x5a: {  	_ =	shalt  }
0x5b: {  	_ =	shalt  }
0x5c: {  	_ =	shalt  }
0x5d: {  	_ =	shalt  }
0x5e: {  	_ =	shalt  }
0x5f: {  	_ =	shalt  }
0x60: {  	_ =	shalt  }
0x61: {  	_ =	shalt  }
0x62: {  	_ =	shalt  }
0x63: {  	_ =	shalt  }
0x64: {  	_ =	shalt  }
0x65: {  	_ =	shalt  }
0x66: {  	_ =	shalt  }
0x67: {  	_ =	shalt  }
0x68: {  	_ =	shalt  }
0x69: {  	_ =	shalt  }
0x6a: {  	_ =	shalt  }
0x6b: {  	_ =	shalt  }
0x6c: {  	_ =	shalt  }
0x6d: {  	_ =	shalt  }
0x6e: {  	_ =	shalt  }
0x6f: {  	_ =	shalt  }
0x70: {  	_ =	shalt  }
0x71: {  	_ =	shalt  }
0x72: {  	_ =	shalt  }
0x73: {  	_ =	shalt  }
0x74: {  	_ =	shalt  }
0x75: {  	_ =	shalt  }
0x76: {  	_ =	shalt  }
0x77: {  	_ =	shalt  }
0x78: {  	_ =	shalt  }
0x79: {  	_ =	shalt  }
0x7a: {  	_ =	shalt  }
0x7b: {  	_ =	shalt  }
0x7c: {  	_ =	shalt  }
0x7d: {  	_ =	shalt  }
0x7e: {  	_ =	shalt  }
0x7f: {  	_ =	shalt  }
0x80: {  	_ =	shalt  }
0x81: {  	_ =	shalt  }
0x82: {  	_ =	shalt  }
0x83: {  	_ =	shalt  }
0x84: {  	_ =	shalt  }
0x85: {  	_ =	shalt  }
0x86: {  	_ =	shalt  }
0x87: {  	_ =	shalt  }
.Lfunc_end0:
.L_simem_size_0:
called_computation.1_lowered:
.L_overlay_start_0:
0x88: {  	s2 =	sld [smem:$0x3FD9]  }
0x89: {  	s3 =	sld [smem:$0x3FFE];
	_ =	sdelay $0x1  }
0x8a: {  	s1 =	srdreg.scid  }
0x8b: {  	s0 =	sand.u32 $0x1, s1  }
0x8c: {  	s17 =	sshll.u32 s0, $0xA;
	s2 =	sadd.s32 s3, s2  }
0x8d: {  	s2 =	sadd.s32 s2, s17  }
0x8e: {  	[smem:$0x3FC3] =	sst s2  }
0x8f: {  	_ = 	snop  }
0x90: {  	s2 =	sld [smem:$0x3FD0];
	(tm) =	ssettm $0x1  }
0x91: {  	s18 =	sld [smem:$0x3FFB];
	_ =	sdelay $0x3  }
0x92: {  	_ =	strace s18  }
0x93: {  	s3 =	sld [smem:$0x3FFC];
	_ =	sdelay $0x3  }
0x94: {  	_ =	strace s3  }
0x95: {  	s3 =	sld [smem:$0x3FFD];
	_ =	sdelay $0x3  }
0x96: {  	_ =	strace s3  }
0x97: {  	_ =	strace $0x8FFFFFFF  }
0x98: {  	s19 =	sld [smem:$0x3FDB];
	_ =	sdelay $0x1  }
0x99: {  	s4 =	simm.s32 $_scs_section_size  }
0x9a: {  	s5 =	simm.s32 $_size__tile_overlayer_lowered;
	s6 =	simm.s32 $_tile_overlayer_lowered  }
0x9b: {  	s22 =	simm.s32 $0x1BFF;
	s21 =	sshll.u32 s6, $0x1;
	s3 =	sadd.s32 s4, s19  }
0x9c: {  	s7 =	simm.s32 $0x0;
	s20 =	sshll.u32 s5, $0x1;
	s5 =	sadd.s32 s21, s3  }
0x9d: {  	[timem:s7], [sflag:s22] =	dma.local [hbm:s5], s20  }
0x9e: {  	_ =	swait.ge [sflag:s22], s20  }
0x9f: {  	s4 =	ssub.s32 $0x0, s20;
	[sflag:s22] =	ssyncset.done $0x0  }
0xa0: {  	[sflag:s22] =	ssyncadd.s32 s4;
	_ =	sdelay $0x1  }
0xa1: {  	s23 =	simm.s32 $0x1B8B  }
0xa2: {  	_ =	swait.ge [sflag:s23], $0x1  }
0xa3: {  	[sflag:s23] =	ssyncset.done $0x0  }
0xa4: {  	s25 =	simm.s32 $0x1B8E;
	s24 =	sld [smem:$0x3FFE];
	[sflag:s23] =	ssyncadd.s32 $0xFFFFFFFF  }
0xa5: {  	s26 =	simm.s32 $execute0_lowered;
	[smem:$0x3FD2] =	sst s25  }
0xa6: {  	s5 =	sshll.u32 s26, $0x1;
	_ =	strace $0x80000049;
	[dreg:$0x1] =	wrdreg $0xFFFFFFFF  }
0xa7: {  	s28 =	simm.s32 $_size_execute0_lowered;
	s3 =	sadd.s32 s3, s5;
	[dreg:$0x0] =	wrdreg $0x0  }
0xa8: {  	s5 =	sshll.u32 s28, $0x1;
	[dreg:$0x2] =	wrdreg s3  }
0xa9: {  	[dreg:$0x3] =	wrdreg s5  }
0xaa: {  	[dreg:$0x4] =	wrdreg $0xC0  }
0xab: {  	_ =	task [dreg:s7], $0x5FFFF  }
0xac: {  	[dreg:$0x1] =	wrdreg $0xFFFFFFFF  }
0xad: {  	[dreg:$0x0] =	wrdreg $0x60  }
0xae: {  	[dreg:$0x2] =	wrdreg s24  }
0xaf: {  	[dreg:$0x3] =	wrdreg s2  }
0xb0: {  	[dreg:$0x4] =	wrdreg $0x0  }
0xb1: {  	[dreg:$0x5] =	wrdreg $0x9  }
0xb2: {  	_ =	task.clear_ibuf [dreg:s7], $0x6FFFF;
	_ =	strace $0x90000049  }
0xb3: {  	s29 =	simm.s32 $0x9;
	_ =	strace $0x8000004B  }
0xb4: {  	_ =	swait.ge [sflag:s29], $0x1  }
0xb5: {  	[sflag:s29] =	ssyncadd.s32 $0xFFFFFFFF  }
0xb6: {  	_ =	strace $0x9000004B  }
0xb7: {  	_ =	sfence  }
0xb8: {  	s30 =	sld [smem:$0x0];
	_ =	sdelay $0x2  }
0xb9: {  	s31 =	sshll.u32 s1, $0xD;
	s1 =	sshrl.u32 s1, $0x2  }
0xba: {  	s3 =	sand.u32 $0x4000, s31;
	s1 =	sadd.s32 s1, s30  }
0xbb: {  	s0 =	sor.u32 s3, s0;
	s1 =	sshll.u32 s1, $0x11  }
0xbc: {  	s0 =	sor.u32 s1, s0  }
0xbd: {  	s0 =	sadd.s32 $0x8F2B, s0  }
0xbe: {  	[sflag:s0] =	ssyncadd.remote.s32 $0x1  }
0xbf: {  	_ =	sfence.sel $0xFFFF  }
0xc0: {  	[dreg:$0x0] =	wrdreg $0xFFFFFFFF;
	(pc) =	sbr.abs _section_cstart, $3  }
0xc1: {  	[dreg:$0x1] =	wrdreg $0xFFFFFFFF  }
0xc2: {  	_ =	task.clear_ibuf [dreg:s7], $0x2FFFF;
	_ =	strace $0x9FFFFFFF  }
0xc3: {  	(tm) =	ssettm $0x7FFFFFFF  }
tec
execute0_lowered:
.L_overlay_start_1:
0x0: {  	(tag) =	ssettag $0x1  }
0x1: {  	s0 =	rddreg [dreg:$0x0]  }
0x2: {  	s2 =	rddreg [dreg:$0x2];
	s20 =	simm.s32 $0x0  }
0x3: {  	s10 =	stileid.u32;
	s1 =	srdreg.scid;
	s21 =	simm.s32 $0x11  }
0x4: {  	s29 =	simm.s32 $0x12C60;
	s31 =	simm.s32 $0x14C60;
	s13 =	simm.s32 $0x16C60  }
0x5: {  	s14 =	simm.s32 $0x18C60;
	s15 =	simm.s32 $0x1AC60;
	s16 =	simm.s32 $0x1CC60  }
0x6: {  	s17 =	simm.s32 $0x5;
	s18 =	simm.s32 $0x6;
	s19 =	simm.s32 $0x7  }
0x7: {  	[smem:$0x7FF] =	sst s20;
	s5 =	sadd.s32 $0x25200, s0;
	s3 =	smul.u32 $0x9C00, s10  }
0x8: {  	s1 =	sand.u32 $0x1, s1;
	s11 =	sadd.s32 $0x11200, s0;
	s4 =	smul.u32 $0x2700, s10  }
0x9: {  	s7 =	sadd.s32 $0x1B200, s0;
	s22 =	smul.u32 $0x27000, s10;
	s12 =	sadd.s32 $0x5E880, s0  }
0xa: {  	s23 =	smul.u32 $0x5000, s10;
	s26 =	sadd.s32 $0x84700, s0;
	p0 =	seq.s32 s10, $0xF  }
0xb: {  	_ =	strace $0x8000004A;
	s6 =	ssub.s32 $0x2, s1;
	[dreg:$0x8] =	wrdreg s12  }
0xc: {  	p1 =	seq.s32 s1, $0x1;
	[dreg:$0xc] =	wrdreg s26;
	s26 =	simm.s32 $0x10C60  }
0xd: {  	s12 =	simm.s32 $0x9;
	s8 =	sshrl.u32 s3, $0x3;
	s9 =	sshrl.u32 s6, $0x1  }
0xe: {  	s4 =	sadd.s32 s4, s0;
	s3 =	sadd.s32 s3, s2;
	[dreg:$0x9] =	wrdreg s23  }
0xf: {  	s25 =	sshrl.u32 s22, $0x2;
	s11 =	smov.u32 @p1 s7;
	s23 =	simm.s32 $0x80  }
0x10: {  	p2 =	seq.s32 @p1 s10, $0xF;
	p4 =	seq.s32 @!p1 s10, $0xF;
	s7 =	simm.s32 $0x2  }
0x11: {  	s8 =	sadd.s32 s8, s0;
	s24 =	sadd.s32 $0x5FE00, s4;
	[dreg:$0x5] =	wrdreg s11  }
0x12: {  	s6 =	ssub.s32 s6, s9;
	s1 =	sadd.s32 s25, s2;
	[dreg:$0xa] =	wrdreg s24  }
0x13: {  	s9 =	sadd.s32 $0x92400, s2;
	s28 =	sadd.s32 $0x5FE08, s4;
	[dreg:$0xb] =	wrdreg s1  }
0x14: {  	s0 =	sadd.s32 $0x84708, s0;
	p3 =	por !p2, !p1;
	[dreg:$0xd] =	wrdreg s28  }
0x15: {  	p2 =	por p2, !p1;
	s11 =	simm.s32 $0x4;
	[dreg:$0xe] =	wrdreg s0  }
0x16: {  	s4 =	simm.s32 $0xB;
	s8 =	sadd.s32 $0x4C400, s8;
	[dreg:$0x7] =	wrdreg s9  }
0x17: {  	s30 =	smax.u32 s6, $0x1;
	s0 =	sshrl.u32 @p0 s9, $0x3;
	[dreg:$0x6] =	wrdreg s8  }
0x18: {  	s24 =	simm.s32 $0xEC60;
	[dreg:$0x10] =	wrdreg s0;
	s0 =	sshll.u32 @!p0 s10, $0x6  }
0x19: {  	s9 =	simm.s32 $0x3;
	[dreg:$0xf] =	wrdreg s30;
	s0 =	sor.u32 @!p0 $0x1C11, s0  }
0x1a: {  	s1 =	simm.s32 $0xC;
	[dreg:$0x11] =	wrdreg s0;
	s0 =	sshrl.u32 @!p0 s3, $0x3  }
0x1b: {  	s8 =	simm.s32 $0xA;
	[dreg:$0x12] =	wrdreg s0;
	s0 =	simm.s32 @!p3 $0x0  }
0x1c: {  	s3 =	simm.s32 $0x8;
	s0 =	simm.s32 @p3 $0x1;
	p3 =	por !p4, p1  }
0x1d: {  	p4 =	por p4, p1;
	[smem:$0x7FD] =	sst s0;
	s0 =	simm.s32 $0x1  }
.LBB2_1:
0x1e: {  	[dreg:$0x4] =	wrdreg s20  }
0x1f: {  	s10 =	rddreg [dreg:$0x8]  }
0x20: {  	s6 =	simm.s32 @p0 $0x1FD1;
	s20 =	rddreg [dreg:$0x10]  }
0x21: {  	[spmem:s20], [sflag:s6] =	dma.local @p0 [hbm:s10], $0x1400  }
0x22: {  	s6 =	simm.s32 @p0 $0x11  }
0x23: {  	_ =	swait.ge @p0 [sflag:s6], $0x1400  }
0x24: {  	s10 =	rddreg [dreg:$0x11]  }
0x25: {  	[sflag:s6] =	ssyncset.done @p0 $0x0;
	s20 =	rddreg [dreg:$0x12]  }
0x26: {  	[sflag:s6] =	ssyncadd.s32 @p0 $0xFFFFEC00;
	s6 =	rddreg [dreg:$0x6]  }
0x27: {  	[spmem:s20], [sflag:s10] =	dma.local @!p0 [hbm:s6], $0x1380  }
0x28: {  	s6 =	simm.s32 @!p0 $0x11  }
0x29: {  	_ =	swait.ge @!p0 [sflag:s6], $0x1380  }
0x2a: {  	[sflag:s6] =	ssyncset.done @!p0 $0x0  }
0x2b: {  	[sflag:s6] =	ssyncadd.s32 @!p0 $0xFFFFEC80  }
0x2c: {  	p6 =	por $0x1, $0x1;
	s6 =	simm.s32 $0x0;
	[bflag:$0x0] =	sbarrier.arrive $0xFFFF  }
.LBB2_2:
0x2d: {  	s10 =	rddreg [dreg:$0x9]  }
0x2e: {  	s6 =	sadd.s32 s10, s6  }
0x2f: {  	s28 =	rddreg [dreg:$0x5];
	s6 =	sshrl.u32 s6, $0x3  }
0x30: {  	s20 =	simm.s32 $0x0;
	s22 =	simm.s32 $0x9C60;
	s10 =	sadd.s32 s28, s6  }
0x31: {  	[tilespmem:s22], [sflag:$0x11] =	stream.linear.gather [hbm4b:s10+s20], $0x2800, $0x38;
	[tilespmem:$0x1EC60] =	vst v63  }
0x32: {  	_ =	swait.ge [sflag:s21], $0x2800  }
0x33: {  	[sflag:s21] =	ssyncset.done $0x0  }
0x34: {  	[sflag:s21] =	ssyncadd.s32 $0xFFFFD800  }
0x35: {  	s30 =	rddreg [dreg:$0x1]  }
0x36: {  	s25 =	simm.s32 $0xC460;
	s6 =	sadd.s32 s30, s6  }
0x37: {  	[tilespmem:s25], [sflag:$0x11] =	stream.linear.gather [hbm4b:s6+s20], $0x2800, $0x38;
	[tilespmem:$0x1EC60] =	vst v63  }
0x38: {  	_ =	swait.ge [sflag:s21], $0x2800  }
0x39: {  	[sflag:s21] =	ssyncset.done $0x0  }
0x3a: {  	[sflag:s21] =	ssyncadd.s32 $0xFFFFD800  }
0x3b: {  	[tilespmem:s24], [sflag:$0x1] =	stream.indirect.gather [hbm4b:s5+s23], $0x40, s22, s23, $0xb8;
	[tilespmem:$0x1EC60] =	vst v63  }
0x3c: {  	s28 =	simm.s32 $0x9CE0  }
0x3d: {  	[tilespmem:s26], [sflag:$0x2] =	stream.indirect.gather [hbm4b:s5+s23], $0x40, s28, s23, $0xb8;
	[tilespmem:$0x1EC60] =	vst v63  }
0x3e: {  	s30 =	simm.s32 $0x9D60  }
0x3f: {  	[tilespmem:s29], [sflag:$0x3] =	stream.indirect.gather [hbm4b:s5+s23], $0x40, s30, s23, $0xb8;
	[tilespmem:$0x1EC60] =	vst v63  }
0x40: {  	s10 =	simm.s32 $0x9DE0  }
0x41: {  	[tilespmem:s31], [sflag:$0x4] =	stream.indirect.gather [hbm4b:s5+s23], $0x40, s10, s23, $0xb8;
	[tilespmem:$0x1EC60] =	vst v63  }
0x42: {  	_ =	swait.ge [sflag:s0], $0x2000  }
0x43: {  	[sflag:s0] =	ssyncset.done $0x0  }
0x44: {  	[sflag:s0] =	ssyncadd.s32 $0xFFFFE000  }
0x45: {  	_ =	swait.ge [sflag:s7], $0x2000  }
0x46: {  	[sflag:s7] =	ssyncset.done $0x0  }
0x47: {  	[sflag:s7] =	ssyncadd.s32 $0xFFFFE000  }
0x48: {  	_ =	swait.ge [sflag:s9], $0x2000  }
0x49: {  	[sflag:s9] =	ssyncset.done $0x0  }
0x4a: {  	[sflag:s9] =	ssyncadd.s32 $0xFFFFE000  }
0x4b: {  	_ =	swait.ge [sflag:s11], $0x2000  }
0x4c: {  	p1 =	por $0x1, $0x1;
	[sflag:s11] =	ssyncset.done $0x0  }
0x4d: {  	s6 =	simm.s32 @!p1 $0xD;
	[sflag:s11] =	ssyncadd.s32 $0xFFFFE000  }
0x4e: {  	_ =	swait.ge @!p1 [sflag:s6], $0x2000  }
0x4f: {  	[sflag:s6] =	ssyncset.done @!p1 $0x0  }
0x50: {  	[sflag:s6] =	ssyncadd.s32 @!p1 $0xFFFFE000;
	s6 =	simm.s32 @!p1 $0xE  }
0x51: {  	_ =	swait.ge @!p1 [sflag:s6], $0x2000  }
0x52: {  	[sflag:s6] =	ssyncset.done @!p1 $0x0  }
0x53: {  	[sflag:s6] =	ssyncadd.s32 @!p1 $0xFFFFE000;
	s6 =	simm.s32 @!p1 $0xF  }
0x54: {  	_ =	swait.ge @!p1 [sflag:s6], $0x2000  }
0x55: {  	[sflag:s6] =	ssyncset.done @!p1 $0x0  }
0x56: {  	[sflag:s6] =	ssyncadd.s32 @!p1 $0xFFFFE000;
	s6 =	simm.s32 @!p1 $0x10  }
0x57: {  	_ =	swait.ge @!p1 [sflag:s6], $0x2000  }
0x58: {  	[sflag:s6] =	ssyncset.done @!p1 $0x0  }
0x59: {  	s20 =	simm.s32 $0x9E60;
	[sflag:s6] =	ssyncadd.s32 @!p1 $0xFFFFE000  }
0x5a: {  	[tilespmem:s13], [sflag:$0x5] =	stream.indirect.gather [hbm4b:s5+s23], $0x40, s20, s23, $0xb8;
	[tilespmem:$0x1EC60] =	vst v63  }
0x5b: {  	s22 =	simm.s32 $0x9EE0  }
0x5c: {  	[tilespmem:s14], [sflag:$0x6] =	stream.indirect.gather [hbm4b:s5+s23], $0x40, s22, s23, $0xb8;
	[tilespmem:$0x1EC60] =	vst v63  }
0x5d: {  	s25 =	simm.s32 $0x9F60  }
0x5e: {  	[tilespmem:s15], [sflag:$0x7] =	stream.indirect.gather [hbm4b:s5+s23], $0x40, s25, s23, $0xb8;
	[tilespmem:$0x1EC60] =	vst v63  }
0x5f: {  	s28 =	simm.s32 $0x9FE0  }
0x60: {  	[tilespmem:s16], [sflag:$0x8] =	stream.indirect.gather [hbm4b:s5+s23], $0x40, s28, s23, $0xb8;
	[tilespmem:$0x1EC60] =	vst v63  }
0x61: {  	s30 =	simm.s32 $0xC460  }
0x62: {  	[spmem:s2] =	stream.indirect.scatter.add.f32 [tilespmem:s24], [sflag:$0x9], $0x40, s30, s23, $0xb8;
	[tilespmem:$0x1EC60] =	vst v63  }
0x63: {  	s10 =	simm.s32 $0xC4E0  }
0x64: {  	[spmem:s2] =	stream.indirect.scatter.add.f32 [tilespmem:s26], [sflag:$0xA], $0x40, s10, s23, $0xb8;
	[tilespmem:$0x1EC60] =	vst v63  }
0x65: {  	s20 =	simm.s32 $0xC560  }
0x66: {  	[spmem:s2] =	stream.indirect.scatter.add.f32 [tilespmem:s29], [sflag:$0xB], $0x40, s20, s23, $0xb8;
	[tilespmem:$0x1EC60] =	vst v63  }
0x67: {  	s22 =	simm.s32 $0xC5E0  }
0x68: {  	[spmem:s2] =	stream.indirect.scatter.add.f32 [tilespmem:s31], [sflag:$0xC], $0x40, s22, s23, $0xb8;
	[tilespmem:$0x1EC60] =	vst v63  }
0x69: {  	_ =	swait.ge [sflag:s17], $0x2000  }
0x6a: {  	[sflag:s17] =	ssyncset.done $0x0  }
0x6b: {  	[sflag:s17] =	ssyncadd.s32 $0xFFFFE000  }
0x6c: {  	_ =	swait.ge [sflag:s18], $0x2000  }
0x6d: {  	[sflag:s18] =	ssyncset.done $0x0  }
0x6e: {  	[sflag:s18] =	ssyncadd.s32 $0xFFFFE000  }
0x6f: {  	_ =	swait.ge [sflag:s19], $0x2000  }
0x70: {  	[sflag:s19] =	ssyncset.done $0x0  }
0x71: {  	[sflag:s19] =	ssyncadd.s32 $0xFFFFE000  }
0x72: {  	_ =	swait.ge [sflag:s3], $0x2000  }
0x73: {  	[sflag:s3] =	ssyncset.done $0x0  }
0x74: {  	[sflag:s3] =	ssyncadd.s32 $0xFFFFE000  }
0x75: {  	_ =	swait.ge [sflag:s12], $0x2000  }
0x76: {  	[sflag:s12] =	ssyncset.done $0x0  }
0x77: {  	[sflag:s12] =	ssyncadd.s32 $0xFFFFE000  }
0x78: {  	_ =	swait.ge [sflag:s8], $0x2000  }
0x79: {  	[sflag:s8] =	ssyncset.done $0x0  }
0x7a: {  	[sflag:s8] =	ssyncadd.s32 $0xFFFFE000  }
0x7b: {  	_ =	swait.ge [sflag:s4], $0x2000  }
0x7c: {  	[sflag:s4] =	ssyncset.done $0x0  }
0x7d: {  	[sflag:s4] =	ssyncadd.s32 $0xFFFFE000  }
0x7e: {  	p1 =	por $0x0, $0x0;
	_ =	swait.ge [sflag:s1], $0x2000  }
0x7f: {  	s6 =	simm.s32 @!p1 $0xEC60;
	[sflag:s1] =	ssyncset.done $0x0  }
0x80: {  	s10 =	simm.s32 @!p1 $0xA060;
	s20 =	simm.s32 @!p1 $0x80;
	[sflag:s1] =	ssyncadd.s32 $0xFFFFE000  }
0x81: {  	[tilespmem:s6], [sflag:$0x1] =	stream.indirect.gather @!p1 [hbm4b:s5+s20], $0x40, s10, s20, $0xb8;
	[tilespmem:$0x1EC60] =	vst v63  }
0x82: {  	s6 =	simm.s32 @!p1 $0xA0E0;
	s10 =	simm.s32 @!p1 $0x10C60  }
0x83: {  	[tilespmem:s10], [sflag:$0x2] =	stream.indirect.gather @!p1 [hbm4b:s5+s20], $0x40, s6, s20, $0xb8;
	[tilespmem:$0x1EC60] =	vst v63  }
0x84: {  	s6 =	simm.s32 @!p1 $0xA160;
	s10 =	simm.s32 @!p1 $0x12C60  }
0x85: {  	[tilespmem:s10], [sflag:$0x3] =	stream.indirect.gather @!p1 [hbm4b:s5+s20], $0x40, s6, s20, $0xb8;
	[tilespmem:$0x1EC60] =	vst v63  }
0x86: {  	s6 =	simm.s32 @!p1 $0xA1E0;
	s10 =	simm.s32 @!p1 $0x14C60  }
0x87: {  	[tilespmem:s10], [sflag:$0x4] =	stream.indirect.gather @!p1 [hbm4b:s5+s20], $0x40, s6, s20, $0xb8;
	[tilespmem:$0x1EC60] =	vst v63  }
0x88: {  	s25 =	simm.s32 $0xC660  }
0x89: {  	[spmem:s2] =	stream.indirect.scatter.add.f32 [tilespmem:s13], [sflag:$0xD], $0x40, s25, s23, $0xb8;
	[tilespmem:$0x1EC60] =	vst v63  }
0x8a: {  	p5 =	por p6, p6;
	s28 =	simm.s32 $0xC6E0  }
0x8b: {  	[spmem:s2] =	stream.indirect.scatter.add.f32 [tilespmem:s14], [sflag:$0xE], $0x40, s28, s23, $0xb8;
	[tilespmem:$0x1EC60] =	vst v63  }
0x8c: {  	s30 =	simm.s32 $0xC760;
	s6 =	simm.s32 $0x1000;
	s10 =	simm.s32 $0xC7E0  }
0x8d: {  	[spmem:s2] =	stream.indirect.scatter.add.f32 [tilespmem:s15], [sflag:$0xF], $0x40, s30, s23, $0xb8;
	[tilespmem:$0x1EC60] =	vst v63  }
.LBB2_3:
0x8e: {  	[spmem:s2] =	stream.indirect.scatter.add.f32 [tilespmem:s16], [sflag:$0x10], $0x40, s10, s23, $0xb8;
	[tilespmem:$0x1EC60] =	vst v63  }
0x8f: {  	s10 =	smov.u32 s6;
	s6 =	sadd.s32 $0x1000, s6;
	_ =	swait.ge [sflag:s0], $0x2000  }
0x90: {  	p6 =	sne.s32 s6, $0xA000;
	[sflag:s0] =	ssyncset.done $0x0  }
0x91: {  	[sflag:s0] =	ssyncadd.s32 $0xFFFFE000  }
0x92: {  	_ =	swait.ge [sflag:s7], $0x2000  }
0x93: {  	[sflag:s7] =	ssyncset.done $0x0  }
0x94: {  	[sflag:s7] =	ssyncadd.s32 $0xFFFFE000  }
0x95: {  	_ =	swait.ge [sflag:s9], $0x2000  }
0x96: {  	[sflag:s9] =	ssyncset.done $0x0  }
0x97: {  	[sflag:s9] =	ssyncadd.s32 $0xFFFFE000  }
0x98: {  	_ =	swait.ge [sflag:s11], $0x2000  }
0x99: {  	p1 =	seq.s32 s10, $0x0;
	[sflag:s11] =	ssyncset.done $0x0  }
0x9a: {  	s20 =	simm.s32 @!p1 $0xD;
	[sflag:s11] =	ssyncadd.s32 $0xFFFFE000  }
0x9b: {  	_ =	swait.ge @!p1 [sflag:s20], $0x2000  }
0x9c: {  	[sflag:s20] =	ssyncset.done @!p1 $0x0  }
0x9d: {  	[sflag:s20] =	ssyncadd.s32 @!p1 $0xFFFFE000;
	s20 =	simm.s32 @!p1 $0xE  }
0x9e: {  	_ =	swait.ge @!p1 [sflag:s20], $0x2000  }
0x9f: {  	[sflag:s20] =	ssyncset.done @!p1 $0x0  }
0xa0: {  	[sflag:s20] =	ssyncadd.s32 @!p1 $0xFFFFE000;
	s20 =	simm.s32 @!p1 $0xF  }
0xa1: {  	_ =	swait.ge @!p1 [sflag:s20], $0x2000  }
0xa2: {  	[sflag:s20] =	ssyncset.done @!p1 $0x0  }
0xa3: {  	s22 =	simm.s32 @!p1 $0x10;
	[sflag:s20] =	ssyncadd.s32 @!p1 $0xFFFFE000  }
0xa4: {  	_ =	swait.ge @!p1 [sflag:s22], $0x2000  }
0xa5: {  	s20 =	sshra.s32 s10, $0x2;
	[sflag:s22] =	ssyncset.done @!p1 $0x0  }
0xa6: {  	[sflag:s22] =	ssyncadd.s32 @!p1 $0xFFFFE000;
	s22 =	sadd.s32 $0x9E60, s20  }
0xa7: {  	[tilespmem:s13], [sflag:$0x5] =	stream.indirect.gather [hbm4b:s5+s23], $0x40, s22, s23, $0xb8;
	[tilespmem:$0x1EC60] =	vst v63  }
0xa8: {  	s22 =	sadd.s32 $0x9EE0, s20  }
0xa9: {  	[tilespmem:s14], [sflag:$0x6] =	stream.indirect.gather [hbm4b:s5+s23], $0x40, s22, s23, $0xb8;
	[tilespmem:$0x1EC60] =	vst v63  }
0xaa: {  	s22 =	sadd.s32 $0x9F60, s20  }
0xab: {  	[tilespmem:s15], [sflag:$0x7] =	stream.indirect.gather [hbm4b:s5+s23], $0x40, s22, s23, $0xb8;
	[tilespmem:$0x1EC60] =	vst v63  }
0xac: {  	s22 =	sadd.s32 $0x9FE0, s20  }
0xad: {  	[tilespmem:s16], [sflag:$0x8] =	stream.indirect.gather [hbm4b:s5+s23], $0x40, s22, s23, $0xb8;
	[tilespmem:$0x1EC60] =	vst v63  }
0xae: {  	s22 =	sadd.s32 $0xC460, s20  }
0xaf: {  	[spmem:s2] =	stream.indirect.scatter.add.f32 [tilespmem:s24], [sflag:$0x9], $0x40, s22, s23, $0xb8;
	[tilespmem:$0x1EC60] =	vst v63  }
0xb0: {  	s22 =	sadd.s32 $0xC4E0, s20  }
0xb1: {  	[spmem:s2] =	stream.indirect.scatter.add.f32 [tilespmem:s26], [sflag:$0xA], $0x40, s22, s23, $0xb8;
	[tilespmem:$0x1EC60] =	vst v63  }
0xb2: {  	s22 =	sadd.s32 $0xC560, s20  }
0xb3: {  	[spmem:s2] =	stream.indirect.scatter.add.f32 [tilespmem:s29], [sflag:$0xB], $0x40, s22, s23, $0xb8;
	[tilespmem:$0x1EC60] =	vst v63  }
0xb4: {  	s22 =	sadd.s32 $0xC5E0, s20  }
0xb5: {  	[spmem:s2] =	stream.indirect.scatter.add.f32 [tilespmem:s31], [sflag:$0xC], $0x40, s22, s23, $0xb8;
	[tilespmem:$0x1EC60] =	vst v63  }
0xb6: {  	_ =	swait.ge [sflag:s17], $0x2000  }
0xb7: {  	[sflag:s17] =	ssyncset.done $0x0  }
0xb8: {  	[sflag:s17] =	ssyncadd.s32 $0xFFFFE000  }
0xb9: {  	_ =	swait.ge [sflag:s18], $0x2000  }
0xba: {  	[sflag:s18] =	ssyncset.done $0x0  }
0xbb: {  	[sflag:s18] =	ssyncadd.s32 $0xFFFFE000  }
0xbc: {  	_ =	swait.ge [sflag:s19], $0x2000  }
0xbd: {  	[sflag:s19] =	ssyncset.done $0x0  }
0xbe: {  	[sflag:s19] =	ssyncadd.s32 $0xFFFFE000  }
0xbf: {  	_ =	swait.ge [sflag:s3], $0x2000  }
0xc0: {  	[sflag:s3] =	ssyncset.done $0x0  }
0xc1: {  	[sflag:s3] =	ssyncadd.s32 $0xFFFFE000  }
0xc2: {  	_ =	swait.ge [sflag:s12], $0x2000  }
0xc3: {  	[sflag:s12] =	ssyncset.done $0x0  }
0xc4: {  	[sflag:s12] =	ssyncadd.s32 $0xFFFFE000  }
0xc5: {  	_ =	swait.ge [sflag:s8], $0x2000  }
0xc6: {  	[sflag:s8] =	ssyncset.done $0x0  }
0xc7: {  	[sflag:s8] =	ssyncadd.s32 $0xFFFFE000  }
0xc8: {  	_ =	swait.ge [sflag:s4], $0x2000  }
0xc9: {  	[sflag:s4] =	ssyncset.done $0x0  }
0xca: {  	[sflag:s4] =	ssyncadd.s32 $0xFFFFE000  }
0xcb: {  	p1 =	seq.s32 s10, $0x9000;
	_ =	swait.ge [sflag:s1], $0x2000  }
0xcc: {  	s10 =	sshra.s32 @!p1 s10, $0x2;
	s22 =	simm.s32 @!p1 $0xEC60;
	[sflag:s1] =	ssyncset.done $0x0  }
0xcd: {  	s28 =	simm.s32 @!p1 $0x80;
	s25 =	sadd.s32 @!p1 $0xA060, s10;
	[sflag:s1] =	ssyncadd.s32 $0xFFFFE000  }
0xce: {  	[tilespmem:s22], [sflag:$0x1] =	stream.indirect.gather @!p1 [hbm4b:s5+s28], $0x40, s25, s28, $0xb8;
	[tilespmem:$0x1EC60] =	vst v63  }
0xcf: {  	s30 =	sadd.s32 @!p1 $0xA160, s10;
	s22 =	sadd.s32 @!p1 $0xA0E0, s10;
	s25 =	simm.s32 @!p1 $0x10C60  }
0xd0: {  	[tilespmem:s25], [sflag:$0x2] =	stream.indirect.gather @!p1 [hbm4b:s5+s28], $0x40, s22, s28, $0xb8;
	[tilespmem:$0x1EC60] =	vst v63  }
0xd1: {  	s10 =	sadd.s32 @!p1 $0xA1E0, s10;
	s22 =	simm.s32 @!p1 $0x12C60  }
0xd2: {  	[tilespmem:s22], [sflag:$0x3] =	stream.indirect.gather @!p1 [hbm4b:s5+s28], $0x40, s30, s28, $0xb8;
	[tilespmem:$0x1EC60] =	vst v63  }
0xd3: {  	s22 =	simm.s32 @!p1 $0x14C60  }
0xd4: {  	[tilespmem:s22], [sflag:$0x4] =	stream.indirect.gather @!p1 [hbm4b:s5+s28], $0x40, s10, s28, $0xb8;
	[tilespmem:$0x1EC60] =	vst v63  }
0xd5: {  	s10 =	sadd.s32 $0xC660, s20  }
0xd6: {  	[spmem:s2] =	stream.indirect.scatter.add.f32 [tilespmem:s13], [sflag:$0xD], $0x40, s10, s23, $0xb8;
	[tilespmem:$0x1EC60] =	vst v63  }
.Ltmp0:
0xd7: {  	s10 =	sadd.s32 $0xC6E0, s20;
	(pc) =	sbr.rel @p6 .LBB2_3-.Ltmp0, $4  }
0xd8: {  	[spmem:s2] =	stream.indirect.scatter.add.f32 [tilespmem:s14], [sflag:$0xE], $0x40, s10, s23, $0xb8;
	[tilespmem:$0x1EC60] =	vst v63  }
0xd9: {  	s10 =	sadd.s32 $0xC760, s20  }
0xda: {  	[spmem:s2] =	stream.indirect.scatter.add.f32 [tilespmem:s15], [sflag:$0xF], $0x40, s10, s23, $0xb8;
	[tilespmem:$0x1EC60] =	vst v63  }
0xdb: {  	s10 =	sadd.s32 $0xC7E0, s20  }
0xdc: {  	[spmem:s2] =	stream.indirect.scatter.add.f32 [tilespmem:s16], [sflag:$0x10], $0x40, s10, s23, $0xb8;
	[tilespmem:$0x1EC60] =	vst v63  }
0xdd: {  	s6 =	simm.s32 $0xD  }
0xde: {  	_ =	swait.ge [sflag:s6], $0x2000  }
0xdf: {  	[sflag:s6] =	ssyncset.done $0x0  }
0xe0: {  	s25 =	simm.s32 $0xE;
	[sflag:s6] =	ssyncadd.s32 $0xFFFFE000  }
0xe1: {  	_ =	swait.ge [sflag:s25], $0x2000  }
0xe2: {  	[sflag:s25] =	ssyncset.done $0x0  }
0xe3: {  	s28 =	simm.s32 $0xF;
	[sflag:s25] =	ssyncadd.s32 $0xFFFFE000  }
0xe4: {  	_ =	swait.ge [sflag:s28], $0x2000  }
.Ltmp1:
0xe5: {  	[sflag:s28] =	ssyncset.done $0x0;
	(pc) =	sbr.rel @p5 .LBB2_2-.Ltmp1, $4  }
0xe6: {  	s30 =	simm.s32 $0x10;
	[sflag:s28] =	ssyncadd.s32 $0xFFFFE000  }
0xe7: {  	_ =	swait.ge [sflag:s30], $0x2000  }
0xe8: {  	[sflag:s30] =	ssyncset.done $0x0  }
0xe9: {  	p6 =	por $0x0, $0x0;
	s6 =	simm.s32 $0x2800;
	[sflag:s30] =	ssyncadd.s32 $0xFFFFE000  }
0xea: {  	[bflag:$0x0] =	sbarrier.arrive $0xFFFF  }
0xeb: {  	s6 =	sld [smem:$0x7FD];
	_ =	sdelay $0x2  }
0xec: {  	s28 =	rddreg [dreg:$0x7];
	p1 =	seq.s32 s6, $0x1  }
0xed: {  	s30 =	rddreg [dreg:$0xe];
	s6 =	sshrl.u32 @!p1 s28, $0x3;
	s10 =	simm.s32 @!p1 $0x1  }
0xee: {  	s20 =	simm.s32 @!p1 $0x10;
	s22 =	simm.s32 @!p1 $0x8;
	s25 =	simm.s32 @!p1 $0x1FD1  }
0xef: {  	[hbm:s30@s20], [sflag:s25] =	dma.strided @!p1 [spmem:s6@s22], $0x1400, s10, $0x8   }
0xf0: {  	s6 =	simm.s32 @!p1 $0x11  }
0xf1: {  	s10 =	stileid.u32;
	s25 =	simm.s32 @!p2 $0x8;
	_ =	swait.ge @!p1 [sflag:s6], $0x1400  }
0xf2: {  	s22 =	simm.s32 @!p2 $0x1;
	s10 =	sshll.u32 @!p2 s10, $0x6;
	[sflag:s6] =	ssyncset.done @!p1 $0x0  }
0xf3: {  	[sflag:s6] =	ssyncadd.s32 @!p1 $0xFFFFEC00;
	s6 =	sor.u32 @!p2 $0x1C11, s10;
	s10 =	rddreg [dreg:$0xb]  }
0xf4: {  	s20 =	simm.s32 @!p2 $0x10;
	s30 =	rddreg [dreg:$0xd];
	s10 =	sshrl.u32 @!p2 s10, $0x3  }
0xf5: {  	[hbm:s30@s20], [sflag:s6] =	dma.strided @!p2 [spmem:s10@s25], $0x1380, s22, $0x8   }
0xf6: {  	s6 =	simm.s32 @!p2 $0x11  }
0xf7: {  	s10 =	simm.s32 @!p3 $0x1;
	s22 =	simm.s32 @!p3 $0x8;
	_ =	swait.ge @!p2 [sflag:s6], $0x1380  }
0xf8: {  	s25 =	simm.s32 @!p3 $0x1FD1;
	[sflag:s6] =	ssyncset.done @!p2 $0x0;
	s30 =	rddreg [dreg:$0xc]  }
0xf9: {  	[sflag:s6] =	ssyncadd.s32 @!p2 $0xFFFFEC80;
	s6 =	sshrl.u32 @!p3 s28, $0x3;
	s28 =	simm.s32 @!p3 $0x10  }
0xfa: {  	[hbm:s30@s28], [sflag:s25] =	dma.strided @!p3 [spmem:s6@s22], $0x1400, s10, $0x8   }
0xfb: {  	s6 =	simm.s32 @!p3 $0x11  }
0xfc: {  	s20 =	simm.s32 @!p4 $0x1;
	s10 =	stileid.u32;
	_ =	swait.ge @!p3 [sflag:s6], $0x1400  }
0xfd: {  	s22 =	simm.s32 @!p4 $0x10;
	s10 =	sshll.u32 @!p4 s10, $0x6;
	[sflag:s6] =	ssyncset.done @!p3 $0x0  }
0xfe: {  	[sflag:s6] =	ssyncadd.s32 @!p3 $0xFFFFEC00;
	s6 =	sor.u32 @!p4 $0x1C11, s10;
	s10 =	rddreg [dreg:$0xb]  }
0xff: {  	s25 =	simm.s32 @!p4 $0x8;
	s30 =	rddreg [dreg:$0xa];
	s10 =	sshrl.u32 @!p4 s10, $0x3  }
0x100: {  	[hbm:s30@s22], [sflag:s6] =	dma.strided @!p4 [spmem:s10@s25], $0x1380, s20, $0x8   }
0x101: {  	s6 =	simm.s32 @!p4 $0x11  }
0x102: {  	_ =	swait.ge @!p4 [sflag:s6], $0x1380  }
0x103: {  	s25 =	rddreg [dreg:$0x4]  }
0x104: {  	s30 =	rddreg [dreg:$0xf];
	s20 =	sadd.s32 $0x1, s25  }
0x105: {  	p1 =	sne.s32 s20, s30  }
.Ltmp2:
0x106: {  	_ = 	snop;
	(pc) =	sbr.rel @p1 .LBB2_1-.Ltmp2, $3  }
0x107: {  	_ =	sdelay $0x1  }
0x108: {  	[sflag:s6] =	ssyncset.done @!p4 $0x0  }
0x109: {  	s28 =	stileid.u32;
	[sflag:s6] =	ssyncadd.s32 @!p4 $0xFFFFEC80  }
0x10a: {  	_ =	sfence.sel $0x180000  }
0x10b: {  	[bflag:$0x0] =	sbarrier.arrive $0xFFFF  }
0x10c: {  	_ =	strace $0x9000004A  }
0x10d: {  	[bflag:$0x2] =	sbarrier.arrive $0xFFFF  }
0x10e: {  	p0 =	sne.s32 s28, $0x0;
	s0 =	rddreg [dreg:$0x3]  }
0x10f: {  	s0 =	sadd.s32 @!p0 $0x100000, s0  }
0x110: {  	[sflag:s0] =	ssyncadd.tile.s32 @!p0 $0x1;
	_ =	shalt  }
.Lfunc_end2:
_tile_overlayer_lowered:
.L_overlay_start_2:
0x111: {  	(tag) =	ssettag $0x2  }
0x112: {  	s0 =	rddreg [dreg:$0x0];
	s2 =	stileid.u32  }
0x113: {  	s1 =	rddreg [dreg:$0x1];
	p0 =	sne.s32 s2, $0x0  }
0x114: {  	s3 =	rddreg [dreg:$0x2];
	[bflag:$0x3] =	sbarrier.arrive $0xFFFF;
	s2 =	simm.s32 @!p0 $0x1C11  }
0x115: {  	[timem:s3], [sflag:s2] =	dma.local @!p0 [hbm:s0], s1  }
0x116: {  	s0 =	simm.s32 @!p0 $0x11  }
0x117: {  	_ =	swait.ge @!p0 [sflag:s0], s1  }
0x118: {  	s1 =	ssub.s32 @!p0 $0x0, s1;
	[sflag:s0] =	ssyncset.done @!p0 $0x0  }
0x119: {  	[sflag:s0] =	ssyncadd.s32 @!p0 s1  }
0x11a: {  	[bflag:$0x3] =	sbarrier.arrive $0xFFFF  }
0x11b: {  	_ =	shalt  }

// kernel: gcn_agg.8.cloned.1.call-start
scs
__scs_entry_jumppad:
0x0: {  	(pc) =	sbr.rel $0x88, $3  }
0x1: {  	(tag) =	ssettag $0x0;
	lr =	simm.s32 $0x1  }
0x2: {  	[smem:$0x3F9C] =	sst lr;
	_ =	strace $0xD0000000  }
0x3: {  	_ = 	snop  }
0x4: {  	_ = 	snop  }
0x5: {  	_ = 	snop  }
0x6: {  	_ = 	snop  }
0x7: {  	_ = 	snop  }
__scs_overlays_trampoline_lowered:
0x8: {  	[smem:$0x3FAB] =	sst s0  }
0x9: {  	[smem:$0x3FAC] =	sst s1  }
0xa: {  	[smem:$0x3FAD] =	sst s2  }
0xb: {  	[smem:$0x3FAE] =	sst s3  }
0xc: {  	[smem:$0x3FAF] =	sst s4  }
0xd: {  	[smem:$0x3FB0] =	sst s5  }
0xe: {  	[smem:$0x3FB1] =	sst s6  }
0xf: {  	[smem:$0x3FB2] =	sst s7  }
0x10: {  	[smem:$0x3FB3] =	sst s8  }
0x11: {  	[smem:$0x3FB4] =	sst s9;
	s0 =	simm.s32 @!p0 $0x0  }
0x12: {  	s1 =	sld [smem:$0x3F9A];
	s0 =	simm.s32 @p0 $0x1  }
0x13: {  	[smem:$0x3FB5] =	sst s0;
	s0 =	simm.s32 @!p1 $0x0  }
0x14: {  	s2 =	sld [smem:$0x3F99];
	s0 =	simm.s32 @p1 $0x1  }
0x15: {  	[smem:$0x3FB6] =	sst s0;
	s0 =	simm.s32 @!p2 $0x0  }
0x16: {  	s3 =	sld [smem:$0x3FDB];
	s0 =	simm.s32 @p2 $0x1  }
0x17: {  	s4 =	simm.s32 $0x1BF5;
	[smem:$0x3FB8] =	sst s0  }
0x18: {  	s0 =	sld [smem:$0x3F9B];
	_ =	swait.ge [sflag:s4], $0x0  }
0x19: {  	s7 =	sld [smem:$0x3F9C]  }
0x1a: {  	s8 =	sadd.s32 $0xFFFFE003, lr  }
0x1b: {  	s9 =	sadd.s32 $0xFFFFFEF7, lr;
	s5 =	simm.s32 $0xFFFFFFFF;
	p2 =	slt.u32 s8, $0xFFFFF086  }
0x1c: {  	p1 =	slt.u32 s9, $0xF7A;
	s5 =	simm.s32 @!p2 $0x0  }
0x1d: {  	s5 =	simm.s32 @p1 $0x1;
	p0 =	seq.s32 s7, s2  }
0x1e: {  	s7 =	smul.u32 @!p0 $0xF7A, s2;
	p2 =	seq.s32 @!p0 s5, $0x0  }
0x1f: {  	s9 =	smul.u32 $0xF7A, s1;
	s8 =	simm.s32 @!p0 $0x1BF5;
	p2 =	por !p2, p0  }
0x20: {  	[sflag:s8] =	ssyncset.s32 @!p0 $0xFFFFF086;
	s6 =	sadd.s32 @!p0 s3, s7;
	s7 =	simm.s32 @!p0 $0x108  }
0x21: {  	s3 =	sadd.s32 s3, s9;
	s6 =	sadd.s32 @!p0 $0x88, s6;
	s7 =	simm.s32 @p2 $0x1082  }
0x22: {  	[simem:s7], [sflag:s8] =	dma.local @!p0 [hbm:s6], $0xF7A  }
0x23: {  	s9 =	sor.u32 $0xD0000000, s2;
	s6 =	simm.s32 $0x108;
	_ =	swait.ge @!p0 [sflag:s8], $0x0  }
0x24: {  	s3 =	sadd.s32 $0x88, s3;
	s6 =	simm.s32 @!p1 $0x1082;
	[sflag:s4] =	ssyncset.s32 $0xFFFFF086  }
0x25: {  	[simem:s6], [sflag:s4] =	dma.local [hbm:s3], $0xF7A  }
0x26: {  	[smem:$0x3F9C] =	sst s1;
	(tag) =	ssettag s2;
	_ =	strace s9  }
0x27: {  	s1 =	sld [smem:$0x3FAC]  }
0x28: {  	s2 =	sld [smem:$0x3FAD]  }
0x29: {  	s4 =	sld [smem:$0x3FAF]  }
0x2a: {  	p0 =	seq.s32 s5, $0x0;
	s5 =	sld [smem:$0x3FB0]  }
0x2b: {  	s6 =	sld [smem:$0x3FB1]  }
0x2c: {  	s7 =	sld [smem:$0x3FB2]  }
0x2d: {  	s3 =	simm.s32 $0x108;
	s8 =	sld [smem:$0x3FB3]  }
0x2e: {  	s3 =	simm.s32 @!p0 $0x1082;
	s9 =	sld [smem:$0x3FB4]  }
0x2f: {  	lr =	sadd.s32 s0, s3;
	s0 =	sld [smem:$0x3FAB]  }
0x30: {  	s3 =	sld [smem:$0x3FAE]  }
0x31: {  	[smem:$0x3FB7] =	sst s10  }
0x32: {  	s10 =	sld [smem:$0x3FB5];
	_ =	sdelay $0x3  }
0x33: {  	p0 =	seq.s32 s10, $0x1;
	s10 =	sld [smem:$0x3FB7];
	_ =	sdelay $0x3  }
0x34: {  	[smem:$0x3FB7] =	sst s10  }
0x35: {  	s10 =	sld [smem:$0x3FB6];
	_ =	sdelay $0x3  }
0x36: {  	p1 =	seq.s32 s10, $0x1;
	s10 =	sld [smem:$0x3FB7];
	_ =	sdelay $0x3  }
0x37: {  	[smem:$0x3FB7] =	sst s10  }
0x38: {  	s10 =	sld [smem:$0x3FB8]  }
0x39: {  	_ = 	snop;
	(pc) =	sbr.ind lr, $3  }
0x3a: {  	_ = 	snop  }
0x3b: {  	_ = 	snop  }
0x3c: {  	p2 =	seq.s32 s10, $0x1;
	s10 =	sld [smem:$0x3FB7]  }
0x3d: {  	_ =	shalt  }
0x3e: {  	_ =	shalt  }
0x3f: {  	_ =	shalt  }
0x40: {  	_ =	shalt  }
0x41: {  	_ =	shalt  }
0x42: {  	_ =	shalt  }
0x43: {  	_ =	shalt  }
0x44: {  	_ =	shalt  }
0x45: {  	_ =	shalt  }
0x46: {  	_ =	shalt  }
0x47: {  	_ =	shalt  }
0x48: {  	_ =	shalt  }
0x49: {  	_ =	shalt  }
0x4a: {  	_ =	shalt  }
0x4b: {  	_ =	shalt  }
0x4c: {  	_ =	shalt  }
0x4d: {  	_ =	shalt  }
0x4e: {  	_ =	shalt  }
0x4f: {  	_ =	shalt  }
0x50: {  	_ =	shalt  }
0x51: {  	_ =	shalt  }
0x52: {  	_ =	shalt  }
0x53: {  	_ =	shalt  }
0x54: {  	_ =	shalt  }
0x55: {  	_ =	shalt  }
0x56: {  	_ =	shalt  }
0x57: {  	_ =	shalt  }
0x58: {  	_ =	shalt  }
0x59: {  	_ =	shalt  }
0x5a: {  	_ =	shalt  }
0x5b: {  	_ =	shalt  }
0x5c: {  	_ =	shalt  }
0x5d: {  	_ =	shalt  }
0x5e: {  	_ =	shalt  }
0x5f: {  	_ =	shalt  }
0x60: {  	_ =	shalt  }
0x61: {  	_ =	shalt  }
0x62: {  	_ =	shalt  }
0x63: {  	_ =	shalt  }
0x64: {  	_ =	shalt  }
0x65: {  	_ =	shalt  }
0x66: {  	_ =	shalt  }
0x67: {  	_ =	shalt  }
0x68: {  	_ =	shalt  }
0x69: {  	_ =	shalt  }
0x6a: {  	_ =	shalt  }
0x6b: {  	_ =	shalt  }
0x6c: {  	_ =	shalt  }
0x6d: {  	_ =	shalt  }
0x6e: {  	_ =	shalt  }
0x6f: {  	_ =	shalt  }
0x70: {  	_ =	shalt  }
0x71: {  	_ =	shalt  }
0x72: {  	_ =	shalt  }
0x73: {  	_ =	shalt  }
0x74: {  	_ =	shalt  }
0x75: {  	_ =	shalt  }
0x76: {  	_ =	shalt  }
0x77: {  	_ =	shalt  }
0x78: {  	_ =	shalt  }
0x79: {  	_ =	shalt  }
0x7a: {  	_ =	shalt  }
0x7b: {  	_ =	shalt  }
0x7c: {  	_ =	shalt  }
0x7d: {  	_ =	shalt  }
0x7e: {  	_ =	shalt  }
0x7f: {  	_ =	shalt  }
0x80: {  	_ =	shalt  }
0x81: {  	_ =	shalt  }
0x82: {  	_ =	shalt  }
0x83: {  	_ =	shalt  }
0x84: {  	_ =	shalt  }
0x85: {  	_ =	shalt  }
0x86: {  	_ =	shalt  }
0x87: {  	_ =	shalt  }
.Lfunc_end0:
.L_simem_size_0:
called_computation.2_lowered:
.L_overlay_start_0:
0x88: {  	s2 =	sld [smem:$0x3FD9]  }
0x89: {  	s3 =	sld [smem:$0x3FFE];
	_ =	sdelay $0x1  }
0x8a: {  	s1 =	srdreg.scid  }
0x8b: {  	s0 =	sand.u32 $0x1, s1  }
0x8c: {  	s17 =	sshll.u32 s0, $0xA;
	s2 =	sadd.s32 s3, s2  }
0x8d: {  	s2 =	sadd.s32 s2, s17  }
0x8e: {  	[smem:$0x3FC3] =	sst s2  }
0x8f: {  	_ = 	snop  }
0x90: {  	s2 =	sld [smem:$0x3FD0];
	(tm) =	ssettm $0x1  }
0x91: {  	s18 =	sld [smem:$0x3FFB];
	_ =	sdelay $0x3  }
0x92: {  	_ =	strace s18  }
0x93: {  	s3 =	sld [smem:$0x3FFC];
	_ =	sdelay $0x3  }
0x94: {  	_ =	strace s3  }
0x95: {  	s3 =	sld [smem:$0x3FFD];
	_ =	sdelay $0x3  }
0x96: {  	_ =	strace s3  }
0x97: {  	_ =	strace $0x8FFFFFFF  }
0x98: {  	s19 =	sld [smem:$0x3FDB];
	_ =	sdelay $0x1  }
0x99: {  	s4 =	simm.s32 $_scs_section_size  }
0x9a: {  	s5 =	simm.s32 $_size__tile_overlayer_lowered;
	s6 =	simm.s32 $_tile_overlayer_lowered  }
0x9b: {  	s22 =	simm.s32 $0x1BFF;
	s21 =	sshll.u32 s6, $0x1;
	s3 =	sadd.s32 s4, s19  }
0x9c: {  	s7 =	simm.s32 $0x0;
	s20 =	sshll.u32 s5, $0x1;
	s5 =	sadd.s32 s21, s3  }
0x9d: {  	[timem:s7], [sflag:s22] =	dma.local [hbm:s5], s20  }
0x9e: {  	_ =	swait.ge [sflag:s22], s20  }
0x9f: {  	s4 =	ssub.s32 $0x0, s20;
	[sflag:s22] =	ssyncset.done $0x0  }
0xa0: {  	[sflag:s22] =	ssyncadd.s32 s4;
	_ =	sdelay $0x1  }
0xa1: {  	s23 =	simm.s32 $0x1B8B  }
0xa2: {  	_ =	swait.ge [sflag:s23], $0x1  }
0xa3: {  	[sflag:s23] =	ssyncset.done $0x0  }
0xa4: {  	s25 =	simm.s32 $0x1B8E;
	s24 =	sld [smem:$0x3FFE];
	[sflag:s23] =	ssyncadd.s32 $0xFFFFFFFF  }
0xa5: {  	s26 =	simm.s32 $execute0_lowered;
	[smem:$0x3FD2] =	sst s25  }
0xa6: {  	s5 =	sshll.u32 s26, $0x1;
	_ =	strace $0x8000004C;
	[dreg:$0x1] =	wrdreg $0xFFFFFFFF  }
0xa7: {  	s28 =	simm.s32 $_size_execute0_lowered;
	s3 =	sadd.s32 s3, s5;
	[dreg:$0x0] =	wrdreg $0x0  }
0xa8: {  	s5 =	sshll.u32 s28, $0x1;
	[dreg:$0x2] =	wrdreg s3  }
0xa9: {  	[dreg:$0x3] =	wrdreg s5  }
0xaa: {  	[dreg:$0x4] =	wrdreg $0xC0  }
0xab: {  	_ =	task [dreg:s7], $0x5FFFF  }
0xac: {  	[dreg:$0x1] =	wrdreg $0xFFFFFFFF  }
0xad: {  	[dreg:$0x0] =	wrdreg $0x60  }
0xae: {  	[dreg:$0x2] =	wrdreg s24  }
0xaf: {  	[dreg:$0x3] =	wrdreg s2  }
0xb0: {  	[dreg:$0x4] =	wrdreg $0x0  }
0xb1: {  	[dreg:$0x5] =	wrdreg $0x9  }
0xb2: {  	_ =	task.clear_ibuf [dreg:s7], $0x6FFFF;
	_ =	strace $0x9000004C  }
0xb3: {  	s29 =	simm.s32 $0x9;
	_ =	strace $0x8000004E  }
0xb4: {  	_ =	swait.ge [sflag:s29], $0x1  }
0xb5: {  	[sflag:s29] =	ssyncadd.s32 $0xFFFFFFFF  }
0xb6: {  	_ =	strace $0x9000004E  }
0xb7: {  	_ =	sfence  }
0xb8: {  	s30 =	sld [smem:$0x0];
	_ =	sdelay $0x2  }
0xb9: {  	s31 =	sshll.u32 s1, $0xD;
	s1 =	sshrl.u32 s1, $0x2  }
0xba: {  	s3 =	sand.u32 $0x4000, s31;
	s1 =	sadd.s32 s1, s30  }
0xbb: {  	s0 =	sor.u32 s3, s0;
	s1 =	sshll.u32 s1, $0x11  }
0xbc: {  	s0 =	sor.u32 s1, s0  }
0xbd: {  	s0 =	sadd.s32 $0x8F2B, s0  }
0xbe: {  	[sflag:s0] =	ssyncadd.remote.s32 $0x1  }
0xbf: {  	_ =	sfence.sel $0xFFFF  }
0xc0: {  	[dreg:$0x0] =	wrdreg $0xFFFFFFFF;
	(pc) =	sbr.abs _section_cstart, $3  }
0xc1: {  	[dreg:$0x1] =	wrdreg $0xFFFFFFFF  }
0xc2: {  	_ =	task.clear_ibuf [dreg:s7], $0x2FFFF;
	_ =	strace $0x9FFFFFFF  }
0xc3: {  	(tm) =	ssettm $0x7FFFFFFF  }
tec
execute0_lowered:
.L_overlay_start_1:
0x0: {  	(tag) =	ssettag $0x1  }
0x1: {  	s0 =	rddreg [dreg:$0x0]  }
0x2: {  	s2 =	rddreg [dreg:$0x2];
	s20 =	simm.s32 $0x0  }
0x3: {  	s10 =	stileid.u32;
	s1 =	srdreg.scid;
	s21 =	simm.s32 $0x11  }
0x4: {  	s29 =	simm.s32 $0x12C60;
	s31 =	simm.s32 $0x14C60;
	s13 =	simm.s32 $0x16C60  }
0x5: {  	s14 =	simm.s32 $0x18C60;
	s15 =	simm.s32 $0x1AC60;
	s16 =	simm.s32 $0x1CC60  }
0x6: {  	s17 =	simm.s32 $0x5;
	s18 =	simm.s32 $0x6;
	s19 =	simm.s32 $0x7  }
0x7: {  	[smem:$0x7FF] =	sst s20;
	s5 =	sadd.s32 $0x25200, s0;
	s3 =	smul.u32 $0x9C00, s10  }
0x8: {  	s1 =	sand.u32 $0x1, s1;
	s11 =	sadd.s32 $0x11200, s0;
	s4 =	smul.u32 $0x2700, s10  }
0x9: {  	s7 =	sadd.s32 $0x1B200, s0;
	s22 =	smul.u32 $0x27000, s10;
	s12 =	sadd.s32 $0x5E880, s0  }
0xa: {  	s23 =	smul.u32 $0x5000, s10;
	s26 =	sadd.s32 $0x84700, s0;
	p0 =	seq.s32 s10, $0xF  }
0xb: {  	_ =	strace $0x8000004D;
	s6 =	ssub.s32 $0x2, s1;
	[dreg:$0x8] =	wrdreg s12  }
0xc: {  	p1 =	seq.s32 s1, $0x1;
	[dreg:$0xc] =	wrdreg s26;
	s26 =	simm.s32 $0x10C60  }
0xd: {  	s12 =	simm.s32 $0x9;
	s8 =	sshrl.u32 s3, $0x3;
	s9 =	sshrl.u32 s6, $0x1  }
0xe: {  	s4 =	sadd.s32 s4, s0;
	s3 =	sadd.s32 s3, s2;
	[dreg:$0x9] =	wrdreg s23  }
0xf: {  	s25 =	sshrl.u32 s22, $0x2;
	s11 =	smov.u32 @p1 s7;
	s23 =	simm.s32 $0x80  }
0x10: {  	p2 =	seq.s32 @p1 s10, $0xF;
	p4 =	seq.s32 @!p1 s10, $0xF;
	s7 =	simm.s32 $0x2  }
0x11: {  	s8 =	sadd.s32 s8, s0;
	s24 =	sadd.s32 $0x5FE00, s4;
	[dreg:$0x5] =	wrdreg s11  }
0x12: {  	s6 =	ssub.s32 s6, s9;
	s1 =	sadd.s32 s25, s2;
	[dreg:$0xa] =	wrdreg s24  }
0x13: {  	s9 =	sadd.s32 $0x92400, s2;
	s28 =	sadd.s32 $0x5FE08, s4;
	[dreg:$0xb] =	wrdreg s1  }
0x14: {  	s0 =	sadd.s32 $0x84708, s0;
	p3 =	por !p2, !p1;
	[dreg:$0xd] =	wrdreg s28  }
0x15: {  	p2 =	por p2, !p1;
	s11 =	simm.s32 $0x4;
	[dreg:$0xe] =	wrdreg s0  }
0x16: {  	s4 =	simm.s32 $0xB;
	s8 =	sadd.s32 $0x4C400, s8;
	[dreg:$0x7] =	wrdreg s9  }
0x17: {  	s30 =	smax.u32 s6, $0x1;
	s0 =	sshrl.u32 @p0 s9, $0x3;
	[dreg:$0x6] =	wrdreg s8  }
0x18: {  	s24 =	simm.s32 $0xEC60;
	[dreg:$0x10] =	wrdreg s0;
	s0 =	sshll.u32 @!p0 s10, $0x6  }
0x19: {  	s9 =	simm.s32 $0x3;
	[dreg:$0xf] =	wrdreg s30;
	s0 =	sor.u32 @!p0 $0x1C11, s0  }
0x1a: {  	s1 =	simm.s32 $0xC;
	[dreg:$0x11] =	wrdreg s0;
	s0 =	sshrl.u32 @!p0 s3, $0x3  }
0x1b: {  	s8 =	simm.s32 $0xA;
	[dreg:$0x12] =	wrdreg s0;
	s0 =	simm.s32 @!p3 $0x0  }
0x1c: {  	s3 =	simm.s32 $0x8;
	s0 =	simm.s32 @p3 $0x1;
	p3 =	por !p4, p1  }
0x1d: {  	p4 =	por p4, p1;
	[smem:$0x7FD] =	sst s0;
	s0 =	simm.s32 $0x1  }
.LBB2_1:
0x1e: {  	[dreg:$0x4] =	wrdreg s20  }
0x1f: {  	s10 =	rddreg [dreg:$0x8]  }
0x20: {  	s6 =	simm.s32 @p0 $0x1FD1;
	s20 =	rddreg [dreg:$0x10]  }
0x21: {  	[spmem:s20], [sflag:s6] =	dma.local @p0 [hbm:s10], $0x1400  }
0x22: {  	s6 =	simm.s32 @p0 $0x11  }
0x23: {  	_ =	swait.ge @p0 [sflag:s6], $0x1400  }
0x24: {  	s10 =	rddreg [dreg:$0x11]  }
0x25: {  	[sflag:s6] =	ssyncset.done @p0 $0x0;
	s20 =	rddreg [dreg:$0x12]  }
0x26: {  	[sflag:s6] =	ssyncadd.s32 @p0 $0xFFFFEC00;
	s6 =	rddreg [dreg:$0x6]  }
0x27: {  	[spmem:s20], [sflag:s10] =	dma.local @!p0 [hbm:s6], $0x1380  }
0x28: {  	s6 =	simm.s32 @!p0 $0x11  }
0x29: {  	_ =	swait.ge @!p0 [sflag:s6], $0x1380  }
0x2a: {  	[sflag:s6] =	ssyncset.done @!p0 $0x0  }
0x2b: {  	[sflag:s6] =	ssyncadd.s32 @!p0 $0xFFFFEC80  }
0x2c: {  	p6 =	por $0x1, $0x1;
	s6 =	simm.s32 $0x0;
	[bflag:$0x0] =	sbarrier.arrive $0xFFFF  }
.LBB2_2:
0x2d: {  	s10 =	rddreg [dreg:$0x9]  }
0x2e: {  	s6 =	sadd.s32 s10, s6  }
0x2f: {  	s28 =	rddreg [dreg:$0x5];
	s6 =	sshrl.u32 s6, $0x3  }
0x30: {  	s20 =	simm.s32 $0x0;
	s22 =	simm.s32 $0x9C60;
	s10 =	sadd.s32 s28, s6  }
0x31: {  	[tilespmem:s22], [sflag:$0x11] =	stream.linear.gather [hbm4b:s10+s20], $0x2800, $0x38;
	[tilespmem:$0x1EC60] =	vst v63  }
0x32: {  	_ =	swait.ge [sflag:s21], $0x2800  }
0x33: {  	[sflag:s21] =	ssyncset.done $0x0  }
0x34: {  	[sflag:s21] =	ssyncadd.s32 $0xFFFFD800  }
0x35: {  	s30 =	rddreg [dreg:$0x1]  }
0x36: {  	s25 =	simm.s32 $0xC460;
	s6 =	sadd.s32 s30, s6  }
0x37: {  	[tilespmem:s25], [sflag:$0x11] =	stream.linear.gather [hbm4b:s6+s20], $0x2800, $0x38;
	[tilespmem:$0x1EC60] =	vst v63  }
0x38: {  	_ =	swait.ge [sflag:s21], $0x2800  }
0x39: {  	[sflag:s21] =	ssyncset.done $0x0  }
0x3a: {  	[sflag:s21] =	ssyncadd.s32 $0xFFFFD800  }
0x3b: {  	[tilespmem:s24], [sflag:$0x1] =	stream.indirect.gather [hbm4b:s5+s23], $0x40, s22, s23, $0xb8;
	[tilespmem:$0x1EC60] =	vst v63  }
0x3c: {  	s28 =	simm.s32 $0x9CE0  }
0x3d: {  	[tilespmem:s26], [sflag:$0x2] =	stream.indirect.gather [hbm4b:s5+s23], $0x40, s28, s23, $0xb8;
	[tilespmem:$0x1EC60] =	vst v63  }
0x3e: {  	s30 =	simm.s32 $0x9D60  }
0x3f: {  	[tilespmem:s29], [sflag:$0x3] =	stream.indirect.gather [hbm4b:s5+s23], $0x40, s30, s23, $0xb8;
	[tilespmem:$0x1EC60] =	vst v63  }
0x40: {  	s10 =	simm.s32 $0x9DE0  }
0x41: {  	[tilespmem:s31], [sflag:$0x4] =	stream.indirect.gather [hbm4b:s5+s23], $0x40, s10, s23, $0xb8;
	[tilespmem:$0x1EC60] =	vst v63  }
0x42: {  	_ =	swait.ge [sflag:s0], $0x2000  }
0x43: {  	[sflag:s0] =	ssyncset.done $0x0  }
0x44: {  	[sflag:s0] =	ssyncadd.s32 $0xFFFFE000  }
0x45: {  	_ =	swait.ge [sflag:s7], $0x2000  }
0x46: {  	[sflag:s7] =	ssyncset.done $0x0  }
0x47: {  	[sflag:s7] =	ssyncadd.s32 $0xFFFFE000  }
0x48: {  	_ =	swait.ge [sflag:s9], $0x2000  }
0x49: {  	[sflag:s9] =	ssyncset.done $0x0  }
0x4a: {  	[sflag:s9] =	ssyncadd.s32 $0xFFFFE000  }
0x4b: {  	_ =	swait.ge [sflag:s11], $0x2000  }
0x4c: {  	p1 =	por $0x1, $0x1;
	[sflag:s11] =	ssyncset.done $0x0  }
0x4d: {  	s6 =	simm.s32 @!p1 $0xD;
	[sflag:s11] =	ssyncadd.s32 $0xFFFFE000  }
0x4e: {  	_ =	swait.ge @!p1 [sflag:s6], $0x2000  }
0x4f: {  	[sflag:s6] =	ssyncset.done @!p1 $0x0  }
0x50: {  	[sflag:s6] =	ssyncadd.s32 @!p1 $0xFFFFE000;
	s6 =	simm.s32 @!p1 $0xE  }
0x51: {  	_ =	swait.ge @!p1 [sflag:s6], $0x2000  }
0x52: {  	[sflag:s6] =	ssyncset.done @!p1 $0x0  }
0x53: {  	[sflag:s6] =	ssyncadd.s32 @!p1 $0xFFFFE000;
	s6 =	simm.s32 @!p1 $0xF  }
0x54: {  	_ =	swait.ge @!p1 [sflag:s6], $0x2000  }
0x55: {  	[sflag:s6] =	ssyncset.done @!p1 $0x0  }
0x56: {  	[sflag:s6] =	ssyncadd.s32 @!p1 $0xFFFFE000;
	s6 =	simm.s32 @!p1 $0x10  }
0x57: {  	_ =	swait.ge @!p1 [sflag:s6], $0x2000  }
0x58: {  	[sflag:s6] =	ssyncset.done @!p1 $0x0  }
0x59: {  	s20 =	simm.s32 $0x9E60;
	[sflag:s6] =	ssyncadd.s32 @!p1 $0xFFFFE000  }
0x5a: {  	[tilespmem:s13], [sflag:$0x5] =	stream.indirect.gather [hbm4b:s5+s23], $0x40, s20, s23, $0xb8;
	[tilespmem:$0x1EC60] =	vst v63  }
0x5b: {  	s22 =	simm.s32 $0x9EE0  }
0x5c: {  	[tilespmem:s14], [sflag:$0x6] =	stream.indirect.gather [hbm4b:s5+s23], $0x40, s22, s23, $0xb8;
	[tilespmem:$0x1EC60] =	vst v63  }
0x5d: {  	s25 =	simm.s32 $0x9F60  }
0x5e: {  	[tilespmem:s15], [sflag:$0x7] =	stream.indirect.gather [hbm4b:s5+s23], $0x40, s25, s23, $0xb8;
	[tilespmem:$0x1EC60] =	vst v63  }
0x5f: {  	s28 =	simm.s32 $0x9FE0  }
0x60: {  	[tilespmem:s16], [sflag:$0x8] =	stream.indirect.gather [hbm4b:s5+s23], $0x40, s28, s23, $0xb8;
	[tilespmem:$0x1EC60] =	vst v63  }
0x61: {  	s30 =	simm.s32 $0xC460  }
0x62: {  	[spmem:s2] =	stream.indirect.scatter.add.f32 [tilespmem:s24], [sflag:$0x9], $0x40, s30, s23, $0xb8;
	[tilespmem:$0x1EC60] =	vst v63  }
0x63: {  	s10 =	simm.s32 $0xC4E0  }
0x64: {  	[spmem:s2] =	stream.indirect.scatter.add.f32 [tilespmem:s26], [sflag:$0xA], $0x40, s10, s23, $0xb8;
	[tilespmem:$0x1EC60] =	vst v63  }
0x65: {  	s20 =	simm.s32 $0xC560  }
0x66: {  	[spmem:s2] =	stream.indirect.scatter.add.f32 [tilespmem:s29], [sflag:$0xB], $0x40, s20, s23, $0xb8;
	[tilespmem:$0x1EC60] =	vst v63  }
0x67: {  	s22 =	simm.s32 $0xC5E0  }
0x68: {  	[spmem:s2] =	stream.indirect.scatter.add.f32 [tilespmem:s31], [sflag:$0xC], $0x40, s22, s23, $0xb8;
	[tilespmem:$0x1EC60] =	vst v63  }
0x69: {  	_ =	swait.ge [sflag:s17], $0x2000  }
0x6a: {  	[sflag:s17] =	ssyncset.done $0x0  }
0x6b: {  	[sflag:s17] =	ssyncadd.s32 $0xFFFFE000  }
0x6c: {  	_ =	swait.ge [sflag:s18], $0x2000  }
0x6d: {  	[sflag:s18] =	ssyncset.done $0x0  }
0x6e: {  	[sflag:s18] =	ssyncadd.s32 $0xFFFFE000  }
0x6f: {  	_ =	swait.ge [sflag:s19], $0x2000  }
0x70: {  	[sflag:s19] =	ssyncset.done $0x0  }
0x71: {  	[sflag:s19] =	ssyncadd.s32 $0xFFFFE000  }
0x72: {  	_ =	swait.ge [sflag:s3], $0x2000  }
0x73: {  	[sflag:s3] =	ssyncset.done $0x0  }
0x74: {  	[sflag:s3] =	ssyncadd.s32 $0xFFFFE000  }
0x75: {  	_ =	swait.ge [sflag:s12], $0x2000  }
0x76: {  	[sflag:s12] =	ssyncset.done $0x0  }
0x77: {  	[sflag:s12] =	ssyncadd.s32 $0xFFFFE000  }
0x78: {  	_ =	swait.ge [sflag:s8], $0x2000  }
0x79: {  	[sflag:s8] =	ssyncset.done $0x0  }
0x7a: {  	[sflag:s8] =	ssyncadd.s32 $0xFFFFE000  }
0x7b: {  	_ =	swait.ge [sflag:s4], $0x2000  }
0x7c: {  	[sflag:s4] =	ssyncset.done $0x0  }
0x7d: {  	[sflag:s4] =	ssyncadd.s32 $0xFFFFE000  }
0x7e: {  	p1 =	por $0x0, $0x0;
	_ =	swait.ge [sflag:s1], $0x2000  }
0x7f: {  	s6 =	simm.s32 @!p1 $0xEC60;
	[sflag:s1] =	ssyncset.done $0x0  }
0x80: {  	s10 =	simm.s32 @!p1 $0xA060;
	s20 =	simm.s32 @!p1 $0x80;
	[sflag:s1] =	ssyncadd.s32 $0xFFFFE000  }
0x81: {  	[tilespmem:s6], [sflag:$0x1] =	stream.indirect.gather @!p1 [hbm4b:s5+s20], $0x40, s10, s20, $0xb8;
	[tilespmem:$0x1EC60] =	vst v63  }
0x82: {  	s6 =	simm.s32 @!p1 $0xA0E0;
	s10 =	simm.s32 @!p1 $0x10C60  }
0x83: {  	[tilespmem:s10], [sflag:$0x2] =	stream.indirect.gather @!p1 [hbm4b:s5+s20], $0x40, s6, s20, $0xb8;
	[tilespmem:$0x1EC60] =	vst v63  }
0x84: {  	s6 =	simm.s32 @!p1 $0xA160;
	s10 =	simm.s32 @!p1 $0x12C60  }
0x85: {  	[tilespmem:s10], [sflag:$0x3] =	stream.indirect.gather @!p1 [hbm4b:s5+s20], $0x40, s6, s20, $0xb8;
	[tilespmem:$0x1EC60] =	vst v63  }
0x86: {  	s6 =	simm.s32 @!p1 $0xA1E0;
	s10 =	simm.s32 @!p1 $0x14C60  }
0x87: {  	[tilespmem:s10], [sflag:$0x4] =	stream.indirect.gather @!p1 [hbm4b:s5+s20], $0x40, s6, s20, $0xb8;
	[tilespmem:$0x1EC60] =	vst v63  }
0x88: {  	s25 =	simm.s32 $0xC660  }
0x89: {  	[spmem:s2] =	stream.indirect.scatter.add.f32 [tilespmem:s13], [sflag:$0xD], $0x40, s25, s23, $0xb8;
	[tilespmem:$0x1EC60] =	vst v63  }
0x8a: {  	p5 =	por p6, p6;
	s28 =	simm.s32 $0xC6E0  }
0x8b: {  	[spmem:s2] =	stream.indirect.scatter.add.f32 [tilespmem:s14], [sflag:$0xE], $0x40, s28, s23, $0xb8;
	[tilespmem:$0x1EC60] =	vst v63  }
0x8c: {  	s30 =	simm.s32 $0xC760;
	s6 =	simm.s32 $0x1000;
	s10 =	simm.s32 $0xC7E0  }
0x8d: {  	[spmem:s2] =	stream.indirect.scatter.add.f32 [tilespmem:s15], [sflag:$0xF], $0x40, s30, s23, $0xb8;
	[tilespmem:$0x1EC60] =	vst v63  }
.LBB2_3:
0x8e: {  	[spmem:s2] =	stream.indirect.scatter.add.f32 [tilespmem:s16], [sflag:$0x10], $0x40, s10, s23, $0xb8;
	[tilespmem:$0x1EC60] =	vst v63  }
0x8f: {  	s10 =	smov.u32 s6;
	s6 =	sadd.s32 $0x1000, s6;
	_ =	swait.ge [sflag:s0], $0x2000  }
0x90: {  	p6 =	sne.s32 s6, $0xA000;
	[sflag:s0] =	ssyncset.done $0x0  }
0x91: {  	[sflag:s0] =	ssyncadd.s32 $0xFFFFE000  }
0x92: {  	_ =	swait.ge [sflag:s7], $0x2000  }
0x93: {  	[sflag:s7] =	ssyncset.done $0x0  }
0x94: {  	[sflag:s7] =	ssyncadd.s32 $0xFFFFE000  }
0x95: {  	_ =	swait.ge [sflag:s9], $0x2000  }
0x96: {  	[sflag:s9] =	ssyncset.done $0x0  }
0x97: {  	[sflag:s9] =	ssyncadd.s32 $0xFFFFE000  }
0x98: {  	_ =	swait.ge [sflag:s11], $0x2000  }
0x99: {  	p1 =	seq.s32 s10, $0x0;
	[sflag:s11] =	ssyncset.done $0x0  }
0x9a: {  	s20 =	simm.s32 @!p1 $0xD;
	[sflag:s11] =	ssyncadd.s32 $0xFFFFE000  }
0x9b: {  	_ =	swait.ge @!p1 [sflag:s20], $0x2000  }
0x9c: {  	[sflag:s20] =	ssyncset.done @!p1 $0x0  }
0x9d: {  	[sflag:s20] =	ssyncadd.s32 @!p1 $0xFFFFE000;
	s20 =	simm.s32 @!p1 $0xE  }
0x9e: {  	_ =	swait.ge @!p1 [sflag:s20], $0x2000  }
0x9f: {  	[sflag:s20] =	ssyncset.done @!p1 $0x0  }
0xa0: {  	[sflag:s20] =	ssyncadd.s32 @!p1 $0xFFFFE000;
	s20 =	simm.s32 @!p1 $0xF  }
0xa1: {  	_ =	swait.ge @!p1 [sflag:s20], $0x2000  }
0xa2: {  	[sflag:s20] =	ssyncset.done @!p1 $0x0  }
0xa3: {  	s22 =	simm.s32 @!p1 $0x10;
	[sflag:s20] =	ssyncadd.s32 @!p1 $0xFFFFE000  }
0xa4: {  	_ =	swait.ge @!p1 [sflag:s22], $0x2000  }
0xa5: {  	s20 =	sshra.s32 s10, $0x2;
	[sflag:s22] =	ssyncset.done @!p1 $0x0  }
0xa6: {  	[sflag:s22] =	ssyncadd.s32 @!p1 $0xFFFFE000;
	s22 =	sadd.s32 $0x9E60, s20  }
0xa7: {  	[tilespmem:s13], [sflag:$0x5] =	stream.indirect.gather [hbm4b:s5+s23], $0x40, s22, s23, $0xb8;
	[tilespmem:$0x1EC60] =	vst v63  }
0xa8: {  	s22 =	sadd.s32 $0x9EE0, s20  }
0xa9: {  	[tilespmem:s14], [sflag:$0x6] =	stream.indirect.gather [hbm4b:s5+s23], $0x40, s22, s23, $0xb8;
	[tilespmem:$0x1EC60] =	vst v63  }
0xaa: {  	s22 =	sadd.s32 $0x9F60, s20  }
0xab: {  	[tilespmem:s15], [sflag:$0x7] =	stream.indirect.gather [hbm4b:s5+s23], $0x40, s22, s23, $0xb8;
	[tilespmem:$0x1EC60] =	vst v63  }
0xac: {  	s22 =	sadd.s32 $0x9FE0, s20  }
0xad: {  	[tilespmem:s16], [sflag:$0x8] =	stream.indirect.gather [hbm4b:s5+s23], $0x40, s22, s23, $0xb8;
	[tilespmem:$0x1EC60] =	vst v63  }
0xae: {  	s22 =	sadd.s32 $0xC460, s20  }
0xaf: {  	[spmem:s2] =	stream.indirect.scatter.add.f32 [tilespmem:s24], [sflag:$0x9], $0x40, s22, s23, $0xb8;
	[tilespmem:$0x1EC60] =	vst v63  }
0xb0: {  	s22 =	sadd.s32 $0xC4E0, s20  }
0xb1: {  	[spmem:s2] =	stream.indirect.scatter.add.f32 [tilespmem:s26], [sflag:$0xA], $0x40, s22, s23, $0xb8;
	[tilespmem:$0x1EC60] =	vst v63  }
0xb2: {  	s22 =	sadd.s32 $0xC560, s20  }
0xb3: {  	[spmem:s2] =	stream.indirect.scatter.add.f32 [tilespmem:s29], [sflag:$0xB], $0x40, s22, s23, $0xb8;
	[tilespmem:$0x1EC60] =	vst v63  }
0xb4: {  	s22 =	sadd.s32 $0xC5E0, s20  }
0xb5: {  	[spmem:s2] =	stream.indirect.scatter.add.f32 [tilespmem:s31], [sflag:$0xC], $0x40, s22, s23, $0xb8;
	[tilespmem:$0x1EC60] =	vst v63  }
0xb6: {  	_ =	swait.ge [sflag:s17], $0x2000  }
0xb7: {  	[sflag:s17] =	ssyncset.done $0x0  }
0xb8: {  	[sflag:s17] =	ssyncadd.s32 $0xFFFFE000  }
0xb9: {  	_ =	swait.ge [sflag:s18], $0x2000  }
0xba: {  	[sflag:s18] =	ssyncset.done $0x0  }
0xbb: {  	[sflag:s18] =	ssyncadd.s32 $0xFFFFE000  }
0xbc: {  	_ =	swait.ge [sflag:s19], $0x2000  }
0xbd: {  	[sflag:s19] =	ssyncset.done $0x0  }
0xbe: {  	[sflag:s19] =	ssyncadd.s32 $0xFFFFE000  }
0xbf: {  	_ =	swait.ge [sflag:s3], $0x2000  }
0xc0: {  	[sflag:s3] =	ssyncset.done $0x0  }
0xc1: {  	[sflag:s3] =	ssyncadd.s32 $0xFFFFE000  }
0xc2: {  	_ =	swait.ge [sflag:s12], $0x2000  }
0xc3: {  	[sflag:s12] =	ssyncset.done $0x0  }
0xc4: {  	[sflag:s12] =	ssyncadd.s32 $0xFFFFE000  }
0xc5: {  	_ =	swait.ge [sflag:s8], $0x2000  }
0xc6: {  	[sflag:s8] =	ssyncset.done $0x0  }
0xc7: {  	[sflag:s8] =	ssyncadd.s32 $0xFFFFE000  }
0xc8: {  	_ =	swait.ge [sflag:s4], $0x2000  }
0xc9: {  	[sflag:s4] =	ssyncset.done $0x0  }
0xca: {  	[sflag:s4] =	ssyncadd.s32 $0xFFFFE000  }
0xcb: {  	p1 =	seq.s32 s10, $0x9000;
	_ =	swait.ge [sflag:s1], $0x2000  }
0xcc: {  	s10 =	sshra.s32 @!p1 s10, $0x2;
	s22 =	simm.s32 @!p1 $0xEC60;
	[sflag:s1] =	ssyncset.done $0x0  }
0xcd: {  	s28 =	simm.s32 @!p1 $0x80;
	s25 =	sadd.s32 @!p1 $0xA060, s10;
	[sflag:s1] =	ssyncadd.s32 $0xFFFFE000  }
0xce: {  	[tilespmem:s22], [sflag:$0x1] =	stream.indirect.gather @!p1 [hbm4b:s5+s28], $0x40, s25, s28, $0xb8;
	[tilespmem:$0x1EC60] =	vst v63  }
0xcf: {  	s30 =	sadd.s32 @!p1 $0xA160, s10;
	s22 =	sadd.s32 @!p1 $0xA0E0, s10;
	s25 =	simm.s32 @!p1 $0x10C60  }
0xd0: {  	[tilespmem:s25], [sflag:$0x2] =	stream.indirect.gather @!p1 [hbm4b:s5+s28], $0x40, s22, s28, $0xb8;
	[tilespmem:$0x1EC60] =	vst v63  }
0xd1: {  	s10 =	sadd.s32 @!p1 $0xA1E0, s10;
	s22 =	simm.s32 @!p1 $0x12C60  }
0xd2: {  	[tilespmem:s22], [sflag:$0x3] =	stream.indirect.gather @!p1 [hbm4b:s5+s28], $0x40, s30, s28, $0xb8;
	[tilespmem:$0x1EC60] =	vst v63  }
0xd3: {  	s22 =	simm.s32 @!p1 $0x14C60  }
0xd4: {  	[tilespmem:s22], [sflag:$0x4] =	stream.indirect.gather @!p1 [hbm4b:s5+s28], $0x40, s10, s28, $0xb8;
	[tilespmem:$0x1EC60] =	vst v63  }
0xd5: {  	s10 =	sadd.s32 $0xC660, s20  }
0xd6: {  	[spmem:s2] =	stream.indirect.scatter.add.f32 [tilespmem:s13], [sflag:$0xD], $0x40, s10, s23, $0xb8;
	[tilespmem:$0x1EC60] =	vst v63  }
.Ltmp0:
0xd7: {  	s10 =	sadd.s32 $0xC6E0, s20;
	(pc) =	sbr.rel @p6 .LBB2_3-.Ltmp0, $4  }
0xd8: {  	[spmem:s2] =	stream.indirect.scatter.add.f32 [tilespmem:s14], [sflag:$0xE], $0x40, s10, s23, $0xb8;
	[tilespmem:$0x1EC60] =	vst v63  }
0xd9: {  	s10 =	sadd.s32 $0xC760, s20  }
0xda: {  	[spmem:s2] =	stream.indirect.scatter.add.f32 [tilespmem:s15], [sflag:$0xF], $0x40, s10, s23, $0xb8;
	[tilespmem:$0x1EC60] =	vst v63  }
0xdb: {  	s10 =	sadd.s32 $0xC7E0, s20  }
0xdc: {  	[spmem:s2] =	stream.indirect.scatter.add.f32 [tilespmem:s16], [sflag:$0x10], $0x40, s10, s23, $0xb8;
	[tilespmem:$0x1EC60] =	vst v63  }
0xdd: {  	s6 =	simm.s32 $0xD  }
0xde: {  	_ =	swait.ge [sflag:s6], $0x2000  }
0xdf: {  	[sflag:s6] =	ssyncset.done $0x0  }
0xe0: {  	s25 =	simm.s32 $0xE;
	[sflag:s6] =	ssyncadd.s32 $0xFFFFE000  }
0xe1: {  	_ =	swait.ge [sflag:s25], $0x2000  }
0xe2: {  	[sflag:s25] =	ssyncset.done $0x0  }
0xe3: {  	s28 =	simm.s32 $0xF;
	[sflag:s25] =	ssyncadd.s32 $0xFFFFE000  }
0xe4: {  	_ =	swait.ge [sflag:s28], $0x2000  }
.Ltmp1:
0xe5: {  	[sflag:s28] =	ssyncset.done $0x0;
	(pc) =	sbr.rel @p5 .LBB2_2-.Ltmp1, $4  }
0xe6: {  	s30 =	simm.s32 $0x10;
	[sflag:s28] =	ssyncadd.s32 $0xFFFFE000  }
0xe7: {  	_ =	swait.ge [sflag:s30], $0x2000  }
0xe8: {  	[sflag:s30] =	ssyncset.done $0x0  }
0xe9: {  	p6 =	por $0x0, $0x0;
	s6 =	simm.s32 $0x2800;
	[sflag:s30] =	ssyncadd.s32 $0xFFFFE000  }
0xea: {  	[bflag:$0x0] =	sbarrier.arrive $0xFFFF  }
0xeb: {  	s6 =	sld [smem:$0x7FD];
	_ =	sdelay $0x2  }
0xec: {  	s28 =	rddreg [dreg:$0x7];
	p1 =	seq.s32 s6, $0x1  }
0xed: {  	s30 =	rddreg [dreg:$0xe];
	s6 =	sshrl.u32 @!p1 s28, $0x3;
	s10 =	simm.s32 @!p1 $0x1  }
0xee: {  	s20 =	simm.s32 @!p1 $0x10;
	s22 =	simm.s32 @!p1 $0x8;
	s25 =	simm.s32 @!p1 $0x1FD1  }
0xef: {  	[hbm:s30@s20], [sflag:s25] =	dma.strided @!p1 [spmem:s6@s22], $0x1400, s10, $0x8   }
0xf0: {  	s6 =	simm.s32 @!p1 $0x11  }
0xf1: {  	s10 =	stileid.u32;
	s25 =	simm.s32 @!p2 $0x8;
	_ =	swait.ge @!p1 [sflag:s6], $0x1400  }
0xf2: {  	s22 =	simm.s32 @!p2 $0x1;
	s10 =	sshll.u32 @!p2 s10, $0x6;
	[sflag:s6] =	ssyncset.done @!p1 $0x0  }
0xf3: {  	[sflag:s6] =	ssyncadd.s32 @!p1 $0xFFFFEC00;
	s6 =	sor.u32 @!p2 $0x1C11, s10;
	s10 =	rddreg [dreg:$0xb]  }
0xf4: {  	s20 =	simm.s32 @!p2 $0x10;
	s30 =	rddreg [dreg:$0xd];
	s10 =	sshrl.u32 @!p2 s10, $0x3  }
0xf5: {  	[hbm:s30@s20], [sflag:s6] =	dma.strided @!p2 [spmem:s10@s25], $0x1380, s22, $0x8   }
0xf6: {  	s6 =	simm.s32 @!p2 $0x11  }
0xf7: {  	s10 =	simm.s32 @!p3 $0x1;
	s22 =	simm.s32 @!p3 $0x8;
	_ =	swait.ge @!p2 [sflag:s6], $0x1380  }
0xf8: {  	s25 =	simm.s32 @!p3 $0x1FD1;
	[sflag:s6] =	ssyncset.done @!p2 $0x0;
	s30 =	rddreg [dreg:$0xc]  }
0xf9: {  	[sflag:s6] =	ssyncadd.s32 @!p2 $0xFFFFEC80;
	s6 =	sshrl.u32 @!p3 s28, $0x3;
	s28 =	simm.s32 @!p3 $0x10  }
0xfa: {  	[hbm:s30@s28], [sflag:s25] =	dma.strided @!p3 [spmem:s6@s22], $0x1400, s10, $0x8   }
0xfb: {  	s6 =	simm.s32 @!p3 $0x11  }
0xfc: {  	s20 =	simm.s32 @!p4 $0x1;
	s10 =	stileid.u32;
	_ =	swait.ge @!p3 [sflag:s6], $0x1400  }
0xfd: {  	s22 =	simm.s32 @!p4 $0x10;
	s10 =	sshll.u32 @!p4 s10, $0x6;
	[sflag:s6] =	ssyncset.done @!p3 $0x0  }
0xfe: {  	[sflag:s6] =	ssyncadd.s32 @!p3 $0xFFFFEC00;
	s6 =	sor.u32 @!p4 $0x1C11, s10;
	s10 =	rddreg [dreg:$0xb]  }
0xff: {  	s25 =	simm.s32 @!p4 $0x8;
	s30 =	rddreg [dreg:$0xa];
	s10 =	sshrl.u32 @!p4 s10, $0x3  }
0x100: {  	[hbm:s30@s22], [sflag:s6] =	dma.strided @!p4 [spmem:s10@s25], $0x1380, s20, $0x8   }
0x101: {  	s6 =	simm.s32 @!p4 $0x11  }
0x102: {  	_ =	swait.ge @!p4 [sflag:s6], $0x1380  }
0x103: {  	s25 =	rddreg [dreg:$0x4]  }
0x104: {  	s30 =	rddreg [dreg:$0xf];
	s20 =	sadd.s32 $0x1, s25  }
0x105: {  	p1 =	sne.s32 s20, s30  }
.Ltmp2:
0x106: {  	_ = 	snop;
	(pc) =	sbr.rel @p1 .LBB2_1-.Ltmp2, $3  }
0x107: {  	_ =	sdelay $0x1  }
0x108: {  	[sflag:s6] =	ssyncset.done @!p4 $0x0  }
0x109: {  	s28 =	stileid.u32;
	[sflag:s6] =	ssyncadd.s32 @!p4 $0xFFFFEC80  }
0x10a: {  	_ =	sfence.sel $0x180000  }
0x10b: {  	[bflag:$0x0] =	sbarrier.arrive $0xFFFF  }
0x10c: {  	_ =	strace $0x9000004D  }
0x10d: {  	[bflag:$0x2] =	sbarrier.arrive $0xFFFF  }
0x10e: {  	p0 =	sne.s32 s28, $0x0;
	s0 =	rddreg [dreg:$0x3]  }
0x10f: {  	s0 =	sadd.s32 @!p0 $0x100000, s0  }
0x110: {  	[sflag:s0] =	ssyncadd.tile.s32 @!p0 $0x1;
	_ =	shalt  }
.Lfunc_end2:
_tile_overlayer_lowered:
.L_overlay_start_2:
0x111: {  	(tag) =	ssettag $0x2  }
0x112: {  	s0 =	rddreg [dreg:$0x0];
	s2 =	stileid.u32  }
0x113: {  	s1 =	rddreg [dreg:$0x1];
	p0 =	sne.s32 s2, $0x0  }
0x114: {  	s3 =	rddreg [dreg:$0x2];
	[bflag:$0x3] =	sbarrier.arrive $0xFFFF;
	s2 =	simm.s32 @!p0 $0x1C11  }
0x115: {  	[timem:s3], [sflag:s2] =	dma.local @!p0 [hbm:s0], s1  }
0x116: {  	s0 =	simm.s32 @!p0 $0x11  }
0x117: {  	_ =	swait.ge @!p0 [sflag:s0], s1  }
0x118: {  	s1 =	ssub.s32 @!p0 $0x0, s1;
	[sflag:s0] =	ssyncset.done @!p0 $0x0  }
0x119: {  	[sflag:s0] =	ssyncadd.s32 @!p0 s1  }
0x11a: {  	[bflag:$0x3] =	sbarrier.arrive $0xFFFF  }
0x11b: {  	_ =	shalt  }

// kernel: gcn_deg.3.cloned.1.call-start
scs
__scs_entry_jumppad:
0x0: {  	(pc) =	sbr.rel $0x88, $3  }
0x1: {  	(tag) =	ssettag $0x0;
	lr =	simm.s32 $0x1  }
0x2: {  	[smem:$0x3F9C] =	sst lr;
	_ =	strace $0xD0000000  }
0x3: {  	_ = 	snop  }
0x4: {  	_ = 	snop  }
0x5: {  	_ = 	snop  }
0x6: {  	_ = 	snop  }
0x7: {  	_ = 	snop  }
__scs_overlays_trampoline_lowered:
0x8: {  	[smem:$0x3FAB] =	sst s0  }
0x9: {  	[smem:$0x3FAC] =	sst s1  }
0xa: {  	[smem:$0x3FAD] =	sst s2  }
0xb: {  	[smem:$0x3FAE] =	sst s3  }
0xc: {  	[smem:$0x3FAF] =	sst s4  }
0xd: {  	[smem:$0x3FB0] =	sst s5  }
0xe: {  	[smem:$0x3FB1] =	sst s6  }
0xf: {  	[smem:$0x3FB2] =	sst s7  }
0x10: {  	[smem:$0x3FB3] =	sst s8  }
0x11: {  	[smem:$0x3FB4] =	sst s9;
	s0 =	simm.s32 @!p0 $0x0  }
0x12: {  	s1 =	sld [smem:$0x3F9A];
	s0 =	simm.s32 @p0 $0x1  }
0x13: {  	[smem:$0x3FB5] =	sst s0;
	s0 =	simm.s32 @!p1 $0x0  }
0x14: {  	s2 =	sld [smem:$0x3F99];
	s0 =	simm.s32 @p1 $0x1  }
0x15: {  	[smem:$0x3FB6] =	sst s0;
	s0 =	simm.s32 @!p2 $0x0  }
0x16: {  	s3 =	sld [smem:$0x3FDB];
	s0 =	simm.s32 @p2 $0x1  }
0x17: {  	s4 =	simm.s32 $0x1BF5;
	[smem:$0x3FB8] =	sst s0  }
0x18: {  	s0 =	sld [smem:$0x3F9B];
	_ =	swait.ge [sflag:s4], $0x0  }
0x19: {  	s7 =	sld [smem:$0x3F9C]  }
0x1a: {  	s8 =	sadd.s32 $0xFFFFE003, lr  }
0x1b: {  	s9 =	sadd.s32 $0xFFFFFEF7, lr;
	s5 =	simm.s32 $0xFFFFFFFF;
	p2 =	slt.u32 s8, $0xFFFFF086  }
0x1c: {  	p1 =	slt.u32 s9, $0xF7A;
	s5 =	simm.s32 @!p2 $0x0  }
0x1d: {  	s5 =	simm.s32 @p1 $0x1;
	p0 =	seq.s32 s7, s2  }
0x1e: {  	s7 =	smul.u32 @!p0 $0xF7A, s2;
	p2 =	seq.s32 @!p0 s5, $0x0  }
0x1f: {  	s9 =	smul.u32 $0xF7A, s1;
	s8 =	simm.s32 @!p0 $0x1BF5;
	p2 =	por !p2, p0  }
0x20: {  	[sflag:s8] =	ssyncset.s32 @!p0 $0xFFFFF086;
	s6 =	sadd.s32 @!p0 s3, s7;
	s7 =	simm.s32 @!p0 $0x108  }
0x21: {  	s3 =	sadd.s32 s3, s9;
	s6 =	sadd.s32 @!p0 $0x88, s6;
	s7 =	simm.s32 @p2 $0x1082  }
0x22: {  	[simem:s7], [sflag:s8] =	dma.local @!p0 [hbm:s6], $0xF7A  }
0x23: {  	s9 =	sor.u32 $0xD0000000, s2;
	s6 =	simm.s32 $0x108;
	_ =	swait.ge @!p0 [sflag:s8], $0x0  }
0x24: {  	s3 =	sadd.s32 $0x88, s3;
	s6 =	simm.s32 @!p1 $0x1082;
	[sflag:s4] =	ssyncset.s32 $0xFFFFF086  }
0x25: {  	[simem:s6], [sflag:s4] =	dma.local [hbm:s3], $0xF7A  }
0x26: {  	[smem:$0x3F9C] =	sst s1;
	(tag) =	ssettag s2;
	_ =	strace s9  }
0x27: {  	s1 =	sld [smem:$0x3FAC]  }
0x28: {  	s2 =	sld [smem:$0x3FAD]  }
0x29: {  	s4 =	sld [smem:$0x3FAF]  }
0x2a: {  	p0 =	seq.s32 s5, $0x0;
	s5 =	sld [smem:$0x3FB0]  }
0x2b: {  	s6 =	sld [smem:$0x3FB1]  }
0x2c: {  	s7 =	sld [smem:$0x3FB2]  }
0x2d: {  	s3 =	simm.s32 $0x108;
	s8 =	sld [smem:$0x3FB3]  }
0x2e: {  	s3 =	simm.s32 @!p0 $0x1082;
	s9 =	sld [smem:$0x3FB4]  }
0x2f: {  	lr =	sadd.s32 s0, s3;
	s0 =	sld [smem:$0x3FAB]  }
0x30: {  	s3 =	sld [smem:$0x3FAE]  }
0x31: {  	[smem:$0x3FB7] =	sst s10  }
0x32: {  	s10 =	sld [smem:$0x3FB5];
	_ =	sdelay $0x3  }
0x33: {  	p0 =	seq.s32 s10, $0x1;
	s10 =	sld [smem:$0x3FB7];
	_ =	sdelay $0x3  }
0x34: {  	[smem:$0x3FB7] =	sst s10  }
0x35: {  	s10 =	sld [smem:$0x3FB6];
	_ =	sdelay $0x3  }
0x36: {  	p1 =	seq.s32 s10, $0x1;
	s10 =	sld [smem:$0x3FB7];
	_ =	sdelay $0x3  }
0x37: {  	[smem:$0x3FB7] =	sst s10  }
0x38: {  	s10 =	sld [smem:$0x3FB8]  }
0x39: {  	_ = 	snop;
	(pc) =	sbr.ind lr, $3  }
0x3a: {  	_ = 	snop  }
0x3b: {  	_ = 	snop  }
0x3c: {  	p2 =	seq.s32 s10, $0x1;
	s10 =	sld [smem:$0x3FB7]  }
0x3d: {  	_ =	shalt  }
0x3e: {  	_ =	shalt  }
0x3f: {  	_ =	shalt  }
0x40: {  	_ =	shalt  }
0x41: {  	_ =	shalt  }
0x42: {  	_ =	shalt  }
0x43: {  	_ =	shalt  }
0x44: {  	_ =	shalt  }
0x45: {  	_ =	shalt  }
0x46: {  	_ =	shalt  }
0x47: {  	_ =	shalt  }
0x48: {  	_ =	shalt  }
0x49: {  	_ =	shalt  }
0x4a: {  	_ =	shalt  }
0x4b: {  	_ =	shalt  }
0x4c: {  	_ =	shalt  }
0x4d: {  	_ =	shalt  }
0x4e: {  	_ =	shalt  }
0x4f: {  	_ =	shalt  }
0x50: {  	_ =	shalt  }
0x51: {  	_ =	shalt  }
0x52: {  	_ =	shalt  }
0x53: {  	_ =	shalt  }
0x54: {  	_ =	shalt  }
0x55: {  	_ =	shalt  }
0x56: {  	_ =	shalt  }
0x57: {  	_ =	shalt  }
0x58: {  	_ =	shalt  }
0x59: {  	_ =	shalt  }
0x5a: {  	_ =	shalt  }
0x5b: {  	_ =	shalt  }
0x5c: {  	_ =	shalt  }
0x5d: {  	_ =	shalt  }
0x5e: {  	_ =	shalt  }
0x5f: {  	_ =	shalt  }
0x60: {  	_ =	shalt  }
0x61: {  	_ =	shalt  }
0x62: {  	_ =	shalt  }
0x63: {  	_ =	shalt  }
0x64: {  	_ =	shalt  }
0x65: {  	_ =	shalt  }
0x66: {  	_ =	shalt  }
0x67: {  	_ =	shalt  }
0x68: {  	_ =	shalt  }
0x69: {  	_ =	shalt  }
0x6a: {  	_ =	shalt  }
0x6b: {  	_ =	shalt  }
0x6c: {  	_ =	shalt  }
0x6d: {  	_ =	shalt  }
0x6e: {  	_ =	shalt  }
0x6f: {  	_ =	shalt  }
0x70: {  	_ =	shalt  }
0x71: {  	_ =	shalt  }
0x72: {  	_ =	shalt  }
0x73: {  	_ =	shalt  }
0x74: {  	_ =	shalt  }
0x75: {  	_ =	shalt  }
0x76: {  	_ =	shalt  }
0x77: {  	_ =	shalt  }
0x78: {  	_ =	shalt  }
0x79: {  	_ =	shalt  }
0x7a: {  	_ =	shalt  }
0x7b: {  	_ =	shalt  }
0x7c: {  	_ =	shalt  }
0x7d: {  	_ =	shalt  }
0x7e: {  	_ =	shalt  }
0x7f: {  	_ =	shalt  }
0x80: {  	_ =	shalt  }
0x81: {  	_ =	shalt  }
0x82: {  	_ =	shalt  }
0x83: {  	_ =	shalt  }
0x84: {  	_ =	shalt  }
0x85: {  	_ =	shalt  }
0x86: {  	_ =	shalt  }
0x87: {  	_ =	shalt  }
.Lfunc_end0:
.L_simem_size_0:
called_computation_lowered:
.L_overlay_start_0:
0x88: {  	s2 =	sld [smem:$0x3FD9]  }
0x89: {  	s3 =	sld [smem:$0x3FFE];
	_ =	sdelay $0x1  }
0x8a: {  	s1 =	srdreg.scid  }
0x8b: {  	s0 =	sand.u32 $0x1, s1  }
0x8c: {  	s17 =	sshll.u32 s0, $0xA;
	s2 =	sadd.s32 s3, s2  }
0x8d: {  	s2 =	sadd.s32 s2, s17  }
0x8e: {  	[smem:$0x3FC3] =	sst s2  }
0x8f: {  	_ = 	snop  }
0x90: {  	s2 =	sld [smem:$0x3FD0];
	(tm) =	ssettm $0x1  }
0x91: {  	s18 =	sld [smem:$0x3FFB];
	_ =	sdelay $0x3  }
0x92: {  	_ =	strace s18  }
0x93: {  	s3 =	sld [smem:$0x3FFC];
	_ =	sdelay $0x3  }
0x94: {  	_ =	strace s3  }
0x95: {  	s3 =	sld [smem:$0x3FFD];
	_ =	sdelay $0x3  }
0x96: {  	_ =	strace s3  }
0x97: {  	_ =	strace $0x8FFFFFFF  }
0x98: {  	s19 =	sld [smem:$0x3FDB];
	_ =	sdelay $0x1  }
0x99: {  	s4 =	simm.s32 $_scs_section_size  }
0x9a: {  	s5 =	simm.s32 $_size__tile_overlayer_lowered;
	s6 =	simm.s32 $_tile_overlayer_lowered  }
0x9b: {  	s22 =	simm.s32 $0x1BFF;
	s21 =	sshll.u32 s6, $0x1;
	s3 =	sadd.s32 s4, s19  }
0x9c: {  	s7 =	simm.s32 $0x0;
	s20 =	sshll.u32 s5, $0x1;
	s5 =	sadd.s32 s21, s3  }
0x9d: {  	[timem:s7], [sflag:s22] =	dma.local [hbm:s5], s20  }
0x9e: {  	_ =	swait.ge [sflag:s22], s20  }
0x9f: {  	s4 =	ssub.s32 $0x0, s20;
	[sflag:s22] =	ssyncset.done $0x0  }
0xa0: {  	[sflag:s22] =	ssyncadd.s32 s4;
	_ =	sdelay $0x1  }
0xa1: {  	s23 =	simm.s32 $0x1B8B  }
0xa2: {  	_ =	swait.ge [sflag:s23], $0x1  }
0xa3: {  	[sflag:s23] =	ssyncset.done $0x0  }
0xa4: {  	s25 =	simm.s32 $0x1B8E;
	s24 =	sld [smem:$0x3FFE];
	[sflag:s23] =	ssyncadd.s32 $0xFFFFFFFF  }
0xa5: {  	s26 =	simm.s32 $execute0_lowered;
	[smem:$0x3FD2] =	sst s25  }
0xa6: {  	s5 =	sshll.u32 s26, $0x1;
	_ =	strace $0x80000046;
	[dreg:$0x1] =	wrdreg $0xFFFFFFFF  }
0xa7: {  	s28 =	simm.s32 $_size_execute0_lowered;
	s3 =	sadd.s32 s3, s5;
	[dreg:$0x0] =	wrdreg $0x0  }
0xa8: {  	s5 =	sshll.u32 s28, $0x1;
	[dreg:$0x2] =	wrdreg s3  }
0xa9: {  	[dreg:$0x3] =	wrdreg s5  }
0xaa: {  	[dreg:$0x4] =	wrdreg $0xC0  }
0xab: {  	_ =	task [dreg:s7], $0x5FFFF  }
0xac: {  	[dreg:$0x1] =	wrdreg $0xFFFFFFFF  }
0xad: {  	[dreg:$0x0] =	wrdreg $0x60  }
0xae: {  	[dreg:$0x2] =	wrdreg s2  }
0xaf: {  	[dreg:$0x3] =	wrdreg s24  }
0xb0: {  	[dreg:$0x4] =	wrdreg $0x0  }
0xb1: {  	[dreg:$0x5] =	wrdreg $0x9  }
0xb2: {  	_ =	task.clear_ibuf [dreg:s7], $0x6FFFF;
	_ =	strace $0x90000046  }
0xb3: {  	s29 =	simm.s32 $0x9;
	_ =	strace $0x80000048  }
0xb4: {  	_ =	swait.ge [sflag:s29], $0x1  }
0xb5: {  	[sflag:s29] =	ssyncadd.s32 $0xFFFFFFFF  }
0xb6: {  	_ =	strace $0x90000048  }
0xb7: {  	_ =	sfence  }
0xb8: {  	s30 =	sld [smem:$0x0];
	_ =	sdelay $0x2  }
0xb9: {  	s31 =	sshll.u32 s1, $0xD;
	s1 =	sshrl.u32 s1, $0x2  }
0xba: {  	s3 =	sand.u32 $0x4000, s31;
	s1 =	sadd.s32 s1, s30  }
0xbb: {  	s0 =	sor.u32 s3, s0;
	s1 =	sshll.u32 s1, $0x11  }
0xbc: {  	s0 =	sor.u32 s1, s0  }
0xbd: {  	s0 =	sadd.s32 $0x8F2B, s0  }
0xbe: {  	[sflag:s0] =	ssyncadd.remote.s32 $0x1  }
0xbf: {  	_ =	sfence.sel $0xFFFF  }
0xc0: {  	[dreg:$0x0] =	wrdreg $0xFFFFFFFF;
	(pc) =	sbr.abs _section_cstart, $3  }
0xc1: {  	[dreg:$0x1] =	wrdreg $0xFFFFFFFF  }
0xc2: {  	_ =	task.clear_ibuf [dreg:s7], $0x2FFFF;
	_ =	strace $0x9FFFFFFF  }
0xc3: {  	(tm) =	ssettm $0x7FFFFFFF  }
tec
execute0_lowered:
.L_overlay_start_1:
0x0: {  	(tag) =	ssettag $0x1  }
0x1: {  	s9 =	rddreg [dreg:$0x0]  }
0x2: {  	s13 =	rddreg [dreg:$0x1]  }
0x3: {  	s2 =	rddreg [dreg:$0x2]  }
0x4: {  	s0 =	rddreg [dreg:$0x3];
	s3 =	simm.s32 $0x0;
	s1 =	stileid.u32  }
0x5: {  	s6 =	srdreg.scid;
	s18 =	simm.s32 $0x4F18;
	s19 =	simm.s32 $0x2  }
0x6: {  	s20 =	simm.s32 $0x2718;
	s21 =	simm.s32 $0x80;
	s22 =	simm.s32 $0x1  }
0x7: {  	s25 =	simm.s32 $0x0;
	[smem:$0x7FF] =	sst s3;
	s5 =	smul.u32 $0x2700, s1  }
0x8: {  	s4 =	sadd.s32 $0x7200, s13;
	s10 =	sand.u32 $0x1, s6;
	p0 =	seq.s32 s1, $0xF  }
0x9: {  	_ =	strace $0x80000047;
	s7 =	ssub.s32 $0x2, s10;
	s8 =	sshll.u32 s10, $0x4  }
0xa: {  	p4 =	seq.s32 s10, $0x1;
	s16 =	sshll.u32 @!p0 s1, $0x6;
	s30 =	sshrl.u32 s5, $0x3  }
0xb: {  	s31 =	sshrl.u32 s7, $0x1;
	s8 =	sor.u32 s1, s8;
	s5 =	sadd.s32 s5, s2  }
0xc: {  	s16 =	sor.u32 @!p0 $0x1C02, s16;
	p2 =	seq.s32 @p4 s1, $0xF;
	p5 =	seq.s32 @!p4 s1, $0xF  }
0xd: {  	s12 =	sadd.s32 s30, s13;
	s14 =	ssub.s32 s7, s31;
	s11 =	smul.u32 $0x500, s8  }
0xe: {  	s7 =	sadd.s32 $0x24900, s2;
	s8 =	sadd.s32 $0x6B20, s13;
	s17 =	sshrl.u32 @!p0 s5, $0x3  }
0xf: {  	p1 =	por p2, !p4;
	p2 =	por !p2, !p4;
	p3 =	por !p5, p4  }
0x10: {  	p4 =	por p5, p4;
	s6 =	sadd.s32 $0x2200, s12;
	s10 =	sadd.s32 $0x7400, s12  }
0x11: {  	s12 =	sadd.s32 $0xC220, s12;
	s14 =	smax.u32 s14, $0x1;
	s15 =	sshrl.u32 @p0 s7, $0x3  }
0x12: {  	s24 =	sshll.u32 @!p1 s1, $0x6;
	s23 =	sshrl.u32 @!p2 s7, $0x3;
	s9 =	sadd.s32 s9, s11  }
0x13: {  	s11 =	sadd.s32 $0xBD20, s13;
	s13 =	sadd.s32 $0x10B40, s13;
	s24 =	sor.u32 @!p1 $0x1C02, s24  }
.LBB2_1:
0x14: {  	s26 =	simm.s32 @p0 $0x1FC2  }
0x15: {  	[spmem:s15], [sflag:s26] =	dma.local @p0 [hbm:s8], $0x500  }
0x16: {  	s26 =	simm.s32 @p0 $0x2  }
0x17: {  	_ =	swait.ge @p0 [sflag:s26], $0x500  }
0x18: {  	[sflag:s26] =	ssyncset.done @p0 $0x0  }
0x19: {  	[sflag:s26] =	ssyncadd.s32 @p0 $0xFFFFFB00;
	s26 =	simm.s32 @!p0 $0x2  }
0x1a: {  	[spmem:s17], [sflag:s16] =	dma.local @!p0 [hbm:s6], $0x4E0  }
0x1b: {  	_ =	swait.ge @!p0 [sflag:s26], $0x4E0  }
0x1c: {  	[sflag:s26] =	ssyncset.done @!p0 $0x0  }
0x1d: {  	[sflag:s26] =	ssyncadd.s32 @!p0 $0xFFFFFB20  }
0x1e: {  	[tilespmem:s18], [sflag:$0x2] =	stream.linear.gather [hbm4b:s4+s3], $0x800, $0x38;
	[tilespmem:$0x5718] =	vst v63  }
0x1f: {  	_ =	swait.ge [sflag:s19], $0x800  }
0x20: {  	[sflag:s19] =	ssyncset.done $0x0  }
0x21: {  	[sflag:s19] =	ssyncadd.s32 $0xFFFFF800  }
0x22: {  	[tilespmem:s20], [sflag:$0x2] =	stream.linear.gather [hbm4b:s9+s3], $0x2800, $0x38;
	[tilespmem:$0x5718] =	vst v63  }
0x23: {  	_ =	swait.ge [sflag:s19], $0x2800  }
0x24: {  	[sflag:s19] =	ssyncset.done $0x0  }
0x25: {  	[sflag:s19] =	ssyncadd.s32 $0xFFFFD800  }
0x26: {  	s28 =	simm.s32 $0x2718;
	[bflag:$0x0] =	sbarrier.arrive $0xFFFF  }
0x27: {  	[spmem:s2] =	stream.indirect.scatter.add.f32 [tilespmem:s18], [sflag:$0x1], $0x10, s28, s21, $0xb8;
	[tilespmem:$0x5718] =	vst v63  }
0x28: {  	s31 =	simm.s32 $0x2798  }
0x29: {  	[spmem:s2] =	stream.indirect.scatter.add.f32 [tilespmem:s18], [sflag:$0x1], $0x10, s31, s21, $0xb8;
	[tilespmem:$0x5718] =	vst v63  }
0x2a: {  	s28 =	simm.s32 $0x2818  }
0x2b: {  	[spmem:s2] =	stream.indirect.scatter.add.f32 [tilespmem:s18], [sflag:$0x1], $0x10, s28, s21, $0xb8;
	[tilespmem:$0x5718] =	vst v63  }
0x2c: {  	s31 =	simm.s32 $0x2898  }
0x2d: {  	[spmem:s2] =	stream.indirect.scatter.add.f32 [tilespmem:s18], [sflag:$0x1], $0x10, s31, s21, $0xb8;
	[tilespmem:$0x5718] =	vst v63  }
0x2e: {  	s28 =	simm.s32 $0x2918  }
0x2f: {  	[spmem:s2] =	stream.indirect.scatter.add.f32 [tilespmem:s18], [sflag:$0x1], $0x10, s28, s21, $0xb8;
	[tilespmem:$0x5718] =	vst v63  }
0x30: {  	s31 =	simm.s32 $0x2998  }
0x31: {  	[spmem:s2] =	stream.indirect.scatter.add.f32 [tilespmem:s18], [sflag:$0x1], $0x10, s31, s21, $0xb8;
	[tilespmem:$0x5718] =	vst v63  }
0x32: {  	s28 =	simm.s32 $0x2A18  }
0x33: {  	[spmem:s2] =	stream.indirect.scatter.add.f32 [tilespmem:s18], [sflag:$0x1], $0x10, s28, s21, $0xb8;
	[tilespmem:$0x5718] =	vst v63  }
0x34: {  	s31 =	simm.s32 $0x2A98  }
0x35: {  	[spmem:s2] =	stream.indirect.scatter.add.f32 [tilespmem:s18], [sflag:$0x1], $0x10, s31, s21, $0xb8;
	[tilespmem:$0x5718] =	vst v63  }
0x36: {  	s28 =	simm.s32 $0x2B18  }
0x37: {  	[spmem:s2] =	stream.indirect.scatter.add.f32 [tilespmem:s18], [sflag:$0x1], $0x10, s28, s21, $0xb8;
	[tilespmem:$0x5718] =	vst v63  }
0x38: {  	s31 =	simm.s32 $0x2B98  }
0x39: {  	[spmem:s2] =	stream.indirect.scatter.add.f32 [tilespmem:s18], [sflag:$0x1], $0x10, s31, s21, $0xb8;
	[tilespmem:$0x5718] =	vst v63  }
0x3a: {  	s28 =	simm.s32 $0x2C18  }
0x3b: {  	[spmem:s2] =	stream.indirect.scatter.add.f32 [tilespmem:s18], [sflag:$0x1], $0x10, s28, s21, $0xb8;
	[tilespmem:$0x5718] =	vst v63  }
0x3c: {  	s31 =	simm.s32 $0x2C98  }
0x3d: {  	[spmem:s2] =	stream.indirect.scatter.add.f32 [tilespmem:s18], [sflag:$0x1], $0x10, s31, s21, $0xb8;
	[tilespmem:$0x5718] =	vst v63  }
0x3e: {  	s28 =	simm.s32 $0x2D18  }
0x3f: {  	[spmem:s2] =	stream.indirect.scatter.add.f32 [tilespmem:s18], [sflag:$0x1], $0x10, s28, s21, $0xb8;
	[tilespmem:$0x5718] =	vst v63  }
0x40: {  	s31 =	simm.s32 $0x2D98  }
0x41: {  	[spmem:s2] =	stream.indirect.scatter.add.f32 [tilespmem:s18], [sflag:$0x1], $0x10, s31, s21, $0xb8;
	[tilespmem:$0x5718] =	vst v63  }
0x42: {  	s28 =	simm.s32 $0x2E18  }
0x43: {  	[spmem:s2] =	stream.indirect.scatter.add.f32 [tilespmem:s18], [sflag:$0x1], $0x10, s28, s21, $0xb8;
	[tilespmem:$0x5718] =	vst v63  }
0x44: {  	s31 =	simm.s32 $0x2E98  }
0x45: {  	[spmem:s2] =	stream.indirect.scatter.add.f32 [tilespmem:s18], [sflag:$0x1], $0x10, s31, s21, $0xb8;
	[tilespmem:$0x5718] =	vst v63  }
0x46: {  	s28 =	simm.s32 $0x2F18  }
0x47: {  	[spmem:s2] =	stream.indirect.scatter.add.f32 [tilespmem:s18], [sflag:$0x1], $0x10, s28, s21, $0xb8;
	[tilespmem:$0x5718] =	vst v63  }
0x48: {  	s31 =	simm.s32 $0x2F98  }
0x49: {  	[spmem:s2] =	stream.indirect.scatter.add.f32 [tilespmem:s18], [sflag:$0x1], $0x10, s31, s21, $0xb8;
	[tilespmem:$0x5718] =	vst v63  }
0x4a: {  	s28 =	simm.s32 $0x3018  }
0x4b: {  	[spmem:s2] =	stream.indirect.scatter.add.f32 [tilespmem:s18], [sflag:$0x1], $0x10, s28, s21, $0xb8;
	[tilespmem:$0x5718] =	vst v63  }
0x4c: {  	s31 =	simm.s32 $0x3098  }
0x4d: {  	[spmem:s2] =	stream.indirect.scatter.add.f32 [tilespmem:s18], [sflag:$0x1], $0x10, s31, s21, $0xb8;
	[tilespmem:$0x5718] =	vst v63  }
0x4e: {  	_ =	swait.ge [sflag:s22], $0x800  }
0x4f: {  	[sflag:s22] =	ssyncset.done $0x0  }
0x50: {  	[sflag:s22] =	ssyncadd.s32 $0xFFFFF800  }
0x51: {  	_ =	swait.ge [sflag:s22], $0x800  }
0x52: {  	[sflag:s22] =	ssyncset.done $0x0  }
0x53: {  	[sflag:s22] =	ssyncadd.s32 $0xFFFFF800  }
0x54: {  	_ =	swait.ge [sflag:s22], $0x800  }
0x55: {  	[sflag:s22] =	ssyncset.done $0x0  }
0x56: {  	[sflag:s22] =	ssyncadd.s32 $0xFFFFF800  }
0x57: {  	_ =	swait.ge [sflag:s22], $0x800  }
0x58: {  	[sflag:s22] =	ssyncset.done $0x0  }
0x59: {  	[sflag:s22] =	ssyncadd.s32 $0xFFFFF800  }
0x5a: {  	_ =	swait.ge [sflag:s22], $0x800  }
0x5b: {  	[sflag:s22] =	ssyncset.done $0x0  }
0x5c: {  	[sflag:s22] =	ssyncadd.s32 $0xFFFFF800  }
0x5d: {  	_ =	swait.ge [sflag:s22], $0x800  }
0x5e: {  	[sflag:s22] =	ssyncset.done $0x0  }
0x5f: {  	[sflag:s22] =	ssyncadd.s32 $0xFFFFF800  }
0x60: {  	_ =	swait.ge [sflag:s22], $0x800  }
0x61: {  	[sflag:s22] =	ssyncset.done $0x0  }
0x62: {  	[sflag:s22] =	ssyncadd.s32 $0xFFFFF800  }
0x63: {  	_ =	swait.ge [sflag:s22], $0x800  }
0x64: {  	[sflag:s22] =	ssyncset.done $0x0  }
0x65: {  	[sflag:s22] =	ssyncadd.s32 $0xFFFFF800  }
0x66: {  	_ =	swait.ge [sflag:s22], $0x800  }
0x67: {  	[sflag:s22] =	ssyncset.done $0x0  }
0x68: {  	[sflag:s22] =	ssyncadd.s32 $0xFFFFF800  }
0x69: {  	_ =	swait.ge [sflag:s22], $0x800  }
0x6a: {  	[sflag:s22] =	ssyncset.done $0x0  }
0x6b: {  	[sflag:s22] =	ssyncadd.s32 $0xFFFFF800  }
0x6c: {  	_ =	swait.ge [sflag:s22], $0x800  }
0x6d: {  	[sflag:s22] =	ssyncset.done $0x0  }
0x6e: {  	[sflag:s22] =	ssyncadd.s32 $0xFFFFF800  }
0x6f: {  	_ =	swait.ge [sflag:s22], $0x800  }
0x70: {  	[sflag:s22] =	ssyncset.done $0x0  }
0x71: {  	[sflag:s22] =	ssyncadd.s32 $0xFFFFF800  }
0x72: {  	_ =	swait.ge [sflag:s22], $0x800  }
0x73: {  	[sflag:s22] =	ssyncset.done $0x0  }
0x74: {  	[sflag:s22] =	ssyncadd.s32 $0xFFFFF800  }
0x75: {  	_ =	swait.ge [sflag:s22], $0x800  }
0x76: {  	[sflag:s22] =	ssyncset.done $0x0  }
0x77: {  	[sflag:s22] =	ssyncadd.s32 $0xFFFFF800  }
0x78: {  	_ =	swait.ge [sflag:s22], $0x800  }
0x79: {  	[sflag:s22] =	ssyncset.done $0x0  }
0x7a: {  	[sflag:s22] =	ssyncadd.s32 $0xFFFFF800  }
0x7b: {  	_ =	swait.ge [sflag:s22], $0x800  }
0x7c: {  	[sflag:s22] =	ssyncset.done $0x0  }
0x7d: {  	[sflag:s22] =	ssyncadd.s32 $0xFFFFF800  }
0x7e: {  	_ =	swait.ge [sflag:s22], $0x800  }
0x7f: {  	[sflag:s22] =	ssyncset.done $0x0  }
0x80: {  	[sflag:s22] =	ssyncadd.s32 $0xFFFFF800  }
0x81: {  	_ =	swait.ge [sflag:s22], $0x800  }
0x82: {  	[sflag:s22] =	ssyncset.done $0x0  }
0x83: {  	[sflag:s22] =	ssyncadd.s32 $0xFFFFF800  }
0x84: {  	_ =	swait.ge [sflag:s22], $0x800  }
0x85: {  	[sflag:s22] =	ssyncset.done $0x0  }
0x86: {  	[sflag:s22] =	ssyncadd.s32 $0xFFFFF800  }
0x87: {  	_ =	swait.ge [sflag:s22], $0x800  }
0x88: {  	s30 =	simm.s32 $0x5000;
	s29 =	simm.s32 $0xA00;
	[sflag:s22] =	ssyncset.done $0x0  }
.LBB2_2:
0x89: {  	s31 =	sadd.s32 $0x2718, s29  }
0x8a: {  	[sflag:s22] =	ssyncadd.s32 $0xFFFFF800;
	s28 =	smov.u32 s30;
	s26 =	sadd.s32 $0x2800, s30  }
0x8b: {  	[spmem:s2] =	stream.indirect.scatter.add.f32 [tilespmem:s18], [sflag:$0x1], $0x10, s31, s21, $0xb8;
	[tilespmem:$0x5718] =	vst v63  }
0x8c: {  	p5 =	sne.s32 s30, $0x7800;
	s30 =	sadd.s32 $0x2798, s29  }
0x8d: {  	[spmem:s2] =	stream.indirect.scatter.add.f32 [tilespmem:s18], [sflag:$0x1], $0x10, s30, s21, $0xb8;
	[tilespmem:$0x5718] =	vst v63  }
0x8e: {  	s30 =	sadd.s32 $0x2818, s29  }
0x8f: {  	[spmem:s2] =	stream.indirect.scatter.add.f32 [tilespmem:s18], [sflag:$0x1], $0x10, s30, s21, $0xb8;
	[tilespmem:$0x5718] =	vst v63  }
0x90: {  	s30 =	sadd.s32 $0x2898, s29  }
0x91: {  	[spmem:s2] =	stream.indirect.scatter.add.f32 [tilespmem:s18], [sflag:$0x1], $0x10, s30, s21, $0xb8;
	[tilespmem:$0x5718] =	vst v63  }
0x92: {  	s30 =	sadd.s32 $0x2918, s29  }
0x93: {  	[spmem:s2] =	stream.indirect.scatter.add.f32 [tilespmem:s18], [sflag:$0x1], $0x10, s30, s21, $0xb8;
	[tilespmem:$0x5718] =	vst v63  }
0x94: {  	s30 =	sadd.s32 $0x2998, s29  }
0x95: {  	[spmem:s2] =	stream.indirect.scatter.add.f32 [tilespmem:s18], [sflag:$0x1], $0x10, s30, s21, $0xb8;
	[tilespmem:$0x5718] =	vst v63  }
0x96: {  	s30 =	sadd.s32 $0x2A18, s29  }
0x97: {  	[spmem:s2] =	stream.indirect.scatter.add.f32 [tilespmem:s18], [sflag:$0x1], $0x10, s30, s21, $0xb8;
	[tilespmem:$0x5718] =	vst v63  }
0x98: {  	s30 =	sadd.s32 $0x2A98, s29  }
0x99: {  	[spmem:s2] =	stream.indirect.scatter.add.f32 [tilespmem:s18], [sflag:$0x1], $0x10, s30, s21, $0xb8;
	[tilespmem:$0x5718] =	vst v63  }
0x9a: {  	s30 =	sadd.s32 $0x2B18, s29  }
0x9b: {  	[spmem:s2] =	stream.indirect.scatter.add.f32 [tilespmem:s18], [sflag:$0x1], $0x10, s30, s21, $0xb8;
	[tilespmem:$0x5718] =	vst v63  }
0x9c: {  	s30 =	sadd.s32 $0x2B98, s29  }
0x9d: {  	[spmem:s2] =	stream.indirect.scatter.add.f32 [tilespmem:s18], [sflag:$0x1], $0x10, s30, s21, $0xb8;
	[tilespmem:$0x5718] =	vst v63  }
0x9e: {  	s30 =	sadd.s32 $0x2C18, s29  }
0x9f: {  	[spmem:s2] =	stream.indirect.scatter.add.f32 [tilespmem:s18], [sflag:$0x1], $0x10, s30, s21, $0xb8;
	[tilespmem:$0x5718] =	vst v63  }
0xa0: {  	s30 =	sadd.s32 $0x2C98, s29  }
0xa1: {  	[spmem:s2] =	stream.indirect.scatter.add.f32 [tilespmem:s18], [sflag:$0x1], $0x10, s30, s21, $0xb8;
	[tilespmem:$0x5718] =	vst v63  }
0xa2: {  	s30 =	sadd.s32 $0x2D18, s29  }
0xa3: {  	[spmem:s2] =	stream.indirect.scatter.add.f32 [tilespmem:s18], [sflag:$0x1], $0x10, s30, s21, $0xb8;
	[tilespmem:$0x5718] =	vst v63  }
0xa4: {  	s30 =	sadd.s32 $0x2D98, s29  }
0xa5: {  	[spmem:s2] =	stream.indirect.scatter.add.f32 [tilespmem:s18], [sflag:$0x1], $0x10, s30, s21, $0xb8;
	[tilespmem:$0x5718] =	vst v63  }
0xa6: {  	s30 =	sadd.s32 $0x2E18, s29  }
0xa7: {  	[spmem:s2] =	stream.indirect.scatter.add.f32 [tilespmem:s18], [sflag:$0x1], $0x10, s30, s21, $0xb8;
	[tilespmem:$0x5718] =	vst v63  }
0xa8: {  	s30 =	sadd.s32 $0x2E98, s29  }
0xa9: {  	[spmem:s2] =	stream.indirect.scatter.add.f32 [tilespmem:s18], [sflag:$0x1], $0x10, s30, s21, $0xb8;
	[tilespmem:$0x5718] =	vst v63  }
0xaa: {  	s30 =	sadd.s32 $0x2F18, s29  }
0xab: {  	[spmem:s2] =	stream.indirect.scatter.add.f32 [tilespmem:s18], [sflag:$0x1], $0x10, s30, s21, $0xb8;
	[tilespmem:$0x5718] =	vst v63  }
0xac: {  	s30 =	sadd.s32 $0x2F98, s29  }
0xad: {  	[spmem:s2] =	stream.indirect.scatter.add.f32 [tilespmem:s18], [sflag:$0x1], $0x10, s30, s21, $0xb8;
	[tilespmem:$0x5718] =	vst v63  }
0xae: {  	s30 =	sadd.s32 $0x3018, s29  }
0xaf: {  	[spmem:s2] =	stream.indirect.scatter.add.f32 [tilespmem:s18], [sflag:$0x1], $0x10, s30, s21, $0xb8;
	[tilespmem:$0x5718] =	vst v63  }
0xb0: {  	s29 =	sadd.s32 $0x3098, s29  }
0xb1: {  	[spmem:s2] =	stream.indirect.scatter.add.f32 [tilespmem:s18], [sflag:$0x1], $0x10, s29, s21, $0xb8;
	[tilespmem:$0x5718] =	vst v63  }
0xb2: {  	_ =	swait.ge [sflag:s22], $0x800  }
0xb3: {  	[sflag:s22] =	ssyncset.done $0x0  }
0xb4: {  	[sflag:s22] =	ssyncadd.s32 $0xFFFFF800  }
0xb5: {  	_ =	swait.ge [sflag:s22], $0x800  }
0xb6: {  	[sflag:s22] =	ssyncset.done $0x0  }
0xb7: {  	[sflag:s22] =	ssyncadd.s32 $0xFFFFF800  }
0xb8: {  	_ =	swait.ge [sflag:s22], $0x800  }
0xb9: {  	[sflag:s22] =	ssyncset.done $0x0  }
0xba: {  	[sflag:s22] =	ssyncadd.s32 $0xFFFFF800  }
0xbb: {  	_ =	swait.ge [sflag:s22], $0x800  }
0xbc: {  	[sflag:s22] =	ssyncset.done $0x0  }
0xbd: {  	[sflag:s22] =	ssyncadd.s32 $0xFFFFF800  }
0xbe: {  	_ =	swait.ge [sflag:s22], $0x800  }
0xbf: {  	[sflag:s22] =	ssyncset.done $0x0  }
0xc0: {  	[sflag:s22] =	ssyncadd.s32 $0xFFFFF800  }
0xc1: {  	_ =	swait.ge [sflag:s22], $0x800  }
0xc2: {  	[sflag:s22] =	ssyncset.done $0x0  }
0xc3: {  	[sflag:s22] =	ssyncadd.s32 $0xFFFFF800  }
0xc4: {  	_ =	swait.ge [sflag:s22], $0x800  }
0xc5: {  	[sflag:s22] =	ssyncset.done $0x0  }
0xc6: {  	[sflag:s22] =	ssyncadd.s32 $0xFFFFF800  }
0xc7: {  	_ =	swait.ge [sflag:s22], $0x800  }
0xc8: {  	[sflag:s22] =	ssyncset.done $0x0  }
0xc9: {  	[sflag:s22] =	ssyncadd.s32 $0xFFFFF800  }
0xca: {  	_ =	swait.ge [sflag:s22], $0x800  }
0xcb: {  	[sflag:s22] =	ssyncset.done $0x0  }
0xcc: {  	[sflag:s22] =	ssyncadd.s32 $0xFFFFF800  }
0xcd: {  	_ =	swait.ge [sflag:s22], $0x800  }
0xce: {  	[sflag:s22] =	ssyncset.done $0x0  }
0xcf: {  	[sflag:s22] =	ssyncadd.s32 $0xFFFFF800  }
0xd0: {  	_ =	swait.ge [sflag:s22], $0x800  }
0xd1: {  	[sflag:s22] =	ssyncset.done $0x0  }
0xd2: {  	[sflag:s22] =	ssyncadd.s32 $0xFFFFF800  }
0xd3: {  	_ =	swait.ge [sflag:s22], $0x800  }
0xd4: {  	[sflag:s22] =	ssyncset.done $0x0  }
0xd5: {  	[sflag:s22] =	ssyncadd.s32 $0xFFFFF800  }
0xd6: {  	_ =	swait.ge [sflag:s22], $0x800  }
0xd7: {  	[sflag:s22] =	ssyncset.done $0x0  }
0xd8: {  	[sflag:s22] =	ssyncadd.s32 $0xFFFFF800  }
0xd9: {  	_ =	swait.ge [sflag:s22], $0x800  }
0xda: {  	[sflag:s22] =	ssyncset.done $0x0  }
0xdb: {  	[sflag:s22] =	ssyncadd.s32 $0xFFFFF800  }
0xdc: {  	_ =	swait.ge [sflag:s22], $0x800  }
0xdd: {  	[sflag:s22] =	ssyncset.done $0x0  }
0xde: {  	[sflag:s22] =	ssyncadd.s32 $0xFFFFF800  }
0xdf: {  	_ =	swait.ge [sflag:s22], $0x800  }
0xe0: {  	[sflag:s22] =	ssyncset.done $0x0  }
0xe1: {  	[sflag:s22] =	ssyncadd.s32 $0xFFFFF800  }
0xe2: {  	_ =	swait.ge [sflag:s22], $0x800  }
0xe3: {  	[sflag:s22] =	ssyncset.done $0x0  }
0xe4: {  	[sflag:s22] =	ssyncadd.s32 $0xFFFFF800  }
0xe5: {  	_ =	swait.ge [sflag:s22], $0x800  }
0xe6: {  	[sflag:s22] =	ssyncset.done $0x0  }
0xe7: {  	[sflag:s22] =	ssyncadd.s32 $0xFFFFF800  }
.Ltmp0:
0xe8: {  	_ =	swait.ge [sflag:s22], $0x800;
	(pc) =	sbr.rel @p5 .LBB2_2-.Ltmp0, $4  }
0xe9: {  	[sflag:s22] =	ssyncset.done $0x0  }
0xea: {  	[sflag:s22] =	ssyncadd.s32 $0xFFFFF800  }
0xeb: {  	_ =	swait.ge [sflag:s22], $0x800  }
0xec: {  	s30 =	smov.u32 s26;
	s29 =	sshra.s32 s28, $0x2;
	[sflag:s22] =	ssyncset.done $0x0  }
0xed: {  	s26 =	sadd.s32 $0x2718, s29;
	[sflag:s22] =	ssyncadd.s32 $0xFFFFF800  }
0xee: {  	[spmem:s2] =	stream.indirect.scatter.add.f32 [tilespmem:s18], [sflag:$0x1], $0x10, s26, s21, $0xb8;
	[tilespmem:$0x5718] =	vst v63  }
0xef: {  	s31 =	sadd.s32 $0x2798, s29  }
0xf0: {  	[spmem:s2] =	stream.indirect.scatter.add.f32 [tilespmem:s18], [sflag:$0x1], $0x10, s31, s21, $0xb8;
	[tilespmem:$0x5718] =	vst v63  }
0xf1: {  	s28 =	sadd.s32 $0x2818, s29  }
0xf2: {  	[spmem:s2] =	stream.indirect.scatter.add.f32 [tilespmem:s18], [sflag:$0x1], $0x10, s28, s21, $0xb8;
	[tilespmem:$0x5718] =	vst v63  }
0xf3: {  	s30 =	sadd.s32 $0x2898, s29  }
0xf4: {  	[spmem:s2] =	stream.indirect.scatter.add.f32 [tilespmem:s18], [sflag:$0x1], $0x10, s30, s21, $0xb8;
	[tilespmem:$0x5718] =	vst v63  }
0xf5: {  	s31 =	sadd.s32 $0x2918, s29  }
0xf6: {  	[spmem:s2] =	stream.indirect.scatter.add.f32 [tilespmem:s18], [sflag:$0x1], $0x10, s31, s21, $0xb8;
	[tilespmem:$0x5718] =	vst v63  }
0xf7: {  	s28 =	sadd.s32 $0x2998, s29  }
0xf8: {  	[spmem:s2] =	stream.indirect.scatter.add.f32 [tilespmem:s18], [sflag:$0x1], $0x10, s28, s21, $0xb8;
	[tilespmem:$0x5718] =	vst v63  }
0xf9: {  	s30 =	sadd.s32 $0x2A18, s29  }
0xfa: {  	[spmem:s2] =	stream.indirect.scatter.add.f32 [tilespmem:s18], [sflag:$0x1], $0x10, s30, s21, $0xb8;
	[tilespmem:$0x5718] =	vst v63  }
0xfb: {  	s31 =	sadd.s32 $0x2A98, s29  }
0xfc: {  	[spmem:s2] =	stream.indirect.scatter.add.f32 [tilespmem:s18], [sflag:$0x1], $0x10, s31, s21, $0xb8;
	[tilespmem:$0x5718] =	vst v63  }
0xfd: {  	s28 =	sadd.s32 $0x2B18, s29  }
0xfe: {  	[spmem:s2] =	stream.indirect.scatter.add.f32 [tilespmem:s18], [sflag:$0x1], $0x10, s28, s21, $0xb8;
	[tilespmem:$0x5718] =	vst v63  }
0xff: {  	s30 =	sadd.s32 $0x2B98, s29  }
0x100: {  	[spmem:s2] =	stream.indirect.scatter.add.f32 [tilespmem:s18], [sflag:$0x1], $0x10, s30, s21, $0xb8;
	[tilespmem:$0x5718] =	vst v63  }
0x101: {  	s31 =	sadd.s32 $0x2C18, s29  }
0x102: {  	[spmem:s2] =	stream.indirect.scatter.add.f32 [tilespmem:s18], [sflag:$0x1], $0x10, s31, s21, $0xb8;
	[tilespmem:$0x5718] =	vst v63  }
0x103: {  	s28 =	sadd.s32 $0x2C98, s29  }
0x104: {  	[spmem:s2] =	stream.indirect.scatter.add.f32 [tilespmem:s18], [sflag:$0x1], $0x10, s28, s21, $0xb8;
	[tilespmem:$0x5718] =	vst v63  }
0x105: {  	s30 =	sadd.s32 $0x2D18, s29  }
0x106: {  	[spmem:s2] =	stream.indirect.scatter.add.f32 [tilespmem:s18], [sflag:$0x1], $0x10, s30, s21, $0xb8;
	[tilespmem:$0x5718] =	vst v63  }
0x107: {  	s31 =	sadd.s32 $0x2D98, s29  }
0x108: {  	[spmem:s2] =	stream.indirect.scatter.add.f32 [tilespmem:s18], [sflag:$0x1], $0x10, s31, s21, $0xb8;
	[tilespmem:$0x5718] =	vst v63  }
0x109: {  	s28 =	sadd.s32 $0x2E18, s29  }
0x10a: {  	[spmem:s2] =	stream.indirect.scatter.add.f32 [tilespmem:s18], [sflag:$0x1], $0x10, s28, s21, $0xb8;
	[tilespmem:$0x5718] =	vst v63  }
0x10b: {  	s30 =	sadd.s32 $0x2E98, s29  }
0x10c: {  	[spmem:s2] =	stream.indirect.scatter.add.f32 [tilespmem:s18], [sflag:$0x1], $0x10, s30, s21, $0xb8;
	[tilespmem:$0x5718] =	vst v63  }
0x10d: {  	s31 =	sadd.s32 $0x2F18, s29  }
0x10e: {  	[spmem:s2] =	stream.indirect.scatter.add.f32 [tilespmem:s18], [sflag:$0x1], $0x10, s31, s21, $0xb8;
	[tilespmem:$0x5718] =	vst v63  }
0x10f: {  	s28 =	sadd.s32 $0x2F98, s29  }
0x110: {  	[spmem:s2] =	stream.indirect.scatter.add.f32 [tilespmem:s18], [sflag:$0x1], $0x10, s28, s21, $0xb8;
	[tilespmem:$0x5718] =	vst v63  }
0x111: {  	s30 =	sadd.s32 $0x3018, s29  }
0x112: {  	[spmem:s2] =	stream.indirect.scatter.add.f32 [tilespmem:s18], [sflag:$0x1], $0x10, s30, s21, $0xb8;
	[tilespmem:$0x5718] =	vst v63  }
0x113: {  	s31 =	sadd.s32 $0x3098, s29  }
0x114: {  	[spmem:s2] =	stream.indirect.scatter.add.f32 [tilespmem:s18], [sflag:$0x1], $0x10, s31, s21, $0xb8;
	[tilespmem:$0x5718] =	vst v63  }
0x115: {  	_ =	swait.ge [sflag:s22], $0x800  }
0x116: {  	[sflag:s22] =	ssyncset.done $0x0  }
0x117: {  	[sflag:s22] =	ssyncadd.s32 $0xFFFFF800  }
0x118: {  	_ =	swait.ge [sflag:s22], $0x800  }
0x119: {  	[sflag:s22] =	ssyncset.done $0x0  }
0x11a: {  	[sflag:s22] =	ssyncadd.s32 $0xFFFFF800  }
0x11b: {  	_ =	swait.ge [sflag:s22], $0x800  }
0x11c: {  	[sflag:s22] =	ssyncset.done $0x0  }
0x11d: {  	[sflag:s22] =	ssyncadd.s32 $0xFFFFF800  }
0x11e: {  	_ =	swait.ge [sflag:s22], $0x800  }
0x11f: {  	[sflag:s22] =	ssyncset.done $0x0  }
0x120: {  	[sflag:s22] =	ssyncadd.s32 $0xFFFFF800  }
0x121: {  	_ =	swait.ge [sflag:s22], $0x800  }
0x122: {  	[sflag:s22] =	ssyncset.done $0x0  }
0x123: {  	[sflag:s22] =	ssyncadd.s32 $0xFFFFF800  }
0x124: {  	_ =	swait.ge [sflag:s22], $0x800  }
0x125: {  	[sflag:s22] =	ssyncset.done $0x0  }
0x126: {  	[sflag:s22] =	ssyncadd.s32 $0xFFFFF800  }
0x127: {  	_ =	swait.ge [sflag:s22], $0x800  }
0x128: {  	[sflag:s22] =	ssyncset.done $0x0  }
0x129: {  	[sflag:s22] =	ssyncadd.s32 $0xFFFFF800  }
0x12a: {  	_ =	swait.ge [sflag:s22], $0x800  }
0x12b: {  	[sflag:s22] =	ssyncset.done $0x0  }
0x12c: {  	[sflag:s22] =	ssyncadd.s32 $0xFFFFF800  }
0x12d: {  	_ =	swait.ge [sflag:s22], $0x800  }
0x12e: {  	[sflag:s22] =	ssyncset.done $0x0  }
0x12f: {  	[sflag:s22] =	ssyncadd.s32 $0xFFFFF800  }
0x130: {  	_ =	swait.ge [sflag:s22], $0x800  }
0x131: {  	[sflag:s22] =	ssyncset.done $0x0  }
0x132: {  	[sflag:s22] =	ssyncadd.s32 $0xFFFFF800  }
0x133: {  	_ =	swait.ge [sflag:s22], $0x800  }
0x134: {  	[sflag:s22] =	ssyncset.done $0x0  }
0x135: {  	[sflag:s22] =	ssyncadd.s32 $0xFFFFF800  }
0x136: {  	_ =	swait.ge [sflag:s22], $0x800  }
0x137: {  	[sflag:s22] =	ssyncset.done $0x0  }
0x138: {  	[sflag:s22] =	ssyncadd.s32 $0xFFFFF800  }
0x139: {  	_ =	swait.ge [sflag:s22], $0x800  }
0x13a: {  	[sflag:s22] =	ssyncset.done $0x0  }
0x13b: {  	[sflag:s22] =	ssyncadd.s32 $0xFFFFF800  }
0x13c: {  	_ =	swait.ge [sflag:s22], $0x800  }
0x13d: {  	[sflag:s22] =	ssyncset.done $0x0  }
0x13e: {  	[sflag:s22] =	ssyncadd.s32 $0xFFFFF800  }
0x13f: {  	_ =	swait.ge [sflag:s22], $0x800  }
0x140: {  	[sflag:s22] =	ssyncset.done $0x0  }
0x141: {  	[sflag:s22] =	ssyncadd.s32 $0xFFFFF800  }
0x142: {  	_ =	swait.ge [sflag:s22], $0x800  }
0x143: {  	[sflag:s22] =	ssyncset.done $0x0  }
0x144: {  	[sflag:s22] =	ssyncadd.s32 $0xFFFFF800  }
0x145: {  	_ =	swait.ge [sflag:s22], $0x800  }
0x146: {  	[sflag:s22] =	ssyncset.done $0x0  }
0x147: {  	[sflag:s22] =	ssyncadd.s32 $0xFFFFF800  }
0x148: {  	_ =	swait.ge [sflag:s22], $0x800  }
0x149: {  	[sflag:s22] =	ssyncset.done $0x0  }
0x14a: {  	[sflag:s22] =	ssyncadd.s32 $0xFFFFF800  }
0x14b: {  	_ =	swait.ge [sflag:s22], $0x800  }
0x14c: {  	[sflag:s22] =	ssyncset.done $0x0  }
0x14d: {  	[sflag:s22] =	ssyncadd.s32 $0xFFFFF800  }
0x14e: {  	_ =	swait.ge [sflag:s22], $0x800  }
0x14f: {  	[sflag:s22] =	ssyncset.done $0x0  }
0x150: {  	[sflag:s22] =	ssyncadd.s32 $0xFFFFF800  }
0x151: {  	s26 =	simm.s32 @!p2 $0x1FC2;
	[bflag:$0x0] =	sbarrier.arrive $0xFFFF  }
0x152: {  	[hbm:s13], [sflag:s26] =	dma.local @!p2 [spmem:s23], $0x500  }
0x153: {  	s26 =	simm.s32 @!p2 $0x2  }
0x154: {  	_ =	swait.ge @!p2 [sflag:s26], $0x500  }
0x155: {  	[sflag:s26] =	ssyncset.done @!p2 $0x0  }
0x156: {  	[sflag:s26] =	ssyncadd.s32 @!p2 $0xFFFFFB00;
	s26 =	sshrl.u32 @!p1 s5, $0x3  }
0x157: {  	[hbm:s12], [sflag:s24] =	dma.local @!p1 [spmem:s26], $0x4E0  }
0x158: {  	s26 =	simm.s32 @!p1 $0x2  }
0x159: {  	_ =	swait.ge @!p1 [sflag:s26], $0x4E0  }
0x15a: {  	[sflag:s26] =	ssyncset.done @!p1 $0x0  }
0x15b: {  	s28 =	simm.s32 @!p3 $0x1FC2;
	[sflag:s26] =	ssyncadd.s32 @!p1 $0xFFFFFB20;
	s26 =	sshrl.u32 @!p3 s7, $0x3  }
0x15c: {  	[hbm:s11], [sflag:s28] =	dma.local @!p3 [spmem:s26], $0x500  }
0x15d: {  	s26 =	simm.s32 @!p3 $0x2  }
0x15e: {  	s25 =	sadd.s32 $0x1, s25;
	_ =	swait.ge @!p3 [sflag:s26], $0x500  }
0x15f: {  	p5 =	sne.s32 s25, s14;
	s28 =	sshll.u32 @!p4 s1, $0x6;
	[sflag:s26] =	ssyncset.done @!p3 $0x0  }
0x160: {  	[sflag:s26] =	ssyncadd.s32 @!p3 $0xFFFFFB00;
	s26 =	sor.u32 @!p4 $0x1C02, s28;
	s28 =	sshrl.u32 @!p4 s5, $0x3  }
0x161: {  	[hbm:s10], [sflag:s26] =	dma.local @!p4 [spmem:s28], $0x4E0  }
.Ltmp1:
0x162: {  	_ = 	snop;
	(pc) =	sbr.rel @p5 .LBB2_1-.Ltmp1, $4  }
0x163: {  	s26 =	simm.s32 @!p4 $0x2  }
0x164: {  	_ =	swait.ge @!p4 [sflag:s26], $0x4E0  }
0x165: {  	[sflag:s26] =	ssyncset.done @!p4 $0x0  }
0x166: {  	[sflag:s26] =	ssyncadd.s32 @!p4 $0xFFFFFB20  }
0x167: {  	_ =	sfence.sel $0x180000  }
0x168: {  	[bflag:$0x0] =	sbarrier.arrive $0xFFFF  }
0x169: {  	p0 =	sne.s32 s1, $0x0;
	_ =	strace $0x90000047  }
0x16a: {  	s0 =	sadd.s32 @!p0 $0x100000, s0;
	[bflag:$0x2] =	sbarrier.arrive $0xFFFF  }
0x16b: {  	[sflag:s0] =	ssyncadd.tile.s32 @!p0 $0x1;
	_ =	shalt  }
.Lfunc_end2:
_tile_overlayer_lowered:
.L_overlay_start_2:
0x16c: {  	(tag) =	ssettag $0x2  }
0x16d: {  	s0 =	rddreg [dreg:$0x0];
	s2 =	stileid.u32  }
0x16e: {  	s1 =	rddreg [dreg:$0x1];
	p0 =	sne.s32 s2, $0x0  }
0x16f: {  	s3 =	rddreg [dreg:$0x2];
	[bflag:$0x3] =	sbarrier.arrive $0xFFFF;
	s2 =	simm.s32 @!p0 $0x1C02  }
0x170: {  	[timem:s3], [sflag:s2] =	dma.local @!p0 [hbm:s0], s1  }
0x171: {  	s0 =	simm.s32 @!p0 $0x2  }
0x172: {  	_ =	swait.ge @!p0 [sflag:s0], s1  }
0x173: {  	s1 =	ssub.s32 @!p0 $0x0, s1;
	[sflag:s0] =	ssyncset.done @!p0 $0x0  }
0x174: {  	[sflag:s0] =	ssyncadd.s32 @!p0 s1  }
0x175: {  	[bflag:$0x3] =	sbarrier.arrive $0xFFFF  }
0x176: {  	_ =	shalt  }

</sc_bundles>
